<compile_context>
chip_gen: v7x
topology: tpu7x:2x2x1
jax: 0.10.2.dev20260603
libtpu: 0.0.44.dev20260713+nightly
codegen_flags: <defaults>
</compile_context>

<pallas_src>
import functools

import jax
import jax.numpy as jnp
from jax import lax
from jax.experimental import pallas as pl
from jax.experimental.pallas import tpu as pltpu
from jax.experimental.pallas import tpu_sc as plsc

N = 10000
E = 320000
D = 128
DE = 16
NC = 2
NS = 16
NW = NC * NS
EPW = E // NW
BLK = 80
NPAD = 10240
NPT = NPAD // NS
CW = 16

_MESH = plsc.VectorSubcoreMesh(core_axis_name="c", subcore_axis_name="s")
_F32 = jnp.float32



def _mm_bias_body(x_ref, w_ref, b_ref, o_ref):
    o_ref[...] = (
        jnp.dot(x_ref[...], w_ref[...], preferred_element_type=_F32)
        + b_ref[...]
    )


def _mm_bias(x, w, b, blk):
    rows = x.shape[0]
    return pl.pallas_call(
        _mm_bias_body,
        grid=(rows // blk,),
        in_specs=[
            pl.BlockSpec((blk, x.shape[1]), lambda i: (i, 0)),
            pl.BlockSpec(w.shape, lambda i: (0, 0)),
            pl.BlockSpec((1, w.shape[1]), lambda i: (0, 0)),
        ],
        out_specs=pl.BlockSpec((blk, w.shape[1]), lambda i: (i, 0)),
        out_shape=jax.ShapeDtypeStruct((rows, w.shape[1]), _F32),
    )(x, w, b.reshape(1, -1))


def _edge_prep_body(ea_ref, we_ref, ewe_ref, eb_ref, ep_ref, ee_ref):
    a = ea_ref[...]
    ep_ref[...] = jnp.dot(a, we_ref[...], preferred_element_type=_F32)
    ee_ref[...] = (
        jnp.dot(a, ewe_ref[...], preferred_element_type=_F32) + eb_ref[...]
    )


def _edge_prep(edge_attr, w_msg_e, w_edge_e, b_edge, blk=4000):
    return pl.pallas_call(
        _edge_prep_body,
        grid=(E // blk,),
        in_specs=[
            pl.BlockSpec((blk, DE), lambda i: (i, 0)),
            pl.BlockSpec((DE, D), lambda i: (0, 0)),
            pl.BlockSpec((DE, DE), lambda i: (0, 0)),
            pl.BlockSpec((1, DE), lambda i: (0, 0)),
        ],
        out_specs=[
            pl.BlockSpec((blk, D), lambda i: (i, 0)),
            pl.BlockSpec((blk, DE), lambda i: (i, 0)),
        ],
        out_shape=[
            jax.ShapeDtypeStruct((E, D), _F32),
            jax.ShapeDtypeStruct((E, DE), _F32),
        ],
    )(edge_attr, w_msg_e, w_edge_e, b_edge.reshape(1, -1))


def _update_full_body(s0, s1, c0, c1, x_ref, p_ref, q_ref, ab_ref,
                      ei_ref, ej_ref, a2_ref, mb2_ref,
                      xo_ref, pi_ref, pj_ref, xp2_ref):
    cnt = c0[:, 0:1] + c1[:, 0:1]
    aggr = (s0[...] + s1[...]) / jnp.maximum(cnt, 1.0)
    h = (
        jnp.dot(aggr, p_ref[...], preferred_element_type=_F32)
        + jnp.dot(x_ref[...], q_ref[...], preferred_element_type=_F32)
        + ab_ref[...]
    )
    h = jnp.maximum(h, 0.0)
    nrm = jnp.sqrt(jnp.sum(h * h, axis=-1, keepdims=True))
    xn = h / jnp.maximum(nrm, 1e-12)
    xo_ref[...] = xn
    pi_ref[...] = jnp.dot(xn, ei_ref[...], preferred_element_type=_F32)
    pj_ref[...] = jnp.dot(xn, ej_ref[...], preferred_element_type=_F32)
    xp2_ref[...] = (
        jnp.dot(xn, a2_ref[...], preferred_element_type=_F32) + mb2_ref[...]
    )


def _update_full(sums, cnts, x, p, q, ab, ei, ej, a2, mb2, blk=2000):
    return pl.pallas_call(
        _update_full_body,
        grid=(N // blk,),
        in_specs=[
            pl.BlockSpec((blk, D), lambda i: (i, 0)),
            pl.BlockSpec((blk, D), lambda i: (i, 0)),
            pl.BlockSpec((blk, CW), lambda i: (i, 0)),
            pl.BlockSpec((blk, CW), lambda i: (i, 0)),
            pl.BlockSpec((blk, D), lambda i: (i, 0)),
            pl.BlockSpec((D, D), lambda i: (0, 0)),
            pl.BlockSpec((D, D), lambda i: (0, 0)),
            pl.BlockSpec((1, D), lambda i: (0, 0)),
            pl.BlockSpec((D, DE), lambda i: (0, 0)),
            pl.BlockSpec((D, DE), lambda i: (0, 0)),
            pl.BlockSpec((D, D), lambda i: (0, 0)),
            pl.BlockSpec((1, D), lambda i: (0, 0)),
        ],
        out_specs=[
            pl.BlockSpec((blk, D), lambda i: (i, 0)),
            pl.BlockSpec((blk, DE), lambda i: (i, 0)),
            pl.BlockSpec((blk, DE), lambda i: (i, 0)),
            pl.BlockSpec((blk, D), lambda i: (i, 0)),
        ],
        out_shape=[
            jax.ShapeDtypeStruct((N, D), _F32),
            jax.ShapeDtypeStruct((N, DE), _F32),
            jax.ShapeDtypeStruct((N, DE), _F32),
            jax.ShapeDtypeStruct((N, D), _F32),
        ],
    )(sums[0], sums[1], cnts[0], cnts[1], x, p, q, ab.reshape(1, -1),
      ei, ej, a2, mb2.reshape(1, -1))


def _update_final_body(s0, s1, c0, c1, x_ref, p_ref, q_ref, ab_ref, xo_ref):
    cnt = c0[:, 0:1] + c1[:, 0:1]
    aggr = (s0[...] + s1[...]) / jnp.maximum(cnt, 1.0)
    h = (
        jnp.dot(aggr, p_ref[...], preferred_element_type=_F32)
        + jnp.dot(x_ref[...], q_ref[...], preferred_element_type=_F32)
        + ab_ref[...]
    )
    h = jnp.maximum(h, 0.0)
    nrm = jnp.sqrt(jnp.sum(h * h, axis=-1, keepdims=True))
    xo_ref[...] = h / jnp.maximum(nrm, 1e-12)


def _update_final(sums, cnts, x, p, q, ab, blk=2000):
    return pl.pallas_call(
        _update_final_body,
        grid=(N // blk,),
        in_specs=[
            pl.BlockSpec((blk, D), lambda i: (i, 0)),
            pl.BlockSpec((blk, D), lambda i: (i, 0)),
            pl.BlockSpec((blk, CW), lambda i: (i, 0)),
            pl.BlockSpec((blk, CW), lambda i: (i, 0)),
            pl.BlockSpec((blk, D), lambda i: (i, 0)),
            pl.BlockSpec((D, D), lambda i: (0, 0)),
            pl.BlockSpec((D, D), lambda i: (0, 0)),
            pl.BlockSpec((1, D), lambda i: (0, 0)),
        ],
        out_specs=pl.BlockSpec((blk, D), lambda i: (i, 0)),
        out_shape=jax.ShapeDtypeStruct((N, D), _F32),
    )(sums[0], sums[1], cnts[0], cnts[1], x, p, q, ab.reshape(1, -1))



def _sc_aggregate(xp, ep, src, dst):
    zeros_d = jnp.zeros((BLK, D), _F32)

    @functools.partial(
        pl.kernel,
        mesh=_MESH,
        out_type=jax.ShapeDtypeStruct((NC, NPAD, D), _F32),
        scratch_types=[
            pltpu.VMEM((BLK,), jnp.int32),
            pltpu.VMEM((BLK,), jnp.int32),
            pltpu.VMEM((BLK, D), _F32),
            pltpu.VMEM((BLK, D), _F32),
            pltpu.VMEM_SHARED((NPAD, D), _F32),
            pltpu.SemaphoreType.DMA,
        ],
    )
    def agg(xp_hbm, ep_hbm, src_hbm, dst_hbm, zd_hbm, sums_hbm,
            srcv, dstv, rows, erows, acc, sem):
        cid = lax.axis_index("c")
        sid = lax.axis_index("s")
        wid = cid * NS + sid
        nbase = sid * NPT
        pltpu.sync_copy(zd_hbm, rows)
        for k in range(NPT // BLK):
            pltpu.sync_copy(rows, acc.at[pl.ds(nbase + k * BLK, BLK)])
        plsc.subcore_barrier()

        ebase = wid * EPW

        @pl.loop(0, EPW, step=BLK)
        def _edge_block(off):
            pltpu.sync_copy(src_hbm.at[pl.ds(ebase + off, BLK)], srcv)
            pltpu.sync_copy(dst_hbm.at[pl.ds(ebase + off, BLK)], dstv)
            pltpu.async_copy(xp_hbm.at[srcv], rows, sem).wait()
            pltpu.sync_copy(ep_hbm.at[pl.ds(ebase + off, BLK)], erows)

            @pl.loop(0, BLK)
            def _row(r):
                for c in range(0, D, 16):
                    v = rows[r, pl.ds(c, 16)] + erows[r, pl.ds(c, 16)]
                    rows[r, pl.ds(c, 16)] = jnp.maximum(v, 0.0)

            pltpu.sync_copy(rows, acc.at[dstv], add=True)

        plsc.subcore_barrier()
        for k in range(NPT // BLK):
            pltpu.sync_copy(acc.at[pl.ds(nbase + k * BLK, BLK)], rows)
            pltpu.sync_copy(rows,
                            sums_hbm.at[cid, pl.ds(nbase + k * BLK, BLK)])

    sums = agg(xp, ep, src, dst, zeros_d)
    return sums[:, :N]


def _sc_counts(dst):
    zeros_c = jnp.zeros((BLK, CW), _F32)
    ones_b = jnp.ones((BLK, CW), _F32)

    @functools.partial(
        pl.kernel,
        mesh=_MESH,
        compiler_params=pltpu.CompilerParams(use_tc_tiling_on_sc=False),
        out_type=jax.ShapeDtypeStruct((NC, NPAD, CW), _F32),
        scratch_types=[
            pltpu.VMEM((BLK,), jnp.int32),
            pltpu.VMEM((BLK, CW), _F32),
            pltpu.VMEM((BLK, CW), _F32),
            pltpu.VMEM_SHARED((NPAD, CW), _F32),
        ],
    )
    def cnts(dst_hbm, zc_hbm, ones_hbm, cnt_hbm, dstv, onesv, zcv, cacc):
        cid = lax.axis_index("c")
        sid = lax.axis_index("s")
        wid = cid * NS + sid
        nbase = sid * NPT
        pltpu.sync_copy(zc_hbm, zcv)
        pltpu.sync_copy(ones_hbm, onesv)
        for k in range(NPT // BLK):
            pltpu.sync_copy(zcv, cacc.at[pl.ds(nbase + k * BLK, BLK)])
        plsc.subcore_barrier()

        ebase = wid * EPW

        @pl.loop(0, EPW, step=BLK)
        def _edge_block(off):
            pltpu.sync_copy(dst_hbm.at[pl.ds(ebase + off, BLK)], dstv)
            pltpu.sync_copy(onesv, cacc.at[dstv], add=True)

        plsc.subcore_barrier()
        for k in range(NPT // BLK):
            pltpu.sync_copy(cacc.at[pl.ds(nbase + k * BLK, BLK)], zcv)
            pltpu.sync_copy(zcv,
                            cnt_hbm.at[cid, pl.ds(nbase + k * BLK, BLK)])

    return cnts(dst, zeros_c, ones_b)[:, :N]


def _sc_edge_mix(pi, pj, ee, src, dst):

    @functools.partial(
        pl.kernel,
        mesh=_MESH,
        compiler_params=pltpu.CompilerParams(use_tc_tiling_on_sc=False),
        out_type=jax.ShapeDtypeStruct((E, DE), _F32),
        scratch_types=[
            pltpu.VMEM((BLK,), jnp.int32),
            pltpu.VMEM((BLK,), jnp.int32),
            pltpu.VMEM((BLK, DE), _F32),
            pltpu.VMEM((BLK, DE), _F32),
            pltpu.VMEM((BLK, DE), _F32),
            pltpu.SemaphoreType.DMA,
        ],
    )
    def mix(pi_hbm, pj_hbm, ee_hbm, src_hbm, dst_hbm, out_hbm,
            srcv, dstv, ri, rj, re, sem):
        cid = lax.axis_index("c")
        sid = lax.axis_index("s")
        wid = cid * NS + sid
        ebase = wid * EPW

        @pl.loop(0, EPW, step=BLK)
        def _edge_block(off):
            pltpu.sync_copy(src_hbm.at[pl.ds(ebase + off, BLK)], srcv)
            pltpu.sync_copy(dst_hbm.at[pl.ds(ebase + off, BLK)], dstv)
            pltpu.async_copy(pi_hbm.at[srcv], ri, sem).wait()
            pltpu.async_copy(pj_hbm.at[dstv], rj, sem).wait()
            pltpu.sync_copy(ee_hbm.at[pl.ds(ebase + off, BLK)], re)

            @pl.loop(0, BLK)
            def _row(r):
                v = (ri[r, pl.ds(0, 16)] + rj[r, pl.ds(0, 16)]
                     + re[r, pl.ds(0, 16)])
                ri[r, pl.ds(0, 16)] = jnp.maximum(v, 0.0)

            pltpu.sync_copy(ri, out_hbm.at[pl.ds(ebase + off, BLK)])

    return mix(pi, pj, ee, src, dst)



def kernel(x, edge_attr, edge_index, msg_W1, msg_b1, agg_W1, agg_b1,
           edge_W1, edge_b1, msg_W2, msg_b2, agg_W2, agg_b2,
           edge_W2, edge_b2):
    src = edge_index[0].astype(jnp.int32)
    dst = edge_index[1].astype(jnp.int32)

    xp1 = _mm_bias(x, msg_W1[:D], msg_b1, 2000)
    ep1, ee1 = _edge_prep(edge_attr, msg_W1[D:], edge_W1[2 * D:], edge_b1)
    cnt = _sc_counts(dst)
    sums1 = _sc_aggregate(xp1, ep1, src, dst)
    x1, pi1, pj1, xp2 = _update_full(
        sums1, cnt, x, agg_W1[:D], agg_W1[D:], agg_b1,
        edge_W1[:D], edge_W1[D:2 * D], msg_W2[:D], msg_b2)

    ea1 = _sc_edge_mix(pi1, pj1, ee1, src, dst)
    ep2 = _mm_bias(ea1, msg_W2[D:], jnp.zeros((D,), _F32), 4000)
    sums2 = _sc_aggregate(xp2, ep2, src, dst)
    x2 = _update_final(sums2, cnt, x1, agg_W2[:D], agg_W2[D:], agg_b2)
    return x2

# --- scband reference (transcript-rebuilt; emitter-appended) ---
"""Pipeline reference for scband-egsagestack-65738769433056 (READ-ONLY COPY).

The authoritative reference and input builder live on the scoring server;
editing this copy changes nothing except your own understanding.
"""

import jax, jax.numpy as jnp
import numpy as np

N_NODES = 10000
N_EDGES = 320000
D_NODE = 128
D_EDGE = 16


def setup_inputs(seed: int = 0) -> dict:
    key = jax.random.key(seed)
    ks = jax.random.split(key, 16)
    s = 0.05
    inp = {}
    inp['x'] = jax.random.normal(ks[0], (N_NODES, D_NODE), dtype=jnp.float32)
    inp['edge_attr'] = jax.random.normal(ks[1], (N_EDGES, D_EDGE), dtype=jnp.float32)
    inp['edge_index'] = jax.random.randint(ks[2], (2, N_EDGES), 0, N_NODES)
    inp['msg_W1'] = jax.random.normal(ks[3], (D_NODE + D_EDGE, D_NODE), dtype=jnp.float32) * s
    inp['msg_b1'] = jnp.zeros((D_NODE,), dtype=jnp.float32)
    inp['agg_W1'] = jax.random.normal(ks[4], (2 * D_NODE, D_NODE), dtype=jnp.float32) * s
    inp['agg_b1'] = jnp.zeros((D_NODE,), dtype=jnp.float32)
    inp['edge_W1'] = jax.random.normal(ks[5], (2 * D_NODE + D_EDGE, D_EDGE), dtype=jnp.float32) * s
    inp['edge_b1'] = jnp.zeros((D_EDGE,), dtype=jnp.float32)
    inp['msg_W2'] = jax.random.normal(ks[6], (D_NODE + D_EDGE, D_NODE), dtype=jnp.float32) * s
    inp['msg_b2'] = jnp.zeros((D_NODE,), dtype=jnp.float32)
    inp['agg_W2'] = jax.random.normal(ks[7], (2 * D_NODE, D_NODE), dtype=jnp.float32) * s
    inp['agg_b2'] = jnp.zeros((D_NODE,), dtype=jnp.float32)
    inp['edge_W2'] = jax.random.normal(ks[8], (2 * D_NODE + D_EDGE, D_EDGE), dtype=jnp.float32) * s
    inp['edge_b2'] = jnp.zeros((D_EDGE,), dtype=jnp.float32)
    return inp


def _egsage_layer(x, edge_attr, src, dst, mW, mb, aW, ab):
    # message: x_j = x[src] (source_to_target flow), edge_mode=1
    x_j = jnp.take(x, src, axis=0)
    m = jax.nn.relu(jnp.concatenate([x_j, edge_attr], axis=-1) @ mW + mb)
    # aggr='mean' scatter over dst
    sums = jax.ops.segment_sum(m, dst, num_segments=N_NODES)
    cnt = jax.ops.segment_sum(jnp.ones((m.shape[0], 1), m.dtype), dst, num_segments=N_NODES)
    aggr = sums / jnp.maximum(cnt, 1.0)
    # update
    h = jax.nn.relu(jnp.concatenate([aggr, x], axis=-1) @ aW + ab)
    # norm_emb: F.normalize(p=2, dim=-1)
    nrm = jnp.sqrt(jnp.sum(h * h, axis=-1, keepdims=True))
    return h / jnp.maximum(nrm, 1e-12)


def _edge_update(x, edge_attr, src, dst, eW, eb):
    x_i = jnp.take(x, src, axis=0)
    x_j = jnp.take(x, dst, axis=0)
    return jax.nn.relu(jnp.concatenate([x_i, x_j, edge_attr], axis=-1) @ eW + eb)


def reference(x, edge_attr, edge_index, msg_W1, msg_b1, agg_W1, agg_b1, edge_W1, edge_b1, msg_W2, msg_b2, agg_W2, agg_b2, edge_W2, edge_b2):
    src = edge_index[0]
    dst = edge_index[1]
    x1 = _egsage_layer(x, edge_attr, src, dst, msg_W1, msg_b1, agg_W1, agg_b1)
    ea1 = _edge_update(x1, edge_attr, src, dst, edge_W1, edge_b1)
    x2 = _egsage_layer(x1, ea1, src, dst, msg_W2, msg_b2, agg_W2, agg_b2)
    ea2 = _edge_update(x2, ea1, src, dst, edge_W2, edge_b2)  # computed in torch loop, unused by output
    # node_post_mlp = identity (node_post_mlp='0'), concat_states=False
    return x2


if False:  # reference __main__ guard neutralized (emitter)
    out = reference(**setup_inputs())
    print(out.shape)

if __name__ == "__main__":
    import jax
    _d = setup_inputs()
    print(jax.jit(kernel)(*tuple(_d.values())))

</pallas_src>

<mosaic_0001>
#map = affine_map<(d0, d1) -> (0, 0)>
#map1 = affine_map<(d0, d1) -> (0)>
#map2 = affine_map<(d0, d1) -> (0, 0, 0)>
module attributes {stable_mosaic.version = 14 : i64} {
  func.func @agg(%arg0: i32, %arg1: i32, %arg2: memref<10000x128xf32, #tpu.memory_space<hbm>>, %arg3: memref<320000x128xf32, #tpu.memory_space<hbm>>, %arg4: memref<320000xi32, #tpu.memory_space<hbm>>, %arg5: memref<320000xi32, #tpu.memory_space<hbm>>, %arg6: memref<80x128xf32, #tpu.memory_space<hbm>>, %arg7: memref<2x10240x128xf32, #tpu.memory_space<hbm>>, %arg8: memref<80xi32, #tpu.memory_space<vmem>>, %arg9: memref<80xi32, #tpu.memory_space<vmem>>, %arg10: memref<80x128xf32, #tpu.memory_space<vmem>>, %arg11: memref<80x128xf32, #tpu.memory_space<vmem>>, %arg12: memref<10240x128xf32, #tpu.memory_space<vmem_shared>>, %arg13: memref<!tpu.dma_semaphore, #tpu.memory_space<semaphore_mem>>) attributes {dimension_semantics = [#tpu.dimension_semantics<core_parallel>, #tpu.dimension_semantics<subcore_parallel>], iteration_bounds = array<i64: 2, 16>, scalar_prefetch = 0 : i64, scratch_operands = 6 : i64, tpu.core_type = #tpu.core_type<sc_vector_subcore>, window_params = [{transform_indices = #map}, {transform_indices = #map}, {transform_indices = #map1}, {transform_indices = #map1}, {transform_indices = #map}, {transform_indices = #map2}]} {
    %mul3A = arith.constant 16 : i32
    %mul3A_0 = arith.muli %arg0, %mul3A : i32
    %add3A = arith.addi %mul3A_0, %arg1 : i32
    %mul3A_1 = arith.constant 640 : i32
    %mul3A_2 = arith.muli %arg1, %mul3A_1 : i32
    "tpu.region"() ({
      %run_scoped3A = tpu.sem_alloc : memref<!tpu.dma_semaphore, #tpu.memory_space<semaphore_mem>>
      tpu.enqueue_dma source(%arg6 : memref<80x128xf32, #tpu.memory_space<hbm>>) target(%arg10 : memref<80x128xf32, #tpu.memory_space<vmem>>) target_semaphore(%run_scoped3A : memref<!tpu.dma_semaphore, #tpu.memory_space<semaphore_mem>>)
      tpu.wait_dma2 semaphore(%run_scoped3A : memref<!tpu.dma_semaphore, #tpu.memory_space<semaphore_mem>>) src(%arg6 : memref<80x128xf32, #tpu.memory_space<hbm>>) dst(%arg10 : memref<80x128xf32, #tpu.memory_space<vmem>>)
      tpu.yield
    }) : () -> ()
    %add3A_3 = arith.constant 0 : i32
    %add3A_4 = arith.addi %mul3A_2, %add3A_3 : i32
    "tpu.region"() ({
      %run_scoped3A = tpu.sem_alloc : memref<!tpu.dma_semaphore, #tpu.memory_space<semaphore_mem>>
      %dma_start3A = arith.constant 0 : i32
      %dma_start3A_58 = tpu.memref_slice %arg12[%add3A_4, %dma_start3A] : memref<10240x128xf32, #tpu.memory_space<vmem_shared>> -> memref<80x128xf32, #tpu.memory_space<vmem_shared>>
      %dma_start3A_59 = arith.constant 0 : i32
      %dma_start3A_60 = tpu.memref_slice %arg12[%add3A_4, %dma_start3A_59] : memref<10240x128xf32, #tpu.memory_space<vmem_shared>> -> memref<80x128xf32, #tpu.memory_space<vmem_shared>>
      tpu.enqueue_dma source(%arg10 : memref<80x128xf32, #tpu.memory_space<vmem>>) target(%dma_start3A_60 : memref<80x128xf32, #tpu.memory_space<vmem_shared>>) target_semaphore(%run_scoped3A : memref<!tpu.dma_semaphore, #tpu.memory_space<semaphore_mem>>)
      %dma_wait3A = arith.constant 0 : i32
      %dma_wait3A_61 = tpu.memref_slice %arg12[%add3A_4, %dma_wait3A] : memref<10240x128xf32, #tpu.memory_space<vmem_shared>> -> memref<80x128xf32, #tpu.memory_space<vmem_shared>>
      %dma_wait3A_62 = arith.constant 0 : i32
      %dma_wait3A_63 = tpu.memref_slice %arg12[%add3A_4, %dma_wait3A_62] : memref<10240x128xf32, #tpu.memory_space<vmem_shared>> -> memref<80x128xf32, #tpu.memory_space<vmem_shared>>
      tpu.wait_dma2 semaphore(%run_scoped3A : memref<!tpu.dma_semaphore, #tpu.memory_space<semaphore_mem>>) src(%arg10 : memref<80x128xf32, #tpu.memory_space<vmem>>) dst(%dma_wait3A_63 : memref<80x128xf32, #tpu.memory_space<vmem_shared>>)
      tpu.yield
    }) : () -> ()
    %add3A_5 = arith.constant 80 : i32
    %add3A_6 = arith.addi %mul3A_2, %add3A_5 : i32
    "tpu.region"() ({
      %run_scoped3A = tpu.sem_alloc : memref<!tpu.dma_semaphore, #tpu.memory_space<semaphore_mem>>
      %dma_start3A = arith.constant 0 : i32
      %dma_start3A_58 = tpu.memref_slice %arg12[%add3A_6, %dma_start3A] : memref<10240x128xf32, #tpu.memory_space<vmem_shared>> -> memref<80x128xf32, #tpu.memory_space<vmem_shared>>
      %dma_start3A_59 = arith.constant 0 : i32
      %dma_start3A_60 = tpu.memref_slice %arg12[%add3A_6, %dma_start3A_59] : memref<10240x128xf32, #tpu.memory_space<vmem_shared>> -> memref<80x128xf32, #tpu.memory_space<vmem_shared>>
      tpu.enqueue_dma source(%arg10 : memref<80x128xf32, #tpu.memory_space<vmem>>) target(%dma_start3A_60 : memref<80x128xf32, #tpu.memory_space<vmem_shared>>) target_semaphore(%run_scoped3A : memref<!tpu.dma_semaphore, #tpu.memory_space<semaphore_mem>>)
      %dma_wait3A = arith.constant 0 : i32
      %dma_wait3A_61 = tpu.memref_slice %arg12[%add3A_6, %dma_wait3A] : memref<10240x128xf32, #tpu.memory_space<vmem_shared>> -> memref<80x128xf32, #tpu.memory_space<vmem_shared>>
      %dma_wait3A_62 = arith.constant 0 : i32
      %dma_wait3A_63 = tpu.memref_slice %arg12[%add3A_6, %dma_wait3A_62] : memref<10240x128xf32, #tpu.memory_space<vmem_shared>> -> memref<80x128xf32, #tpu.memory_space<vmem_shared>>
      tpu.wait_dma2 semaphore(%run_scoped3A : memref<!tpu.dma_semaphore, #tpu.memory_space<semaphore_mem>>) src(%arg10 : memref<80x128xf32, #tpu.memory_space<vmem>>) dst(%dma_wait3A_63 : memref<80x128xf32, #tpu.memory_space<vmem_shared>>)
      tpu.yield
    }) : () -> ()
    %add3A_7 = arith.constant 160 : i32
    %add3A_8 = arith.addi %mul3A_2, %add3A_7 : i32
    "tpu.region"() ({
      %run_scoped3A = tpu.sem_alloc : memref<!tpu.dma_semaphore, #tpu.memory_space<semaphore_mem>>
      %dma_start3A = arith.constant 0 : i32
      %dma_start3A_58 = tpu.memref_slice %arg12[%add3A_8, %dma_start3A] : memref<10240x128xf32, #tpu.memory_space<vmem_shared>> -> memref<80x128xf32, #tpu.memory_space<vmem_shared>>
      %dma_start3A_59 = arith.constant 0 : i32
      %dma_start3A_60 = tpu.memref_slice %arg12[%add3A_8, %dma_start3A_59] : memref<10240x128xf32, #tpu.memory_space<vmem_shared>> -> memref<80x128xf32, #tpu.memory_space<vmem_shared>>
      tpu.enqueue_dma source(%arg10 : memref<80x128xf32, #tpu.memory_space<vmem>>) target(%dma_start3A_60 : memref<80x128xf32, #tpu.memory_space<vmem_shared>>) target_semaphore(%run_scoped3A : memref<!tpu.dma_semaphore, #tpu.memory_space<semaphore_mem>>)
      %dma_wait3A = arith.constant 0 : i32
      %dma_wait3A_61 = tpu.memref_slice %arg12[%add3A_8, %dma_wait3A] : memref<10240x128xf32, #tpu.memory_space<vmem_shared>> -> memref<80x128xf32, #tpu.memory_space<vmem_shared>>
      %dma_wait3A_62 = arith.constant 0 : i32
      %dma_wait3A_63 = tpu.memref_slice %arg12[%add3A_8, %dma_wait3A_62] : memref<10240x128xf32, #tpu.memory_space<vmem_shared>> -> memref<80x128xf32, #tpu.memory_space<vmem_shared>>
      tpu.wait_dma2 semaphore(%run_scoped3A : memref<!tpu.dma_semaphore, #tpu.memory_space<semaphore_mem>>) src(%arg10 : memref<80x128xf32, #tpu.memory_space<vmem>>) dst(%dma_wait3A_63 : memref<80x128xf32, #tpu.memory_space<vmem_shared>>)
      tpu.yield
    }) : () -> ()
    %add3A_9 = arith.constant 240 : i32
    %add3A_10 = arith.addi %mul3A_2, %add3A_9 : i32
    "tpu.region"() ({
      %run_scoped3A = tpu.sem_alloc : memref<!tpu.dma_semaphore, #tpu.memory_space<semaphore_mem>>
      %dma_start3A = arith.constant 0 : i32
      %dma_start3A_58 = tpu.memref_slice %arg12[%add3A_10, %dma_start3A] : memref<10240x128xf32, #tpu.memory_space<vmem_shared>> -> memref<80x128xf32, #tpu.memory_space<vmem_shared>>
      %dma_start3A_59 = arith.constant 0 : i32
      %dma_start3A_60 = tpu.memref_slice %arg12[%add3A_10, %dma_start3A_59] : memref<10240x128xf32, #tpu.memory_space<vmem_shared>> -> memref<80x128xf32, #tpu.memory_space<vmem_shared>>
      tpu.enqueue_dma source(%arg10 : memref<80x128xf32, #tpu.memory_space<vmem>>) target(%dma_start3A_60 : memref<80x128xf32, #tpu.memory_space<vmem_shared>>) target_semaphore(%run_scoped3A : memref<!tpu.dma_semaphore, #tpu.memory_space<semaphore_mem>>)
      %dma_wait3A = arith.constant 0 : i32
      %dma_wait3A_61 = tpu.memref_slice %arg12[%add3A_10, %dma_wait3A] : memref<10240x128xf32, #tpu.memory_space<vmem_shared>> -> memref<80x128xf32, #tpu.memory_space<vmem_shared>>
      %dma_wait3A_62 = arith.constant 0 : i32
      %dma_wait3A_63 = tpu.memref_slice %arg12[%add3A_10, %dma_wait3A_62] : memref<10240x128xf32, #tpu.memory_space<vmem_shared>> -> memref<80x128xf32, #tpu.memory_space<vmem_shared>>
      tpu.wait_dma2 semaphore(%run_scoped3A : memref<!tpu.dma_semaphore, #tpu.memory_space<semaphore_mem>>) src(%arg10 : memref<80x128xf32, #tpu.memory_space<vmem>>) dst(%dma_wait3A_63 : memref<80x128xf32, #tpu.memory_space<vmem_shared>>)
      tpu.yield
    }) : () -> ()
    %add3A_11 = arith.constant 320 : i32
    %add3A_12 = arith.addi %mul3A_2, %add3A_11 : i32
    "tpu.region"() ({
      %run_scoped3A = tpu.sem_alloc : memref<!tpu.dma_semaphore, #tpu.memory_space<semaphore_mem>>
      %dma_start3A = arith.constant 0 : i32
      %dma_start3A_58 = tpu.memref_slice %arg12[%add3A_12, %dma_start3A] : memref<10240x128xf32, #tpu.memory_space<vmem_shared>> -> memref<80x128xf32, #tpu.memory_space<vmem_shared>>
      %dma_start3A_59 = arith.constant 0 : i32
      %dma_start3A_60 = tpu.memref_slice %arg12[%add3A_12, %dma_start3A_59] : memref<10240x128xf32, #tpu.memory_space<vmem_shared>> -> memref<80x128xf32, #tpu.memory_space<vmem_shared>>
      tpu.enqueue_dma source(%arg10 : memref<80x128xf32, #tpu.memory_space<vmem>>) target(%dma_start3A_60 : memref<80x128xf32, #tpu.memory_space<vmem_shared>>) target_semaphore(%run_scoped3A : memref<!tpu.dma_semaphore, #tpu.memory_space<semaphore_mem>>)
      %dma_wait3A = arith.constant 0 : i32
      %dma_wait3A_61 = tpu.memref_slice %arg12[%add3A_12, %dma_wait3A] : memref<10240x128xf32, #tpu.memory_space<vmem_shared>> -> memref<80x128xf32, #tpu.memory_space<vmem_shared>>
      %dma_wait3A_62 = arith.constant 0 : i32
      %dma_wait3A_63 = tpu.memref_slice %arg12[%add3A_12, %dma_wait3A_62] : memref<10240x128xf32, #tpu.memory_space<vmem_shared>> -> memref<80x128xf32, #tpu.memory_space<vmem_shared>>
      tpu.wait_dma2 semaphore(%run_scoped3A : memref<!tpu.dma_semaphore, #tpu.memory_space<semaphore_mem>>) src(%arg10 : memref<80x128xf32, #tpu.memory_space<vmem>>) dst(%dma_wait3A_63 : memref<80x128xf32, #tpu.memory_space<vmem_shared>>)
      tpu.yield
    }) : () -> ()
    %add3A_13 = arith.constant 400 : i32
    %add3A_14 = arith.addi %mul3A_2, %add3A_13 : i32
    "tpu.region"() ({
      %run_scoped3A = tpu.sem_alloc : memref<!tpu.dma_semaphore, #tpu.memory_space<semaphore_mem>>
      %dma_start3A = arith.constant 0 : i32
      %dma_start3A_58 = tpu.memref_slice %arg12[%add3A_14, %dma_start3A] : memref<10240x128xf32, #tpu.memory_space<vmem_shared>> -> memref<80x128xf32, #tpu.memory_space<vmem_shared>>
      %dma_start3A_59 = arith.constant 0 : i32
      %dma_start3A_60 = tpu.memref_slice %arg12[%add3A_14, %dma_start3A_59] : memref<10240x128xf32, #tpu.memory_space<vmem_shared>> -> memref<80x128xf32, #tpu.memory_space<vmem_shared>>
      tpu.enqueue_dma source(%arg10 : memref<80x128xf32, #tpu.memory_space<vmem>>) target(%dma_start3A_60 : memref<80x128xf32, #tpu.memory_space<vmem_shared>>) target_semaphore(%run_scoped3A : memref<!tpu.dma_semaphore, #tpu.memory_space<semaphore_mem>>)
      %dma_wait3A = arith.constant 0 : i32
      %dma_wait3A_61 = tpu.memref_slice %arg12[%add3A_14, %dma_wait3A] : memref<10240x128xf32, #tpu.memory_space<vmem_shared>> -> memref<80x128xf32, #tpu.memory_space<vmem_shared>>
      %dma_wait3A_62 = arith.constant 0 : i32
      %dma_wait3A_63 = tpu.memref_slice %arg12[%add3A_14, %dma_wait3A_62] : memref<10240x128xf32, #tpu.memory_space<vmem_shared>> -> memref<80x128xf32, #tpu.memory_space<vmem_shared>>
      tpu.wait_dma2 semaphore(%run_scoped3A : memref<!tpu.dma_semaphore, #tpu.memory_space<semaphore_mem>>) src(%arg10 : memref<80x128xf32, #tpu.memory_space<vmem>>) dst(%dma_wait3A_63 : memref<80x128xf32, #tpu.memory_space<vmem_shared>>)
      tpu.yield
    }) : () -> ()
    %add3A_15 = arith.constant 480 : i32
    %add3A_16 = arith.addi %mul3A_2, %add3A_15 : i32
    "tpu.region"() ({
      %run_scoped3A = tpu.sem_alloc : memref<!tpu.dma_semaphore, #tpu.memory_space<semaphore_mem>>
      %dma_start3A = arith.constant 0 : i32
      %dma_start3A_58 = tpu.memref_slice %arg12[%add3A_16, %dma_start3A] : memref<10240x128xf32, #tpu.memory_space<vmem_shared>> -> memref<80x128xf32, #tpu.memory_space<vmem_shared>>
      %dma_start3A_59 = arith.constant 0 : i32
      %dma_start3A_60 = tpu.memref_slice %arg12[%add3A_16, %dma_start3A_59] : memref<10240x128xf32, #tpu.memory_space<vmem_shared>> -> memref<80x128xf32, #tpu.memory_space<vmem_shared>>
      tpu.enqueue_dma source(%arg10 : memref<80x128xf32, #tpu.memory_space<vmem>>) target(%dma_start3A_60 : memref<80x128xf32, #tpu.memory_space<vmem_shared>>) target_semaphore(%run_scoped3A : memref<!tpu.dma_semaphore, #tpu.memory_space<semaphore_mem>>)
      %dma_wait3A = arith.constant 0 : i32
      %dma_wait3A_61 = tpu.memref_slice %arg12[%add3A_16, %dma_wait3A] : memref<10240x128xf32, #tpu.memory_space<vmem_shared>> -> memref<80x128xf32, #tpu.memory_space<vmem_shared>>
      %dma_wait3A_62 = arith.constant 0 : i32
      %dma_wait3A_63 = tpu.memref_slice %arg12[%add3A_16, %dma_wait3A_62] : memref<10240x128xf32, #tpu.memory_space<vmem_shared>> -> memref<80x128xf32, #tpu.memory_space<vmem_shared>>
      tpu.wait_dma2 semaphore(%run_scoped3A : memref<!tpu.dma_semaphore, #tpu.memory_space<semaphore_mem>>) src(%arg10 : memref<80x128xf32, #tpu.memory_space<vmem>>) dst(%dma_wait3A_63 : memref<80x128xf32, #tpu.memory_space<vmem_shared>>)
      tpu.yield
    }) : () -> ()
    %add3A_17 = arith.constant 560 : i32
    %add3A_18 = arith.addi %mul3A_2, %add3A_17 : i32
    "tpu.region"() ({
      %run_scoped3A = tpu.sem_alloc : memref<!tpu.dma_semaphore, #tpu.memory_space<semaphore_mem>>
      %dma_start3A = arith.constant 0 : i32
      %dma_start3A_58 = tpu.memref_slice %arg12[%add3A_18, %dma_start3A] : memref<10240x128xf32, #tpu.memory_space<vmem_shared>> -> memref<80x128xf32, #tpu.memory_space<vmem_shared>>
      %dma_start3A_59 = arith.constant 0 : i32
      %dma_start3A_60 = tpu.memref_slice %arg12[%add3A_18, %dma_start3A_59] : memref<10240x128xf32, #tpu.memory_space<vmem_shared>> -> memref<80x128xf32, #tpu.memory_space<vmem_shared>>
      tpu.enqueue_dma source(%arg10 : memref<80x128xf32, #tpu.memory_space<vmem>>) target(%dma_start3A_60 : memref<80x128xf32, #tpu.memory_space<vmem_shared>>) target_semaphore(%run_scoped3A : memref<!tpu.dma_semaphore, #tpu.memory_space<semaphore_mem>>)
      %dma_wait3A = arith.constant 0 : i32
      %dma_wait3A_61 = tpu.memref_slice %arg12[%add3A_18, %dma_wait3A] : memref<10240x128xf32, #tpu.memory_space<vmem_shared>> -> memref<80x128xf32, #tpu.memory_space<vmem_shared>>
      %dma_wait3A_62 = arith.constant 0 : i32
      %dma_wait3A_63 = tpu.memref_slice %arg12[%add3A_18, %dma_wait3A_62] : memref<10240x128xf32, #tpu.memory_space<vmem_shared>> -> memref<80x128xf32, #tpu.memory_space<vmem_shared>>
      tpu.wait_dma2 semaphore(%run_scoped3A : memref<!tpu.dma_semaphore, #tpu.memory_space<semaphore_mem>>) src(%arg10 : memref<80x128xf32, #tpu.memory_space<vmem>>) dst(%dma_wait3A_63 : memref<80x128xf32, #tpu.memory_space<vmem_shared>>)
      tpu.yield
    }) : () -> ()
    %barrier3A = arith.constant 0 : index
    tpu.barrier barrier_id(%barrier3A)
    %mul3A_19 = arith.constant 10000 : i32
    %mul3A_20 = arith.muli %add3A, %mul3A_19 : i32
    %scan3A = arith.constant 0 : i32
    %scan3A_21 = arith.constant 125 : i32
    %scan3A_22 = arith.addi %scan3A, %scan3A_21 : i32
    %scan3A_23 = arith.constant 1 : i32
    scf.for %scan3A_58 = %scan3A to %scan3A_22 step %scan3A_23  : i32 {
      %mul3A_59 = arith.constant 80 : i32
      %mul3A_60 = arith.muli %scan3A_58, %mul3A_59 : i32
      %add3A_61 = arith.constant 0 : i32
      %add3A_62 = arith.addi %add3A_61, %mul3A_60 : i32
      %add3A_63 = arith.addi %mul3A_20, %add3A_62 : i32
      "tpu.region"() ({
        %run_scoped3A = tpu.sem_alloc : memref<!tpu.dma_semaphore, #tpu.memory_space<semaphore_mem>>
        %dma_start3A_75 = tpu.memref_slice %arg4[%add3A_63] : memref<320000xi32, #tpu.memory_space<hbm>> -> memref<80xi32, #tpu.memory_space<hbm>>
        %dma_start3A_76 = tpu.memref_slice %arg4[%add3A_63] : memref<320000xi32, #tpu.memory_space<hbm>> -> memref<80xi32, #tpu.memory_space<hbm>>
        tpu.enqueue_dma source(%dma_start3A_76 : memref<80xi32, #tpu.memory_space<hbm>>) target(%arg8 : memref<80xi32, #tpu.memory_space<vmem>>) target_semaphore(%run_scoped3A : memref<!tpu.dma_semaphore, #tpu.memory_space<semaphore_mem>>)
        %dma_wait3A_77 = tpu.memref_slice %arg4[%add3A_63] : memref<320000xi32, #tpu.memory_space<hbm>> -> memref<80xi32, #tpu.memory_space<hbm>>
        %dma_wait3A_78 = tpu.memref_slice %arg4[%add3A_63] : memref<320000xi32, #tpu.memory_space<hbm>> -> memref<80xi32, #tpu.memory_space<hbm>>
        tpu.wait_dma2 semaphore(%run_scoped3A : memref<!tpu.dma_semaphore, #tpu.memory_space<semaphore_mem>>) src(%dma_wait3A_78 : memref<80xi32, #tpu.memory_space<hbm>>) dst(%arg8 : memref<80xi32, #tpu.memory_space<vmem>>)
        tpu.yield
      }) : () -> ()
      %add3A_64 = arith.addi %mul3A_20, %add3A_62 : i32
      "tpu.region"() ({
        %run_scoped3A = tpu.sem_alloc : memref<!tpu.dma_semaphore, #tpu.memory_space<semaphore_mem>>
        %dma_start3A_75 = tpu.memref_slice %arg5[%add3A_64] : memref<320000xi32, #tpu.memory_space<hbm>> -> memref<80xi32, #tpu.memory_space<hbm>>
        %dma_start3A_76 = tpu.memref_slice %arg5[%add3A_64] : memref<320000xi32, #tpu.memory_space<hbm>> -> memref<80xi32, #tpu.memory_space<hbm>>
        tpu.enqueue_dma source(%dma_start3A_76 : memref<80xi32, #tpu.memory_space<hbm>>) target(%arg9 : memref<80xi32, #tpu.memory_space<vmem>>) target_semaphore(%run_scoped3A : memref<!tpu.dma_semaphore, #tpu.memory_space<semaphore_mem>>)
        %dma_wait3A_77 = tpu.memref_slice %arg5[%add3A_64] : memref<320000xi32, #tpu.memory_space<hbm>> -> memref<80xi32, #tpu.memory_space<hbm>>
        %dma_wait3A_78 = tpu.memref_slice %arg5[%add3A_64] : memref<320000xi32, #tpu.memory_space<hbm>> -> memref<80xi32, #tpu.memory_space<hbm>>
        tpu.wait_dma2 semaphore(%run_scoped3A : memref<!tpu.dma_semaphore, #tpu.memory_space<semaphore_mem>>) src(%dma_wait3A_78 : memref<80xi32, #tpu.memory_space<hbm>>) dst(%arg9 : memref<80xi32, #tpu.memory_space<vmem>>)
        tpu.yield
      }) : () -> ()
      %dma_start3A = arith.constant 0 : i32
      %dma_start3A_65 = arith.constant 0 : i32
      %dma_start3A_66 = tpu.memref_slice %arg2[%dma_start3A, %dma_start3A_65] : memref<10000x128xf32, #tpu.memory_space<hbm>> -> memref<10000x128xf32, #tpu.memory_space<hbm>>
      tpu.enqueue_indirect_dma source(%dma_start3A_66 : memref<10000x128xf32, #tpu.memory_space<hbm>>) target(%arg10 : memref<80x128xf32, #tpu.memory_space<vmem>>) offsets(%arg8 : memref<80xi32, #tpu.memory_space<vmem>>) semaphore(%arg13 : memref<!tpu.dma_semaphore, #tpu.memory_space<semaphore_mem>>)
      %dma_wait3A = arith.constant 0 : i32
      %dma_wait3A_67 = arith.constant 0 : i32
      %dma_wait3A_68 = tpu.memref_slice %arg2[%dma_wait3A, %dma_wait3A_67] : memref<10000x128xf32, #tpu.memory_space<hbm>> -> memref<10000x128xf32, #tpu.memory_space<hbm>>
      tpu.wait_indirect_dma semaphore(%arg13 : memref<!tpu.dma_semaphore, #tpu.memory_space<semaphore_mem>>) src(%dma_wait3A_68 : memref<10000x128xf32, #tpu.memory_space<hbm>>) dst(%arg10 : memref<80x128xf32, #tpu.memory_space<vmem>>)
      %add3A_69 = arith.addi %mul3A_20, %add3A_62 : i32
      "tpu.region"() ({
        %run_scoped3A = tpu.sem_alloc : memref<!tpu.dma_semaphore, #tpu.memory_space<semaphore_mem>>
        %dma_start3A_75 = arith.constant 0 : i32
        %dma_start3A_76 = tpu.memref_slice %arg3[%add3A_69, %dma_start3A_75] : memref<320000x128xf32, #tpu.memory_space<hbm>> -> memref<80x128xf32, #tpu.memory_space<hbm>>
        %dma_start3A_77 = arith.constant 0 : i32
        %dma_start3A_78 = tpu.memref_slice %arg3[%add3A_69, %dma_start3A_77] : memref<320000x128xf32, #tpu.memory_space<hbm>> -> memref<80x128xf32, #tpu.memory_space<hbm>>
        tpu.enqueue_dma source(%dma_start3A_78 : memref<80x128xf32, #tpu.memory_space<hbm>>) target(%arg11 : memref<80x128xf32, #tpu.memory_space<vmem>>) target_semaphore(%run_scoped3A : memref<!tpu.dma_semaphore, #tpu.memory_space<semaphore_mem>>)
        %dma_wait3A_79 = arith.constant 0 : i32
        %dma_wait3A_80 = tpu.memref_slice %arg3[%add3A_69, %dma_wait3A_79] : memref<320000x128xf32, #tpu.memory_space<hbm>> -> memref<80x128xf32, #tpu.memory_space<hbm>>
        %dma_wait3A_81 = arith.constant 0 : i32
        %dma_wait3A_82 = tpu.memref_slice %arg3[%add3A_69, %dma_wait3A_81] : memref<320000x128xf32, #tpu.memory_space<hbm>> -> memref<80x128xf32, #tpu.memory_space<hbm>>
        tpu.wait_dma2 semaphore(%run_scoped3A : memref<!tpu.dma_semaphore, #tpu.memory_space<semaphore_mem>>) src(%dma_wait3A_82 : memref<80x128xf32, #tpu.memory_space<hbm>>) dst(%arg11 : memref<80x128xf32, #tpu.memory_space<vmem>>)
        tpu.yield
      }) : () -> ()
      %scan3A_70 = arith.constant 0 : i32
      %scan3A_71 = arith.constant 80 : i32
      %scan3A_72 = arith.addi %scan3A_70, %scan3A_71 : i32
      %scan3A_73 = arith.constant 1 : i32
      scf.for %scan3A_75 = %scan3A_70 to %scan3A_72 step %scan3A_73  : i32 {
        %mul3A_76 = arith.constant 1 : i32
        %mul3A_77 = arith.muli %scan3A_75, %mul3A_76 : i32
        %add3A_78 = arith.constant 0 : i32
        %add3A_79 = arith.addi %add3A_78, %mul3A_77 : i32
        %get3A = arith.index_cast %add3A_79 : i32 to index
        %get3A_80 = arith.constant 0 : index
        %get3A_81 = tpu.vector_load %arg10[%get3A, %get3A_80] {strides = array<i32>} : memref<80x128xf32, #tpu.memory_space<vmem>>, vector<1x16xf32>,
        %get3A_82 = vector.shape_cast %get3A_81 : vector<1x16xf32> to vector<16xf32>
        %get3A_83 = arith.index_cast %add3A_79 : i32 to index
        %get3A_84 = arith.constant 0 : index
        %get3A_85 = tpu.vector_load %arg11[%get3A_83, %get3A_84] {strides = array<i32>} : memref<80x128xf32, #tpu.memory_space<vmem>>, vector<1x16xf32>,
        %get3A_86 = vector.shape_cast %get3A_85 : vector<1x16xf32> to vector<16xf32>
        %add3A_87 = arith.addf %get3A_82, %get3A_86 : vector<16xf32>
        %max3A = arith.constant 0.000000e+00 : f32
        %max3A_88 = vector.broadcast %max3A : f32 to vector<16xf32>
        %max3A_89 = arith.maximumf %add3A_87, %max3A_88 : vector<16xf32>
        %swap3A = arith.index_cast %add3A_79 : i32 to index
        %swap3A_90 = arith.constant 0 : index
        %swap3A_91 = tpu.vector_load %arg10[%swap3A, %swap3A_90] {strides = array<i32>} : memref<80x128xf32, #tpu.memory_space<vmem>>, vector<1x16xf32>,
        %swap3A_92 = vector.shape_cast %swap3A_91 : vector<1x16xf32> to vector<16xf32>
        %swap3A_93 = vector.shape_cast %max3A_89 : vector<16xf32> to vector<1x16xf32>
        tpu.vector_store %arg10[%swap3A, %swap3A_90], %swap3A_93 {strides = array<i32>} : memref<80x128xf32, #tpu.memory_space<vmem>>, vector<1x16xf32>,
        %get3A_94 = arith.index_cast %add3A_79 : i32 to index
        %get3A_95 = arith.constant 16 : index
        %get3A_96 = tpu.vector_load %arg10[%get3A_94, %get3A_95] {strides = array<i32>} : memref<80x128xf32, #tpu.memory_space<vmem>>, vector<1x16xf32>,
        %get3A_97 = vector.shape_cast %get3A_96 : vector<1x16xf32> to vector<16xf32>
        %get3A_98 = arith.index_cast %add3A_79 : i32 to index
        %get3A_99 = arith.constant 16 : index
        %get3A_100 = tpu.vector_load %arg11[%get3A_98, %get3A_99] {strides = array<i32>} : memref<80x128xf32, #tpu.memory_space<vmem>>, vector<1x16xf32>,
        %get3A_101 = vector.shape_cast %get3A_100 : vector<1x16xf32> to vector<16xf32>
        %add3A_102 = arith.addf %get3A_97, %get3A_101 : vector<16xf32>
        %max3A_103 = arith.constant 0.000000e+00 : f32
        %max3A_104 = vector.broadcast %max3A_103 : f32 to vector<16xf32>
        %max3A_105 = arith.maximumf %add3A_102, %max3A_104 : vector<16xf32>
        %swap3A_106 = arith.index_cast %add3A_79 : i32 to index
        %swap3A_107 = arith.constant 16 : index
        %swap3A_108 = tpu.vector_load %arg10[%swap3A_106, %swap3A_107] {strides = array<i32>} : memref<80x128xf32, #tpu.memory_space<vmem>>, vector<1x16xf32>,
        %swap3A_109 = vector.shape_cast %swap3A_108 : vector<1x16xf32> to vector<16xf32>
        %swap3A_110 = vector.shape_cast %max3A_105 : vector<16xf32> to vector<1x16xf32>
        tpu.vector_store %arg10[%swap3A_106, %swap3A_107], %swap3A_110 {strides = array<i32>} : memref<80x128xf32, #tpu.memory_space<vmem>>, vector<1x16xf32>,
        %get3A_111 = arith.index_cast %add3A_79 : i32 to index
        %get3A_112 = arith.constant 32 : index
        %get3A_113 = tpu.vector_load %arg10[%get3A_111, %get3A_112] {strides = array<i32>} : memref<80x128xf32, #tpu.memory_space<vmem>>, vector<1x16xf32>,
        %get3A_114 = vector.shape_cast %get3A_113 : vector<1x16xf32> to vector<16xf32>
        %get3A_115 = arith.index_cast %add3A_79 : i32 to index
        %get3A_116 = arith.constant 32 : index
        %get3A_117 = tpu.vector_load %arg11[%get3A_115, %get3A_116] {strides = array<i32>} : memref<80x128xf32, #tpu.memory_space<vmem>>, vector<1x16xf32>,
        %get3A_118 = vector.shape_cast %get3A_117 : vector<1x16xf32> to vector<16xf32>
        %add3A_119 = arith.addf %get3A_114, %get3A_118 : vector<16xf32>
        %max3A_120 = arith.constant 0.000000e+00 : f32
        %max3A_121 = vector.broadcast %max3A_120 : f32 to vector<16xf32>
        %max3A_122 = arith.maximumf %add3A_119, %max3A_121 : vector<16xf32>
        %swap3A_123 = arith.index_cast %add3A_79 : i32 to index
        %swap3A_124 = arith.constant 32 : index
        %swap3A_125 = tpu.vector_load %arg10[%swap3A_123, %swap3A_124] {strides = array<i32>} : memref<80x128xf32, #tpu.memory_space<vmem>>, vector<1x16xf32>,
        %swap3A_126 = vector.shape_cast %swap3A_125 : vector<1x16xf32> to vector<16xf32>
        %swap3A_127 = vector.shape_cast %max3A_122 : vector<16xf32> to vector<1x16xf32>
        tpu.vector_store %arg10[%swap3A_123, %swap3A_124], %swap3A_127 {strides = array<i32>} : memref<80x128xf32, #tpu.memory_space<vmem>>, vector<1x16xf32>,
        %get3A_128 = arith.index_cast %add3A_79 : i32 to index
        %get3A_129 = arith.constant 48 : index
        %get3A_130 = tpu.vector_load %arg10[%get3A_128, %get3A_129] {strides = array<i32>} : memref<80x128xf32, #tpu.memory_space<vmem>>, vector<1x16xf32>,
        %get3A_131 = vector.shape_cast %get3A_130 : vector<1x16xf32> to vector<16xf32>
        %get3A_132 = arith.index_cast %add3A_79 : i32 to index
        %get3A_133 = arith.constant 48 : index
        %get3A_134 = tpu.vector_load %arg11[%get3A_132, %get3A_133] {strides = array<i32>} : memref<80x128xf32, #tpu.memory_space<vmem>>, vector<1x16xf32>,
        %get3A_135 = vector.shape_cast %get3A_134 : vector<1x16xf32> to vector<16xf32>
        %add3A_136 = arith.addf %get3A_131, %get3A_135 : vector<16xf32>
        %max3A_137 = arith.constant 0.000000e+00 : f32
        %max3A_138 = vector.broadcast %max3A_137 : f32 to vector<16xf32>
        %max3A_139 = arith.maximumf %add3A_136, %max3A_138 : vector<16xf32>
        %swap3A_140 = arith.index_cast %add3A_79 : i32 to index
        %swap3A_141 = arith.constant 48 : index
        %swap3A_142 = tpu.vector_load %arg10[%swap3A_140, %swap3A_141] {strides = array<i32>} : memref<80x128xf32, #tpu.memory_space<vmem>>, vector<1x16xf32>,
        %swap3A_143 = vector.shape_cast %swap3A_142 : vector<1x16xf32> to vector<16xf32>
        %swap3A_144 = vector.shape_cast %max3A_139 : vector<16xf32> to vector<1x16xf32>
        tpu.vector_store %arg10[%swap3A_140, %swap3A_141], %swap3A_144 {strides = array<i32>} : memref<80x128xf32, #tpu.memory_space<vmem>>, vector<1x16xf32>,
        %get3A_145 = arith.index_cast %add3A_79 : i32 to index
        %get3A_146 = arith.constant 64 : index
        %get3A_147 = tpu.vector_load %arg10[%get3A_145, %get3A_146] {strides = array<i32>} : memref<80x128xf32, #tpu.memory_space<vmem>>, vector<1x16xf32>,
        %get3A_148 = vector.shape_cast %get3A_147 : vector<1x16xf32> to vector<16xf32>
        %get3A_149 = arith.index_cast %add3A_79 : i32 to index
        %get3A_150 = arith.constant 64 : index
        %get3A_151 = tpu.vector_load %arg11[%get3A_149, %get3A_150] {strides = array<i32>} : memref<80x128xf32, #tpu.memory_space<vmem>>, vector<1x16xf32>,
        %get3A_152 = vector.shape_cast %get3A_151 : vector<1x16xf32> to vector<16xf32>
        %add3A_153 = arith.addf %get3A_148, %get3A_152 : vector<16xf32>
        %max3A_154 = arith.constant 0.000000e+00 : f32
        %max3A_155 = vector.broadcast %max3A_154 : f32 to vector<16xf32>
        %max3A_156 = arith.maximumf %add3A_153, %max3A_155 : vector<16xf32>
        %swap3A_157 = arith.index_cast %add3A_79 : i32 to index
        %swap3A_158 = arith.constant 64 : index
        %swap3A_159 = tpu.vector_load %arg10[%swap3A_157, %swap3A_158] {strides = array<i32>} : memref<80x128xf32, #tpu.memory_space<vmem>>, vector<1x16xf32>,
        %swap3A_160 = vector.shape_cast %swap3A_159 : vector<1x16xf32> to vector<16xf32>
        %swap3A_161 = vector.shape_cast %max3A_156 : vector<16xf32> to vector<1x16xf32>
        tpu.vector_store %arg10[%swap3A_157, %swap3A_158], %swap3A_161 {strides = array<i32>} : memref<80x128xf32, #tpu.memory_space<vmem>>, vector<1x16xf32>,
        %get3A_162 = arith.index_cast %add3A_79 : i32 to index
        %get3A_163 = arith.constant 80 : index
        %get3A_164 = tpu.vector_load %arg10[%get3A_162, %get3A_163] {strides = array<i32>} : memref<80x128xf32, #tpu.memory_space<vmem>>, vector<1x16xf32>,
        %get3A_165 = vector.shape_cast %get3A_164 : vector<1x16xf32> to vector<16xf32>
        %get3A_166 = arith.index_cast %add3A_79 : i32 to index
        %get3A_167 = arith.constant 80 : index
        %get3A_168 = tpu.vector_load %arg11[%get3A_166, %get3A_167] {strides = array<i32>} : memref<80x128xf32, #tpu.memory_space<vmem>>, vector<1x16xf32>,
        %get3A_169 = vector.shape_cast %get3A_168 : vector<1x16xf32> to vector<16xf32>
        %add3A_170 = arith.addf %get3A_165, %get3A_169 : vector<16xf32>
        %max3A_171 = arith.constant 0.000000e+00 : f32
        %max3A_172 = vector.broadcast %max3A_171 : f32 to vector<16xf32>
        %max3A_173 = arith.maximumf %add3A_170, %max3A_172 : vector<16xf32>
        %swap3A_174 = arith.index_cast %add3A_79 : i32 to index
        %swap3A_175 = arith.constant 80 : index
        %swap3A_176 = tpu.vector_load %arg10[%swap3A_174, %swap3A_175] {strides = array<i32>} : memref<80x128xf32, #tpu.memory_space<vmem>>, vector<1x16xf32>,
        %swap3A_177 = vector.shape_cast %swap3A_176 : vector<1x16xf32> to vector<16xf32>
        %swap3A_178 = vector.shape_cast %max3A_173 : vector<16xf32> to vector<1x16xf32>
        tpu.vector_store %arg10[%swap3A_174, %swap3A_175], %swap3A_178 {strides = array<i32>} : memref<80x128xf32, #tpu.memory_space<vmem>>, vector<1x16xf32>,
        %get3A_179 = arith.index_cast %add3A_79 : i32 to index
        %get3A_180 = arith.constant 96 : index
        %get3A_181 = tpu.vector_load %arg10[%get3A_179, %get3A_180] {strides = array<i32>} : memref<80x128xf32, #tpu.memory_space<vmem>>, vector<1x16xf32>,
        %get3A_182 = vector.shape_cast %get3A_181 : vector<1x16xf32> to vector<16xf32>
        %get3A_183 = arith.index_cast %add3A_79 : i32 to index
        %get3A_184 = arith.constant 96 : index
        %get3A_185 = tpu.vector_load %arg11[%get3A_183, %get3A_184] {strides = array<i32>} : memref<80x128xf32, #tpu.memory_space<vmem>>, vector<1x16xf32>,
        %get3A_186 = vector.shape_cast %get3A_185 : vector<1x16xf32> to vector<16xf32>
        %add3A_187 = arith.addf %get3A_182, %get3A_186 : vector<16xf32>
        %max3A_188 = arith.constant 0.000000e+00 : f32
        %max3A_189 = vector.broadcast %max3A_188 : f32 to vector<16xf32>
        %max3A_190 = arith.maximumf %add3A_187, %max3A_189 : vector<16xf32>
        %swap3A_191 = arith.index_cast %add3A_79 : i32 to index
        %swap3A_192 = arith.constant 96 : index
        %swap3A_193 = tpu.vector_load %arg10[%swap3A_191, %swap3A_192] {strides = array<i32>} : memref<80x128xf32, #tpu.memory_space<vmem>>, vector<1x16xf32>,
        %swap3A_194 = vector.shape_cast %swap3A_193 : vector<1x16xf32> to vector<16xf32>
        %swap3A_195 = vector.shape_cast %max3A_190 : vector<16xf32> to vector<1x16xf32>
        tpu.vector_store %arg10[%swap3A_191, %swap3A_192], %swap3A_195 {strides = array<i32>} : memref<80x128xf32, #tpu.memory_space<vmem>>, vector<1x16xf32>,
        %get3A_196 = arith.index_cast %add3A_79 : i32 to index
        %get3A_197 = arith.constant 112 : index
        %get3A_198 = tpu.vector_load %arg10[%get3A_196, %get3A_197] {strides = array<i32>} : memref<80x128xf32, #tpu.memory_space<vmem>>, vector<1x16xf32>,
        %get3A_199 = vector.shape_cast %get3A_198 : vector<1x16xf32> to vector<16xf32>
        %get3A_200 = arith.index_cast %add3A_79 : i32 to index
        %get3A_201 = arith.constant 112 : index
        %get3A_202 = tpu.vector_load %arg11[%get3A_200, %get3A_201] {strides = array<i32>} : memref<80x128xf32, #tpu.memory_space<vmem>>, vector<1x16xf32>,
        %get3A_203 = vector.shape_cast %get3A_202 : vector<1x16xf32> to vector<16xf32>
        %add3A_204 = arith.addf %get3A_199, %get3A_203 : vector<16xf32>
        %max3A_205 = arith.constant 0.000000e+00 : f32
        %max3A_206 = vector.broadcast %max3A_205 : f32 to vector<16xf32>
        %max3A_207 = arith.maximumf %add3A_204, %max3A_206 : vector<16xf32>
        %swap3A_208 = arith.index_cast %add3A_79 : i32 to index
        %swap3A_209 = arith.constant 112 : index
        %swap3A_210 = tpu.vector_load %arg10[%swap3A_208, %swap3A_209] {strides = array<i32>} : memref<80x128xf32, #tpu.memory_space<vmem>>, vector<1x16xf32>,
        %swap3A_211 = vector.shape_cast %swap3A_210 : vector<1x16xf32> to vector<16xf32>
        %swap3A_212 = vector.shape_cast %max3A_207 : vector<16xf32> to vector<1x16xf32>
        tpu.vector_store %arg10[%swap3A_208, %swap3A_209], %swap3A_212 {strides = array<i32>} : memref<80x128xf32, #tpu.memory_space<vmem>>, vector<1x16xf32>,
      }
      %scan3A_74 = arith.constant 80 : i32
      "tpu.region"() ({
        %run_scoped3A = tpu.sem_alloc : memref<!tpu.dma_semaphore, #tpu.memory_space<semaphore_mem>>
        %dma_start3A_75 = arith.constant 0 : i32
        %dma_start3A_76 = arith.constant 0 : i32
        %dma_start3A_77 = tpu.memref_slice %arg12[%dma_start3A_75, %dma_start3A_76] : memref<10240x128xf32, #tpu.memory_space<vmem_shared>> -> memref<10240x128xf32, #tpu.memory_space<vmem_shared>>
        tpu.enqueue_indirect_dma source(%arg10 : memref<80x128xf32, #tpu.memory_space<vmem>>) target(%dma_start3A_77 : memref<10240x128xf32, #tpu.memory_space<vmem_shared>>) offsets(%arg9 : memref<80xi32, #tpu.memory_space<vmem>>) semaphore(%run_scoped3A : memref<!tpu.dma_semaphore, #tpu.memory_space<semaphore_mem>>) {add = true}
        %dma_wait3A_78 = arith.constant 0 : i32
        %dma_wait3A_79 = arith.constant 0 : i32
        %dma_wait3A_80 = tpu.memref_slice %arg12[%dma_wait3A_78, %dma_wait3A_79] : memref<10240x128xf32, #tpu.memory_space<vmem_shared>> -> memref<10240x128xf32, #tpu.memory_space<vmem_shared>>
        tpu.wait_indirect_dma semaphore(%run_scoped3A : memref<!tpu.dma_semaphore, #tpu.memory_space<semaphore_mem>>) src(%arg10 : memref<80x128xf32, #tpu.memory_space<vmem>>) dst(%dma_wait3A_80 : memref<10240x128xf32, #tpu.memory_space<vmem_shared>>)
        tpu.yield
      }) : () -> ()
    }
    %scan3A_24 = arith.constant 125 : i32
    %barrier3A_25 = arith.constant 0 : index
    tpu.barrier barrier_id(%barrier3A_25)
    %add3A_26 = arith.constant 0 : i32
    %add3A_27 = arith.addi %mul3A_2, %add3A_26 : i32
    "tpu.region"() ({
      %run_scoped3A = tpu.sem_alloc : memref<!tpu.dma_semaphore, #tpu.memory_space<semaphore_mem>>
      %dma_start3A = arith.constant 0 : i32
      %dma_start3A_58 = tpu.memref_slice %arg12[%add3A_27, %dma_start3A] : memref<10240x128xf32, #tpu.memory_space<vmem_shared>> -> memref<80x128xf32, #tpu.memory_space<vmem_shared>>
      %dma_start3A_59 = arith.constant 0 : i32
      %dma_start3A_60 = tpu.memref_slice %arg12[%add3A_27, %dma_start3A_59] : memref<10240x128xf32, #tpu.memory_space<vmem_shared>> -> memref<80x128xf32, #tpu.memory_space<vmem_shared>>
      tpu.enqueue_dma source(%dma_start3A_60 : memref<80x128xf32, #tpu.memory_space<vmem_shared>>) target(%arg10 : memref<80x128xf32, #tpu.memory_space<vmem>>) target_semaphore(%run_scoped3A : memref<!tpu.dma_semaphore, #tpu.memory_space<semaphore_mem>>)
      %dma_wait3A = arith.constant 0 : i32
      %dma_wait3A_61 = tpu.memref_slice %arg12[%add3A_27, %dma_wait3A] : memref<10240x128xf32, #tpu.memory_space<vmem_shared>> -> memref<80x128xf32, #tpu.memory_space<vmem_shared>>
      %dma_wait3A_62 = arith.constant 0 : i32
      %dma_wait3A_63 = tpu.memref_slice %arg12[%add3A_27, %dma_wait3A_62] : memref<10240x128xf32, #tpu.memory_space<vmem_shared>> -> memref<80x128xf32, #tpu.memory_space<vmem_shared>>
      tpu.wait_dma2 semaphore(%run_scoped3A : memref<!tpu.dma_semaphore, #tpu.memory_space<semaphore_mem>>) src(%dma_wait3A_63 : memref<80x128xf32, #tpu.memory_space<vmem_shared>>) dst(%arg10 : memref<80x128xf32, #tpu.memory_space<vmem>>)
      tpu.yield
    }) : () -> ()
    %add3A_28 = arith.constant 0 : i32
    %add3A_29 = arith.addi %mul3A_2, %add3A_28 : i32
    "tpu.region"() ({
      %run_scoped3A = tpu.sem_alloc : memref<!tpu.dma_semaphore, #tpu.memory_space<semaphore_mem>>
      %dma_start3A = arith.constant 0 : i32
      %dma_start3A_58 = tpu.memref_slice %arg7[%arg0, %add3A_29, %dma_start3A] : memref<2x10240x128xf32, #tpu.memory_space<hbm>> -> memref<1x80x128xf32, #tpu.memory_space<hbm>>
      %dma_start3A_59 = tpu.memref_squeeze %dma_start3A_58 : memref<1x80x128xf32, #tpu.memory_space<hbm>> -> memref<80x128xf32, #tpu.memory_space<hbm>>
      %dma_start3A_60 = arith.constant 0 : i32
      %dma_start3A_61 = tpu.memref_slice %arg7[%arg0, %add3A_29, %dma_start3A_60] : memref<2x10240x128xf32, #tpu.memory_space<hbm>> -> memref<1x80x128xf32, #tpu.memory_space<hbm>>
      %dma_start3A_62 = tpu.memref_squeeze %dma_start3A_61 : memref<1x80x128xf32, #tpu.memory_space<hbm>> -> memref<80x128xf32, #tpu.memory_space<hbm>>
      tpu.enqueue_dma source(%arg10 : memref<80x128xf32, #tpu.memory_space<vmem>>) target(%dma_start3A_62 : memref<80x128xf32, #tpu.memory_space<hbm>>) target_semaphore(%run_scoped3A : memref<!tpu.dma_semaphore, #tpu.memory_space<semaphore_mem>>)
      %dma_wait3A = arith.constant 0 : i32
      %dma_wait3A_63 = tpu.memref_slice %arg7[%arg0, %add3A_29, %dma_wait3A] : memref<2x10240x128xf32, #tpu.memory_space<hbm>> -> memref<1x80x128xf32, #tpu.memory_space<hbm>>
      %dma_wait3A_64 = tpu.memref_squeeze %dma_wait3A_63 : memref<1x80x128xf32, #tpu.memory_space<hbm>> -> memref<80x128xf32, #tpu.memory_space<hbm>>
      %dma_wait3A_65 = arith.constant 0 : i32
      %dma_wait3A_66 = tpu.memref_slice %arg7[%arg0, %add3A_29, %dma_wait3A_65] : memref<2x10240x128xf32, #tpu.memory_space<hbm>> -> memref<1x80x128xf32, #tpu.memory_space<hbm>>
      %dma_wait3A_67 = tpu.memref_squeeze %dma_wait3A_66 : memref<1x80x128xf32, #tpu.memory_space<hbm>> -> memref<80x128xf32, #tpu.memory_space<hbm>>
      tpu.wait_dma2 semaphore(%run_scoped3A : memref<!tpu.dma_semaphore, #tpu.memory_space<semaphore_mem>>) src(%arg10 : memref<80x128xf32, #tpu.memory_space<vmem>>) dst(%dma_wait3A_67 : memref<80x128xf32, #tpu.memory_space<hbm>>)
      tpu.yield
    }) : () -> ()
    %add3A_30 = arith.constant 80 : i32
    %add3A_31 = arith.addi %mul3A_2, %add3A_30 : i32
    "tpu.region"() ({
      %run_scoped3A = tpu.sem_alloc : memref<!tpu.dma_semaphore, #tpu.memory_space<semaphore_mem>>
      %dma_start3A = arith.constant 0 : i32
      %dma_start3A_58 = tpu.memref_slice %arg12[%add3A_31, %dma_start3A] : memref<10240x128xf32, #tpu.memory_space<vmem_shared>> -> memref<80x128xf32, #tpu.memory_space<vmem_shared>>
      %dma_start3A_59 = arith.constant 0 : i32
      %dma_start3A_60 = tpu.memref_slice %arg12[%add3A_31, %dma_start3A_59] : memref<10240x128xf32, #tpu.memory_space<vmem_shared>> -> memref<80x128xf32, #tpu.memory_space<vmem_shared>>
      tpu.enqueue_dma source(%dma_start3A_60 : memref<80x128xf32, #tpu.memory_space<vmem_shared>>) target(%arg10 : memref<80x128xf32, #tpu.memory_space<vmem>>) target_semaphore(%run_scoped3A : memref<!tpu.dma_semaphore, #tpu.memory_space<semaphore_mem>>)
      %dma_wait3A = arith.constant 0 : i32
      %dma_wait3A_61 = tpu.memref_slice %arg12[%add3A_31, %dma_wait3A] : memref<10240x128xf32, #tpu.memory_space<vmem_shared>> -> memref<80x128xf32, #tpu.memory_space<vmem_shared>>
      %dma_wait3A_62 = arith.constant 0 : i32
      %dma_wait3A_63 = tpu.memref_slice %arg12[%add3A_31, %dma_wait3A_62] : memref<10240x128xf32, #tpu.memory_space<vmem_shared>> -> memref<80x128xf32, #tpu.memory_space<vmem_shared>>
      tpu.wait_dma2 semaphore(%run_scoped3A : memref<!tpu.dma_semaphore, #tpu.memory_space<semaphore_mem>>) src(%dma_wait3A_63 : memref<80x128xf32, #tpu.memory_space<vmem_shared>>) dst(%arg10 : memref<80x128xf32, #tpu.memory_space<vmem>>)
      tpu.yield
    }) : () -> ()
    %add3A_32 = arith.constant 80 : i32
    %add3A_33 = arith.addi %mul3A_2, %add3A_32 : i32
    "tpu.region"() ({
      %run_scoped3A = tpu.sem_alloc : memref<!tpu.dma_semaphore, #tpu.memory_space<semaphore_mem>>
      %dma_start3A = arith.constant 0 : i32
      %dma_start3A_58 = tpu.memref_slice %arg7[%arg0, %add3A_33, %dma_start3A] : memref<2x10240x128xf32, #tpu.memory_space<hbm>> -> memref<1x80x128xf32, #tpu.memory_space<hbm>>
      %dma_start3A_59 = tpu.memref_squeeze %dma_start3A_58 : memref<1x80x128xf32, #tpu.memory_space<hbm>> -> memref<80x128xf32, #tpu.memory_space<hbm>>
      %dma_start3A_60 = arith.constant 0 : i32
      %dma_start3A_61 = tpu.memref_slice %arg7[%arg0, %add3A_33, %dma_start3A_60] : memref<2x10240x128xf32, #tpu.memory_space<hbm>> -> memref<1x80x128xf32, #tpu.memory_space<hbm>>
      %dma_start3A_62 = tpu.memref_squeeze %dma_start3A_61 : memref<1x80x128xf32, #tpu.memory_space<hbm>> -> memref<80x128xf32, #tpu.memory_space<hbm>>
      tpu.enqueue_dma source(%arg10 : memref<80x128xf32, #tpu.memory_space<vmem>>) target(%dma_start3A_62 : memref<80x128xf32, #tpu.memory_space<hbm>>) target_semaphore(%run_scoped3A : memref<!tpu.dma_semaphore, #tpu.memory_space<semaphore_mem>>)
      %dma_wait3A = arith.constant 0 : i32
      %dma_wait3A_63 = tpu.memref_slice %arg7[%arg0, %add3A_33, %dma_wait3A] : memref<2x10240x128xf32, #tpu.memory_space<hbm>> -> memref<1x80x128xf32, #tpu.memory_space<hbm>>
      %dma_wait3A_64 = tpu.memref_squeeze %dma_wait3A_63 : memref<1x80x128xf32, #tpu.memory_space<hbm>> -> memref<80x128xf32, #tpu.memory_space<hbm>>
      %dma_wait3A_65 = arith.constant 0 : i32
      %dma_wait3A_66 = tpu.memref_slice %arg7[%arg0, %add3A_33, %dma_wait3A_65] : memref<2x10240x128xf32, #tpu.memory_space<hbm>> -> memref<1x80x128xf32, #tpu.memory_space<hbm>>
      %dma_wait3A_67 = tpu.memref_squeeze %dma_wait3A_66 : memref<1x80x128xf32, #tpu.memory_space<hbm>> -> memref<80x128xf32, #tpu.memory_space<hbm>>
      tpu.wait_dma2 semaphore(%run_scoped3A : memref<!tpu.dma_semaphore, #tpu.memory_space<semaphore_mem>>) src(%arg10 : memref<80x128xf32, #tpu.memory_space<vmem>>) dst(%dma_wait3A_67 : memref<80x128xf32, #tpu.memory_space<hbm>>)
      tpu.yield
    }) : () -> ()
    %add3A_34 = arith.constant 160 : i32
    %add3A_35 = arith.addi %mul3A_2, %add3A_34 : i32
    "tpu.region"() ({
      %run_scoped3A = tpu.sem_alloc : memref<!tpu.dma_semaphore, #tpu.memory_space<semaphore_mem>>
      %dma_start3A = arith.constant 0 : i32
      %dma_start3A_58 = tpu.memref_slice %arg12[%add3A_35, %dma_start3A] : memref<10240x128xf32, #tpu.memory_space<vmem_shared>> -> memref<80x128xf32, #tpu.memory_space<vmem_shared>>
      %dma_start3A_59 = arith.constant 0 : i32
      %dma_start3A_60 = tpu.memref_slice %arg12[%add3A_35, %dma_start3A_59] : memref<10240x128xf32, #tpu.memory_space<vmem_shared>> -> memref<80x128xf32, #tpu.memory_space<vmem_shared>>
      tpu.enqueue_dma source(%dma_start3A_60 : memref<80x128xf32, #tpu.memory_space<vmem_shared>>) target(%arg10 : memref<80x128xf32, #tpu.memory_space<vmem>>) target_semaphore(%run_scoped3A : memref<!tpu.dma_semaphore, #tpu.memory_space<semaphore_mem>>)
      %dma_wait3A = arith.constant 0 : i32
      %dma_wait3A_61 = tpu.memref_slice %arg12[%add3A_35, %dma_wait3A] : memref<10240x128xf32, #tpu.memory_space<vmem_shared>> -> memref<80x128xf32, #tpu.memory_space<vmem_shared>>
      %dma_wait3A_62 = arith.constant 0 : i32
      %dma_wait3A_63 = tpu.memref_slice %arg12[%add3A_35, %dma_wait3A_62] : memref<10240x128xf32, #tpu.memory_space<vmem_shared>> -> memref<80x128xf32, #tpu.memory_space<vmem_shared>>
      tpu.wait_dma2 semaphore(%run_scoped3A : memref<!tpu.dma_semaphore, #tpu.memory_space<semaphore_mem>>) src(%dma_wait3A_63 : memref<80x128xf32, #tpu.memory_space<vmem_shared>>) dst(%arg10 : memref<80x128xf32, #tpu.memory_space<vmem>>)
      tpu.yield
    }) : () -> ()
    %add3A_36 = arith.constant 160 : i32
    %add3A_37 = arith.addi %mul3A_2, %add3A_36 : i32
    "tpu.region"() ({
      %run_scoped3A = tpu.sem_alloc : memref<!tpu.dma_semaphore, #tpu.memory_space<semaphore_mem>>
      %dma_start3A = arith.constant 0 : i32
      %dma_start3A_58 = tpu.memref_slice %arg7[%arg0, %add3A_37, %dma_start3A] : memref<2x10240x128xf32, #tpu.memory_space<hbm>> -> memref<1x80x128xf32, #tpu.memory_space<hbm>>
      %dma_start3A_59 = tpu.memref_squeeze %dma_start3A_58 : memref<1x80x128xf32, #tpu.memory_space<hbm>> -> memref<80x128xf32, #tpu.memory_space<hbm>>
      %dma_start3A_60 = arith.constant 0 : i32
      %dma_start3A_61 = tpu.memref_slice %arg7[%arg0, %add3A_37, %dma_start3A_60] : memref<2x10240x128xf32, #tpu.memory_space<hbm>> -> memref<1x80x128xf32, #tpu.memory_space<hbm>>
      %dma_start3A_62 = tpu.memref_squeeze %dma_start3A_61 : memref<1x80x128xf32, #tpu.memory_space<hbm>> -> memref<80x128xf32, #tpu.memory_space<hbm>>
      tpu.enqueue_dma source(%arg10 : memref<80x128xf32, #tpu.memory_space<vmem>>) target(%dma_start3A_62 : memref<80x128xf32, #tpu.memory_space<hbm>>) target_semaphore(%run_scoped3A : memref<!tpu.dma_semaphore, #tpu.memory_space<semaphore_mem>>)
      %dma_wait3A = arith.constant 0 : i32
      %dma_wait3A_63 = tpu.memref_slice %arg7[%arg0, %add3A_37, %dma_wait3A] : memref<2x10240x128xf32, #tpu.memory_space<hbm>> -> memref<1x80x128xf32, #tpu.memory_space<hbm>>
      %dma_wait3A_64 = tpu.memref_squeeze %dma_wait3A_63 : memref<1x80x128xf32, #tpu.memory_space<hbm>> -> memref<80x128xf32, #tpu.memory_space<hbm>>
      %dma_wait3A_65 = arith.constant 0 : i32
      %dma_wait3A_66 = tpu.memref_slice %arg7[%arg0, %add3A_37, %dma_wait3A_65] : memref<2x10240x128xf32, #tpu.memory_space<hbm>> -> memref<1x80x128xf32, #tpu.memory_space<hbm>>
      %dma_wait3A_67 = tpu.memref_squeeze %dma_wait3A_66 : memref<1x80x128xf32, #tpu.memory_space<hbm>> -> memref<80x128xf32, #tpu.memory_space<hbm>>
      tpu.wait_dma2 semaphore(%run_scoped3A : memref<!tpu.dma_semaphore, #tpu.memory_space<semaphore_mem>>) src(%arg10 : memref<80x128xf32, #tpu.memory_space<vmem>>) dst(%dma_wait3A_67 : memref<80x128xf32, #tpu.memory_space<hbm>>)
      tpu.yield
    }) : () -> ()
    %add3A_38 = arith.constant 240 : i32
    %add3A_39 = arith.addi %mul3A_2, %add3A_38 : i32
    "tpu.region"() ({
      %run_scoped3A = tpu.sem_alloc : memref<!tpu.dma_semaphore, #tpu.memory_space<semaphore_mem>>
      %dma_start3A = arith.constant 0 : i32
      %dma_start3A_58 = tpu.memref_slice %arg12[%add3A_39, %dma_start3A] : memref<10240x128xf32, #tpu.memory_space<vmem_shared>> -> memref<80x128xf32, #tpu.memory_space<vmem_shared>>
      %dma_start3A_59 = arith.constant 0 : i32
      %dma_start3A_60 = tpu.memref_slice %arg12[%add3A_39, %dma_start3A_59] : memref<10240x128xf32, #tpu.memory_space<vmem_shared>> -> memref<80x128xf32, #tpu.memory_space<vmem_shared>>
      tpu.enqueue_dma source(%dma_start3A_60 : memref<80x128xf32, #tpu.memory_space<vmem_shared>>) target(%arg10 : memref<80x128xf32, #tpu.memory_space<vmem>>) target_semaphore(%run_scoped3A : memref<!tpu.dma_semaphore, #tpu.memory_space<semaphore_mem>>)
      %dma_wait3A = arith.constant 0 : i32
      %dma_wait3A_61 = tpu.memref_slice %arg12[%add3A_39, %dma_wait3A] : memref<10240x128xf32, #tpu.memory_space<vmem_shared>> -> memref<80x128xf32, #tpu.memory_space<vmem_shared>>
      %dma_wait3A_62 = arith.constant 0 : i32
      %dma_wait3A_63 = tpu.memref_slice %arg12[%add3A_39, %dma_wait3A_62] : memref<10240x128xf32, #tpu.memory_space<vmem_shared>> -> memref<80x128xf32, #tpu.memory_space<vmem_shared>>
      tpu.wait_dma2 semaphore(%run_scoped3A : memref<!tpu.dma_semaphore, #tpu.memory_space<semaphore_mem>>) src(%dma_wait3A_63 : memref<80x128xf32, #tpu.memory_space<vmem_shared>>) dst(%arg10 : memref<80x128xf32, #tpu.memory_space<vmem>>)
      tpu.yield
    }) : () -> ()
    %add3A_40 = arith.constant 240 : i32
    %add3A_41 = arith.addi %mul3A_2, %add3A_40 : i32
    "tpu.region"() ({
      %run_scoped3A = tpu.sem_alloc : memref<!tpu.dma_semaphore, #tpu.memory_space<semaphore_mem>>
      %dma_start3A = arith.constant 0 : i32
      %dma_start3A_58 = tpu.memref_slice %arg7[%arg0, %add3A_41, %dma_start3A] : memref<2x10240x128xf32, #tpu.memory_space<hbm>> -> memref<1x80x128xf32, #tpu.memory_space<hbm>>
      %dma_start3A_59 = tpu.memref_squeeze %dma_start3A_58 : memref<1x80x128xf32, #tpu.memory_space<hbm>> -> memref<80x128xf32, #tpu.memory_space<hbm>>
      %dma_start3A_60 = arith.constant 0 : i32
      %dma_start3A_61 = tpu.memref_slice %arg7[%arg0, %add3A_41, %dma_start3A_60] : memref<2x10240x128xf32, #tpu.memory_space<hbm>> -> memref<1x80x128xf32, #tpu.memory_space<hbm>>
      %dma_start3A_62 = tpu.memref_squeeze %dma_start3A_61 : memref<1x80x128xf32, #tpu.memory_space<hbm>> -> memref<80x128xf32, #tpu.memory_space<hbm>>
      tpu.enqueue_dma source(%arg10 : memref<80x128xf32, #tpu.memory_space<vmem>>) target(%dma_start3A_62 : memref<80x128xf32, #tpu.memory_space<hbm>>) target_semaphore(%run_scoped3A : memref<!tpu.dma_semaphore, #tpu.memory_space<semaphore_mem>>)
      %dma_wait3A = arith.constant 0 : i32
      %dma_wait3A_63 = tpu.memref_slice %arg7[%arg0, %add3A_41, %dma_wait3A] : memref<2x10240x128xf32, #tpu.memory_space<hbm>> -> memref<1x80x128xf32, #tpu.memory_space<hbm>>
      %dma_wait3A_64 = tpu.memref_squeeze %dma_wait3A_63 : memref<1x80x128xf32, #tpu.memory_space<hbm>> -> memref<80x128xf32, #tpu.memory_space<hbm>>
      %dma_wait3A_65 = arith.constant 0 : i32
      %dma_wait3A_66 = tpu.memref_slice %arg7[%arg0, %add3A_41, %dma_wait3A_65] : memref<2x10240x128xf32, #tpu.memory_space<hbm>> -> memref<1x80x128xf32, #tpu.memory_space<hbm>>
      %dma_wait3A_67 = tpu.memref_squeeze %dma_wait3A_66 : memref<1x80x128xf32, #tpu.memory_space<hbm>> -> memref<80x128xf32, #tpu.memory_space<hbm>>
      tpu.wait_dma2 semaphore(%run_scoped3A : memref<!tpu.dma_semaphore, #tpu.memory_space<semaphore_mem>>) src(%arg10 : memref<80x128xf32, #tpu.memory_space<vmem>>) dst(%dma_wait3A_67 : memref<80x128xf32, #tpu.memory_space<hbm>>)
      tpu.yield
    }) : () -> ()
    %add3A_42 = arith.constant 320 : i32
    %add3A_43 = arith.addi %mul3A_2, %add3A_42 : i32
    "tpu.region"() ({
      %run_scoped3A = tpu.sem_alloc : memref<!tpu.dma_semaphore, #tpu.memory_space<semaphore_mem>>
      %dma_start3A = arith.constant 0 : i32
      %dma_start3A_58 = tpu.memref_slice %arg12[%add3A_43, %dma_start3A] : memref<10240x128xf32, #tpu.memory_space<vmem_shared>> -> memref<80x128xf32, #tpu.memory_space<vmem_shared>>
      %dma_start3A_59 = arith.constant 0 : i32
      %dma_start3A_60 = tpu.memref_slice %arg12[%add3A_43, %dma_start3A_59] : memref<10240x128xf32, #tpu.memory_space<vmem_shared>> -> memref<80x128xf32, #tpu.memory_space<vmem_shared>>
      tpu.enqueue_dma source(%dma_start3A_60 : memref<80x128xf32, #tpu.memory_space<vmem_shared>>) target(%arg10 : memref<80x128xf32, #tpu.memory_space<vmem>>) target_semaphore(%run_scoped3A : memref<!tpu.dma_semaphore, #tpu.memory_space<semaphore_mem>>)
      %dma_wait3A = arith.constant 0 : i32
      %dma_wait3A_61 = tpu.memref_slice %arg12[%add3A_43, %dma_wait3A] : memref<10240x128xf32, #tpu.memory_space<vmem_shared>> -> memref<80x128xf32, #tpu.memory_space<vmem_shared>>
      %dma_wait3A_62 = arith.constant 0 : i32
      %dma_wait3A_63 = tpu.memref_slice %arg12[%add3A_43, %dma_wait3A_62] : memref<10240x128xf32, #tpu.memory_space<vmem_shared>> -> memref<80x128xf32, #tpu.memory_space<vmem_shared>>
      tpu.wait_dma2 semaphore(%run_scoped3A : memref<!tpu.dma_semaphore, #tpu.memory_space<semaphore_mem>>) src(%dma_wait3A_63 : memref<80x128xf32, #tpu.memory_space<vmem_shared>>) dst(%arg10 : memref<80x128xf32, #tpu.memory_space<vmem>>)
      tpu.yield
    }) : () -> ()
    %add3A_44 = arith.constant 320 : i32
    %add3A_45 = arith.addi %mul3A_2, %add3A_44 : i32
    "tpu.region"() ({
      %run_scoped3A = tpu.sem_alloc : memref<!tpu.dma_semaphore, #tpu.memory_space<semaphore_mem>>
      %dma_start3A = arith.constant 0 : i32
      %dma_start3A_58 = tpu.memref_slice %arg7[%arg0, %add3A_45, %dma_start3A] : memref<2x10240x128xf32, #tpu.memory_space<hbm>> -> memref<1x80x128xf32, #tpu.memory_space<hbm>>
      %dma_start3A_59 = tpu.memref_squeeze %dma_start3A_58 : memref<1x80x128xf32, #tpu.memory_space<hbm>> -> memref<80x128xf32, #tpu.memory_space<hbm>>
      %dma_start3A_60 = arith.constant 0 : i32
      %dma_start3A_61 = tpu.memref_slice %arg7[%arg0, %add3A_45, %dma_start3A_60] : memref<2x10240x128xf32, #tpu.memory_space<hbm>> -> memref<1x80x128xf32, #tpu.memory_space<hbm>>
      %dma_start3A_62 = tpu.memref_squeeze %dma_start3A_61 : memref<1x80x128xf32, #tpu.memory_space<hbm>> -> memref<80x128xf32, #tpu.memory_space<hbm>>
      tpu.enqueue_dma source(%arg10 : memref<80x128xf32, #tpu.memory_space<vmem>>) target(%dma_start3A_62 : memref<80x128xf32, #tpu.memory_space<hbm>>) target_semaphore(%run_scoped3A : memref<!tpu.dma_semaphore, #tpu.memory_space<semaphore_mem>>)
      %dma_wait3A = arith.constant 0 : i32
      %dma_wait3A_63 = tpu.memref_slice %arg7[%arg0, %add3A_45, %dma_wait3A] : memref<2x10240x128xf32, #tpu.memory_space<hbm>> -> memref<1x80x128xf32, #tpu.memory_space<hbm>>
      %dma_wait3A_64 = tpu.memref_squeeze %dma_wait3A_63 : memref<1x80x128xf32, #tpu.memory_space<hbm>> -> memref<80x128xf32, #tpu.memory_space<hbm>>
      %dma_wait3A_65 = arith.constant 0 : i32
      %dma_wait3A_66 = tpu.memref_slice %arg7[%arg0, %add3A_45, %dma_wait3A_65] : memref<2x10240x128xf32, #tpu.memory_space<hbm>> -> memref<1x80x128xf32, #tpu.memory_space<hbm>>
      %dma_wait3A_67 = tpu.memref_squeeze %dma_wait3A_66 : memref<1x80x128xf32, #tpu.memory_space<hbm>> -> memref<80x128xf32, #tpu.memory_space<hbm>>
      tpu.wait_dma2 semaphore(%run_scoped3A : memref<!tpu.dma_semaphore, #tpu.memory_space<semaphore_mem>>) src(%arg10 : memref<80x128xf32, #tpu.memory_space<vmem>>) dst(%dma_wait3A_67 : memref<80x128xf32, #tpu.memory_space<hbm>>)
      tpu.yield
    }) : () -> ()
    %add3A_46 = arith.constant 400 : i32
    %add3A_47 = arith.addi %mul3A_2, %add3A_46 : i32
    "tpu.region"() ({
      %run_scoped3A = tpu.sem_alloc : memref<!tpu.dma_semaphore, #tpu.memory_space<semaphore_mem>>
      %dma_start3A = arith.constant 0 : i32
      %dma_start3A_58 = tpu.memref_slice %arg12[%add3A_47, %dma_start3A] : memref<10240x128xf32, #tpu.memory_space<vmem_shared>> -> memref<80x128xf32, #tpu.memory_space<vmem_shared>>
      %dma_start3A_59 = arith.constant 0 : i32
      %dma_start3A_60 = tpu.memref_slice %arg12[%add3A_47, %dma_start3A_59] : memref<10240x128xf32, #tpu.memory_space<vmem_shared>> -> memref<80x128xf32, #tpu.memory_space<vmem_shared>>
      tpu.enqueue_dma source(%dma_start3A_60 : memref<80x128xf32, #tpu.memory_space<vmem_shared>>) target(%arg10 : memref<80x128xf32, #tpu.memory_space<vmem>>) target_semaphore(%run_scoped3A : memref<!tpu.dma_semaphore, #tpu.memory_space<semaphore_mem>>)
      %dma_wait3A = arith.constant 0 : i32
      %dma_wait3A_61 = tpu.memref_slice %arg12[%add3A_47, %dma_wait3A] : memref<10240x128xf32, #tpu.memory_space<vmem_shared>> -> memref<80x128xf32, #tpu.memory_space<vmem_shared>>
      %dma_wait3A_62 = arith.constant 0 : i32
      %dma_wait3A_63 = tpu.memref_slice %arg12[%add3A_47, %dma_wait3A_62] : memref<10240x128xf32, #tpu.memory_space<vmem_shared>> -> memref<80x128xf32, #tpu.memory_space<vmem_shared>>
      tpu.wait_dma2 semaphore(%run_scoped3A : memref<!tpu.dma_semaphore, #tpu.memory_space<semaphore_mem>>) src(%dma_wait3A_63 : memref<80x128xf32, #tpu.memory_space<vmem_shared>>) dst(%arg10 : memref<80x128xf32, #tpu.memory_space<vmem>>)
      tpu.yield
    }) : () -> ()
    %add3A_48 = arith.constant 400 : i32
    %add3A_49 = arith.addi %mul3A_2, %add3A_48 : i32
    "tpu.region"() ({
      %run_scoped3A = tpu.sem_alloc : memref<!tpu.dma_semaphore, #tpu.memory_space<semaphore_mem>>
      %dma_start3A = arith.constant 0 : i32
      %dma_start3A_58 = tpu.memref_slice %arg7[%arg0, %add3A_49, %dma_start3A] : memref<2x10240x128xf32, #tpu.memory_space<hbm>> -> memref<1x80x128xf32, #tpu.memory_space<hbm>>
      %dma_start3A_59 = tpu.memref_squeeze %dma_start3A_58 : memref<1x80x128xf32, #tpu.memory_space<hbm>> -> memref<80x128xf32, #tpu.memory_space<hbm>>
      %dma_start3A_60 = arith.constant 0 : i32
      %dma_start3A_61 = tpu.memref_slice %arg7[%arg0, %add3A_49, %dma_start3A_60] : memref<2x10240x128xf32, #tpu.memory_space<hbm>> -> memref<1x80x128xf32, #tpu.memory_space<hbm>>
      %dma_start3A_62 = tpu.memref_squeeze %dma_start3A_61 : memref<1x80x128xf32, #tpu.memory_space<hbm>> -> memref<80x128xf32, #tpu.memory_space<hbm>>
      tpu.enqueue_dma source(%arg10 : memref<80x128xf32, #tpu.memory_space<vmem>>) target(%dma_start3A_62 : memref<80x128xf32, #tpu.memory_space<hbm>>) target_semaphore(%run_scoped3A : memref<!tpu.dma_semaphore, #tpu.memory_space<semaphore_mem>>)
      %dma_wait3A = arith.constant 0 : i32
      %dma_wait3A_63 = tpu.memref_slice %arg7[%arg0, %add3A_49, %dma_wait3A] : memref<2x10240x128xf32, #tpu.memory_space<hbm>> -> memref<1x80x128xf32, #tpu.memory_space<hbm>>
      %dma_wait3A_64 = tpu.memref_squeeze %dma_wait3A_63 : memref<1x80x128xf32, #tpu.memory_space<hbm>> -> memref<80x128xf32, #tpu.memory_space<hbm>>
      %dma_wait3A_65 = arith.constant 0 : i32
      %dma_wait3A_66 = tpu.memref_slice %arg7[%arg0, %add3A_49, %dma_wait3A_65] : memref<2x10240x128xf32, #tpu.memory_space<hbm>> -> memref<1x80x128xf32, #tpu.memory_space<hbm>>
      %dma_wait3A_67 = tpu.memref_squeeze %dma_wait3A_66 : memref<1x80x128xf32, #tpu.memory_space<hbm>> -> memref<80x128xf32, #tpu.memory_space<hbm>>
      tpu.wait_dma2 semaphore(%run_scoped3A : memref<!tpu.dma_semaphore, #tpu.memory_space<semaphore_mem>>) src(%arg10 : memref<80x128xf32, #tpu.memory_space<vmem>>) dst(%dma_wait3A_67 : memref<80x128xf32, #tpu.memory_space<hbm>>)
      tpu.yield
    }) : () -> ()
    %add3A_50 = arith.constant 480 : i32
    %add3A_51 = arith.addi %mul3A_2, %add3A_50 : i32
    "tpu.region"() ({
      %run_scoped3A = tpu.sem_alloc : memref<!tpu.dma_semaphore, #tpu.memory_space<semaphore_mem>>
      %dma_start3A = arith.constant 0 : i32
      %dma_start3A_58 = tpu.memref_slice %arg12[%add3A_51, %dma_start3A] : memref<10240x128xf32, #tpu.memory_space<vmem_shared>> -> memref<80x128xf32, #tpu.memory_space<vmem_shared>>
      %dma_start3A_59 = arith.constant 0 : i32
      %dma_start3A_60 = tpu.memref_slice %arg12[%add3A_51, %dma_start3A_59] : memref<10240x128xf32, #tpu.memory_space<vmem_shared>> -> memref<80x128xf32, #tpu.memory_space<vmem_shared>>
      tpu.enqueue_dma source(%dma_start3A_60 : memref<80x128xf32, #tpu.memory_space<vmem_shared>>) target(%arg10 : memref<80x128xf32, #tpu.memory_space<vmem>>) target_semaphore(%run_scoped3A : memref<!tpu.dma_semaphore, #tpu.memory_space<semaphore_mem>>)
      %dma_wait3A = arith.constant 0 : i32
      %dma_wait3A_61 = tpu.memref_slice %arg12[%add3A_51, %dma_wait3A] : memref<10240x128xf32, #tpu.memory_space<vmem_shared>> -> memref<80x128xf32, #tpu.memory_space<vmem_shared>>
      %dma_wait3A_62 = arith.constant 0 : i32
      %dma_wait3A_63 = tpu.memref_slice %arg12[%add3A_51, %dma_wait3A_62] : memref<10240x128xf32, #tpu.memory_space<vmem_shared>> -> memref<80x128xf32, #tpu.memory_space<vmem_shared>>
      tpu.wait_dma2 semaphore(%run_scoped3A : memref<!tpu.dma_semaphore, #tpu.memory_space<semaphore_mem>>) src(%dma_wait3A_63 : memref<80x128xf32, #tpu.memory_space<vmem_shared>>) dst(%arg10 : memref<80x128xf32, #tpu.memory_space<vmem>>)
      tpu.yield
    }) : () -> ()
    %add3A_52 = arith.constant 480 : i32
    %add3A_53 = arith.addi %mul3A_2, %add3A_52 : i32
    "tpu.region"() ({
      %run_scoped3A = tpu.sem_alloc : memref<!tpu.dma_semaphore, #tpu.memory_space<semaphore_mem>>
      %dma_start3A = arith.constant 0 : i32
      %dma_start3A_58 = tpu.memref_slice %arg7[%arg0, %add3A_53, %dma_start3A] : memref<2x10240x128xf32, #tpu.memory_space<hbm>> -> memref<1x80x128xf32, #tpu.memory_space<hbm>>
      %dma_start3A_59 = tpu.memref_squeeze %dma_start3A_58 : memref<1x80x128xf32, #tpu.memory_space<hbm>> -> memref<80x128xf32, #tpu.memory_space<hbm>>
      %dma_start3A_60 = arith.constant 0 : i32
      %dma_start3A_61 = tpu.memref_slice %arg7[%arg0, %add3A_53, %dma_start3A_60] : memref<2x10240x128xf32, #tpu.memory_space<hbm>> -> memref<1x80x128xf32, #tpu.memory_space<hbm>>
      %dma_start3A_62 = tpu.memref_squeeze %dma_start3A_61 : memref<1x80x128xf32, #tpu.memory_space<hbm>> -> memref<80x128xf32, #tpu.memory_space<hbm>>
      tpu.enqueue_dma source(%arg10 : memref<80x128xf32, #tpu.memory_space<vmem>>) target(%dma_start3A_62 : memref<80x128xf32, #tpu.memory_space<hbm>>) target_semaphore(%run_scoped3A : memref<!tpu.dma_semaphore, #tpu.memory_space<semaphore_mem>>)
      %dma_wait3A = arith.constant 0 : i32
      %dma_wait3A_63 = tpu.memref_slice %arg7[%arg0, %add3A_53, %dma_wait3A] : memref<2x10240x128xf32, #tpu.memory_space<hbm>> -> memref<1x80x128xf32, #tpu.memory_space<hbm>>
      %dma_wait3A_64 = tpu.memref_squeeze %dma_wait3A_63 : memref<1x80x128xf32, #tpu.memory_space<hbm>> -> memref<80x128xf32, #tpu.memory_space<hbm>>
      %dma_wait3A_65 = arith.constant 0 : i32
      %dma_wait3A_66 = tpu.memref_slice %arg7[%arg0, %add3A_53, %dma_wait3A_65] : memref<2x10240x128xf32, #tpu.memory_space<hbm>> -> memref<1x80x128xf32, #tpu.memory_space<hbm>>
      %dma_wait3A_67 = tpu.memref_squeeze %dma_wait3A_66 : memref<1x80x128xf32, #tpu.memory_space<hbm>> -> memref<80x128xf32, #tpu.memory_space<hbm>>
      tpu.wait_dma2 semaphore(%run_scoped3A : memref<!tpu.dma_semaphore, #tpu.memory_space<semaphore_mem>>) src(%arg10 : memref<80x128xf32, #tpu.memory_space<vmem>>) dst(%dma_wait3A_67 : memref<80x128xf32, #tpu.memory_space<hbm>>)
      tpu.yield
    }) : () -> ()
    %add3A_54 = arith.constant 560 : i32
    %add3A_55 = arith.addi %mul3A_2, %add3A_54 : i32
    "tpu.region"() ({
      %run_scoped3A = tpu.sem_alloc : memref<!tpu.dma_semaphore, #tpu.memory_space<semaphore_mem>>
      %dma_start3A = arith.constant 0 : i32
      %dma_start3A_58 = tpu.memref_slice %arg12[%add3A_55, %dma_start3A] : memref<10240x128xf32, #tpu.memory_space<vmem_shared>> -> memref<80x128xf32, #tpu.memory_space<vmem_shared>>
      %dma_start3A_59 = arith.constant 0 : i32
      %dma_start3A_60 = tpu.memref_slice %arg12[%add3A_55, %dma_start3A_59] : memref<10240x128xf32, #tpu.memory_space<vmem_shared>> -> memref<80x128xf32, #tpu.memory_space<vmem_shared>>
      tpu.enqueue_dma source(%dma_start3A_60 : memref<80x128xf32, #tpu.memory_space<vmem_shared>>) target(%arg10 : memref<80x128xf32, #tpu.memory_space<vmem>>) target_semaphore(%run_scoped3A : memref<!tpu.dma_semaphore, #tpu.memory_space<semaphore_mem>>)
      %dma_wait3A = arith.constant 0 : i32
      %dma_wait3A_61 = tpu.memref_slice %arg12[%add3A_55, %dma_wait3A] : memref<10240x128xf32, #tpu.memory_space<vmem_shared>> -> memref<80x128xf32, #tpu.memory_space<vmem_shared>>
      %dma_wait3A_62 = arith.constant 0 : i32
      %dma_wait3A_63 = tpu.memref_slice %arg12[%add3A_55, %dma_wait3A_62] : memref<10240x128xf32, #tpu.memory_space<vmem_shared>> -> memref<80x128xf32, #tpu.memory_space<vmem_shared>>
      tpu.wait_dma2 semaphore(%run_scoped3A : memref<!tpu.dma_semaphore, #tpu.memory_space<semaphore_mem>>) src(%dma_wait3A_63 : memref<80x128xf32, #tpu.memory_space<vmem_shared>>) dst(%arg10 : memref<80x128xf32, #tpu.memory_space<vmem>>)
      tpu.yield
    }) : () -> ()
    %add3A_56 = arith.constant 560 : i32
    %add3A_57 = arith.addi %mul3A_2, %add3A_56 : i32
    "tpu.region"() ({
      %run_scoped3A = tpu.sem_alloc : memref<!tpu.dma_semaphore, #tpu.memory_space<semaphore_mem>>
      %dma_start3A = arith.constant 0 : i32
      %dma_start3A_58 = tpu.memref_slice %arg7[%arg0, %add3A_57, %dma_start3A] : memref<2x10240x128xf32, #tpu.memory_space<hbm>> -> memref<1x80x128xf32, #tpu.memory_space<hbm>>
      %dma_start3A_59 = tpu.memref_squeeze %dma_start3A_58 : memref<1x80x128xf32, #tpu.memory_space<hbm>> -> memref<80x128xf32, #tpu.memory_space<hbm>>
      %dma_start3A_60 = arith.constant 0 : i32
      %dma_start3A_61 = tpu.memref_slice %arg7[%arg0, %add3A_57, %dma_start3A_60] : memref<2x10240x128xf32, #tpu.memory_space<hbm>> -> memref<1x80x128xf32, #tpu.memory_space<hbm>>
      %dma_start3A_62 = tpu.memref_squeeze %dma_start3A_61 : memref<1x80x128xf32, #tpu.memory_space<hbm>> -> memref<80x128xf32, #tpu.memory_space<hbm>>
      tpu.enqueue_dma source(%arg10 : memref<80x128xf32, #tpu.memory_space<vmem>>) target(%dma_start3A_62 : memref<80x128xf32, #tpu.memory_space<hbm>>) target_semaphore(%run_scoped3A : memref<!tpu.dma_semaphore, #tpu.memory_space<semaphore_mem>>)
      %dma_wait3A = arith.constant 0 : i32
      %dma_wait3A_63 = tpu.memref_slice %arg7[%arg0, %add3A_57, %dma_wait3A] : memref<2x10240x128xf32, #tpu.memory_space<hbm>> -> memref<1x80x128xf32, #tpu.memory_space<hbm>>
      %dma_wait3A_64 = tpu.memref_squeeze %dma_wait3A_63 : memref<1x80x128xf32, #tpu.memory_space<hbm>> -> memref<80x128xf32, #tpu.memory_space<hbm>>
      %dma_wait3A_65 = arith.constant 0 : i32
      %dma_wait3A_66 = tpu.memref_slice %arg7[%arg0, %add3A_57, %dma_wait3A_65] : memref<2x10240x128xf32, #tpu.memory_space<hbm>> -> memref<1x80x128xf32, #tpu.memory_space<hbm>>
      %dma_wait3A_67 = tpu.memref_squeeze %dma_wait3A_66 : memref<1x80x128xf32, #tpu.memory_space<hbm>> -> memref<80x128xf32, #tpu.memory_space<hbm>>
      tpu.wait_dma2 semaphore(%run_scoped3A : memref<!tpu.dma_semaphore, #tpu.memory_space<semaphore_mem>>) src(%arg10 : memref<80x128xf32, #tpu.memory_space<vmem>>) dst(%dma_wait3A_67 : memref<80x128xf32, #tpu.memory_space<hbm>>)
      tpu.yield
    }) : () -> ()
    return
  }
}

#map = affine_map<(d0, d1) -> (0)>
#map1 = affine_map<(d0, d1) -> (0, 0)>
#map2 = affine_map<(d0, d1) -> (0, 0, 0)>
module attributes {stable_mosaic.version = 14 : i64} {
  func.func @cnts(%arg0: i32, %arg1: i32, %arg2: memref<320000xi32, #tpu.memory_space<hbm>>, %arg3: memref<80x16xf32, #tpu.memory_space<hbm>>, %arg4: memref<80x16xf32, #tpu.memory_space<hbm>>, %arg5: memref<2x10240x16xf32, #tpu.memory_space<hbm>>, %arg6: memref<80xi32, #tpu.memory_space<vmem>>, %arg7: memref<80x16xf32, #tpu.memory_space<vmem>>, %arg8: memref<80x16xf32, #tpu.memory_space<vmem>>, %arg9: memref<10240x16xf32, #tpu.memory_space<vmem_shared>>) attributes {dimension_semantics = [#tpu.dimension_semantics<core_parallel>, #tpu.dimension_semantics<subcore_parallel>], iteration_bounds = array<i64: 2, 16>, scalar_prefetch = 0 : i64, scratch_operands = 4 : i64, tpu.core_type = #tpu.core_type<sc_vector_subcore>, window_params = [{transform_indices = #map}, {transform_indices = #map1}, {transform_indices = #map1}, {transform_indices = #map2}]} {
    %mul3A = arith.constant 16 : i32
    %mul3A_0 = arith.muli %arg0, %mul3A : i32
    %add3A = arith.addi %mul3A_0, %arg1 : i32
    %mul3A_1 = arith.constant 640 : i32
    %mul3A_2 = arith.muli %arg1, %mul3A_1 : i32
    "tpu.region"() ({
      %run_scoped3A = tpu.sem_alloc : memref<!tpu.dma_semaphore, #tpu.memory_space<semaphore_mem>>
      tpu.enqueue_dma source(%arg3 : memref<80x16xf32, #tpu.memory_space<hbm>>) target(%arg8 : memref<80x16xf32, #tpu.memory_space<vmem>>) target_semaphore(%run_scoped3A : memref<!tpu.dma_semaphore, #tpu.memory_space<semaphore_mem>>)
      tpu.wait_dma2 semaphore(%run_scoped3A : memref<!tpu.dma_semaphore, #tpu.memory_space<semaphore_mem>>) src(%arg3 : memref<80x16xf32, #tpu.memory_space<hbm>>) dst(%arg8 : memref<80x16xf32, #tpu.memory_space<vmem>>)
      tpu.yield
    }) : () -> ()
    "tpu.region"() ({
      %run_scoped3A = tpu.sem_alloc : memref<!tpu.dma_semaphore, #tpu.memory_space<semaphore_mem>>
      tpu.enqueue_dma source(%arg4 : memref<80x16xf32, #tpu.memory_space<hbm>>) target(%arg7 : memref<80x16xf32, #tpu.memory_space<vmem>>) target_semaphore(%run_scoped3A : memref<!tpu.dma_semaphore, #tpu.memory_space<semaphore_mem>>)
      tpu.wait_dma2 semaphore(%run_scoped3A : memref<!tpu.dma_semaphore, #tpu.memory_space<semaphore_mem>>) src(%arg4 : memref<80x16xf32, #tpu.memory_space<hbm>>) dst(%arg7 : memref<80x16xf32, #tpu.memory_space<vmem>>)
      tpu.yield
    }) : () -> ()
    %add3A_3 = arith.constant 0 : i32
    %add3A_4 = arith.addi %mul3A_2, %add3A_3 : i32
    "tpu.region"() ({
      %run_scoped3A = tpu.sem_alloc : memref<!tpu.dma_semaphore, #tpu.memory_space<semaphore_mem>>
      %dma_start3A = arith.constant 0 : i32
      %dma_start3A_58 = tpu.memref_slice %arg9[%add3A_4, %dma_start3A] : memref<10240x16xf32, #tpu.memory_space<vmem_shared>> -> memref<80x16xf32, #tpu.memory_space<vmem_shared>>
      %dma_start3A_59 = arith.constant 0 : i32
      %dma_start3A_60 = tpu.memref_slice %arg9[%add3A_4, %dma_start3A_59] : memref<10240x16xf32, #tpu.memory_space<vmem_shared>> -> memref<80x16xf32, #tpu.memory_space<vmem_shared>>
      tpu.enqueue_dma source(%arg8 : memref<80x16xf32, #tpu.memory_space<vmem>>) target(%dma_start3A_60 : memref<80x16xf32, #tpu.memory_space<vmem_shared>>) target_semaphore(%run_scoped3A : memref<!tpu.dma_semaphore, #tpu.memory_space<semaphore_mem>>)
      %dma_wait3A = arith.constant 0 : i32
      %dma_wait3A_61 = tpu.memref_slice %arg9[%add3A_4, %dma_wait3A] : memref<10240x16xf32, #tpu.memory_space<vmem_shared>> -> memref<80x16xf32, #tpu.memory_space<vmem_shared>>
      %dma_wait3A_62 = arith.constant 0 : i32
      %dma_wait3A_63 = tpu.memref_slice %arg9[%add3A_4, %dma_wait3A_62] : memref<10240x16xf32, #tpu.memory_space<vmem_shared>> -> memref<80x16xf32, #tpu.memory_space<vmem_shared>>
      tpu.wait_dma2 semaphore(%run_scoped3A : memref<!tpu.dma_semaphore, #tpu.memory_space<semaphore_mem>>) src(%arg8 : memref<80x16xf32, #tpu.memory_space<vmem>>) dst(%dma_wait3A_63 : memref<80x16xf32, #tpu.memory_space<vmem_shared>>)
      tpu.yield
    }) : () -> ()
    %add3A_5 = arith.constant 80 : i32
    %add3A_6 = arith.addi %mul3A_2, %add3A_5 : i32
    "tpu.region"() ({
      %run_scoped3A = tpu.sem_alloc : memref<!tpu.dma_semaphore, #tpu.memory_space<semaphore_mem>>
      %dma_start3A = arith.constant 0 : i32
      %dma_start3A_58 = tpu.memref_slice %arg9[%add3A_6, %dma_start3A] : memref<10240x16xf32, #tpu.memory_space<vmem_shared>> -> memref<80x16xf32, #tpu.memory_space<vmem_shared>>
      %dma_start3A_59 = arith.constant 0 : i32
      %dma_start3A_60 = tpu.memref_slice %arg9[%add3A_6, %dma_start3A_59] : memref<10240x16xf32, #tpu.memory_space<vmem_shared>> -> memref<80x16xf32, #tpu.memory_space<vmem_shared>>
      tpu.enqueue_dma source(%arg8 : memref<80x16xf32, #tpu.memory_space<vmem>>) target(%dma_start3A_60 : memref<80x16xf32, #tpu.memory_space<vmem_shared>>) target_semaphore(%run_scoped3A : memref<!tpu.dma_semaphore, #tpu.memory_space<semaphore_mem>>)
      %dma_wait3A = arith.constant 0 : i32
      %dma_wait3A_61 = tpu.memref_slice %arg9[%add3A_6, %dma_wait3A] : memref<10240x16xf32, #tpu.memory_space<vmem_shared>> -> memref<80x16xf32, #tpu.memory_space<vmem_shared>>
      %dma_wait3A_62 = arith.constant 0 : i32
      %dma_wait3A_63 = tpu.memref_slice %arg9[%add3A_6, %dma_wait3A_62] : memref<10240x16xf32, #tpu.memory_space<vmem_shared>> -> memref<80x16xf32, #tpu.memory_space<vmem_shared>>
      tpu.wait_dma2 semaphore(%run_scoped3A : memref<!tpu.dma_semaphore, #tpu.memory_space<semaphore_mem>>) src(%arg8 : memref<80x16xf32, #tpu.memory_space<vmem>>) dst(%dma_wait3A_63 : memref<80x16xf32, #tpu.memory_space<vmem_shared>>)
      tpu.yield
    }) : () -> ()
    %add3A_7 = arith.constant 160 : i32
    %add3A_8 = arith.addi %mul3A_2, %add3A_7 : i32
    "tpu.region"() ({
      %run_scoped3A = tpu.sem_alloc : memref<!tpu.dma_semaphore, #tpu.memory_space<semaphore_mem>>
      %dma_start3A = arith.constant 0 : i32
      %dma_start3A_58 = tpu.memref_slice %arg9[%add3A_8, %dma_start3A] : memref<10240x16xf32, #tpu.memory_space<vmem_shared>> -> memref<80x16xf32, #tpu.memory_space<vmem_shared>>
      %dma_start3A_59 = arith.constant 0 : i32
      %dma_start3A_60 = tpu.memref_slice %arg9[%add3A_8, %dma_start3A_59] : memref<10240x16xf32, #tpu.memory_space<vmem_shared>> -> memref<80x16xf32, #tpu.memory_space<vmem_shared>>
      tpu.enqueue_dma source(%arg8 : memref<80x16xf32, #tpu.memory_space<vmem>>) target(%dma_start3A_60 : memref<80x16xf32, #tpu.memory_space<vmem_shared>>) target_semaphore(%run_scoped3A : memref<!tpu.dma_semaphore, #tpu.memory_space<semaphore_mem>>)
      %dma_wait3A = arith.constant 0 : i32
      %dma_wait3A_61 = tpu.memref_slice %arg9[%add3A_8, %dma_wait3A] : memref<10240x16xf32, #tpu.memory_space<vmem_shared>> -> memref<80x16xf32, #tpu.memory_space<vmem_shared>>
      %dma_wait3A_62 = arith.constant 0 : i32
      %dma_wait3A_63 = tpu.memref_slice %arg9[%add3A_8, %dma_wait3A_62] : memref<10240x16xf32, #tpu.memory_space<vmem_shared>> -> memref<80x16xf32, #tpu.memory_space<vmem_shared>>
      tpu.wait_dma2 semaphore(%run_scoped3A : memref<!tpu.dma_semaphore, #tpu.memory_space<semaphore_mem>>) src(%arg8 : memref<80x16xf32, #tpu.memory_space<vmem>>) dst(%dma_wait3A_63 : memref<80x16xf32, #tpu.memory_space<vmem_shared>>)
      tpu.yield
    }) : () -> ()
    %add3A_9 = arith.constant 240 : i32
    %add3A_10 = arith.addi %mul3A_2, %add3A_9 : i32
    "tpu.region"() ({
      %run_scoped3A = tpu.sem_alloc : memref<!tpu.dma_semaphore, #tpu.memory_space<semaphore_mem>>
      %dma_start3A = arith.constant 0 : i32
      %dma_start3A_58 = tpu.memref_slice %arg9[%add3A_10, %dma_start3A] : memref<10240x16xf32, #tpu.memory_space<vmem_shared>> -> memref<80x16xf32, #tpu.memory_space<vmem_shared>>
      %dma_start3A_59 = arith.constant 0 : i32
      %dma_start3A_60 = tpu.memref_slice %arg9[%add3A_10, %dma_start3A_59] : memref<10240x16xf32, #tpu.memory_space<vmem_shared>> -> memref<80x16xf32, #tpu.memory_space<vmem_shared>>
      tpu.enqueue_dma source(%arg8 : memref<80x16xf32, #tpu.memory_space<vmem>>) target(%dma_start3A_60 : memref<80x16xf32, #tpu.memory_space<vmem_shared>>) target_semaphore(%run_scoped3A : memref<!tpu.dma_semaphore, #tpu.memory_space<semaphore_mem>>)
      %dma_wait3A = arith.constant 0 : i32
      %dma_wait3A_61 = tpu.memref_slice %arg9[%add3A_10, %dma_wait3A] : memref<10240x16xf32, #tpu.memory_space<vmem_shared>> -> memref<80x16xf32, #tpu.memory_space<vmem_shared>>
      %dma_wait3A_62 = arith.constant 0 : i32
      %dma_wait3A_63 = tpu.memref_slice %arg9[%add3A_10, %dma_wait3A_62] : memref<10240x16xf32, #tpu.memory_space<vmem_shared>> -> memref<80x16xf32, #tpu.memory_space<vmem_shared>>
      tpu.wait_dma2 semaphore(%run_scoped3A : memref<!tpu.dma_semaphore, #tpu.memory_space<semaphore_mem>>) src(%arg8 : memref<80x16xf32, #tpu.memory_space<vmem>>) dst(%dma_wait3A_63 : memref<80x16xf32, #tpu.memory_space<vmem_shared>>)
      tpu.yield
    }) : () -> ()
    %add3A_11 = arith.constant 320 : i32
    %add3A_12 = arith.addi %mul3A_2, %add3A_11 : i32
    "tpu.region"() ({
      %run_scoped3A = tpu.sem_alloc : memref<!tpu.dma_semaphore, #tpu.memory_space<semaphore_mem>>
      %dma_start3A = arith.constant 0 : i32
      %dma_start3A_58 = tpu.memref_slice %arg9[%add3A_12, %dma_start3A] : memref<10240x16xf32, #tpu.memory_space<vmem_shared>> -> memref<80x16xf32, #tpu.memory_space<vmem_shared>>
      %dma_start3A_59 = arith.constant 0 : i32
      %dma_start3A_60 = tpu.memref_slice %arg9[%add3A_12, %dma_start3A_59] : memref<10240x16xf32, #tpu.memory_space<vmem_shared>> -> memref<80x16xf32, #tpu.memory_space<vmem_shared>>
      tpu.enqueue_dma source(%arg8 : memref<80x16xf32, #tpu.memory_space<vmem>>) target(%dma_start3A_60 : memref<80x16xf32, #tpu.memory_space<vmem_shared>>) target_semaphore(%run_scoped3A : memref<!tpu.dma_semaphore, #tpu.memory_space<semaphore_mem>>)
      %dma_wait3A = arith.constant 0 : i32
      %dma_wait3A_61 = tpu.memref_slice %arg9[%add3A_12, %dma_wait3A] : memref<10240x16xf32, #tpu.memory_space<vmem_shared>> -> memref<80x16xf32, #tpu.memory_space<vmem_shared>>
      %dma_wait3A_62 = arith.constant 0 : i32
      %dma_wait3A_63 = tpu.memref_slice %arg9[%add3A_12, %dma_wait3A_62] : memref<10240x16xf32, #tpu.memory_space<vmem_shared>> -> memref<80x16xf32, #tpu.memory_space<vmem_shared>>
      tpu.wait_dma2 semaphore(%run_scoped3A : memref<!tpu.dma_semaphore, #tpu.memory_space<semaphore_mem>>) src(%arg8 : memref<80x16xf32, #tpu.memory_space<vmem>>) dst(%dma_wait3A_63 : memref<80x16xf32, #tpu.memory_space<vmem_shared>>)
      tpu.yield
    }) : () -> ()
    %add3A_13 = arith.constant 400 : i32
    %add3A_14 = arith.addi %mul3A_2, %add3A_13 : i32
    "tpu.region"() ({
      %run_scoped3A = tpu.sem_alloc : memref<!tpu.dma_semaphore, #tpu.memory_space<semaphore_mem>>
      %dma_start3A = arith.constant 0 : i32
      %dma_start3A_58 = tpu.memref_slice %arg9[%add3A_14, %dma_start3A] : memref<10240x16xf32, #tpu.memory_space<vmem_shared>> -> memref<80x16xf32, #tpu.memory_space<vmem_shared>>
      %dma_start3A_59 = arith.constant 0 : i32
      %dma_start3A_60 = tpu.memref_slice %arg9[%add3A_14, %dma_start3A_59] : memref<10240x16xf32, #tpu.memory_space<vmem_shared>> -> memref<80x16xf32, #tpu.memory_space<vmem_shared>>
      tpu.enqueue_dma source(%arg8 : memref<80x16xf32, #tpu.memory_space<vmem>>) target(%dma_start3A_60 : memref<80x16xf32, #tpu.memory_space<vmem_shared>>) target_semaphore(%run_scoped3A : memref<!tpu.dma_semaphore, #tpu.memory_space<semaphore_mem>>)
      %dma_wait3A = arith.constant 0 : i32
      %dma_wait3A_61 = tpu.memref_slice %arg9[%add3A_14, %dma_wait3A] : memref<10240x16xf32, #tpu.memory_space<vmem_shared>> -> memref<80x16xf32, #tpu.memory_space<vmem_shared>>
      %dma_wait3A_62 = arith.constant 0 : i32
      %dma_wait3A_63 = tpu.memref_slice %arg9[%add3A_14, %dma_wait3A_62] : memref<10240x16xf32, #tpu.memory_space<vmem_shared>> -> memref<80x16xf32, #tpu.memory_space<vmem_shared>>
      tpu.wait_dma2 semaphore(%run_scoped3A : memref<!tpu.dma_semaphore, #tpu.memory_space<semaphore_mem>>) src(%arg8 : memref<80x16xf32, #tpu.memory_space<vmem>>) dst(%dma_wait3A_63 : memref<80x16xf32, #tpu.memory_space<vmem_shared>>)
      tpu.yield
    }) : () -> ()
    %add3A_15 = arith.constant 480 : i32
    %add3A_16 = arith.addi %mul3A_2, %add3A_15 : i32
    "tpu.region"() ({
      %run_scoped3A = tpu.sem_alloc : memref<!tpu.dma_semaphore, #tpu.memory_space<semaphore_mem>>
      %dma_start3A = arith.constant 0 : i32
      %dma_start3A_58 = tpu.memref_slice %arg9[%add3A_16, %dma_start3A] : memref<10240x16xf32, #tpu.memory_space<vmem_shared>> -> memref<80x16xf32, #tpu.memory_space<vmem_shared>>
      %dma_start3A_59 = arith.constant 0 : i32
      %dma_start3A_60 = tpu.memref_slice %arg9[%add3A_16, %dma_start3A_59] : memref<10240x16xf32, #tpu.memory_space<vmem_shared>> -> memref<80x16xf32, #tpu.memory_space<vmem_shared>>
      tpu.enqueue_dma source(%arg8 : memref<80x16xf32, #tpu.memory_space<vmem>>) target(%dma_start3A_60 : memref<80x16xf32, #tpu.memory_space<vmem_shared>>) target_semaphore(%run_scoped3A : memref<!tpu.dma_semaphore, #tpu.memory_space<semaphore_mem>>)
      %dma_wait3A = arith.constant 0 : i32
      %dma_wait3A_61 = tpu.memref_slice %arg9[%add3A_16, %dma_wait3A] : memref<10240x16xf32, #tpu.memory_space<vmem_shared>> -> memref<80x16xf32, #tpu.memory_space<vmem_shared>>
      %dma_wait3A_62 = arith.constant 0 : i32
      %dma_wait3A_63 = tpu.memref_slice %arg9[%add3A_16, %dma_wait3A_62] : memref<10240x16xf32, #tpu.memory_space<vmem_shared>> -> memref<80x16xf32, #tpu.memory_space<vmem_shared>>
      tpu.wait_dma2 semaphore(%run_scoped3A : memref<!tpu.dma_semaphore, #tpu.memory_space<semaphore_mem>>) src(%arg8 : memref<80x16xf32, #tpu.memory_space<vmem>>) dst(%dma_wait3A_63 : memref<80x16xf32, #tpu.memory_space<vmem_shared>>)
      tpu.yield
    }) : () -> ()
    %add3A_17 = arith.constant 560 : i32
    %add3A_18 = arith.addi %mul3A_2, %add3A_17 : i32
    "tpu.region"() ({
      %run_scoped3A = tpu.sem_alloc : memref<!tpu.dma_semaphore, #tpu.memory_space<semaphore_mem>>
      %dma_start3A = arith.constant 0 : i32
      %dma_start3A_58 = tpu.memref_slice %arg9[%add3A_18, %dma_start3A] : memref<10240x16xf32, #tpu.memory_space<vmem_shared>> -> memref<80x16xf32, #tpu.memory_space<vmem_shared>>
      %dma_start3A_59 = arith.constant 0 : i32
      %dma_start3A_60 = tpu.memref_slice %arg9[%add3A_18, %dma_start3A_59] : memref<10240x16xf32, #tpu.memory_space<vmem_shared>> -> memref<80x16xf32, #tpu.memory_space<vmem_shared>>
      tpu.enqueue_dma source(%arg8 : memref<80x16xf32, #tpu.memory_space<vmem>>) target(%dma_start3A_60 : memref<80x16xf32, #tpu.memory_space<vmem_shared>>) target_semaphore(%run_scoped3A : memref<!tpu.dma_semaphore, #tpu.memory_space<semaphore_mem>>)
      %dma_wait3A = arith.constant 0 : i32
      %dma_wait3A_61 = tpu.memref_slice %arg9[%add3A_18, %dma_wait3A] : memref<10240x16xf32, #tpu.memory_space<vmem_shared>> -> memref<80x16xf32, #tpu.memory_space<vmem_shared>>
      %dma_wait3A_62 = arith.constant 0 : i32
      %dma_wait3A_63 = tpu.memref_slice %arg9[%add3A_18, %dma_wait3A_62] : memref<10240x16xf32, #tpu.memory_space<vmem_shared>> -> memref<80x16xf32, #tpu.memory_space<vmem_shared>>
      tpu.wait_dma2 semaphore(%run_scoped3A : memref<!tpu.dma_semaphore, #tpu.memory_space<semaphore_mem>>) src(%arg8 : memref<80x16xf32, #tpu.memory_space<vmem>>) dst(%dma_wait3A_63 : memref<80x16xf32, #tpu.memory_space<vmem_shared>>)
      tpu.yield
    }) : () -> ()
    %barrier3A = arith.constant 0 : index
    tpu.barrier barrier_id(%barrier3A)
    %mul3A_19 = arith.constant 10000 : i32
    %mul3A_20 = arith.muli %add3A, %mul3A_19 : i32
    %scan3A = arith.constant 0 : i32
    %scan3A_21 = arith.constant 125 : i32
    %scan3A_22 = arith.addi %scan3A, %scan3A_21 : i32
    %scan3A_23 = arith.constant 1 : i32
    scf.for %scan3A_58 = %scan3A to %scan3A_22 step %scan3A_23  : i32 {
      %mul3A_59 = arith.constant 80 : i32
      %mul3A_60 = arith.muli %scan3A_58, %mul3A_59 : i32
      %add3A_61 = arith.constant 0 : i32
      %add3A_62 = arith.addi %add3A_61, %mul3A_60 : i32
      %add3A_63 = arith.addi %mul3A_20, %add3A_62 : i32
      "tpu.region"() ({
        %run_scoped3A = tpu.sem_alloc : memref<!tpu.dma_semaphore, #tpu.memory_space<semaphore_mem>>
        %dma_start3A = tpu.memref_slice %arg2[%add3A_63] : memref<320000xi32, #tpu.memory_space<hbm>> -> memref<80xi32, #tpu.memory_space<hbm>>
        %dma_start3A_64 = tpu.memref_slice %arg2[%add3A_63] : memref<320000xi32, #tpu.memory_space<hbm>> -> memref<80xi32, #tpu.memory_space<hbm>>
        tpu.enqueue_dma source(%dma_start3A_64 : memref<80xi32, #tpu.memory_space<hbm>>) target(%arg6 : memref<80xi32, #tpu.memory_space<vmem>>) target_semaphore(%run_scoped3A : memref<!tpu.dma_semaphore, #tpu.memory_space<semaphore_mem>>)
        %dma_wait3A = tpu.memref_slice %arg2[%add3A_63] : memref<320000xi32, #tpu.memory_space<hbm>> -> memref<80xi32, #tpu.memory_space<hbm>>
        %dma_wait3A_65 = tpu.memref_slice %arg2[%add3A_63] : memref<320000xi32, #tpu.memory_space<hbm>> -> memref<80xi32, #tpu.memory_space<hbm>>
        tpu.wait_dma2 semaphore(%run_scoped3A : memref<!tpu.dma_semaphore, #tpu.memory_space<semaphore_mem>>) src(%dma_wait3A_65 : memref<80xi32, #tpu.memory_space<hbm>>) dst(%arg6 : memref<80xi32, #tpu.memory_space<vmem>>)
        tpu.yield
      }) : () -> ()
      "tpu.region"() ({
        %run_scoped3A = tpu.sem_alloc : memref<!tpu.dma_semaphore, #tpu.memory_space<semaphore_mem>>
        %dma_start3A = arith.constant 0 : i32
        %dma_start3A_64 = arith.constant 0 : i32
        %dma_start3A_65 = tpu.memref_slice %arg9[%dma_start3A, %dma_start3A_64] : memref<10240x16xf32, #tpu.memory_space<vmem_shared>> -> memref<10240x16xf32, #tpu.memory_space<vmem_shared>>
        tpu.enqueue_indirect_dma source(%arg7 : memref<80x16xf32, #tpu.memory_space<vmem>>) target(%dma_start3A_65 : memref<10240x16xf32, #tpu.memory_space<vmem_shared>>) offsets(%arg6 : memref<80xi32, #tpu.memory_space<vmem>>) semaphore(%run_scoped3A : memref<!tpu.dma_semaphore, #tpu.memory_space<semaphore_mem>>) {add = true}
        %dma_wait3A = arith.constant 0 : i32
        %dma_wait3A_66 = arith.constant 0 : i32
        %dma_wait3A_67 = tpu.memref_slice %arg9[%dma_wait3A, %dma_wait3A_66] : memref<10240x16xf32, #tpu.memory_space<vmem_shared>> -> memref<10240x16xf32, #tpu.memory_space<vmem_shared>>
        tpu.wait_indirect_dma semaphore(%run_scoped3A : memref<!tpu.dma_semaphore, #tpu.memory_space<semaphore_mem>>) src(%arg7 : memref<80x16xf32, #tpu.memory_space<vmem>>) dst(%dma_wait3A_67 : memref<10240x16xf32, #tpu.memory_space<vmem_shared>>)
        tpu.yield
      }) : () -> ()
    }
    %scan3A_24 = arith.constant 125 : i32
    %barrier3A_25 = arith.constant 0 : index
    tpu.barrier barrier_id(%barrier3A_25)
    %add3A_26 = arith.constant 0 : i32
    %add3A_27 = arith.addi %mul3A_2, %add3A_26 : i32
    "tpu.region"() ({
      %run_scoped3A = tpu.sem_alloc : memref<!tpu.dma_semaphore, #tpu.memory_space<semaphore_mem>>
      %dma_start3A = arith.constant 0 : i32
      %dma_start3A_58 = tpu.memref_slice %arg9[%add3A_27, %dma_start3A] : memref<10240x16xf32, #tpu.memory_space<vmem_shared>> -> memref<80x16xf32, #tpu.memory_space<vmem_shared>>
      %dma_start3A_59 = arith.constant 0 : i32
      %dma_start3A_60 = tpu.memref_slice %arg9[%add3A_27, %dma_start3A_59] : memref<10240x16xf32, #tpu.memory_space<vmem_shared>> -> memref<80x16xf32, #tpu.memory_space<vmem_shared>>
      tpu.enqueue_dma source(%dma_start3A_60 : memref<80x16xf32, #tpu.memory_space<vmem_shared>>) target(%arg8 : memref<80x16xf32, #tpu.memory_space<vmem>>) target_semaphore(%run_scoped3A : memref<!tpu.dma_semaphore, #tpu.memory_space<semaphore_mem>>)
      %dma_wait3A = arith.constant 0 : i32
      %dma_wait3A_61 = tpu.memref_slice %arg9[%add3A_27, %dma_wait3A] : memref<10240x16xf32, #tpu.memory_space<vmem_shared>> -> memref<80x16xf32, #tpu.memory_space<vmem_shared>>
      %dma_wait3A_62 = arith.constant 0 : i32
      %dma_wait3A_63 = tpu.memref_slice %arg9[%add3A_27, %dma_wait3A_62] : memref<10240x16xf32, #tpu.memory_space<vmem_shared>> -> memref<80x16xf32, #tpu.memory_space<vmem_shared>>
      tpu.wait_dma2 semaphore(%run_scoped3A : memref<!tpu.dma_semaphore, #tpu.memory_space<semaphore_mem>>) src(%dma_wait3A_63 : memref<80x16xf32, #tpu.memory_space<vmem_shared>>) dst(%arg8 : memref<80x16xf32, #tpu.memory_space<vmem>>)
      tpu.yield
    }) : () -> ()
    %add3A_28 = arith.constant 0 : i32
    %add3A_29 = arith.addi %mul3A_2, %add3A_28 : i32
    "tpu.region"() ({
      %run_scoped3A = tpu.sem_alloc : memref<!tpu.dma_semaphore, #tpu.memory_space<semaphore_mem>>
      %dma_start3A = arith.constant 0 : i32
      %dma_start3A_58 = tpu.memref_slice %arg5[%arg0, %add3A_29, %dma_start3A] : memref<2x10240x16xf32, #tpu.memory_space<hbm>> -> memref<1x80x16xf32, #tpu.memory_space<hbm>>
      %dma_start3A_59 = tpu.memref_squeeze %dma_start3A_58 : memref<1x80x16xf32, #tpu.memory_space<hbm>> -> memref<80x16xf32, #tpu.memory_space<hbm>>
      %dma_start3A_60 = arith.constant 0 : i32
      %dma_start3A_61 = tpu.memref_slice %arg5[%arg0, %add3A_29, %dma_start3A_60] : memref<2x10240x16xf32, #tpu.memory_space<hbm>> -> memref<1x80x16xf32, #tpu.memory_space<hbm>>
      %dma_start3A_62 = tpu.memref_squeeze %dma_start3A_61 : memref<1x80x16xf32, #tpu.memory_space<hbm>> -> memref<80x16xf32, #tpu.memory_space<hbm>>
      tpu.enqueue_dma source(%arg8 : memref<80x16xf32, #tpu.memory_space<vmem>>) target(%dma_start3A_62 : memref<80x16xf32, #tpu.memory_space<hbm>>) target_semaphore(%run_scoped3A : memref<!tpu.dma_semaphore, #tpu.memory_space<semaphore_mem>>)
      %dma_wait3A = arith.constant 0 : i32
      %dma_wait3A_63 = tpu.memref_slice %arg5[%arg0, %add3A_29, %dma_wait3A] : memref<2x10240x16xf32, #tpu.memory_space<hbm>> -> memref<1x80x16xf32, #tpu.memory_space<hbm>>
      %dma_wait3A_64 = tpu.memref_squeeze %dma_wait3A_63 : memref<1x80x16xf32, #tpu.memory_space<hbm>> -> memref<80x16xf32, #tpu.memory_space<hbm>>
      %dma_wait3A_65 = arith.constant 0 : i32
      %dma_wait3A_66 = tpu.memref_slice %arg5[%arg0, %add3A_29, %dma_wait3A_65] : memref<2x10240x16xf32, #tpu.memory_space<hbm>> -> memref<1x80x16xf32, #tpu.memory_space<hbm>>
      %dma_wait3A_67 = tpu.memref_squeeze %dma_wait3A_66 : memref<1x80x16xf32, #tpu.memory_space<hbm>> -> memref<80x16xf32, #tpu.memory_space<hbm>>
      tpu.wait_dma2 semaphore(%run_scoped3A : memref<!tpu.dma_semaphore, #tpu.memory_space<semaphore_mem>>) src(%arg8 : memref<80x16xf32, #tpu.memory_space<vmem>>) dst(%dma_wait3A_67 : memref<80x16xf32, #tpu.memory_space<hbm>>)
      tpu.yield
    }) : () -> ()
    %add3A_30 = arith.constant 80 : i32
    %add3A_31 = arith.addi %mul3A_2, %add3A_30 : i32
    "tpu.region"() ({
      %run_scoped3A = tpu.sem_alloc : memref<!tpu.dma_semaphore, #tpu.memory_space<semaphore_mem>>
      %dma_start3A = arith.constant 0 : i32
      %dma_start3A_58 = tpu.memref_slice %arg9[%add3A_31, %dma_start3A] : memref<10240x16xf32, #tpu.memory_space<vmem_shared>> -> memref<80x16xf32, #tpu.memory_space<vmem_shared>>
      %dma_start3A_59 = arith.constant 0 : i32
      %dma_start3A_60 = tpu.memref_slice %arg9[%add3A_31, %dma_start3A_59] : memref<10240x16xf32, #tpu.memory_space<vmem_shared>> -> memref<80x16xf32, #tpu.memory_space<vmem_shared>>
      tpu.enqueue_dma source(%dma_start3A_60 : memref<80x16xf32, #tpu.memory_space<vmem_shared>>) target(%arg8 : memref<80x16xf32, #tpu.memory_space<vmem>>) target_semaphore(%run_scoped3A : memref<!tpu.dma_semaphore, #tpu.memory_space<semaphore_mem>>)
      %dma_wait3A = arith.constant 0 : i32
      %dma_wait3A_61 = tpu.memref_slice %arg9[%add3A_31, %dma_wait3A] : memref<10240x16xf32, #tpu.memory_space<vmem_shared>> -> memref<80x16xf32, #tpu.memory_space<vmem_shared>>
      %dma_wait3A_62 = arith.constant 0 : i32
      %dma_wait3A_63 = tpu.memref_slice %arg9[%add3A_31, %dma_wait3A_62] : memref<10240x16xf32, #tpu.memory_space<vmem_shared>> -> memref<80x16xf32, #tpu.memory_space<vmem_shared>>
      tpu.wait_dma2 semaphore(%run_scoped3A : memref<!tpu.dma_semaphore, #tpu.memory_space<semaphore_mem>>) src(%dma_wait3A_63 : memref<80x16xf32, #tpu.memory_space<vmem_shared>>) dst(%arg8 : memref<80x16xf32, #tpu.memory_space<vmem>>)
      tpu.yield
    }) : () -> ()
    %add3A_32 = arith.constant 80 : i32
    %add3A_33 = arith.addi %mul3A_2, %add3A_32 : i32
    "tpu.region"() ({
      %run_scoped3A = tpu.sem_alloc : memref<!tpu.dma_semaphore, #tpu.memory_space<semaphore_mem>>
      %dma_start3A = arith.constant 0 : i32
      %dma_start3A_58 = tpu.memref_slice %arg5[%arg0, %add3A_33, %dma_start3A] : memref<2x10240x16xf32, #tpu.memory_space<hbm>> -> memref<1x80x16xf32, #tpu.memory_space<hbm>>
      %dma_start3A_59 = tpu.memref_squeeze %dma_start3A_58 : memref<1x80x16xf32, #tpu.memory_space<hbm>> -> memref<80x16xf32, #tpu.memory_space<hbm>>
      %dma_start3A_60 = arith.constant 0 : i32
      %dma_start3A_61 = tpu.memref_slice %arg5[%arg0, %add3A_33, %dma_start3A_60] : memref<2x10240x16xf32, #tpu.memory_space<hbm>> -> memref<1x80x16xf32, #tpu.memory_space<hbm>>
      %dma_start3A_62 = tpu.memref_squeeze %dma_start3A_61 : memref<1x80x16xf32, #tpu.memory_space<hbm>> -> memref<80x16xf32, #tpu.memory_space<hbm>>
      tpu.enqueue_dma source(%arg8 : memref<80x16xf32, #tpu.memory_space<vmem>>) target(%dma_start3A_62 : memref<80x16xf32, #tpu.memory_space<hbm>>) target_semaphore(%run_scoped3A : memref<!tpu.dma_semaphore, #tpu.memory_space<semaphore_mem>>)
      %dma_wait3A = arith.constant 0 : i32
      %dma_wait3A_63 = tpu.memref_slice %arg5[%arg0, %add3A_33, %dma_wait3A] : memref<2x10240x16xf32, #tpu.memory_space<hbm>> -> memref<1x80x16xf32, #tpu.memory_space<hbm>>
      %dma_wait3A_64 = tpu.memref_squeeze %dma_wait3A_63 : memref<1x80x16xf32, #tpu.memory_space<hbm>> -> memref<80x16xf32, #tpu.memory_space<hbm>>
      %dma_wait3A_65 = arith.constant 0 : i32
      %dma_wait3A_66 = tpu.memref_slice %arg5[%arg0, %add3A_33, %dma_wait3A_65] : memref<2x10240x16xf32, #tpu.memory_space<hbm>> -> memref<1x80x16xf32, #tpu.memory_space<hbm>>
      %dma_wait3A_67 = tpu.memref_squeeze %dma_wait3A_66 : memref<1x80x16xf32, #tpu.memory_space<hbm>> -> memref<80x16xf32, #tpu.memory_space<hbm>>
      tpu.wait_dma2 semaphore(%run_scoped3A : memref<!tpu.dma_semaphore, #tpu.memory_space<semaphore_mem>>) src(%arg8 : memref<80x16xf32, #tpu.memory_space<vmem>>) dst(%dma_wait3A_67 : memref<80x16xf32, #tpu.memory_space<hbm>>)
      tpu.yield
    }) : () -> ()
    %add3A_34 = arith.constant 160 : i32
    %add3A_35 = arith.addi %mul3A_2, %add3A_34 : i32
    "tpu.region"() ({
      %run_scoped3A = tpu.sem_alloc : memref<!tpu.dma_semaphore, #tpu.memory_space<semaphore_mem>>
      %dma_start3A = arith.constant 0 : i32
      %dma_start3A_58 = tpu.memref_slice %arg9[%add3A_35, %dma_start3A] : memref<10240x16xf32, #tpu.memory_space<vmem_shared>> -> memref<80x16xf32, #tpu.memory_space<vmem_shared>>
      %dma_start3A_59 = arith.constant 0 : i32
      %dma_start3A_60 = tpu.memref_slice %arg9[%add3A_35, %dma_start3A_59] : memref<10240x16xf32, #tpu.memory_space<vmem_shared>> -> memref<80x16xf32, #tpu.memory_space<vmem_shared>>
      tpu.enqueue_dma source(%dma_start3A_60 : memref<80x16xf32, #tpu.memory_space<vmem_shared>>) target(%arg8 : memref<80x16xf32, #tpu.memory_space<vmem>>) target_semaphore(%run_scoped3A : memref<!tpu.dma_semaphore, #tpu.memory_space<semaphore_mem>>)
      %dma_wait3A = arith.constant 0 : i32
      %dma_wait3A_61 = tpu.memref_slice %arg9[%add3A_35, %dma_wait3A] : memref<10240x16xf32, #tpu.memory_space<vmem_shared>> -> memref<80x16xf32, #tpu.memory_space<vmem_shared>>
      %dma_wait3A_62 = arith.constant 0 : i32
      %dma_wait3A_63 = tpu.memref_slice %arg9[%add3A_35, %dma_wait3A_62] : memref<10240x16xf32, #tpu.memory_space<vmem_shared>> -> memref<80x16xf32, #tpu.memory_space<vmem_shared>>
      tpu.wait_dma2 semaphore(%run_scoped3A : memref<!tpu.dma_semaphore, #tpu.memory_space<semaphore_mem>>) src(%dma_wait3A_63 : memref<80x16xf32, #tpu.memory_space<vmem_shared>>) dst(%arg8 : memref<80x16xf32, #tpu.memory_space<vmem>>)
      tpu.yield
    }) : () -> ()
    %add3A_36 = arith.constant 160 : i32
    %add3A_37 = arith.addi %mul3A_2, %add3A_36 : i32
    "tpu.region"() ({
      %run_scoped3A = tpu.sem_alloc : memref<!tpu.dma_semaphore, #tpu.memory_space<semaphore_mem>>
      %dma_start3A = arith.constant 0 : i32
      %dma_start3A_58 = tpu.memref_slice %arg5[%arg0, %add3A_37, %dma_start3A] : memref<2x10240x16xf32, #tpu.memory_space<hbm>> -> memref<1x80x16xf32, #tpu.memory_space<hbm>>
      %dma_start3A_59 = tpu.memref_squeeze %dma_start3A_58 : memref<1x80x16xf32, #tpu.memory_space<hbm>> -> memref<80x16xf32, #tpu.memory_space<hbm>>
      %dma_start3A_60 = arith.constant 0 : i32
      %dma_start3A_61 = tpu.memref_slice %arg5[%arg0, %add3A_37, %dma_start3A_60] : memref<2x10240x16xf32, #tpu.memory_space<hbm>> -> memref<1x80x16xf32, #tpu.memory_space<hbm>>
      %dma_start3A_62 = tpu.memref_squeeze %dma_start3A_61 : memref<1x80x16xf32, #tpu.memory_space<hbm>> -> memref<80x16xf32, #tpu.memory_space<hbm>>
      tpu.enqueue_dma source(%arg8 : memref<80x16xf32, #tpu.memory_space<vmem>>) target(%dma_start3A_62 : memref<80x16xf32, #tpu.memory_space<hbm>>) target_semaphore(%run_scoped3A : memref<!tpu.dma_semaphore, #tpu.memory_space<semaphore_mem>>)
      %dma_wait3A = arith.constant 0 : i32
      %dma_wait3A_63 = tpu.memref_slice %arg5[%arg0, %add3A_37, %dma_wait3A] : memref<2x10240x16xf32, #tpu.memory_space<hbm>> -> memref<1x80x16xf32, #tpu.memory_space<hbm>>
      %dma_wait3A_64 = tpu.memref_squeeze %dma_wait3A_63 : memref<1x80x16xf32, #tpu.memory_space<hbm>> -> memref<80x16xf32, #tpu.memory_space<hbm>>
      %dma_wait3A_65 = arith.constant 0 : i32
      %dma_wait3A_66 = tpu.memref_slice %arg5[%arg0, %add3A_37, %dma_wait3A_65] : memref<2x10240x16xf32, #tpu.memory_space<hbm>> -> memref<1x80x16xf32, #tpu.memory_space<hbm>>
      %dma_wait3A_67 = tpu.memref_squeeze %dma_wait3A_66 : memref<1x80x16xf32, #tpu.memory_space<hbm>> -> memref<80x16xf32, #tpu.memory_space<hbm>>
      tpu.wait_dma2 semaphore(%run_scoped3A : memref<!tpu.dma_semaphore, #tpu.memory_space<semaphore_mem>>) src(%arg8 : memref<80x16xf32, #tpu.memory_space<vmem>>) dst(%dma_wait3A_67 : memref<80x16xf32, #tpu.memory_space<hbm>>)
      tpu.yield
    }) : () -> ()
    %add3A_38 = arith.constant 240 : i32
    %add3A_39 = arith.addi %mul3A_2, %add3A_38 : i32
    "tpu.region"() ({
      %run_scoped3A = tpu.sem_alloc : memref<!tpu.dma_semaphore, #tpu.memory_space<semaphore_mem>>
      %dma_start3A = arith.constant 0 : i32
      %dma_start3A_58 = tpu.memref_slice %arg9[%add3A_39, %dma_start3A] : memref<10240x16xf32, #tpu.memory_space<vmem_shared>> -> memref<80x16xf32, #tpu.memory_space<vmem_shared>>
      %dma_start3A_59 = arith.constant 0 : i32
      %dma_start3A_60 = tpu.memref_slice %arg9[%add3A_39, %dma_start3A_59] : memref<10240x16xf32, #tpu.memory_space<vmem_shared>> -> memref<80x16xf32, #tpu.memory_space<vmem_shared>>
      tpu.enqueue_dma source(%dma_start3A_60 : memref<80x16xf32, #tpu.memory_space<vmem_shared>>) target(%arg8 : memref<80x16xf32, #tpu.memory_space<vmem>>) target_semaphore(%run_scoped3A : memref<!tpu.dma_semaphore, #tpu.memory_space<semaphore_mem>>)
      %dma_wait3A = arith.constant 0 : i32
      %dma_wait3A_61 = tpu.memref_slice %arg9[%add3A_39, %dma_wait3A] : memref<10240x16xf32, #tpu.memory_space<vmem_shared>> -> memref<80x16xf32, #tpu.memory_space<vmem_shared>>
      %dma_wait3A_62 = arith.constant 0 : i32
      %dma_wait3A_63 = tpu.memref_slice %arg9[%add3A_39, %dma_wait3A_62] : memref<10240x16xf32, #tpu.memory_space<vmem_shared>> -> memref<80x16xf32, #tpu.memory_space<vmem_shared>>
      tpu.wait_dma2 semaphore(%run_scoped3A : memref<!tpu.dma_semaphore, #tpu.memory_space<semaphore_mem>>) src(%dma_wait3A_63 : memref<80x16xf32, #tpu.memory_space<vmem_shared>>) dst(%arg8 : memref<80x16xf32, #tpu.memory_space<vmem>>)
      tpu.yield
    }) : () -> ()
    %add3A_40 = arith.constant 240 : i32
    %add3A_41 = arith.addi %mul3A_2, %add3A_40 : i32
    "tpu.region"() ({
      %run_scoped3A = tpu.sem_alloc : memref<!tpu.dma_semaphore, #tpu.memory_space<semaphore_mem>>
      %dma_start3A = arith.constant 0 : i32
      %dma_start3A_58 = tpu.memref_slice %arg5[%arg0, %add3A_41, %dma_start3A] : memref<2x10240x16xf32, #tpu.memory_space<hbm>> -> memref<1x80x16xf32, #tpu.memory_space<hbm>>
      %dma_start3A_59 = tpu.memref_squeeze %dma_start3A_58 : memref<1x80x16xf32, #tpu.memory_space<hbm>> -> memref<80x16xf32, #tpu.memory_space<hbm>>
      %dma_start3A_60 = arith.constant 0 : i32
      %dma_start3A_61 = tpu.memref_slice %arg5[%arg0, %add3A_41, %dma_start3A_60] : memref<2x10240x16xf32, #tpu.memory_space<hbm>> -> memref<1x80x16xf32, #tpu.memory_space<hbm>>
      %dma_start3A_62 = tpu.memref_squeeze %dma_start3A_61 : memref<1x80x16xf32, #tpu.memory_space<hbm>> -> memref<80x16xf32, #tpu.memory_space<hbm>>
      tpu.enqueue_dma source(%arg8 : memref<80x16xf32, #tpu.memory_space<vmem>>) target(%dma_start3A_62 : memref<80x16xf32, #tpu.memory_space<hbm>>) target_semaphore(%run_scoped3A : memref<!tpu.dma_semaphore, #tpu.memory_space<semaphore_mem>>)
      %dma_wait3A = arith.constant 0 : i32
      %dma_wait3A_63 = tpu.memref_slice %arg5[%arg0, %add3A_41, %dma_wait3A] : memref<2x10240x16xf32, #tpu.memory_space<hbm>> -> memref<1x80x16xf32, #tpu.memory_space<hbm>>
      %dma_wait3A_64 = tpu.memref_squeeze %dma_wait3A_63 : memref<1x80x16xf32, #tpu.memory_space<hbm>> -> memref<80x16xf32, #tpu.memory_space<hbm>>
      %dma_wait3A_65 = arith.constant 0 : i32
      %dma_wait3A_66 = tpu.memref_slice %arg5[%arg0, %add3A_41, %dma_wait3A_65] : memref<2x10240x16xf32, #tpu.memory_space<hbm>> -> memref<1x80x16xf32, #tpu.memory_space<hbm>>
      %dma_wait3A_67 = tpu.memref_squeeze %dma_wait3A_66 : memref<1x80x16xf32, #tpu.memory_space<hbm>> -> memref<80x16xf32, #tpu.memory_space<hbm>>
      tpu.wait_dma2 semaphore(%run_scoped3A : memref<!tpu.dma_semaphore, #tpu.memory_space<semaphore_mem>>) src(%arg8 : memref<80x16xf32, #tpu.memory_space<vmem>>) dst(%dma_wait3A_67 : memref<80x16xf32, #tpu.memory_space<hbm>>)
      tpu.yield
    }) : () -> ()
    %add3A_42 = arith.constant 320 : i32
    %add3A_43 = arith.addi %mul3A_2, %add3A_42 : i32
    "tpu.region"() ({
      %run_scoped3A = tpu.sem_alloc : memref<!tpu.dma_semaphore, #tpu.memory_space<semaphore_mem>>
      %dma_start3A = arith.constant 0 : i32
      %dma_start3A_58 = tpu.memref_slice %arg9[%add3A_43, %dma_start3A] : memref<10240x16xf32, #tpu.memory_space<vmem_shared>> -> memref<80x16xf32, #tpu.memory_space<vmem_shared>>
      %dma_start3A_59 = arith.constant 0 : i32
      %dma_start3A_60 = tpu.memref_slice %arg9[%add3A_43, %dma_start3A_59] : memref<10240x16xf32, #tpu.memory_space<vmem_shared>> -> memref<80x16xf32, #tpu.memory_space<vmem_shared>>
      tpu.enqueue_dma source(%dma_start3A_60 : memref<80x16xf32, #tpu.memory_space<vmem_shared>>) target(%arg8 : memref<80x16xf32, #tpu.memory_space<vmem>>) target_semaphore(%run_scoped3A : memref<!tpu.dma_semaphore, #tpu.memory_space<semaphore_mem>>)
      %dma_wait3A = arith.constant 0 : i32
      %dma_wait3A_61 = tpu.memref_slice %arg9[%add3A_43, %dma_wait3A] : memref<10240x16xf32, #tpu.memory_space<vmem_shared>> -> memref<80x16xf32, #tpu.memory_space<vmem_shared>>
      %dma_wait3A_62 = arith.constant 0 : i32
      %dma_wait3A_63 = tpu.memref_slice %arg9[%add3A_43, %dma_wait3A_62] : memref<10240x16xf32, #tpu.memory_space<vmem_shared>> -> memref<80x16xf32, #tpu.memory_space<vmem_shared>>
      tpu.wait_dma2 semaphore(%run_scoped3A : memref<!tpu.dma_semaphore, #tpu.memory_space<semaphore_mem>>) src(%dma_wait3A_63 : memref<80x16xf32, #tpu.memory_space<vmem_shared>>) dst(%arg8 : memref<80x16xf32, #tpu.memory_space<vmem>>)
      tpu.yield
    }) : () -> ()
    %add3A_44 = arith.constant 320 : i32
    %add3A_45 = arith.addi %mul3A_2, %add3A_44 : i32
    "tpu.region"() ({
      %run_scoped3A = tpu.sem_alloc : memref<!tpu.dma_semaphore, #tpu.memory_space<semaphore_mem>>
      %dma_start3A = arith.constant 0 : i32
      %dma_start3A_58 = tpu.memref_slice %arg5[%arg0, %add3A_45, %dma_start3A] : memref<2x10240x16xf32, #tpu.memory_space<hbm>> -> memref<1x80x16xf32, #tpu.memory_space<hbm>>
      %dma_start3A_59 = tpu.memref_squeeze %dma_start3A_58 : memref<1x80x16xf32, #tpu.memory_space<hbm>> -> memref<80x16xf32, #tpu.memory_space<hbm>>
      %dma_start3A_60 = arith.constant 0 : i32
      %dma_start3A_61 = tpu.memref_slice %arg5[%arg0, %add3A_45, %dma_start3A_60] : memref<2x10240x16xf32, #tpu.memory_space<hbm>> -> memref<1x80x16xf32, #tpu.memory_space<hbm>>
      %dma_start3A_62 = tpu.memref_squeeze %dma_start3A_61 : memref<1x80x16xf32, #tpu.memory_space<hbm>> -> memref<80x16xf32, #tpu.memory_space<hbm>>
      tpu.enqueue_dma source(%arg8 : memref<80x16xf32, #tpu.memory_space<vmem>>) target(%dma_start3A_62 : memref<80x16xf32, #tpu.memory_space<hbm>>) target_semaphore(%run_scoped3A : memref<!tpu.dma_semaphore, #tpu.memory_space<semaphore_mem>>)
      %dma_wait3A = arith.constant 0 : i32
      %dma_wait3A_63 = tpu.memref_slice %arg5[%arg0, %add3A_45, %dma_wait3A] : memref<2x10240x16xf32, #tpu.memory_space<hbm>> -> memref<1x80x16xf32, #tpu.memory_space<hbm>>
      %dma_wait3A_64 = tpu.memref_squeeze %dma_wait3A_63 : memref<1x80x16xf32, #tpu.memory_space<hbm>> -> memref<80x16xf32, #tpu.memory_space<hbm>>
      %dma_wait3A_65 = arith.constant 0 : i32
      %dma_wait3A_66 = tpu.memref_slice %arg5[%arg0, %add3A_45, %dma_wait3A_65] : memref<2x10240x16xf32, #tpu.memory_space<hbm>> -> memref<1x80x16xf32, #tpu.memory_space<hbm>>
      %dma_wait3A_67 = tpu.memref_squeeze %dma_wait3A_66 : memref<1x80x16xf32, #tpu.memory_space<hbm>> -> memref<80x16xf32, #tpu.memory_space<hbm>>
      tpu.wait_dma2 semaphore(%run_scoped3A : memref<!tpu.dma_semaphore, #tpu.memory_space<semaphore_mem>>) src(%arg8 : memref<80x16xf32, #tpu.memory_space<vmem>>) dst(%dma_wait3A_67 : memref<80x16xf32, #tpu.memory_space<hbm>>)
      tpu.yield
    }) : () -> ()
    %add3A_46 = arith.constant 400 : i32
    %add3A_47 = arith.addi %mul3A_2, %add3A_46 : i32
    "tpu.region"() ({
      %run_scoped3A = tpu.sem_alloc : memref<!tpu.dma_semaphore, #tpu.memory_space<semaphore_mem>>
      %dma_start3A = arith.constant 0 : i32
      %dma_start3A_58 = tpu.memref_slice %arg9[%add3A_47, %dma_start3A] : memref<10240x16xf32, #tpu.memory_space<vmem_shared>> -> memref<80x16xf32, #tpu.memory_space<vmem_shared>>
      %dma_start3A_59 = arith.constant 0 : i32
      %dma_start3A_60 = tpu.memref_slice %arg9[%add3A_47, %dma_start3A_59] : memref<10240x16xf32, #tpu.memory_space<vmem_shared>> -> memref<80x16xf32, #tpu.memory_space<vmem_shared>>
      tpu.enqueue_dma source(%dma_start3A_60 : memref<80x16xf32, #tpu.memory_space<vmem_shared>>) target(%arg8 : memref<80x16xf32, #tpu.memory_space<vmem>>) target_semaphore(%run_scoped3A : memref<!tpu.dma_semaphore, #tpu.memory_space<semaphore_mem>>)
      %dma_wait3A = arith.constant 0 : i32
      %dma_wait3A_61 = tpu.memref_slice %arg9[%add3A_47, %dma_wait3A] : memref<10240x16xf32, #tpu.memory_space<vmem_shared>> -> memref<80x16xf32, #tpu.memory_space<vmem_shared>>
      %dma_wait3A_62 = arith.constant 0 : i32
      %dma_wait3A_63 = tpu.memref_slice %arg9[%add3A_47, %dma_wait3A_62] : memref<10240x16xf32, #tpu.memory_space<vmem_shared>> -> memref<80x16xf32, #tpu.memory_space<vmem_shared>>
      tpu.wait_dma2 semaphore(%run_scoped3A : memref<!tpu.dma_semaphore, #tpu.memory_space<semaphore_mem>>) src(%dma_wait3A_63 : memref<80x16xf32, #tpu.memory_space<vmem_shared>>) dst(%arg8 : memref<80x16xf32, #tpu.memory_space<vmem>>)
      tpu.yield
    }) : () -> ()
    %add3A_48 = arith.constant 400 : i32
    %add3A_49 = arith.addi %mul3A_2, %add3A_48 : i32
    "tpu.region"() ({
      %run_scoped3A = tpu.sem_alloc : memref<!tpu.dma_semaphore, #tpu.memory_space<semaphore_mem>>
      %dma_start3A = arith.constant 0 : i32
      %dma_start3A_58 = tpu.memref_slice %arg5[%arg0, %add3A_49, %dma_start3A] : memref<2x10240x16xf32, #tpu.memory_space<hbm>> -> memref<1x80x16xf32, #tpu.memory_space<hbm>>
      %dma_start3A_59 = tpu.memref_squeeze %dma_start3A_58 : memref<1x80x16xf32, #tpu.memory_space<hbm>> -> memref<80x16xf32, #tpu.memory_space<hbm>>
      %dma_start3A_60 = arith.constant 0 : i32
      %dma_start3A_61 = tpu.memref_slice %arg5[%arg0, %add3A_49, %dma_start3A_60] : memref<2x10240x16xf32, #tpu.memory_space<hbm>> -> memref<1x80x16xf32, #tpu.memory_space<hbm>>
      %dma_start3A_62 = tpu.memref_squeeze %dma_start3A_61 : memref<1x80x16xf32, #tpu.memory_space<hbm>> -> memref<80x16xf32, #tpu.memory_space<hbm>>
      tpu.enqueue_dma source(%arg8 : memref<80x16xf32, #tpu.memory_space<vmem>>) target(%dma_start3A_62 : memref<80x16xf32, #tpu.memory_space<hbm>>) target_semaphore(%run_scoped3A : memref<!tpu.dma_semaphore, #tpu.memory_space<semaphore_mem>>)
      %dma_wait3A = arith.constant 0 : i32
      %dma_wait3A_63 = tpu.memref_slice %arg5[%arg0, %add3A_49, %dma_wait3A] : memref<2x10240x16xf32, #tpu.memory_space<hbm>> -> memref<1x80x16xf32, #tpu.memory_space<hbm>>
      %dma_wait3A_64 = tpu.memref_squeeze %dma_wait3A_63 : memref<1x80x16xf32, #tpu.memory_space<hbm>> -> memref<80x16xf32, #tpu.memory_space<hbm>>
      %dma_wait3A_65 = arith.constant 0 : i32
      %dma_wait3A_66 = tpu.memref_slice %arg5[%arg0, %add3A_49, %dma_wait3A_65] : memref<2x10240x16xf32, #tpu.memory_space<hbm>> -> memref<1x80x16xf32, #tpu.memory_space<hbm>>
      %dma_wait3A_67 = tpu.memref_squeeze %dma_wait3A_66 : memref<1x80x16xf32, #tpu.memory_space<hbm>> -> memref<80x16xf32, #tpu.memory_space<hbm>>
      tpu.wait_dma2 semaphore(%run_scoped3A : memref<!tpu.dma_semaphore, #tpu.memory_space<semaphore_mem>>) src(%arg8 : memref<80x16xf32, #tpu.memory_space<vmem>>) dst(%dma_wait3A_67 : memref<80x16xf32, #tpu.memory_space<hbm>>)
      tpu.yield
    }) : () -> ()
    %add3A_50 = arith.constant 480 : i32
    %add3A_51 = arith.addi %mul3A_2, %add3A_50 : i32
    "tpu.region"() ({
      %run_scoped3A = tpu.sem_alloc : memref<!tpu.dma_semaphore, #tpu.memory_space<semaphore_mem>>
      %dma_start3A = arith.constant 0 : i32
      %dma_start3A_58 = tpu.memref_slice %arg9[%add3A_51, %dma_start3A] : memref<10240x16xf32, #tpu.memory_space<vmem_shared>> -> memref<80x16xf32, #tpu.memory_space<vmem_shared>>
      %dma_start3A_59 = arith.constant 0 : i32
      %dma_start3A_60 = tpu.memref_slice %arg9[%add3A_51, %dma_start3A_59] : memref<10240x16xf32, #tpu.memory_space<vmem_shared>> -> memref<80x16xf32, #tpu.memory_space<vmem_shared>>
      tpu.enqueue_dma source(%dma_start3A_60 : memref<80x16xf32, #tpu.memory_space<vmem_shared>>) target(%arg8 : memref<80x16xf32, #tpu.memory_space<vmem>>) target_semaphore(%run_scoped3A : memref<!tpu.dma_semaphore, #tpu.memory_space<semaphore_mem>>)
      %dma_wait3A = arith.constant 0 : i32
      %dma_wait3A_61 = tpu.memref_slice %arg9[%add3A_51, %dma_wait3A] : memref<10240x16xf32, #tpu.memory_space<vmem_shared>> -> memref<80x16xf32, #tpu.memory_space<vmem_shared>>
      %dma_wait3A_62 = arith.constant 0 : i32
      %dma_wait3A_63 = tpu.memref_slice %arg9[%add3A_51, %dma_wait3A_62] : memref<10240x16xf32, #tpu.memory_space<vmem_shared>> -> memref<80x16xf32, #tpu.memory_space<vmem_shared>>
      tpu.wait_dma2 semaphore(%run_scoped3A : memref<!tpu.dma_semaphore, #tpu.memory_space<semaphore_mem>>) src(%dma_wait3A_63 : memref<80x16xf32, #tpu.memory_space<vmem_shared>>) dst(%arg8 : memref<80x16xf32, #tpu.memory_space<vmem>>)
      tpu.yield
    }) : () -> ()
    %add3A_52 = arith.constant 480 : i32
    %add3A_53 = arith.addi %mul3A_2, %add3A_52 : i32
    "tpu.region"() ({
      %run_scoped3A = tpu.sem_alloc : memref<!tpu.dma_semaphore, #tpu.memory_space<semaphore_mem>>
      %dma_start3A = arith.constant 0 : i32
      %dma_start3A_58 = tpu.memref_slice %arg5[%arg0, %add3A_53, %dma_start3A] : memref<2x10240x16xf32, #tpu.memory_space<hbm>> -> memref<1x80x16xf32, #tpu.memory_space<hbm>>
      %dma_start3A_59 = tpu.memref_squeeze %dma_start3A_58 : memref<1x80x16xf32, #tpu.memory_space<hbm>> -> memref<80x16xf32, #tpu.memory_space<hbm>>
      %dma_start3A_60 = arith.constant 0 : i32
      %dma_start3A_61 = tpu.memref_slice %arg5[%arg0, %add3A_53, %dma_start3A_60] : memref<2x10240x16xf32, #tpu.memory_space<hbm>> -> memref<1x80x16xf32, #tpu.memory_space<hbm>>
      %dma_start3A_62 = tpu.memref_squeeze %dma_start3A_61 : memref<1x80x16xf32, #tpu.memory_space<hbm>> -> memref<80x16xf32, #tpu.memory_space<hbm>>
      tpu.enqueue_dma source(%arg8 : memref<80x16xf32, #tpu.memory_space<vmem>>) target(%dma_start3A_62 : memref<80x16xf32, #tpu.memory_space<hbm>>) target_semaphore(%run_scoped3A : memref<!tpu.dma_semaphore, #tpu.memory_space<semaphore_mem>>)
      %dma_wait3A = arith.constant 0 : i32
      %dma_wait3A_63 = tpu.memref_slice %arg5[%arg0, %add3A_53, %dma_wait3A] : memref<2x10240x16xf32, #tpu.memory_space<hbm>> -> memref<1x80x16xf32, #tpu.memory_space<hbm>>
      %dma_wait3A_64 = tpu.memref_squeeze %dma_wait3A_63 : memref<1x80x16xf32, #tpu.memory_space<hbm>> -> memref<80x16xf32, #tpu.memory_space<hbm>>
      %dma_wait3A_65 = arith.constant 0 : i32
      %dma_wait3A_66 = tpu.memref_slice %arg5[%arg0, %add3A_53, %dma_wait3A_65] : memref<2x10240x16xf32, #tpu.memory_space<hbm>> -> memref<1x80x16xf32, #tpu.memory_space<hbm>>
      %dma_wait3A_67 = tpu.memref_squeeze %dma_wait3A_66 : memref<1x80x16xf32, #tpu.memory_space<hbm>> -> memref<80x16xf32, #tpu.memory_space<hbm>>
      tpu.wait_dma2 semaphore(%run_scoped3A : memref<!tpu.dma_semaphore, #tpu.memory_space<semaphore_mem>>) src(%arg8 : memref<80x16xf32, #tpu.memory_space<vmem>>) dst(%dma_wait3A_67 : memref<80x16xf32, #tpu.memory_space<hbm>>)
      tpu.yield
    }) : () -> ()
    %add3A_54 = arith.constant 560 : i32
    %add3A_55 = arith.addi %mul3A_2, %add3A_54 : i32
    "tpu.region"() ({
      %run_scoped3A = tpu.sem_alloc : memref<!tpu.dma_semaphore, #tpu.memory_space<semaphore_mem>>
      %dma_start3A = arith.constant 0 : i32
      %dma_start3A_58 = tpu.memref_slice %arg9[%add3A_55, %dma_start3A] : memref<10240x16xf32, #tpu.memory_space<vmem_shared>> -> memref<80x16xf32, #tpu.memory_space<vmem_shared>>
      %dma_start3A_59 = arith.constant 0 : i32
      %dma_start3A_60 = tpu.memref_slice %arg9[%add3A_55, %dma_start3A_59] : memref<10240x16xf32, #tpu.memory_space<vmem_shared>> -> memref<80x16xf32, #tpu.memory_space<vmem_shared>>
      tpu.enqueue_dma source(%dma_start3A_60 : memref<80x16xf32, #tpu.memory_space<vmem_shared>>) target(%arg8 : memref<80x16xf32, #tpu.memory_space<vmem>>) target_semaphore(%run_scoped3A : memref<!tpu.dma_semaphore, #tpu.memory_space<semaphore_mem>>)
      %dma_wait3A = arith.constant 0 : i32
      %dma_wait3A_61 = tpu.memref_slice %arg9[%add3A_55, %dma_wait3A] : memref<10240x16xf32, #tpu.memory_space<vmem_shared>> -> memref<80x16xf32, #tpu.memory_space<vmem_shared>>
      %dma_wait3A_62 = arith.constant 0 : i32
      %dma_wait3A_63 = tpu.memref_slice %arg9[%add3A_55, %dma_wait3A_62] : memref<10240x16xf32, #tpu.memory_space<vmem_shared>> -> memref<80x16xf32, #tpu.memory_space<vmem_shared>>
      tpu.wait_dma2 semaphore(%run_scoped3A : memref<!tpu.dma_semaphore, #tpu.memory_space<semaphore_mem>>) src(%dma_wait3A_63 : memref<80x16xf32, #tpu.memory_space<vmem_shared>>) dst(%arg8 : memref<80x16xf32, #tpu.memory_space<vmem>>)
      tpu.yield
    }) : () -> ()
    %add3A_56 = arith.constant 560 : i32
    %add3A_57 = arith.addi %mul3A_2, %add3A_56 : i32
    "tpu.region"() ({
      %run_scoped3A = tpu.sem_alloc : memref<!tpu.dma_semaphore, #tpu.memory_space<semaphore_mem>>
      %dma_start3A = arith.constant 0 : i32
      %dma_start3A_58 = tpu.memref_slice %arg5[%arg0, %add3A_57, %dma_start3A] : memref<2x10240x16xf32, #tpu.memory_space<hbm>> -> memref<1x80x16xf32, #tpu.memory_space<hbm>>
      %dma_start3A_59 = tpu.memref_squeeze %dma_start3A_58 : memref<1x80x16xf32, #tpu.memory_space<hbm>> -> memref<80x16xf32, #tpu.memory_space<hbm>>
      %dma_start3A_60 = arith.constant 0 : i32
      %dma_start3A_61 = tpu.memref_slice %arg5[%arg0, %add3A_57, %dma_start3A_60] : memref<2x10240x16xf32, #tpu.memory_space<hbm>> -> memref<1x80x16xf32, #tpu.memory_space<hbm>>
      %dma_start3A_62 = tpu.memref_squeeze %dma_start3A_61 : memref<1x80x16xf32, #tpu.memory_space<hbm>> -> memref<80x16xf32, #tpu.memory_space<hbm>>
      tpu.enqueue_dma source(%arg8 : memref<80x16xf32, #tpu.memory_space<vmem>>) target(%dma_start3A_62 : memref<80x16xf32, #tpu.memory_space<hbm>>) target_semaphore(%run_scoped3A : memref<!tpu.dma_semaphore, #tpu.memory_space<semaphore_mem>>)
      %dma_wait3A = arith.constant 0 : i32
      %dma_wait3A_63 = tpu.memref_slice %arg5[%arg0, %add3A_57, %dma_wait3A] : memref<2x10240x16xf32, #tpu.memory_space<hbm>> -> memref<1x80x16xf32, #tpu.memory_space<hbm>>
      %dma_wait3A_64 = tpu.memref_squeeze %dma_wait3A_63 : memref<1x80x16xf32, #tpu.memory_space<hbm>> -> memref<80x16xf32, #tpu.memory_space<hbm>>
      %dma_wait3A_65 = arith.constant 0 : i32
      %dma_wait3A_66 = tpu.memref_slice %arg5[%arg0, %add3A_57, %dma_wait3A_65] : memref<2x10240x16xf32, #tpu.memory_space<hbm>> -> memref<1x80x16xf32, #tpu.memory_space<hbm>>
      %dma_wait3A_67 = tpu.memref_squeeze %dma_wait3A_66 : memref<1x80x16xf32, #tpu.memory_space<hbm>> -> memref<80x16xf32, #tpu.memory_space<hbm>>
      tpu.wait_dma2 semaphore(%run_scoped3A : memref<!tpu.dma_semaphore, #tpu.memory_space<semaphore_mem>>) src(%arg8 : memref<80x16xf32, #tpu.memory_space<vmem>>) dst(%dma_wait3A_67 : memref<80x16xf32, #tpu.memory_space<hbm>>)
      tpu.yield
    }) : () -> ()
    return
  }
}

#map = affine_map<(d0, d1) -> (0, 0)>
#map1 = affine_map<(d0, d1) -> (0)>
#map2 = affine_map<(d0, d1) -> (0, 0, 0)>
module attributes {stable_mosaic.version = 14 : i64} {
  func.func @agg(%arg0: i32, %arg1: i32, %arg2: memref<10000x128xf32, #tpu.memory_space<hbm>>, %arg3: memref<320000x128xf32, #tpu.memory_space<hbm>>, %arg4: memref<320000xi32, #tpu.memory_space<hbm>>, %arg5: memref<320000xi32, #tpu.memory_space<hbm>>, %arg6: memref<80x128xf32, #tpu.memory_space<hbm>>, %arg7: memref<2x10240x128xf32, #tpu.memory_space<hbm>>, %arg8: memref<80xi32, #tpu.memory_space<vmem>>, %arg9: memref<80xi32, #tpu.memory_space<vmem>>, %arg10: memref<80x128xf32, #tpu.memory_space<vmem>>, %arg11: memref<80x128xf32, #tpu.memory_space<vmem>>, %arg12: memref<10240x128xf32, #tpu.memory_space<vmem_shared>>, %arg13: memref<!tpu.dma_semaphore, #tpu.memory_space<semaphore_mem>>) attributes {dimension_semantics = [#tpu.dimension_semantics<core_parallel>, #tpu.dimension_semantics<subcore_parallel>], iteration_bounds = array<i64: 2, 16>, scalar_prefetch = 0 : i64, scratch_operands = 6 : i64, tpu.core_type = #tpu.core_type<sc_vector_subcore>, window_params = [{transform_indices = #map}, {transform_indices = #map}, {transform_indices = #map1}, {transform_indices = #map1}, {transform_indices = #map}, {transform_indices = #map2}]} {
    %mul3A = arith.constant 16 : i32
    %mul3A_0 = arith.muli %arg0, %mul3A : i32
    %add3A = arith.addi %mul3A_0, %arg1 : i32
    %mul3A_1 = arith.constant 640 : i32
    %mul3A_2 = arith.muli %arg1, %mul3A_1 : i32
    "tpu.region"() ({
      %run_scoped3A = tpu.sem_alloc : memref<!tpu.dma_semaphore, #tpu.memory_space<semaphore_mem>>
      tpu.enqueue_dma source(%arg6 : memref<80x128xf32, #tpu.memory_space<hbm>>) target(%arg10 : memref<80x128xf32, #tpu.memory_space<vmem>>) target_semaphore(%run_scoped3A : memref<!tpu.dma_semaphore, #tpu.memory_space<semaphore_mem>>)
      tpu.wait_dma2 semaphore(%run_scoped3A : memref<!tpu.dma_semaphore, #tpu.memory_space<semaphore_mem>>) src(%arg6 : memref<80x128xf32, #tpu.memory_space<hbm>>) dst(%arg10 : memref<80x128xf32, #tpu.memory_space<vmem>>)
      tpu.yield
    }) : () -> ()
    %add3A_3 = arith.constant 0 : i32
    %add3A_4 = arith.addi %mul3A_2, %add3A_3 : i32
    "tpu.region"() ({
      %run_scoped3A = tpu.sem_alloc : memref<!tpu.dma_semaphore, #tpu.memory_space<semaphore_mem>>
      %dma_start3A = arith.constant 0 : i32
      %dma_start3A_58 = tpu.memref_slice %arg12[%add3A_4, %dma_start3A] : memref<10240x128xf32, #tpu.memory_space<vmem_shared>> -> memref<80x128xf32, #tpu.memory_space<vmem_shared>>
      %dma_start3A_59 = arith.constant 0 : i32
      %dma_start3A_60 = tpu.memref_slice %arg12[%add3A_4, %dma_start3A_59] : memref<10240x128xf32, #tpu.memory_space<vmem_shared>> -> memref<80x128xf32, #tpu.memory_space<vmem_shared>>
      tpu.enqueue_dma source(%arg10 : memref<80x128xf32, #tpu.memory_space<vmem>>) target(%dma_start3A_60 : memref<80x128xf32, #tpu.memory_space<vmem_shared>>) target_semaphore(%run_scoped3A : memref<!tpu.dma_semaphore, #tpu.memory_space<semaphore_mem>>)
      %dma_wait3A = arith.constant 0 : i32
      %dma_wait3A_61 = tpu.memref_slice %arg12[%add3A_4, %dma_wait3A] : memref<10240x128xf32, #tpu.memory_space<vmem_shared>> -> memref<80x128xf32, #tpu.memory_space<vmem_shared>>
      %dma_wait3A_62 = arith.constant 0 : i32
      %dma_wait3A_63 = tpu.memref_slice %arg12[%add3A_4, %dma_wait3A_62] : memref<10240x128xf32, #tpu.memory_space<vmem_shared>> -> memref<80x128xf32, #tpu.memory_space<vmem_shared>>
      tpu.wait_dma2 semaphore(%run_scoped3A : memref<!tpu.dma_semaphore, #tpu.memory_space<semaphore_mem>>) src(%arg10 : memref<80x128xf32, #tpu.memory_space<vmem>>) dst(%dma_wait3A_63 : memref<80x128xf32, #tpu.memory_space<vmem_shared>>)
      tpu.yield
    }) : () -> ()
    %add3A_5 = arith.constant 80 : i32
    %add3A_6 = arith.addi %mul3A_2, %add3A_5 : i32
    "tpu.region"() ({
      %run_scoped3A = tpu.sem_alloc : memref<!tpu.dma_semaphore, #tpu.memory_space<semaphore_mem>>
      %dma_start3A = arith.constant 0 : i32
      %dma_start3A_58 = tpu.memref_slice %arg12[%add3A_6, %dma_start3A] : memref<10240x128xf32, #tpu.memory_space<vmem_shared>> -> memref<80x128xf32, #tpu.memory_space<vmem_shared>>
      %dma_start3A_59 = arith.constant 0 : i32
      %dma_start3A_60 = tpu.memref_slice %arg12[%add3A_6, %dma_start3A_59] : memref<10240x128xf32, #tpu.memory_space<vmem_shared>> -> memref<80x128xf32, #tpu.memory_space<vmem_shared>>
      tpu.enqueue_dma source(%arg10 : memref<80x128xf32, #tpu.memory_space<vmem>>) target(%dma_start3A_60 : memref<80x128xf32, #tpu.memory_space<vmem_shared>>) target_semaphore(%run_scoped3A : memref<!tpu.dma_semaphore, #tpu.memory_space<semaphore_mem>>)
      %dma_wait3A = arith.constant 0 : i32
      %dma_wait3A_61 = tpu.memref_slice %arg12[%add3A_6, %dma_wait3A] : memref<10240x128xf32, #tpu.memory_space<vmem_shared>> -> memref<80x128xf32, #tpu.memory_space<vmem_shared>>
      %dma_wait3A_62 = arith.constant 0 : i32
      %dma_wait3A_63 = tpu.memref_slice %arg12[%add3A_6, %dma_wait3A_62] : memref<10240x128xf32, #tpu.memory_space<vmem_shared>> -> memref<80x128xf32, #tpu.memory_space<vmem_shared>>
      tpu.wait_dma2 semaphore(%run_scoped3A : memref<!tpu.dma_semaphore, #tpu.memory_space<semaphore_mem>>) src(%arg10 : memref<80x128xf32, #tpu.memory_space<vmem>>) dst(%dma_wait3A_63 : memref<80x128xf32, #tpu.memory_space<vmem_shared>>)
      tpu.yield
    }) : () -> ()
    %add3A_7 = arith.constant 160 : i32
    %add3A_8 = arith.addi %mul3A_2, %add3A_7 : i32
    "tpu.region"() ({
      %run_scoped3A = tpu.sem_alloc : memref<!tpu.dma_semaphore, #tpu.memory_space<semaphore_mem>>
      %dma_start3A = arith.constant 0 : i32
      %dma_start3A_58 = tpu.memref_slice %arg12[%add3A_8, %dma_start3A] : memref<10240x128xf32, #tpu.memory_space<vmem_shared>> -> memref<80x128xf32, #tpu.memory_space<vmem_shared>>
      %dma_start3A_59 = arith.constant 0 : i32
      %dma_start3A_60 = tpu.memref_slice %arg12[%add3A_8, %dma_start3A_59] : memref<10240x128xf32, #tpu.memory_space<vmem_shared>> -> memref<80x128xf32, #tpu.memory_space<vmem_shared>>
      tpu.enqueue_dma source(%arg10 : memref<80x128xf32, #tpu.memory_space<vmem>>) target(%dma_start3A_60 : memref<80x128xf32, #tpu.memory_space<vmem_shared>>) target_semaphore(%run_scoped3A : memref<!tpu.dma_semaphore, #tpu.memory_space<semaphore_mem>>)
      %dma_wait3A = arith.constant 0 : i32
      %dma_wait3A_61 = tpu.memref_slice %arg12[%add3A_8, %dma_wait3A] : memref<10240x128xf32, #tpu.memory_space<vmem_shared>> -> memref<80x128xf32, #tpu.memory_space<vmem_shared>>
      %dma_wait3A_62 = arith.constant 0 : i32
      %dma_wait3A_63 = tpu.memref_slice %arg12[%add3A_8, %dma_wait3A_62] : memref<10240x128xf32, #tpu.memory_space<vmem_shared>> -> memref<80x128xf32, #tpu.memory_space<vmem_shared>>
      tpu.wait_dma2 semaphore(%run_scoped3A : memref<!tpu.dma_semaphore, #tpu.memory_space<semaphore_mem>>) src(%arg10 : memref<80x128xf32, #tpu.memory_space<vmem>>) dst(%dma_wait3A_63 : memref<80x128xf32, #tpu.memory_space<vmem_shared>>)
      tpu.yield
    }) : () -> ()
    %add3A_9 = arith.constant 240 : i32
    %add3A_10 = arith.addi %mul3A_2, %add3A_9 : i32
    "tpu.region"() ({
      %run_scoped3A = tpu.sem_alloc : memref<!tpu.dma_semaphore, #tpu.memory_space<semaphore_mem>>
      %dma_start3A = arith.constant 0 : i32
      %dma_start3A_58 = tpu.memref_slice %arg12[%add3A_10, %dma_start3A] : memref<10240x128xf32, #tpu.memory_space<vmem_shared>> -> memref<80x128xf32, #tpu.memory_space<vmem_shared>>
      %dma_start3A_59 = arith.constant 0 : i32
      %dma_start3A_60 = tpu.memref_slice %arg12[%add3A_10, %dma_start3A_59] : memref<10240x128xf32, #tpu.memory_space<vmem_shared>> -> memref<80x128xf32, #tpu.memory_space<vmem_shared>>
      tpu.enqueue_dma source(%arg10 : memref<80x128xf32, #tpu.memory_space<vmem>>) target(%dma_start3A_60 : memref<80x128xf32, #tpu.memory_space<vmem_shared>>) target_semaphore(%run_scoped3A : memref<!tpu.dma_semaphore, #tpu.memory_space<semaphore_mem>>)
      %dma_wait3A = arith.constant 0 : i32
      %dma_wait3A_61 = tpu.memref_slice %arg12[%add3A_10, %dma_wait3A] : memref<10240x128xf32, #tpu.memory_space<vmem_shared>> -> memref<80x128xf32, #tpu.memory_space<vmem_shared>>
      %dma_wait3A_62 = arith.constant 0 : i32
      %dma_wait3A_63 = tpu.memref_slice %arg12[%add3A_10, %dma_wait3A_62] : memref<10240x128xf32, #tpu.memory_space<vmem_shared>> -> memref<80x128xf32, #tpu.memory_space<vmem_shared>>
      tpu.wait_dma2 semaphore(%run_scoped3A : memref<!tpu.dma_semaphore, #tpu.memory_space<semaphore_mem>>) src(%arg10 : memref<80x128xf32, #tpu.memory_space<vmem>>) dst(%dma_wait3A_63 : memref<80x128xf32, #tpu.memory_space<vmem_shared>>)
      tpu.yield
    }) : () -> ()
    %add3A_11 = arith.constant 320 : i32
    %add3A_12 = arith.addi %mul3A_2, %add3A_11 : i32
    "tpu.region"() ({
      %run_scoped3A = tpu.sem_alloc : memref<!tpu.dma_semaphore, #tpu.memory_space<semaphore_mem>>
      %dma_start3A = arith.constant 0 : i32
      %dma_start3A_58 = tpu.memref_slice %arg12[%add3A_12, %dma_start3A] : memref<10240x128xf32, #tpu.memory_space<vmem_shared>> -> memref<80x128xf32, #tpu.memory_space<vmem_shared>>
      %dma_start3A_59 = arith.constant 0 : i32
      %dma_start3A_60 = tpu.memref_slice %arg12[%add3A_12, %dma_start3A_59] : memref<10240x128xf32, #tpu.memory_space<vmem_shared>> -> memref<80x128xf32, #tpu.memory_space<vmem_shared>>
      tpu.enqueue_dma source(%arg10 : memref<80x128xf32, #tpu.memory_space<vmem>>) target(%dma_start3A_60 : memref<80x128xf32, #tpu.memory_space<vmem_shared>>) target_semaphore(%run_scoped3A : memref<!tpu.dma_semaphore, #tpu.memory_space<semaphore_mem>>)
      %dma_wait3A = arith.constant 0 : i32
      %dma_wait3A_61 = tpu.memref_slice %arg12[%add3A_12, %dma_wait3A] : memref<10240x128xf32, #tpu.memory_space<vmem_shared>> -> memref<80x128xf32, #tpu.memory_space<vmem_shared>>
      %dma_wait3A_62 = arith.constant 0 : i32
      %dma_wait3A_63 = tpu.memref_slice %arg12[%add3A_12, %dma_wait3A_62] : memref<10240x128xf32, #tpu.memory_space<vmem_shared>> -> memref<80x128xf32, #tpu.memory_space<vmem_shared>>
      tpu.wait_dma2 semaphore(%run_scoped3A : memref<!tpu.dma_semaphore, #tpu.memory_space<semaphore_mem>>) src(%arg10 : memref<80x128xf32, #tpu.memory_space<vmem>>) dst(%dma_wait3A_63 : memref<80x128xf32, #tpu.memory_space<vmem_shared>>)
      tpu.yield
    }) : () -> ()
    %add3A_13 = arith.constant 400 : i32
    %add3A_14 = arith.addi %mul3A_2, %add3A_13 : i32
    "tpu.region"() ({
      %run_scoped3A = tpu.sem_alloc : memref<!tpu.dma_semaphore, #tpu.memory_space<semaphore_mem>>
      %dma_start3A = arith.constant 0 : i32
      %dma_start3A_58 = tpu.memref_slice %arg12[%add3A_14, %dma_start3A] : memref<10240x128xf32, #tpu.memory_space<vmem_shared>> -> memref<80x128xf32, #tpu.memory_space<vmem_shared>>
      %dma_start3A_59 = arith.constant 0 : i32
      %dma_start3A_60 = tpu.memref_slice %arg12[%add3A_14, %dma_start3A_59] : memref<10240x128xf32, #tpu.memory_space<vmem_shared>> -> memref<80x128xf32, #tpu.memory_space<vmem_shared>>
      tpu.enqueue_dma source(%arg10 : memref<80x128xf32, #tpu.memory_space<vmem>>) target(%dma_start3A_60 : memref<80x128xf32, #tpu.memory_space<vmem_shared>>) target_semaphore(%run_scoped3A : memref<!tpu.dma_semaphore, #tpu.memory_space<semaphore_mem>>)
      %dma_wait3A = arith.constant 0 : i32
      %dma_wait3A_61 = tpu.memref_slice %arg12[%add3A_14, %dma_wait3A] : memref<10240x128xf32, #tpu.memory_space<vmem_shared>> -> memref<80x128xf32, #tpu.memory_space<vmem_shared>>
      %dma_wait3A_62 = arith.constant 0 : i32
      %dma_wait3A_63 = tpu.memref_slice %arg12[%add3A_14, %dma_wait3A_62] : memref<10240x128xf32, #tpu.memory_space<vmem_shared>> -> memref<80x128xf32, #tpu.memory_space<vmem_shared>>
      tpu.wait_dma2 semaphore(%run_scoped3A : memref<!tpu.dma_semaphore, #tpu.memory_space<semaphore_mem>>) src(%arg10 : memref<80x128xf32, #tpu.memory_space<vmem>>) dst(%dma_wait3A_63 : memref<80x128xf32, #tpu.memory_space<vmem_shared>>)
      tpu.yield
    }) : () -> ()
    %add3A_15 = arith.constant 480 : i32
    %add3A_16 = arith.addi %mul3A_2, %add3A_15 : i32
    "tpu.region"() ({
      %run_scoped3A = tpu.sem_alloc : memref<!tpu.dma_semaphore, #tpu.memory_space<semaphore_mem>>
      %dma_start3A = arith.constant 0 : i32
      %dma_start3A_58 = tpu.memref_slice %arg12[%add3A_16, %dma_start3A] : memref<10240x128xf32, #tpu.memory_space<vmem_shared>> -> memref<80x128xf32, #tpu.memory_space<vmem_shared>>
      %dma_start3A_59 = arith.constant 0 : i32
      %dma_start3A_60 = tpu.memref_slice %arg12[%add3A_16, %dma_start3A_59] : memref<10240x128xf32, #tpu.memory_space<vmem_shared>> -> memref<80x128xf32, #tpu.memory_space<vmem_shared>>
      tpu.enqueue_dma source(%arg10 : memref<80x128xf32, #tpu.memory_space<vmem>>) target(%dma_start3A_60 : memref<80x128xf32, #tpu.memory_space<vmem_shared>>) target_semaphore(%run_scoped3A : memref<!tpu.dma_semaphore, #tpu.memory_space<semaphore_mem>>)
      %dma_wait3A = arith.constant 0 : i32
      %dma_wait3A_61 = tpu.memref_slice %arg12[%add3A_16, %dma_wait3A] : memref<10240x128xf32, #tpu.memory_space<vmem_shared>> -> memref<80x128xf32, #tpu.memory_space<vmem_shared>>
      %dma_wait3A_62 = arith.constant 0 : i32
      %dma_wait3A_63 = tpu.memref_slice %arg12[%add3A_16, %dma_wait3A_62] : memref<10240x128xf32, #tpu.memory_space<vmem_shared>> -> memref<80x128xf32, #tpu.memory_space<vmem_shared>>
      tpu.wait_dma2 semaphore(%run_scoped3A : memref<!tpu.dma_semaphore, #tpu.memory_space<semaphore_mem>>) src(%arg10 : memref<80x128xf32, #tpu.memory_space<vmem>>) dst(%dma_wait3A_63 : memref<80x128xf32, #tpu.memory_space<vmem_shared>>)
      tpu.yield
    }) : () -> ()
    %add3A_17 = arith.constant 560 : i32
    %add3A_18 = arith.addi %mul3A_2, %add3A_17 : i32
    "tpu.region"() ({
      %run_scoped3A = tpu.sem_alloc : memref<!tpu.dma_semaphore, #tpu.memory_space<semaphore_mem>>
      %dma_start3A = arith.constant 0 : i32
      %dma_start3A_58 = tpu.memref_slice %arg12[%add3A_18, %dma_start3A] : memref<10240x128xf32, #tpu.memory_space<vmem_shared>> -> memref<80x128xf32, #tpu.memory_space<vmem_shared>>
      %dma_start3A_59 = arith.constant 0 : i32
      %dma_start3A_60 = tpu.memref_slice %arg12[%add3A_18, %dma_start3A_59] : memref<10240x128xf32, #tpu.memory_space<vmem_shared>> -> memref<80x128xf32, #tpu.memory_space<vmem_shared>>
      tpu.enqueue_dma source(%arg10 : memref<80x128xf32, #tpu.memory_space<vmem>>) target(%dma_start3A_60 : memref<80x128xf32, #tpu.memory_space<vmem_shared>>) target_semaphore(%run_scoped3A : memref<!tpu.dma_semaphore, #tpu.memory_space<semaphore_mem>>)
      %dma_wait3A = arith.constant 0 : i32
      %dma_wait3A_61 = tpu.memref_slice %arg12[%add3A_18, %dma_wait3A] : memref<10240x128xf32, #tpu.memory_space<vmem_shared>> -> memref<80x128xf32, #tpu.memory_space<vmem_shared>>
      %dma_wait3A_62 = arith.constant 0 : i32
      %dma_wait3A_63 = tpu.memref_slice %arg12[%add3A_18, %dma_wait3A_62] : memref<10240x128xf32, #tpu.memory_space<vmem_shared>> -> memref<80x128xf32, #tpu.memory_space<vmem_shared>>
      tpu.wait_dma2 semaphore(%run_scoped3A : memref<!tpu.dma_semaphore, #tpu.memory_space<semaphore_mem>>) src(%arg10 : memref<80x128xf32, #tpu.memory_space<vmem>>) dst(%dma_wait3A_63 : memref<80x128xf32, #tpu.memory_space<vmem_shared>>)
      tpu.yield
    }) : () -> ()
    %barrier3A = arith.constant 0 : index
    tpu.barrier barrier_id(%barrier3A)
    %mul3A_19 = arith.constant 10000 : i32
    %mul3A_20 = arith.muli %add3A, %mul3A_19 : i32
    %scan3A = arith.constant 0 : i32
    %scan3A_21 = arith.constant 125 : i32
    %scan3A_22 = arith.addi %scan3A, %scan3A_21 : i32
    %scan3A_23 = arith.constant 1 : i32
    scf.for %scan3A_58 = %scan3A to %scan3A_22 step %scan3A_23  : i32 {
      %mul3A_59 = arith.constant 80 : i32
      %mul3A_60 = arith.muli %scan3A_58, %mul3A_59 : i32
      %add3A_61 = arith.constant 0 : i32
      %add3A_62 = arith.addi %add3A_61, %mul3A_60 : i32
      %add3A_63 = arith.addi %mul3A_20, %add3A_62 : i32
      "tpu.region"() ({
        %run_scoped3A = tpu.sem_alloc : memref<!tpu.dma_semaphore, #tpu.memory_space<semaphore_mem>>
        %dma_start3A_75 = tpu.memref_slice %arg4[%add3A_63] : memref<320000xi32, #tpu.memory_space<hbm>> -> memref<80xi32, #tpu.memory_space<hbm>>
        %dma_start3A_76 = tpu.memref_slice %arg4[%add3A_63] : memref<320000xi32, #tpu.memory_space<hbm>> -> memref<80xi32, #tpu.memory_space<hbm>>
        tpu.enqueue_dma source(%dma_start3A_76 : memref<80xi32, #tpu.memory_space<hbm>>) target(%arg8 : memref<80xi32, #tpu.memory_space<vmem>>) target_semaphore(%run_scoped3A : memref<!tpu.dma_semaphore, #tpu.memory_space<semaphore_mem>>)
        %dma_wait3A_77 = tpu.memref_slice %arg4[%add3A_63] : memref<320000xi32, #tpu.memory_space<hbm>> -> memref<80xi32, #tpu.memory_space<hbm>>
        %dma_wait3A_78 = tpu.memref_slice %arg4[%add3A_63] : memref<320000xi32, #tpu.memory_space<hbm>> -> memref<80xi32, #tpu.memory_space<hbm>>
        tpu.wait_dma2 semaphore(%run_scoped3A : memref<!tpu.dma_semaphore, #tpu.memory_space<semaphore_mem>>) src(%dma_wait3A_78 : memref<80xi32, #tpu.memory_space<hbm>>) dst(%arg8 : memref<80xi32, #tpu.memory_space<vmem>>)
        tpu.yield
      }) : () -> ()
      %add3A_64 = arith.addi %mul3A_20, %add3A_62 : i32
      "tpu.region"() ({
        %run_scoped3A = tpu.sem_alloc : memref<!tpu.dma_semaphore, #tpu.memory_space<semaphore_mem>>
        %dma_start3A_75 = tpu.memref_slice %arg5[%add3A_64] : memref<320000xi32, #tpu.memory_space<hbm>> -> memref<80xi32, #tpu.memory_space<hbm>>
        %dma_start3A_76 = tpu.memref_slice %arg5[%add3A_64] : memref<320000xi32, #tpu.memory_space<hbm>> -> memref<80xi32, #tpu.memory_space<hbm>>
        tpu.enqueue_dma source(%dma_start3A_76 : memref<80xi32, #tpu.memory_space<hbm>>) target(%arg9 : memref<80xi32, #tpu.memory_space<vmem>>) target_semaphore(%run_scoped3A : memref<!tpu.dma_semaphore, #tpu.memory_space<semaphore_mem>>)
        %dma_wait3A_77 = tpu.memref_slice %arg5[%add3A_64] : memref<320000xi32, #tpu.memory_space<hbm>> -> memref<80xi32, #tpu.memory_space<hbm>>
        %dma_wait3A_78 = tpu.memref_slice %arg5[%add3A_64] : memref<320000xi32, #tpu.memory_space<hbm>> -> memref<80xi32, #tpu.memory_space<hbm>>
        tpu.wait_dma2 semaphore(%run_scoped3A : memref<!tpu.dma_semaphore, #tpu.memory_space<semaphore_mem>>) src(%dma_wait3A_78 : memref<80xi32, #tpu.memory_space<hbm>>) dst(%arg9 : memref<80xi32, #tpu.memory_space<vmem>>)
        tpu.yield
      }) : () -> ()
      %dma_start3A = arith.constant 0 : i32
      %dma_start3A_65 = arith.constant 0 : i32
      %dma_start3A_66 = tpu.memref_slice %arg2[%dma_start3A, %dma_start3A_65] : memref<10000x128xf32, #tpu.memory_space<hbm>> -> memref<10000x128xf32, #tpu.memory_space<hbm>>
      tpu.enqueue_indirect_dma source(%dma_start3A_66 : memref<10000x128xf32, #tpu.memory_space<hbm>>) target(%arg10 : memref<80x128xf32, #tpu.memory_space<vmem>>) offsets(%arg8 : memref<80xi32, #tpu.memory_space<vmem>>) semaphore(%arg13 : memref<!tpu.dma_semaphore, #tpu.memory_space<semaphore_mem>>)
      %dma_wait3A = arith.constant 0 : i32
      %dma_wait3A_67 = arith.constant 0 : i32
      %dma_wait3A_68 = tpu.memref_slice %arg2[%dma_wait3A, %dma_wait3A_67] : memref<10000x128xf32, #tpu.memory_space<hbm>> -> memref<10000x128xf32, #tpu.memory_space<hbm>>
      tpu.wait_indirect_dma semaphore(%arg13 : memref<!tpu.dma_semaphore, #tpu.memory_space<semaphore_mem>>) src(%dma_wait3A_68 : memref<10000x128xf32, #tpu.memory_space<hbm>>) dst(%arg10 : memref<80x128xf32, #tpu.memory_space<vmem>>)
      %add3A_69 = arith.addi %mul3A_20, %add3A_62 : i32
      "tpu.region"() ({
        %run_scoped3A = tpu.sem_alloc : memref<!tpu.dma_semaphore, #tpu.memory_space<semaphore_mem>>
        %dma_start3A_75 = arith.constant 0 : i32
        %dma_start3A_76 = tpu.memref_slice %arg3[%add3A_69, %dma_start3A_75] : memref<320000x128xf32, #tpu.memory_space<hbm>> -> memref<80x128xf32, #tpu.memory_space<hbm>>
        %dma_start3A_77 = arith.constant 0 : i32
        %dma_start3A_78 = tpu.memref_slice %arg3[%add3A_69, %dma_start3A_77] : memref<320000x128xf32, #tpu.memory_space<hbm>> -> memref<80x128xf32, #tpu.memory_space<hbm>>
        tpu.enqueue_dma source(%dma_start3A_78 : memref<80x128xf32, #tpu.memory_space<hbm>>) target(%arg11 : memref<80x128xf32, #tpu.memory_space<vmem>>) target_semaphore(%run_scoped3A : memref<!tpu.dma_semaphore, #tpu.memory_space<semaphore_mem>>)
        %dma_wait3A_79 = arith.constant 0 : i32
        %dma_wait3A_80 = tpu.memref_slice %arg3[%add3A_69, %dma_wait3A_79] : memref<320000x128xf32, #tpu.memory_space<hbm>> -> memref<80x128xf32, #tpu.memory_space<hbm>>
        %dma_wait3A_81 = arith.constant 0 : i32
        %dma_wait3A_82 = tpu.memref_slice %arg3[%add3A_69, %dma_wait3A_81] : memref<320000x128xf32, #tpu.memory_space<hbm>> -> memref<80x128xf32, #tpu.memory_space<hbm>>
        tpu.wait_dma2 semaphore(%run_scoped3A : memref<!tpu.dma_semaphore, #tpu.memory_space<semaphore_mem>>) src(%dma_wait3A_82 : memref<80x128xf32, #tpu.memory_space<hbm>>) dst(%arg11 : memref<80x128xf32, #tpu.memory_space<vmem>>)
        tpu.yield
      }) : () -> ()
      %scan3A_70 = arith.constant 0 : i32
      %scan3A_71 = arith.constant 80 : i32
      %scan3A_72 = arith.addi %scan3A_70, %scan3A_71 : i32
      %scan3A_73 = arith.constant 1 : i32
      scf.for %scan3A_75 = %scan3A_70 to %scan3A_72 step %scan3A_73  : i32 {
        %mul3A_76 = arith.constant 1 : i32
        %mul3A_77 = arith.muli %scan3A_75, %mul3A_76 : i32
        %add3A_78 = arith.constant 0 : i32
        %add3A_79 = arith.addi %add3A_78, %mul3A_77 : i32
        %get3A = arith.index_cast %add3A_79 : i32 to index
        %get3A_80 = arith.constant 0 : index
        %get3A_81 = tpu.vector_load %arg10[%get3A, %get3A_80] {strides = array<i32>} : memref<80x128xf32, #tpu.memory_space<vmem>>, vector<1x16xf32>,
        %get3A_82 = vector.shape_cast %get3A_81 : vector<1x16xf32> to vector<16xf32>
        %get3A_83 = arith.index_cast %add3A_79 : i32 to index
        %get3A_84 = arith.constant 0 : index
        %get3A_85 = tpu.vector_load %arg11[%get3A_83, %get3A_84] {strides = array<i32>} : memref<80x128xf32, #tpu.memory_space<vmem>>, vector<1x16xf32>,
        %get3A_86 = vector.shape_cast %get3A_85 : vector<1x16xf32> to vector<16xf32>
        %add3A_87 = arith.addf %get3A_82, %get3A_86 : vector<16xf32>
        %max3A = arith.constant 0.000000e+00 : f32
        %max3A_88 = vector.broadcast %max3A : f32 to vector<16xf32>
        %max3A_89 = arith.maximumf %add3A_87, %max3A_88 : vector<16xf32>
        %swap3A = arith.index_cast %add3A_79 : i32 to index
        %swap3A_90 = arith.constant 0 : index
        %swap3A_91 = tpu.vector_load %arg10[%swap3A, %swap3A_90] {strides = array<i32>} : memref<80x128xf32, #tpu.memory_space<vmem>>, vector<1x16xf32>,
        %swap3A_92 = vector.shape_cast %swap3A_91 : vector<1x16xf32> to vector<16xf32>
        %swap3A_93 = vector.shape_cast %max3A_89 : vector<16xf32> to vector<1x16xf32>
        tpu.vector_store %arg10[%swap3A, %swap3A_90], %swap3A_93 {strides = array<i32>} : memref<80x128xf32, #tpu.memory_space<vmem>>, vector<1x16xf32>,
        %get3A_94 = arith.index_cast %add3A_79 : i32 to index
        %get3A_95 = arith.constant 16 : index
        %get3A_96 = tpu.vector_load %arg10[%get3A_94, %get3A_95] {strides = array<i32>} : memref<80x128xf32, #tpu.memory_space<vmem>>, vector<1x16xf32>,
        %get3A_97 = vector.shape_cast %get3A_96 : vector<1x16xf32> to vector<16xf32>
        %get3A_98 = arith.index_cast %add3A_79 : i32 to index
        %get3A_99 = arith.constant 16 : index
        %get3A_100 = tpu.vector_load %arg11[%get3A_98, %get3A_99] {strides = array<i32>} : memref<80x128xf32, #tpu.memory_space<vmem>>, vector<1x16xf32>,
        %get3A_101 = vector.shape_cast %get3A_100 : vector<1x16xf32> to vector<16xf32>
        %add3A_102 = arith.addf %get3A_97, %get3A_101 : vector<16xf32>
        %max3A_103 = arith.constant 0.000000e+00 : f32
        %max3A_104 = vector.broadcast %max3A_103 : f32 to vector<16xf32>
        %max3A_105 = arith.maximumf %add3A_102, %max3A_104 : vector<16xf32>
        %swap3A_106 = arith.index_cast %add3A_79 : i32 to index
        %swap3A_107 = arith.constant 16 : index
        %swap3A_108 = tpu.vector_load %arg10[%swap3A_106, %swap3A_107] {strides = array<i32>} : memref<80x128xf32, #tpu.memory_space<vmem>>, vector<1x16xf32>,
        %swap3A_109 = vector.shape_cast %swap3A_108 : vector<1x16xf32> to vector<16xf32>
        %swap3A_110 = vector.shape_cast %max3A_105 : vector<16xf32> to vector<1x16xf32>
        tpu.vector_store %arg10[%swap3A_106, %swap3A_107], %swap3A_110 {strides = array<i32>} : memref<80x128xf32, #tpu.memory_space<vmem>>, vector<1x16xf32>,
        %get3A_111 = arith.index_cast %add3A_79 : i32 to index
        %get3A_112 = arith.constant 32 : index
        %get3A_113 = tpu.vector_load %arg10[%get3A_111, %get3A_112] {strides = array<i32>} : memref<80x128xf32, #tpu.memory_space<vmem>>, vector<1x16xf32>,
        %get3A_114 = vector.shape_cast %get3A_113 : vector<1x16xf32> to vector<16xf32>
        %get3A_115 = arith.index_cast %add3A_79 : i32 to index
        %get3A_116 = arith.constant 32 : index
        %get3A_117 = tpu.vector_load %arg11[%get3A_115, %get3A_116] {strides = array<i32>} : memref<80x128xf32, #tpu.memory_space<vmem>>, vector<1x16xf32>,
        %get3A_118 = vector.shape_cast %get3A_117 : vector<1x16xf32> to vector<16xf32>
        %add3A_119 = arith.addf %get3A_114, %get3A_118 : vector<16xf32>
        %max3A_120 = arith.constant 0.000000e+00 : f32
        %max3A_121 = vector.broadcast %max3A_120 : f32 to vector<16xf32>
        %max3A_122 = arith.maximumf %add3A_119, %max3A_121 : vector<16xf32>
        %swap3A_123 = arith.index_cast %add3A_79 : i32 to index
        %swap3A_124 = arith.constant 32 : index
        %swap3A_125 = tpu.vector_load %arg10[%swap3A_123, %swap3A_124] {strides = array<i32>} : memref<80x128xf32, #tpu.memory_space<vmem>>, vector<1x16xf32>,
        %swap3A_126 = vector.shape_cast %swap3A_125 : vector<1x16xf32> to vector<16xf32>
        %swap3A_127 = vector.shape_cast %max3A_122 : vector<16xf32> to vector<1x16xf32>
        tpu.vector_store %arg10[%swap3A_123, %swap3A_124], %swap3A_127 {strides = array<i32>} : memref<80x128xf32, #tpu.memory_space<vmem>>, vector<1x16xf32>,
        %get3A_128 = arith.index_cast %add3A_79 : i32 to index
        %get3A_129 = arith.constant 48 : index
        %get3A_130 = tpu.vector_load %arg10[%get3A_128, %get3A_129] {strides = array<i32>} : memref<80x128xf32, #tpu.memory_space<vmem>>, vector<1x16xf32>,
        %get3A_131 = vector.shape_cast %get3A_130 : vector<1x16xf32> to vector<16xf32>
        %get3A_132 = arith.index_cast %add3A_79 : i32 to index
        %get3A_133 = arith.constant 48 : index
        %get3A_134 = tpu.vector_load %arg11[%get3A_132, %get3A_133] {strides = array<i32>} : memref<80x128xf32, #tpu.memory_space<vmem>>, vector<1x16xf32>,
        %get3A_135 = vector.shape_cast %get3A_134 : vector<1x16xf32> to vector<16xf32>
        %add3A_136 = arith.addf %get3A_131, %get3A_135 : vector<16xf32>
        %max3A_137 = arith.constant 0.000000e+00 : f32
        %max3A_138 = vector.broadcast %max3A_137 : f32 to vector<16xf32>
        %max3A_139 = arith.maximumf %add3A_136, %max3A_138 : vector<16xf32>
        %swap3A_140 = arith.index_cast %add3A_79 : i32 to index
        %swap3A_141 = arith.constant 48 : index
        %swap3A_142 = tpu.vector_load %arg10[%swap3A_140, %swap3A_141] {strides = array<i32>} : memref<80x128xf32, #tpu.memory_space<vmem>>, vector<1x16xf32>,
        %swap3A_143 = vector.shape_cast %swap3A_142 : vector<1x16xf32> to vector<16xf32>
        %swap3A_144 = vector.shape_cast %max3A_139 : vector<16xf32> to vector<1x16xf32>
        tpu.vector_store %arg10[%swap3A_140, %swap3A_141], %swap3A_144 {strides = array<i32>} : memref<80x128xf32, #tpu.memory_space<vmem>>, vector<1x16xf32>,
        %get3A_145 = arith.index_cast %add3A_79 : i32 to index
        %get3A_146 = arith.constant 64 : index
        %get3A_147 = tpu.vector_load %arg10[%get3A_145, %get3A_146] {strides = array<i32>} : memref<80x128xf32, #tpu.memory_space<vmem>>, vector<1x16xf32>,
        %get3A_148 = vector.shape_cast %get3A_147 : vector<1x16xf32> to vector<16xf32>
        %get3A_149 = arith.index_cast %add3A_79 : i32 to index
        %get3A_150 = arith.constant 64 : index
        %get3A_151 = tpu.vector_load %arg11[%get3A_149, %get3A_150] {strides = array<i32>} : memref<80x128xf32, #tpu.memory_space<vmem>>, vector<1x16xf32>,
        %get3A_152 = vector.shape_cast %get3A_151 : vector<1x16xf32> to vector<16xf32>
        %add3A_153 = arith.addf %get3A_148, %get3A_152 : vector<16xf32>
        %max3A_154 = arith.constant 0.000000e+00 : f32
        %max3A_155 = vector.broadcast %max3A_154 : f32 to vector<16xf32>
        %max3A_156 = arith.maximumf %add3A_153, %max3A_155 : vector<16xf32>
        %swap3A_157 = arith.index_cast %add3A_79 : i32 to index
        %swap3A_158 = arith.constant 64 : index
        %swap3A_159 = tpu.vector_load %arg10[%swap3A_157, %swap3A_158] {strides = array<i32>} : memref<80x128xf32, #tpu.memory_space<vmem>>, vector<1x16xf32>,
        %swap3A_160 = vector.shape_cast %swap3A_159 : vector<1x16xf32> to vector<16xf32>
        %swap3A_161 = vector.shape_cast %max3A_156 : vector<16xf32> to vector<1x16xf32>
        tpu.vector_store %arg10[%swap3A_157, %swap3A_158], %swap3A_161 {strides = array<i32>} : memref<80x128xf32, #tpu.memory_space<vmem>>, vector<1x16xf32>,
        %get3A_162 = arith.index_cast %add3A_79 : i32 to index
        %get3A_163 = arith.constant 80 : index
        %get3A_164 = tpu.vector_load %arg10[%get3A_162, %get3A_163] {strides = array<i32>} : memref<80x128xf32, #tpu.memory_space<vmem>>, vector<1x16xf32>,
        %get3A_165 = vector.shape_cast %get3A_164 : vector<1x16xf32> to vector<16xf32>
        %get3A_166 = arith.index_cast %add3A_79 : i32 to index
        %get3A_167 = arith.constant 80 : index
        %get3A_168 = tpu.vector_load %arg11[%get3A_166, %get3A_167] {strides = array<i32>} : memref<80x128xf32, #tpu.memory_space<vmem>>, vector<1x16xf32>,
        %get3A_169 = vector.shape_cast %get3A_168 : vector<1x16xf32> to vector<16xf32>
        %add3A_170 = arith.addf %get3A_165, %get3A_169 : vector<16xf32>
        %max3A_171 = arith.constant 0.000000e+00 : f32
        %max3A_172 = vector.broadcast %max3A_171 : f32 to vector<16xf32>
        %max3A_173 = arith.maximumf %add3A_170, %max3A_172 : vector<16xf32>
        %swap3A_174 = arith.index_cast %add3A_79 : i32 to index
        %swap3A_175 = arith.constant 80 : index
        %swap3A_176 = tpu.vector_load %arg10[%swap3A_174, %swap3A_175] {strides = array<i32>} : memref<80x128xf32, #tpu.memory_space<vmem>>, vector<1x16xf32>,
        %swap3A_177 = vector.shape_cast %swap3A_176 : vector<1x16xf32> to vector<16xf32>
        %swap3A_178 = vector.shape_cast %max3A_173 : vector<16xf32> to vector<1x16xf32>
        tpu.vector_store %arg10[%swap3A_174, %swap3A_175], %swap3A_178 {strides = array<i32>} : memref<80x128xf32, #tpu.memory_space<vmem>>, vector<1x16xf32>,
        %get3A_179 = arith.index_cast %add3A_79 : i32 to index
        %get3A_180 = arith.constant 96 : index
        %get3A_181 = tpu.vector_load %arg10[%get3A_179, %get3A_180] {strides = array<i32>} : memref<80x128xf32, #tpu.memory_space<vmem>>, vector<1x16xf32>,
        %get3A_182 = vector.shape_cast %get3A_181 : vector<1x16xf32> to vector<16xf32>
        %get3A_183 = arith.index_cast %add3A_79 : i32 to index
        %get3A_184 = arith.constant 96 : index
        %get3A_185 = tpu.vector_load %arg11[%get3A_183, %get3A_184] {strides = array<i32>} : memref<80x128xf32, #tpu.memory_space<vmem>>, vector<1x16xf32>,
        %get3A_186 = vector.shape_cast %get3A_185 : vector<1x16xf32> to vector<16xf32>
        %add3A_187 = arith.addf %get3A_182, %get3A_186 : vector<16xf32>
        %max3A_188 = arith.constant 0.000000e+00 : f32
        %max3A_189 = vector.broadcast %max3A_188 : f32 to vector<16xf32>
        %max3A_190 = arith.maximumf %add3A_187, %max3A_189 : vector<16xf32>
        %swap3A_191 = arith.index_cast %add3A_79 : i32 to index
        %swap3A_192 = arith.constant 96 : index
        %swap3A_193 = tpu.vector_load %arg10[%swap3A_191, %swap3A_192] {strides = array<i32>} : memref<80x128xf32, #tpu.memory_space<vmem>>, vector<1x16xf32>,
        %swap3A_194 = vector.shape_cast %swap3A_193 : vector<1x16xf32> to vector<16xf32>
        %swap3A_195 = vector.shape_cast %max3A_190 : vector<16xf32> to vector<1x16xf32>
        tpu.vector_store %arg10[%swap3A_191, %swap3A_192], %swap3A_195 {strides = array<i32>} : memref<80x128xf32, #tpu.memory_space<vmem>>, vector<1x16xf32>,
        %get3A_196 = arith.index_cast %add3A_79 : i32 to index
        %get3A_197 = arith.constant 112 : index
        %get3A_198 = tpu.vector_load %arg10[%get3A_196, %get3A_197] {strides = array<i32>} : memref<80x128xf32, #tpu.memory_space<vmem>>, vector<1x16xf32>,
        %get3A_199 = vector.shape_cast %get3A_198 : vector<1x16xf32> to vector<16xf32>
        %get3A_200 = arith.index_cast %add3A_79 : i32 to index
        %get3A_201 = arith.constant 112 : index
        %get3A_202 = tpu.vector_load %arg11[%get3A_200, %get3A_201] {strides = array<i32>} : memref<80x128xf32, #tpu.memory_space<vmem>>, vector<1x16xf32>,
        %get3A_203 = vector.shape_cast %get3A_202 : vector<1x16xf32> to vector<16xf32>
        %add3A_204 = arith.addf %get3A_199, %get3A_203 : vector<16xf32>
        %max3A_205 = arith.constant 0.000000e+00 : f32
        %max3A_206 = vector.broadcast %max3A_205 : f32 to vector<16xf32>
        %max3A_207 = arith.maximumf %add3A_204, %max3A_206 : vector<16xf32>
        %swap3A_208 = arith.index_cast %add3A_79 : i32 to index
        %swap3A_209 = arith.constant 112 : index
        %swap3A_210 = tpu.vector_load %arg10[%swap3A_208, %swap3A_209] {strides = array<i32>} : memref<80x128xf32, #tpu.memory_space<vmem>>, vector<1x16xf32>,
        %swap3A_211 = vector.shape_cast %swap3A_210 : vector<1x16xf32> to vector<16xf32>
        %swap3A_212 = vector.shape_cast %max3A_207 : vector<16xf32> to vector<1x16xf32>
        tpu.vector_store %arg10[%swap3A_208, %swap3A_209], %swap3A_212 {strides = array<i32>} : memref<80x128xf32, #tpu.memory_space<vmem>>, vector<1x16xf32>,
      }
      %scan3A_74 = arith.constant 80 : i32
      "tpu.region"() ({
        %run_scoped3A = tpu.sem_alloc : memref<!tpu.dma_semaphore, #tpu.memory_space<semaphore_mem>>
        %dma_start3A_75 = arith.constant 0 : i32
        %dma_start3A_76 = arith.constant 0 : i32
        %dma_start3A_77 = tpu.memref_slice %arg12[%dma_start3A_75, %dma_start3A_76] : memref<10240x128xf32, #tpu.memory_space<vmem_shared>> -> memref<10240x128xf32, #tpu.memory_space<vmem_shared>>
        tpu.enqueue_indirect_dma source(%arg10 : memref<80x128xf32, #tpu.memory_space<vmem>>) target(%dma_start3A_77 : memref<10240x128xf32, #tpu.memory_space<vmem_shared>>) offsets(%arg9 : memref<80xi32, #tpu.memory_space<vmem>>) semaphore(%run_scoped3A : memref<!tpu.dma_semaphore, #tpu.memory_space<semaphore_mem>>) {add = true}
        %dma_wait3A_78 = arith.constant 0 : i32
        %dma_wait3A_79 = arith.constant 0 : i32
        %dma_wait3A_80 = tpu.memref_slice %arg12[%dma_wait3A_78, %dma_wait3A_79] : memref<10240x128xf32, #tpu.memory_space<vmem_shared>> -> memref<10240x128xf32, #tpu.memory_space<vmem_shared>>
        tpu.wait_indirect_dma semaphore(%run_scoped3A : memref<!tpu.dma_semaphore, #tpu.memory_space<semaphore_mem>>) src(%arg10 : memref<80x128xf32, #tpu.memory_space<vmem>>) dst(%dma_wait3A_80 : memref<10240x128xf32, #tpu.memory_space<vmem_shared>>)
        tpu.yield
      }) : () -> ()
    }
    %scan3A_24 = arith.constant 125 : i32
    %barrier3A_25 = arith.constant 0 : index
    tpu.barrier barrier_id(%barrier3A_25)
    %add3A_26 = arith.constant 0 : i32
    %add3A_27 = arith.addi %mul3A_2, %add3A_26 : i32
    "tpu.region"() ({
      %run_scoped3A = tpu.sem_alloc : memref<!tpu.dma_semaphore, #tpu.memory_space<semaphore_mem>>
      %dma_start3A = arith.constant 0 : i32
      %dma_start3A_58 = tpu.memref_slice %arg12[%add3A_27, %dma_start3A] : memref<10240x128xf32, #tpu.memory_space<vmem_shared>> -> memref<80x128xf32, #tpu.memory_space<vmem_shared>>
      %dma_start3A_59 = arith.constant 0 : i32
      %dma_start3A_60 = tpu.memref_slice %arg12[%add3A_27, %dma_start3A_59] : memref<10240x128xf32, #tpu.memory_space<vmem_shared>> -> memref<80x128xf32, #tpu.memory_space<vmem_shared>>
      tpu.enqueue_dma source(%dma_start3A_60 : memref<80x128xf32, #tpu.memory_space<vmem_shared>>) target(%arg10 : memref<80x128xf32, #tpu.memory_space<vmem>>) target_semaphore(%run_scoped3A : memref<!tpu.dma_semaphore, #tpu.memory_space<semaphore_mem>>)
      %dma_wait3A = arith.constant 0 : i32
      %dma_wait3A_61 = tpu.memref_slice %arg12[%add3A_27, %dma_wait3A] : memref<10240x128xf32, #tpu.memory_space<vmem_shared>> -> memref<80x128xf32, #tpu.memory_space<vmem_shared>>
      %dma_wait3A_62 = arith.constant 0 : i32
      %dma_wait3A_63 = tpu.memref_slice %arg12[%add3A_27, %dma_wait3A_62] : memref<10240x128xf32, #tpu.memory_space<vmem_shared>> -> memref<80x128xf32, #tpu.memory_space<vmem_shared>>
      tpu.wait_dma2 semaphore(%run_scoped3A : memref<!tpu.dma_semaphore, #tpu.memory_space<semaphore_mem>>) src(%dma_wait3A_63 : memref<80x128xf32, #tpu.memory_space<vmem_shared>>) dst(%arg10 : memref<80x128xf32, #tpu.memory_space<vmem>>)
      tpu.yield
    }) : () -> ()
    %add3A_28 = arith.constant 0 : i32
    %add3A_29 = arith.addi %mul3A_2, %add3A_28 : i32
    "tpu.region"() ({
      %run_scoped3A = tpu.sem_alloc : memref<!tpu.dma_semaphore, #tpu.memory_space<semaphore_mem>>
      %dma_start3A = arith.constant 0 : i32
      %dma_start3A_58 = tpu.memref_slice %arg7[%arg0, %add3A_29, %dma_start3A] : memref<2x10240x128xf32, #tpu.memory_space<hbm>> -> memref<1x80x128xf32, #tpu.memory_space<hbm>>
      %dma_start3A_59 = tpu.memref_squeeze %dma_start3A_58 : memref<1x80x128xf32, #tpu.memory_space<hbm>> -> memref<80x128xf32, #tpu.memory_space<hbm>>
      %dma_start3A_60 = arith.constant 0 : i32
      %dma_start3A_61 = tpu.memref_slice %arg7[%arg0, %add3A_29, %dma_start3A_60] : memref<2x10240x128xf32, #tpu.memory_space<hbm>> -> memref<1x80x128xf32, #tpu.memory_space<hbm>>
      %dma_start3A_62 = tpu.memref_squeeze %dma_start3A_61 : memref<1x80x128xf32, #tpu.memory_space<hbm>> -> memref<80x128xf32, #tpu.memory_space<hbm>>
      tpu.enqueue_dma source(%arg10 : memref<80x128xf32, #tpu.memory_space<vmem>>) target(%dma_start3A_62 : memref<80x128xf32, #tpu.memory_space<hbm>>) target_semaphore(%run_scoped3A : memref<!tpu.dma_semaphore, #tpu.memory_space<semaphore_mem>>)
      %dma_wait3A = arith.constant 0 : i32
      %dma_wait3A_63 = tpu.memref_slice %arg7[%arg0, %add3A_29, %dma_wait3A] : memref<2x10240x128xf32, #tpu.memory_space<hbm>> -> memref<1x80x128xf32, #tpu.memory_space<hbm>>
      %dma_wait3A_64 = tpu.memref_squeeze %dma_wait3A_63 : memref<1x80x128xf32, #tpu.memory_space<hbm>> -> memref<80x128xf32, #tpu.memory_space<hbm>>
      %dma_wait3A_65 = arith.constant 0 : i32
      %dma_wait3A_66 = tpu.memref_slice %arg7[%arg0, %add3A_29, %dma_wait3A_65] : memref<2x10240x128xf32, #tpu.memory_space<hbm>> -> memref<1x80x128xf32, #tpu.memory_space<hbm>>
      %dma_wait3A_67 = tpu.memref_squeeze %dma_wait3A_66 : memref<1x80x128xf32, #tpu.memory_space<hbm>> -> memref<80x128xf32, #tpu.memory_space<hbm>>
      tpu.wait_dma2 semaphore(%run_scoped3A : memref<!tpu.dma_semaphore, #tpu.memory_space<semaphore_mem>>) src(%arg10 : memref<80x128xf32, #tpu.memory_space<vmem>>) dst(%dma_wait3A_67 : memref<80x128xf32, #tpu.memory_space<hbm>>)
      tpu.yield
    }) : () -> ()
    %add3A_30 = arith.constant 80 : i32
    %add3A_31 = arith.addi %mul3A_2, %add3A_30 : i32
    "tpu.region"() ({
      %run_scoped3A = tpu.sem_alloc : memref<!tpu.dma_semaphore, #tpu.memory_space<semaphore_mem>>
      %dma_start3A = arith.constant 0 : i32
      %dma_start3A_58 = tpu.memref_slice %arg12[%add3A_31, %dma_start3A] : memref<10240x128xf32, #tpu.memory_space<vmem_shared>> -> memref<80x128xf32, #tpu.memory_space<vmem_shared>>
      %dma_start3A_59 = arith.constant 0 : i32
      %dma_start3A_60 = tpu.memref_slice %arg12[%add3A_31, %dma_start3A_59] : memref<10240x128xf32, #tpu.memory_space<vmem_shared>> -> memref<80x128xf32, #tpu.memory_space<vmem_shared>>
      tpu.enqueue_dma source(%dma_start3A_60 : memref<80x128xf32, #tpu.memory_space<vmem_shared>>) target(%arg10 : memref<80x128xf32, #tpu.memory_space<vmem>>) target_semaphore(%run_scoped3A : memref<!tpu.dma_semaphore, #tpu.memory_space<semaphore_mem>>)
      %dma_wait3A = arith.constant 0 : i32
      %dma_wait3A_61 = tpu.memref_slice %arg12[%add3A_31, %dma_wait3A] : memref<10240x128xf32, #tpu.memory_space<vmem_shared>> -> memref<80x128xf32, #tpu.memory_space<vmem_shared>>
      %dma_wait3A_62 = arith.constant 0 : i32
      %dma_wait3A_63 = tpu.memref_slice %arg12[%add3A_31, %dma_wait3A_62] : memref<10240x128xf32, #tpu.memory_space<vmem_shared>> -> memref<80x128xf32, #tpu.memory_space<vmem_shared>>
      tpu.wait_dma2 semaphore(%run_scoped3A : memref<!tpu.dma_semaphore, #tpu.memory_space<semaphore_mem>>) src(%dma_wait3A_63 : memref<80x128xf32, #tpu.memory_space<vmem_shared>>) dst(%arg10 : memref<80x128xf32, #tpu.memory_space<vmem>>)
      tpu.yield
    }) : () -> ()
    %add3A_32 = arith.constant 80 : i32
    %add3A_33 = arith.addi %mul3A_2, %add3A_32 : i32
    "tpu.region"() ({
      %run_scoped3A = tpu.sem_alloc : memref<!tpu.dma_semaphore, #tpu.memory_space<semaphore_mem>>
      %dma_start3A = arith.constant 0 : i32
      %dma_start3A_58 = tpu.memref_slice %arg7[%arg0, %add3A_33, %dma_start3A] : memref<2x10240x128xf32, #tpu.memory_space<hbm>> -> memref<1x80x128xf32, #tpu.memory_space<hbm>>
      %dma_start3A_59 = tpu.memref_squeeze %dma_start3A_58 : memref<1x80x128xf32, #tpu.memory_space<hbm>> -> memref<80x128xf32, #tpu.memory_space<hbm>>
      %dma_start3A_60 = arith.constant 0 : i32
      %dma_start3A_61 = tpu.memref_slice %arg7[%arg0, %add3A_33, %dma_start3A_60] : memref<2x10240x128xf32, #tpu.memory_space<hbm>> -> memref<1x80x128xf32, #tpu.memory_space<hbm>>
      %dma_start3A_62 = tpu.memref_squeeze %dma_start3A_61 : memref<1x80x128xf32, #tpu.memory_space<hbm>> -> memref<80x128xf32, #tpu.memory_space<hbm>>
      tpu.enqueue_dma source(%arg10 : memref<80x128xf32, #tpu.memory_space<vmem>>) target(%dma_start3A_62 : memref<80x128xf32, #tpu.memory_space<hbm>>) target_semaphore(%run_scoped3A : memref<!tpu.dma_semaphore, #tpu.memory_space<semaphore_mem>>)
      %dma_wait3A = arith.constant 0 : i32
      %dma_wait3A_63 = tpu.memref_slice %arg7[%arg0, %add3A_33, %dma_wait3A] : memref<2x10240x128xf32, #tpu.memory_space<hbm>> -> memref<1x80x128xf32, #tpu.memory_space<hbm>>
      %dma_wait3A_64 = tpu.memref_squeeze %dma_wait3A_63 : memref<1x80x128xf32, #tpu.memory_space<hbm>> -> memref<80x128xf32, #tpu.memory_space<hbm>>
      %dma_wait3A_65 = arith.constant 0 : i32
      %dma_wait3A_66 = tpu.memref_slice %arg7[%arg0, %add3A_33, %dma_wait3A_65] : memref<2x10240x128xf32, #tpu.memory_space<hbm>> -> memref<1x80x128xf32, #tpu.memory_space<hbm>>
      %dma_wait3A_67 = tpu.memref_squeeze %dma_wait3A_66 : memref<1x80x128xf32, #tpu.memory_space<hbm>> -> memref<80x128xf32, #tpu.memory_space<hbm>>
      tpu.wait_dma2 semaphore(%run_scoped3A : memref<!tpu.dma_semaphore, #tpu.memory_space<semaphore_mem>>) src(%arg10 : memref<80x128xf32, #tpu.memory_space<vmem>>) dst(%dma_wait3A_67 : memref<80x128xf32, #tpu.memory_space<hbm>>)
      tpu.yield
    }) : () -> ()
    %add3A_34 = arith.constant 160 : i32
    %add3A_35 = arith.addi %mul3A_2, %add3A_34 : i32
    "tpu.region"() ({
      %run_scoped3A = tpu.sem_alloc : memref<!tpu.dma_semaphore, #tpu.memory_space<semaphore_mem>>
      %dma_start3A = arith.constant 0 : i32
      %dma_start3A_58 = tpu.memref_slice %arg12[%add3A_35, %dma_start3A] : memref<10240x128xf32, #tpu.memory_space<vmem_shared>> -> memref<80x128xf32, #tpu.memory_space<vmem_shared>>
      %dma_start3A_59 = arith.constant 0 : i32
      %dma_start3A_60 = tpu.memref_slice %arg12[%add3A_35, %dma_start3A_59] : memref<10240x128xf32, #tpu.memory_space<vmem_shared>> -> memref<80x128xf32, #tpu.memory_space<vmem_shared>>
      tpu.enqueue_dma source(%dma_start3A_60 : memref<80x128xf32, #tpu.memory_space<vmem_shared>>) target(%arg10 : memref<80x128xf32, #tpu.memory_space<vmem>>) target_semaphore(%run_scoped3A : memref<!tpu.dma_semaphore, #tpu.memory_space<semaphore_mem>>)
      %dma_wait3A = arith.constant 0 : i32
      %dma_wait3A_61 = tpu.memref_slice %arg12[%add3A_35, %dma_wait3A] : memref<10240x128xf32, #tpu.memory_space<vmem_shared>> -> memref<80x128xf32, #tpu.memory_space<vmem_shared>>
      %dma_wait3A_62 = arith.constant 0 : i32
      %dma_wait3A_63 = tpu.memref_slice %arg12[%add3A_35, %dma_wait3A_62] : memref<10240x128xf32, #tpu.memory_space<vmem_shared>> -> memref<80x128xf32, #tpu.memory_space<vmem_shared>>
      tpu.wait_dma2 semaphore(%run_scoped3A : memref<!tpu.dma_semaphore, #tpu.memory_space<semaphore_mem>>) src(%dma_wait3A_63 : memref<80x128xf32, #tpu.memory_space<vmem_shared>>) dst(%arg10 : memref<80x128xf32, #tpu.memory_space<vmem>>)
      tpu.yield
    }) : () -> ()
    %add3A_36 = arith.constant 160 : i32
    %add3A_37 = arith.addi %mul3A_2, %add3A_36 : i32
    "tpu.region"() ({
      %run_scoped3A = tpu.sem_alloc : memref<!tpu.dma_semaphore, #tpu.memory_space<semaphore_mem>>
      %dma_start3A = arith.constant 0 : i32
      %dma_start3A_58 = tpu.memref_slice %arg7[%arg0, %add3A_37, %dma_start3A] : memref<2x10240x128xf32, #tpu.memory_space<hbm>> -> memref<1x80x128xf32, #tpu.memory_space<hbm>>
      %dma_start3A_59 = tpu.memref_squeeze %dma_start3A_58 : memref<1x80x128xf32, #tpu.memory_space<hbm>> -> memref<80x128xf32, #tpu.memory_space<hbm>>
      %dma_start3A_60 = arith.constant 0 : i32
      %dma_start3A_61 = tpu.memref_slice %arg7[%arg0, %add3A_37, %dma_start3A_60] : memref<2x10240x128xf32, #tpu.memory_space<hbm>> -> memref<1x80x128xf32, #tpu.memory_space<hbm>>
      %dma_start3A_62 = tpu.memref_squeeze %dma_start3A_61 : memref<1x80x128xf32, #tpu.memory_space<hbm>> -> memref<80x128xf32, #tpu.memory_space<hbm>>
      tpu.enqueue_dma source(%arg10 : memref<80x128xf32, #tpu.memory_space<vmem>>) target(%dma_start3A_62 : memref<80x128xf32, #tpu.memory_space<hbm>>) target_semaphore(%run_scoped3A : memref<!tpu.dma_semaphore, #tpu.memory_space<semaphore_mem>>)
      %dma_wait3A = arith.constant 0 : i32
      %dma_wait3A_63 = tpu.memref_slice %arg7[%arg0, %add3A_37, %dma_wait3A] : memref<2x10240x128xf32, #tpu.memory_space<hbm>> -> memref<1x80x128xf32, #tpu.memory_space<hbm>>
      %dma_wait3A_64 = tpu.memref_squeeze %dma_wait3A_63 : memref<1x80x128xf32, #tpu.memory_space<hbm>> -> memref<80x128xf32, #tpu.memory_space<hbm>>
      %dma_wait3A_65 = arith.constant 0 : i32
      %dma_wait3A_66 = tpu.memref_slice %arg7[%arg0, %add3A_37, %dma_wait3A_65] : memref<2x10240x128xf32, #tpu.memory_space<hbm>> -> memref<1x80x128xf32, #tpu.memory_space<hbm>>
      %dma_wait3A_67 = tpu.memref_squeeze %dma_wait3A_66 : memref<1x80x128xf32, #tpu.memory_space<hbm>> -> memref<80x128xf32, #tpu.memory_space<hbm>>
      tpu.wait_dma2 semaphore(%run_scoped3A : memref<!tpu.dma_semaphore, #tpu.memory_space<semaphore_mem>>) src(%arg10 : memref<80x128xf32, #tpu.memory_space<vmem>>) dst(%dma_wait3A_67 : memref<80x128xf32, #tpu.memory_space<hbm>>)
      tpu.yield
    }) : () -> ()
    %add3A_38 = arith.constant 240 : i32
    %add3A_39 = arith.addi %mul3A_2, %add3A_38 : i32
    "tpu.region"() ({
      %run_scoped3A = tpu.sem_alloc : memref<!tpu.dma_semaphore, #tpu.memory_space<semaphore_mem>>
      %dma_start3A = arith.constant 0 : i32
      %dma_start3A_58 = tpu.memref_slice %arg12[%add3A_39, %dma_start3A] : memref<10240x128xf32, #tpu.memory_space<vmem_shared>> -> memref<80x128xf32, #tpu.memory_space<vmem_shared>>
      %dma_start3A_59 = arith.constant 0 : i32
      %dma_start3A_60 = tpu.memref_slice %arg12[%add3A_39, %dma_start3A_59] : memref<10240x128xf32, #tpu.memory_space<vmem_shared>> -> memref<80x128xf32, #tpu.memory_space<vmem_shared>>
      tpu.enqueue_dma source(%dma_start3A_60 : memref<80x128xf32, #tpu.memory_space<vmem_shared>>) target(%arg10 : memref<80x128xf32, #tpu.memory_space<vmem>>) target_semaphore(%run_scoped3A : memref<!tpu.dma_semaphore, #tpu.memory_space<semaphore_mem>>)
      %dma_wait3A = arith.constant 0 : i32
      %dma_wait3A_61 = tpu.memref_slice %arg12[%add3A_39, %dma_wait3A] : memref<10240x128xf32, #tpu.memory_space<vmem_shared>> -> memref<80x128xf32, #tpu.memory_space<vmem_shared>>
      %dma_wait3A_62 = arith.constant 0 : i32
      %dma_wait3A_63 = tpu.memref_slice %arg12[%add3A_39, %dma_wait3A_62] : memref<10240x128xf32, #tpu.memory_space<vmem_shared>> -> memref<80x128xf32, #tpu.memory_space<vmem_shared>>
      tpu.wait_dma2 semaphore(%run_scoped3A : memref<!tpu.dma_semaphore, #tpu.memory_space<semaphore_mem>>) src(%dma_wait3A_63 : memref<80x128xf32, #tpu.memory_space<vmem_shared>>) dst(%arg10 : memref<80x128xf32, #tpu.memory_space<vmem>>)
      tpu.yield
    }) : () -> ()
    %add3A_40 = arith.constant 240 : i32
    %add3A_41 = arith.addi %mul3A_2, %add3A_40 : i32
    "tpu.region"() ({
      %run_scoped3A = tpu.sem_alloc : memref<!tpu.dma_semaphore, #tpu.memory_space<semaphore_mem>>
      %dma_start3A = arith.constant 0 : i32
      %dma_start3A_58 = tpu.memref_slice %arg7[%arg0, %add3A_41, %dma_start3A] : memref<2x10240x128xf32, #tpu.memory_space<hbm>> -> memref<1x80x128xf32, #tpu.memory_space<hbm>>
      %dma_start3A_59 = tpu.memref_squeeze %dma_start3A_58 : memref<1x80x128xf32, #tpu.memory_space<hbm>> -> memref<80x128xf32, #tpu.memory_space<hbm>>
      %dma_start3A_60 = arith.constant 0 : i32
      %dma_start3A_61 = tpu.memref_slice %arg7[%arg0, %add3A_41, %dma_start3A_60] : memref<2x10240x128xf32, #tpu.memory_space<hbm>> -> memref<1x80x128xf32, #tpu.memory_space<hbm>>
      %dma_start3A_62 = tpu.memref_squeeze %dma_start3A_61 : memref<1x80x128xf32, #tpu.memory_space<hbm>> -> memref<80x128xf32, #tpu.memory_space<hbm>>
      tpu.enqueue_dma source(%arg10 : memref<80x128xf32, #tpu.memory_space<vmem>>) target(%dma_start3A_62 : memref<80x128xf32, #tpu.memory_space<hbm>>) target_semaphore(%run_scoped3A : memref<!tpu.dma_semaphore, #tpu.memory_space<semaphore_mem>>)
      %dma_wait3A = arith.constant 0 : i32
      %dma_wait3A_63 = tpu.memref_slice %arg7[%arg0, %add3A_41, %dma_wait3A] : memref<2x10240x128xf32, #tpu.memory_space<hbm>> -> memref<1x80x128xf32, #tpu.memory_space<hbm>>
      %dma_wait3A_64 = tpu.memref_squeeze %dma_wait3A_63 : memref<1x80x128xf32, #tpu.memory_space<hbm>> -> memref<80x128xf32, #tpu.memory_space<hbm>>
      %dma_wait3A_65 = arith.constant 0 : i32
      %dma_wait3A_66 = tpu.memref_slice %arg7[%arg0, %add3A_41, %dma_wait3A_65] : memref<2x10240x128xf32, #tpu.memory_space<hbm>> -> memref<1x80x128xf32, #tpu.memory_space<hbm>>
      %dma_wait3A_67 = tpu.memref_squeeze %dma_wait3A_66 : memref<1x80x128xf32, #tpu.memory_space<hbm>> -> memref<80x128xf32, #tpu.memory_space<hbm>>
      tpu.wait_dma2 semaphore(%run_scoped3A : memref<!tpu.dma_semaphore, #tpu.memory_space<semaphore_mem>>) src(%arg10 : memref<80x128xf32, #tpu.memory_space<vmem>>) dst(%dma_wait3A_67 : memref<80x128xf32, #tpu.memory_space<hbm>>)
      tpu.yield
    }) : () -> ()
    %add3A_42 = arith.constant 320 : i32
    %add3A_43 = arith.addi %mul3A_2, %add3A_42 : i32
    "tpu.region"() ({
      %run_scoped3A = tpu.sem_alloc : memref<!tpu.dma_semaphore, #tpu.memory_space<semaphore_mem>>
      %dma_start3A = arith.constant 0 : i32
      %dma_start3A_58 = tpu.memref_slice %arg12[%add3A_43, %dma_start3A] : memref<10240x128xf32, #tpu.memory_space<vmem_shared>> -> memref<80x128xf32, #tpu.memory_space<vmem_shared>>
      %dma_start3A_59 = arith.constant 0 : i32
      %dma_start3A_60 = tpu.memref_slice %arg12[%add3A_43, %dma_start3A_59] : memref<10240x128xf32, #tpu.memory_space<vmem_shared>> -> memref<80x128xf32, #tpu.memory_space<vmem_shared>>
      tpu.enqueue_dma source(%dma_start3A_60 : memref<80x128xf32, #tpu.memory_space<vmem_shared>>) target(%arg10 : memref<80x128xf32, #tpu.memory_space<vmem>>) target_semaphore(%run_scoped3A : memref<!tpu.dma_semaphore, #tpu.memory_space<semaphore_mem>>)
      %dma_wait3A = arith.constant 0 : i32
      %dma_wait3A_61 = tpu.memref_slice %arg12[%add3A_43, %dma_wait3A] : memref<10240x128xf32, #tpu.memory_space<vmem_shared>> -> memref<80x128xf32, #tpu.memory_space<vmem_shared>>
      %dma_wait3A_62 = arith.constant 0 : i32
      %dma_wait3A_63 = tpu.memref_slice %arg12[%add3A_43, %dma_wait3A_62] : memref<10240x128xf32, #tpu.memory_space<vmem_shared>> -> memref<80x128xf32, #tpu.memory_space<vmem_shared>>
      tpu.wait_dma2 semaphore(%run_scoped3A : memref<!tpu.dma_semaphore, #tpu.memory_space<semaphore_mem>>) src(%dma_wait3A_63 : memref<80x128xf32, #tpu.memory_space<vmem_shared>>) dst(%arg10 : memref<80x128xf32, #tpu.memory_space<vmem>>)
      tpu.yield
    }) : () -> ()
    %add3A_44 = arith.constant 320 : i32
    %add3A_45 = arith.addi %mul3A_2, %add3A_44 : i32
    "tpu.region"() ({
      %run_scoped3A = tpu.sem_alloc : memref<!tpu.dma_semaphore, #tpu.memory_space<semaphore_mem>>
      %dma_start3A = arith.constant 0 : i32
      %dma_start3A_58 = tpu.memref_slice %arg7[%arg0, %add3A_45, %dma_start3A] : memref<2x10240x128xf32, #tpu.memory_space<hbm>> -> memref<1x80x128xf32, #tpu.memory_space<hbm>>
      %dma_start3A_59 = tpu.memref_squeeze %dma_start3A_58 : memref<1x80x128xf32, #tpu.memory_space<hbm>> -> memref<80x128xf32, #tpu.memory_space<hbm>>
      %dma_start3A_60 = arith.constant 0 : i32
      %dma_start3A_61 = tpu.memref_slice %arg7[%arg0, %add3A_45, %dma_start3A_60] : memref<2x10240x128xf32, #tpu.memory_space<hbm>> -> memref<1x80x128xf32, #tpu.memory_space<hbm>>
      %dma_start3A_62 = tpu.memref_squeeze %dma_start3A_61 : memref<1x80x128xf32, #tpu.memory_space<hbm>> -> memref<80x128xf32, #tpu.memory_space<hbm>>
      tpu.enqueue_dma source(%arg10 : memref<80x128xf32, #tpu.memory_space<vmem>>) target(%dma_start3A_62 : memref<80x128xf32, #tpu.memory_space<hbm>>) target_semaphore(%run_scoped3A : memref<!tpu.dma_semaphore, #tpu.memory_space<semaphore_mem>>)
      %dma_wait3A = arith.constant 0 : i32
      %dma_wait3A_63 = tpu.memref_slice %arg7[%arg0, %add3A_45, %dma_wait3A] : memref<2x10240x128xf32, #tpu.memory_space<hbm>> -> memref<1x80x128xf32, #tpu.memory_space<hbm>>
      %dma_wait3A_64 = tpu.memref_squeeze %dma_wait3A_63 : memref<1x80x128xf32, #tpu.memory_space<hbm>> -> memref<80x128xf32, #tpu.memory_space<hbm>>
      %dma_wait3A_65 = arith.constant 0 : i32
      %dma_wait3A_66 = tpu.memref_slice %arg7[%arg0, %add3A_45, %dma_wait3A_65] : memref<2x10240x128xf32, #tpu.memory_space<hbm>> -> memref<1x80x128xf32, #tpu.memory_space<hbm>>
      %dma_wait3A_67 = tpu.memref_squeeze %dma_wait3A_66 : memref<1x80x128xf32, #tpu.memory_space<hbm>> -> memref<80x128xf32, #tpu.memory_space<hbm>>
      tpu.wait_dma2 semaphore(%run_scoped3A : memref<!tpu.dma_semaphore, #tpu.memory_space<semaphore_mem>>) src(%arg10 : memref<80x128xf32, #tpu.memory_space<vmem>>) dst(%dma_wait3A_67 : memref<80x128xf32, #tpu.memory_space<hbm>>)
      tpu.yield
    }) : () -> ()
    %add3A_46 = arith.constant 400 : i32
    %add3A_47 = arith.addi %mul3A_2, %add3A_46 : i32
    "tpu.region"() ({
      %run_scoped3A = tpu.sem_alloc : memref<!tpu.dma_semaphore, #tpu.memory_space<semaphore_mem>>
      %dma_start3A = arith.constant 0 : i32
      %dma_start3A_58 = tpu.memref_slice %arg12[%add3A_47, %dma_start3A] : memref<10240x128xf32, #tpu.memory_space<vmem_shared>> -> memref<80x128xf32, #tpu.memory_space<vmem_shared>>
      %dma_start3A_59 = arith.constant 0 : i32
      %dma_start3A_60 = tpu.memref_slice %arg12[%add3A_47, %dma_start3A_59] : memref<10240x128xf32, #tpu.memory_space<vmem_shared>> -> memref<80x128xf32, #tpu.memory_space<vmem_shared>>
      tpu.enqueue_dma source(%dma_start3A_60 : memref<80x128xf32, #tpu.memory_space<vmem_shared>>) target(%arg10 : memref<80x128xf32, #tpu.memory_space<vmem>>) target_semaphore(%run_scoped3A : memref<!tpu.dma_semaphore, #tpu.memory_space<semaphore_mem>>)
      %dma_wait3A = arith.constant 0 : i32
      %dma_wait3A_61 = tpu.memref_slice %arg12[%add3A_47, %dma_wait3A] : memref<10240x128xf32, #tpu.memory_space<vmem_shared>> -> memref<80x128xf32, #tpu.memory_space<vmem_shared>>
      %dma_wait3A_62 = arith.constant 0 : i32
      %dma_wait3A_63 = tpu.memref_slice %arg12[%add3A_47, %dma_wait3A_62] : memref<10240x128xf32, #tpu.memory_space<vmem_shared>> -> memref<80x128xf32, #tpu.memory_space<vmem_shared>>
      tpu.wait_dma2 semaphore(%run_scoped3A : memref<!tpu.dma_semaphore, #tpu.memory_space<semaphore_mem>>) src(%dma_wait3A_63 : memref<80x128xf32, #tpu.memory_space<vmem_shared>>) dst(%arg10 : memref<80x128xf32, #tpu.memory_space<vmem>>)
      tpu.yield
    }) : () -> ()
    %add3A_48 = arith.constant 400 : i32
    %add3A_49 = arith.addi %mul3A_2, %add3A_48 : i32
    "tpu.region"() ({
      %run_scoped3A = tpu.sem_alloc : memref<!tpu.dma_semaphore, #tpu.memory_space<semaphore_mem>>
      %dma_start3A = arith.constant 0 : i32
      %dma_start3A_58 = tpu.memref_slice %arg7[%arg0, %add3A_49, %dma_start3A] : memref<2x10240x128xf32, #tpu.memory_space<hbm>> -> memref<1x80x128xf32, #tpu.memory_space<hbm>>
      %dma_start3A_59 = tpu.memref_squeeze %dma_start3A_58 : memref<1x80x128xf32, #tpu.memory_space<hbm>> -> memref<80x128xf32, #tpu.memory_space<hbm>>
      %dma_start3A_60 = arith.constant 0 : i32
      %dma_start3A_61 = tpu.memref_slice %arg7[%arg0, %add3A_49, %dma_start3A_60] : memref<2x10240x128xf32, #tpu.memory_space<hbm>> -> memref<1x80x128xf32, #tpu.memory_space<hbm>>
      %dma_start3A_62 = tpu.memref_squeeze %dma_start3A_61 : memref<1x80x128xf32, #tpu.memory_space<hbm>> -> memref<80x128xf32, #tpu.memory_space<hbm>>
      tpu.enqueue_dma source(%arg10 : memref<80x128xf32, #tpu.memory_space<vmem>>) target(%dma_start3A_62 : memref<80x128xf32, #tpu.memory_space<hbm>>) target_semaphore(%run_scoped3A : memref<!tpu.dma_semaphore, #tpu.memory_space<semaphore_mem>>)
      %dma_wait3A = arith.constant 0 : i32
      %dma_wait3A_63 = tpu.memref_slice %arg7[%arg0, %add3A_49, %dma_wait3A] : memref<2x10240x128xf32, #tpu.memory_space<hbm>> -> memref<1x80x128xf32, #tpu.memory_space<hbm>>
      %dma_wait3A_64 = tpu.memref_squeeze %dma_wait3A_63 : memref<1x80x128xf32, #tpu.memory_space<hbm>> -> memref<80x128xf32, #tpu.memory_space<hbm>>
      %dma_wait3A_65 = arith.constant 0 : i32
      %dma_wait3A_66 = tpu.memref_slice %arg7[%arg0, %add3A_49, %dma_wait3A_65] : memref<2x10240x128xf32, #tpu.memory_space<hbm>> -> memref<1x80x128xf32, #tpu.memory_space<hbm>>
      %dma_wait3A_67 = tpu.memref_squeeze %dma_wait3A_66 : memref<1x80x128xf32, #tpu.memory_space<hbm>> -> memref<80x128xf32, #tpu.memory_space<hbm>>
      tpu.wait_dma2 semaphore(%run_scoped3A : memref<!tpu.dma_semaphore, #tpu.memory_space<semaphore_mem>>) src(%arg10 : memref<80x128xf32, #tpu.memory_space<vmem>>) dst(%dma_wait3A_67 : memref<80x128xf32, #tpu.memory_space<hbm>>)
      tpu.yield
    }) : () -> ()
    %add3A_50 = arith.constant 480 : i32
    %add3A_51 = arith.addi %mul3A_2, %add3A_50 : i32
    "tpu.region"() ({
      %run_scoped3A = tpu.sem_alloc : memref<!tpu.dma_semaphore, #tpu.memory_space<semaphore_mem>>
      %dma_start3A = arith.constant 0 : i32
      %dma_start3A_58 = tpu.memref_slice %arg12[%add3A_51, %dma_start3A] : memref<10240x128xf32, #tpu.memory_space<vmem_shared>> -> memref<80x128xf32, #tpu.memory_space<vmem_shared>>
      %dma_start3A_59 = arith.constant 0 : i32
      %dma_start3A_60 = tpu.memref_slice %arg12[%add3A_51, %dma_start3A_59] : memref<10240x128xf32, #tpu.memory_space<vmem_shared>> -> memref<80x128xf32, #tpu.memory_space<vmem_shared>>
      tpu.enqueue_dma source(%dma_start3A_60 : memref<80x128xf32, #tpu.memory_space<vmem_shared>>) target(%arg10 : memref<80x128xf32, #tpu.memory_space<vmem>>) target_semaphore(%run_scoped3A : memref<!tpu.dma_semaphore, #tpu.memory_space<semaphore_mem>>)
      %dma_wait3A = arith.constant 0 : i32
      %dma_wait3A_61 = tpu.memref_slice %arg12[%add3A_51, %dma_wait3A] : memref<10240x128xf32, #tpu.memory_space<vmem_shared>> -> memref<80x128xf32, #tpu.memory_space<vmem_shared>>
      %dma_wait3A_62 = arith.constant 0 : i32
      %dma_wait3A_63 = tpu.memref_slice %arg12[%add3A_51, %dma_wait3A_62] : memref<10240x128xf32, #tpu.memory_space<vmem_shared>> -> memref<80x128xf32, #tpu.memory_space<vmem_shared>>
      tpu.wait_dma2 semaphore(%run_scoped3A : memref<!tpu.dma_semaphore, #tpu.memory_space<semaphore_mem>>) src(%dma_wait3A_63 : memref<80x128xf32, #tpu.memory_space<vmem_shared>>) dst(%arg10 : memref<80x128xf32, #tpu.memory_space<vmem>>)
      tpu.yield
    }) : () -> ()
    %add3A_52 = arith.constant 480 : i32
    %add3A_53 = arith.addi %mul3A_2, %add3A_52 : i32
    "tpu.region"() ({
      %run_scoped3A = tpu.sem_alloc : memref<!tpu.dma_semaphore, #tpu.memory_space<semaphore_mem>>
      %dma_start3A = arith.constant 0 : i32
      %dma_start3A_58 = tpu.memref_slice %arg7[%arg0, %add3A_53, %dma_start3A] : memref<2x10240x128xf32, #tpu.memory_space<hbm>> -> memref<1x80x128xf32, #tpu.memory_space<hbm>>
      %dma_start3A_59 = tpu.memref_squeeze %dma_start3A_58 : memref<1x80x128xf32, #tpu.memory_space<hbm>> -> memref<80x128xf32, #tpu.memory_space<hbm>>
      %dma_start3A_60 = arith.constant 0 : i32
      %dma_start3A_61 = tpu.memref_slice %arg7[%arg0, %add3A_53, %dma_start3A_60] : memref<2x10240x128xf32, #tpu.memory_space<hbm>> -> memref<1x80x128xf32, #tpu.memory_space<hbm>>
      %dma_start3A_62 = tpu.memref_squeeze %dma_start3A_61 : memref<1x80x128xf32, #tpu.memory_space<hbm>> -> memref<80x128xf32, #tpu.memory_space<hbm>>
      tpu.enqueue_dma source(%arg10 : memref<80x128xf32, #tpu.memory_space<vmem>>) target(%dma_start3A_62 : memref<80x128xf32, #tpu.memory_space<hbm>>) target_semaphore(%run_scoped3A : memref<!tpu.dma_semaphore, #tpu.memory_space<semaphore_mem>>)
      %dma_wait3A = arith.constant 0 : i32
      %dma_wait3A_63 = tpu.memref_slice %arg7[%arg0, %add3A_53, %dma_wait3A] : memref<2x10240x128xf32, #tpu.memory_space<hbm>> -> memref<1x80x128xf32, #tpu.memory_space<hbm>>
      %dma_wait3A_64 = tpu.memref_squeeze %dma_wait3A_63 : memref<1x80x128xf32, #tpu.memory_space<hbm>> -> memref<80x128xf32, #tpu.memory_space<hbm>>
      %dma_wait3A_65 = arith.constant 0 : i32
      %dma_wait3A_66 = tpu.memref_slice %arg7[%arg0, %add3A_53, %dma_wait3A_65] : memref<2x10240x128xf32, #tpu.memory_space<hbm>> -> memref<1x80x128xf32, #tpu.memory_space<hbm>>
      %dma_wait3A_67 = tpu.memref_squeeze %dma_wait3A_66 : memref<1x80x128xf32, #tpu.memory_space<hbm>> -> memref<80x128xf32, #tpu.memory_space<hbm>>
      tpu.wait_dma2 semaphore(%run_scoped3A : memref<!tpu.dma_semaphore, #tpu.memory_space<semaphore_mem>>) src(%arg10 : memref<80x128xf32, #tpu.memory_space<vmem>>) dst(%dma_wait3A_67 : memref<80x128xf32, #tpu.memory_space<hbm>>)
      tpu.yield
    }) : () -> ()
    %add3A_54 = arith.constant 560 : i32
    %add3A_55 = arith.addi %mul3A_2, %add3A_54 : i32
    "tpu.region"() ({
      %run_scoped3A = tpu.sem_alloc : memref<!tpu.dma_semaphore, #tpu.memory_space<semaphore_mem>>
      %dma_start3A = arith.constant 0 : i32
      %dma_start3A_58 = tpu.memref_slice %arg12[%add3A_55, %dma_start3A] : memref<10240x128xf32, #tpu.memory_space<vmem_shared>> -> memref<80x128xf32, #tpu.memory_space<vmem_shared>>
      %dma_start3A_59 = arith.constant 0 : i32
      %dma_start3A_60 = tpu.memref_slice %arg12[%add3A_55, %dma_start3A_59] : memref<10240x128xf32, #tpu.memory_space<vmem_shared>> -> memref<80x128xf32, #tpu.memory_space<vmem_shared>>
      tpu.enqueue_dma source(%dma_start3A_60 : memref<80x128xf32, #tpu.memory_space<vmem_shared>>) target(%arg10 : memref<80x128xf32, #tpu.memory_space<vmem>>) target_semaphore(%run_scoped3A : memref<!tpu.dma_semaphore, #tpu.memory_space<semaphore_mem>>)
      %dma_wait3A = arith.constant 0 : i32
      %dma_wait3A_61 = tpu.memref_slice %arg12[%add3A_55, %dma_wait3A] : memref<10240x128xf32, #tpu.memory_space<vmem_shared>> -> memref<80x128xf32, #tpu.memory_space<vmem_shared>>
      %dma_wait3A_62 = arith.constant 0 : i32
      %dma_wait3A_63 = tpu.memref_slice %arg12[%add3A_55, %dma_wait3A_62] : memref<10240x128xf32, #tpu.memory_space<vmem_shared>> -> memref<80x128xf32, #tpu.memory_space<vmem_shared>>
      tpu.wait_dma2 semaphore(%run_scoped3A : memref<!tpu.dma_semaphore, #tpu.memory_space<semaphore_mem>>) src(%dma_wait3A_63 : memref<80x128xf32, #tpu.memory_space<vmem_shared>>) dst(%arg10 : memref<80x128xf32, #tpu.memory_space<vmem>>)
      tpu.yield
    }) : () -> ()
    %add3A_56 = arith.constant 560 : i32
    %add3A_57 = arith.addi %mul3A_2, %add3A_56 : i32
    "tpu.region"() ({
      %run_scoped3A = tpu.sem_alloc : memref<!tpu.dma_semaphore, #tpu.memory_space<semaphore_mem>>
      %dma_start3A = arith.constant 0 : i32
      %dma_start3A_58 = tpu.memref_slice %arg7[%arg0, %add3A_57, %dma_start3A] : memref<2x10240x128xf32, #tpu.memory_space<hbm>> -> memref<1x80x128xf32, #tpu.memory_space<hbm>>
      %dma_start3A_59 = tpu.memref_squeeze %dma_start3A_58 : memref<1x80x128xf32, #tpu.memory_space<hbm>> -> memref<80x128xf32, #tpu.memory_space<hbm>>
      %dma_start3A_60 = arith.constant 0 : i32
      %dma_start3A_61 = tpu.memref_slice %arg7[%arg0, %add3A_57, %dma_start3A_60] : memref<2x10240x128xf32, #tpu.memory_space<hbm>> -> memref<1x80x128xf32, #tpu.memory_space<hbm>>
      %dma_start3A_62 = tpu.memref_squeeze %dma_start3A_61 : memref<1x80x128xf32, #tpu.memory_space<hbm>> -> memref<80x128xf32, #tpu.memory_space<hbm>>
      tpu.enqueue_dma source(%arg10 : memref<80x128xf32, #tpu.memory_space<vmem>>) target(%dma_start3A_62 : memref<80x128xf32, #tpu.memory_space<hbm>>) target_semaphore(%run_scoped3A : memref<!tpu.dma_semaphore, #tpu.memory_space<semaphore_mem>>)
      %dma_wait3A = arith.constant 0 : i32
      %dma_wait3A_63 = tpu.memref_slice %arg7[%arg0, %add3A_57, %dma_wait3A] : memref<2x10240x128xf32, #tpu.memory_space<hbm>> -> memref<1x80x128xf32, #tpu.memory_space<hbm>>
      %dma_wait3A_64 = tpu.memref_squeeze %dma_wait3A_63 : memref<1x80x128xf32, #tpu.memory_space<hbm>> -> memref<80x128xf32, #tpu.memory_space<hbm>>
      %dma_wait3A_65 = arith.constant 0 : i32
      %dma_wait3A_66 = tpu.memref_slice %arg7[%arg0, %add3A_57, %dma_wait3A_65] : memref<2x10240x128xf32, #tpu.memory_space<hbm>> -> memref<1x80x128xf32, #tpu.memory_space<hbm>>
      %dma_wait3A_67 = tpu.memref_squeeze %dma_wait3A_66 : memref<1x80x128xf32, #tpu.memory_space<hbm>> -> memref<80x128xf32, #tpu.memory_space<hbm>>
      tpu.wait_dma2 semaphore(%run_scoped3A : memref<!tpu.dma_semaphore, #tpu.memory_space<semaphore_mem>>) src(%arg10 : memref<80x128xf32, #tpu.memory_space<vmem>>) dst(%dma_wait3A_67 : memref<80x128xf32, #tpu.memory_space<hbm>>)
      tpu.yield
    }) : () -> ()
    return
  }
}

#map = affine_map<(d0, d1) -> (0, 0)>
#map1 = affine_map<(d0, d1) -> (0)>
module attributes {stable_mosaic.version = 14 : i64} {
  func.func @mix(%arg0: i32, %arg1: i32, %arg2: memref<10000x16xf32, #tpu.memory_space<hbm>>, %arg3: memref<10000x16xf32, #tpu.memory_space<hbm>>, %arg4: memref<320000x16xf32, #tpu.memory_space<hbm>>, %arg5: memref<320000xi32, #tpu.memory_space<hbm>>, %arg6: memref<320000xi32, #tpu.memory_space<hbm>>, %arg7: memref<320000x16xf32, #tpu.memory_space<hbm>>, %arg8: memref<80xi32, #tpu.memory_space<vmem>>, %arg9: memref<80xi32, #tpu.memory_space<vmem>>, %arg10: memref<80x16xf32, #tpu.memory_space<vmem>>, %arg11: memref<80x16xf32, #tpu.memory_space<vmem>>, %arg12: memref<80x16xf32, #tpu.memory_space<vmem>>, %arg13: memref<!tpu.dma_semaphore, #tpu.memory_space<semaphore_mem>>) attributes {dimension_semantics = [#tpu.dimension_semantics<core_parallel>, #tpu.dimension_semantics<subcore_parallel>], iteration_bounds = array<i64: 2, 16>, scalar_prefetch = 0 : i64, scratch_operands = 6 : i64, tpu.core_type = #tpu.core_type<sc_vector_subcore>, window_params = [{transform_indices = #map}, {transform_indices = #map}, {transform_indices = #map}, {transform_indices = #map1}, {transform_indices = #map1}, {transform_indices = #map}]} {
    %mul3A = arith.constant 16 : i32
    %mul3A_0 = arith.muli %arg0, %mul3A : i32
    %add3A = arith.addi %mul3A_0, %arg1 : i32
    %mul3A_1 = arith.constant 10000 : i32
    %mul3A_2 = arith.muli %add3A, %mul3A_1 : i32
    %scan3A = arith.constant 0 : i32
    %scan3A_3 = arith.constant 125 : i32
    %scan3A_4 = arith.addi %scan3A, %scan3A_3 : i32
    %scan3A_5 = arith.constant 1 : i32
    scf.for %scan3A_7 = %scan3A to %scan3A_4 step %scan3A_5  : i32 {
      %mul3A_8 = arith.constant 80 : i32
      %mul3A_9 = arith.muli %scan3A_7, %mul3A_8 : i32
      %add3A_10 = arith.constant 0 : i32
      %add3A_11 = arith.addi %add3A_10, %mul3A_9 : i32
      %add3A_12 = arith.addi %mul3A_2, %add3A_11 : i32
      "tpu.region"() ({
        %run_scoped3A = tpu.sem_alloc : memref<!tpu.dma_semaphore, #tpu.memory_space<semaphore_mem>>
        %dma_start3A_31 = tpu.memref_slice %arg5[%add3A_12] : memref<320000xi32, #tpu.memory_space<hbm>> -> memref<80xi32, #tpu.memory_space<hbm>>
        %dma_start3A_32 = tpu.memref_slice %arg5[%add3A_12] : memref<320000xi32, #tpu.memory_space<hbm>> -> memref<80xi32, #tpu.memory_space<hbm>>
        tpu.enqueue_dma source(%dma_start3A_32 : memref<80xi32, #tpu.memory_space<hbm>>) target(%arg8 : memref<80xi32, #tpu.memory_space<vmem>>) target_semaphore(%run_scoped3A : memref<!tpu.dma_semaphore, #tpu.memory_space<semaphore_mem>>)
        %dma_wait3A_33 = tpu.memref_slice %arg5[%add3A_12] : memref<320000xi32, #tpu.memory_space<hbm>> -> memref<80xi32, #tpu.memory_space<hbm>>
        %dma_wait3A_34 = tpu.memref_slice %arg5[%add3A_12] : memref<320000xi32, #tpu.memory_space<hbm>> -> memref<80xi32, #tpu.memory_space<hbm>>
        tpu.wait_dma2 semaphore(%run_scoped3A : memref<!tpu.dma_semaphore, #tpu.memory_space<semaphore_mem>>) src(%dma_wait3A_34 : memref<80xi32, #tpu.memory_space<hbm>>) dst(%arg8 : memref<80xi32, #tpu.memory_space<vmem>>)
        tpu.yield
      }) : () -> ()
      %add3A_13 = arith.addi %mul3A_2, %add3A_11 : i32
      "tpu.region"() ({
        %run_scoped3A = tpu.sem_alloc : memref<!tpu.dma_semaphore, #tpu.memory_space<semaphore_mem>>
        %dma_start3A_31 = tpu.memref_slice %arg6[%add3A_13] : memref<320000xi32, #tpu.memory_space<hbm>> -> memref<80xi32, #tpu.memory_space<hbm>>
        %dma_start3A_32 = tpu.memref_slice %arg6[%add3A_13] : memref<320000xi32, #tpu.memory_space<hbm>> -> memref<80xi32, #tpu.memory_space<hbm>>
        tpu.enqueue_dma source(%dma_start3A_32 : memref<80xi32, #tpu.memory_space<hbm>>) target(%arg9 : memref<80xi32, #tpu.memory_space<vmem>>) target_semaphore(%run_scoped3A : memref<!tpu.dma_semaphore, #tpu.memory_space<semaphore_mem>>)
        %dma_wait3A_33 = tpu.memref_slice %arg6[%add3A_13] : memref<320000xi32, #tpu.memory_space<hbm>> -> memref<80xi32, #tpu.memory_space<hbm>>
        %dma_wait3A_34 = tpu.memref_slice %arg6[%add3A_13] : memref<320000xi32, #tpu.memory_space<hbm>> -> memref<80xi32, #tpu.memory_space<hbm>>
        tpu.wait_dma2 semaphore(%run_scoped3A : memref<!tpu.dma_semaphore, #tpu.memory_space<semaphore_mem>>) src(%dma_wait3A_34 : memref<80xi32, #tpu.memory_space<hbm>>) dst(%arg9 : memref<80xi32, #tpu.memory_space<vmem>>)
        tpu.yield
      }) : () -> ()
      %dma_start3A = arith.constant 0 : i32
      %dma_start3A_14 = arith.constant 0 : i32
      %dma_start3A_15 = tpu.memref_slice %arg2[%dma_start3A, %dma_start3A_14] : memref<10000x16xf32, #tpu.memory_space<hbm>> -> memref<10000x16xf32, #tpu.memory_space<hbm>>
      tpu.enqueue_indirect_dma source(%dma_start3A_15 : memref<10000x16xf32, #tpu.memory_space<hbm>>) target(%arg10 : memref<80x16xf32, #tpu.memory_space<vmem>>) offsets(%arg8 : memref<80xi32, #tpu.memory_space<vmem>>) semaphore(%arg13 : memref<!tpu.dma_semaphore, #tpu.memory_space<semaphore_mem>>)
      %dma_wait3A = arith.constant 0 : i32
      %dma_wait3A_16 = arith.constant 0 : i32
      %dma_wait3A_17 = tpu.memref_slice %arg2[%dma_wait3A, %dma_wait3A_16] : memref<10000x16xf32, #tpu.memory_space<hbm>> -> memref<10000x16xf32, #tpu.memory_space<hbm>>
      tpu.wait_indirect_dma semaphore(%arg13 : memref<!tpu.dma_semaphore, #tpu.memory_space<semaphore_mem>>) src(%dma_wait3A_17 : memref<10000x16xf32, #tpu.memory_space<hbm>>) dst(%arg10 : memref<80x16xf32, #tpu.memory_space<vmem>>)
      %dma_start3A_18 = arith.constant 0 : i32
      %dma_start3A_19 = arith.constant 0 : i32
      %dma_start3A_20 = tpu.memref_slice %arg3[%dma_start3A_18, %dma_start3A_19] : memref<10000x16xf32, #tpu.memory_space<hbm>> -> memref<10000x16xf32, #tpu.memory_space<hbm>>
      tpu.enqueue_indirect_dma source(%dma_start3A_20 : memref<10000x16xf32, #tpu.memory_space<hbm>>) target(%arg11 : memref<80x16xf32, #tpu.memory_space<vmem>>) offsets(%arg9 : memref<80xi32, #tpu.memory_space<vmem>>) semaphore(%arg13 : memref<!tpu.dma_semaphore, #tpu.memory_space<semaphore_mem>>)
      %dma_wait3A_21 = arith.constant 0 : i32
      %dma_wait3A_22 = arith.constant 0 : i32
      %dma_wait3A_23 = tpu.memref_slice %arg3[%dma_wait3A_21, %dma_wait3A_22] : memref<10000x16xf32, #tpu.memory_space<hbm>> -> memref<10000x16xf32, #tpu.memory_space<hbm>>
      tpu.wait_indirect_dma semaphore(%arg13 : memref<!tpu.dma_semaphore, #tpu.memory_space<semaphore_mem>>) src(%dma_wait3A_23 : memref<10000x16xf32, #tpu.memory_space<hbm>>) dst(%arg11 : memref<80x16xf32, #tpu.memory_space<vmem>>)
      %add3A_24 = arith.addi %mul3A_2, %add3A_11 : i32
      "tpu.region"() ({
        %run_scoped3A = tpu.sem_alloc : memref<!tpu.dma_semaphore, #tpu.memory_space<semaphore_mem>>
        %dma_start3A_31 = arith.constant 0 : i32
        %dma_start3A_32 = tpu.memref_slice %arg4[%add3A_24, %dma_start3A_31] : memref<320000x16xf32, #tpu.memory_space<hbm>> -> memref<80x16xf32, #tpu.memory_space<hbm>>
        %dma_start3A_33 = arith.constant 0 : i32
        %dma_start3A_34 = tpu.memref_slice %arg4[%add3A_24, %dma_start3A_33] : memref<320000x16xf32, #tpu.memory_space<hbm>> -> memref<80x16xf32, #tpu.memory_space<hbm>>
        tpu.enqueue_dma source(%dma_start3A_34 : memref<80x16xf32, #tpu.memory_space<hbm>>) target(%arg12 : memref<80x16xf32, #tpu.memory_space<vmem>>) target_semaphore(%run_scoped3A : memref<!tpu.dma_semaphore, #tpu.memory_space<semaphore_mem>>)
        %dma_wait3A_35 = arith.constant 0 : i32
        %dma_wait3A_36 = tpu.memref_slice %arg4[%add3A_24, %dma_wait3A_35] : memref<320000x16xf32, #tpu.memory_space<hbm>> -> memref<80x16xf32, #tpu.memory_space<hbm>>
        %dma_wait3A_37 = arith.constant 0 : i32
        %dma_wait3A_38 = tpu.memref_slice %arg4[%add3A_24, %dma_wait3A_37] : memref<320000x16xf32, #tpu.memory_space<hbm>> -> memref<80x16xf32, #tpu.memory_space<hbm>>
        tpu.wait_dma2 semaphore(%run_scoped3A : memref<!tpu.dma_semaphore, #tpu.memory_space<semaphore_mem>>) src(%dma_wait3A_38 : memref<80x16xf32, #tpu.memory_space<hbm>>) dst(%arg12 : memref<80x16xf32, #tpu.memory_space<vmem>>)
        tpu.yield
      }) : () -> ()
      %scan3A_25 = arith.constant 0 : i32
      %scan3A_26 = arith.constant 80 : i32
      %scan3A_27 = arith.addi %scan3A_25, %scan3A_26 : i32
      %scan3A_28 = arith.constant 1 : i32
      scf.for %scan3A_31 = %scan3A_25 to %scan3A_27 step %scan3A_28  : i32 {
        %mul3A_32 = arith.constant 1 : i32
        %mul3A_33 = arith.muli %scan3A_31, %mul3A_32 : i32
        %add3A_34 = arith.constant 0 : i32
        %add3A_35 = arith.addi %add3A_34, %mul3A_33 : i32
        %get3A = arith.index_cast %add3A_35 : i32 to index
        %get3A_36 = arith.constant 0 : index
        %get3A_37 = tpu.vector_load %arg10[%get3A, %get3A_36] {strides = array<i32>} : memref<80x16xf32, #tpu.memory_space<vmem>>, vector<1x16xf32>,
        %get3A_38 = vector.shape_cast %get3A_37 : vector<1x16xf32> to vector<16xf32>
        %get3A_39 = arith.index_cast %add3A_35 : i32 to index
        %get3A_40 = arith.constant 0 : index
        %get3A_41 = tpu.vector_load %arg11[%get3A_39, %get3A_40] {strides = array<i32>} : memref<80x16xf32, #tpu.memory_space<vmem>>, vector<1x16xf32>,
        %get3A_42 = vector.shape_cast %get3A_41 : vector<1x16xf32> to vector<16xf32>
        %add3A_43 = arith.addf %get3A_38, %get3A_42 : vector<16xf32>
        %get3A_44 = arith.index_cast %add3A_35 : i32 to index
        %get3A_45 = arith.constant 0 : index
        %get3A_46 = tpu.vector_load %arg12[%get3A_44, %get3A_45] {strides = array<i32>} : memref<80x16xf32, #tpu.memory_space<vmem>>, vector<1x16xf32>,
        %get3A_47 = vector.shape_cast %get3A_46 : vector<1x16xf32> to vector<16xf32>
        %add3A_48 = arith.addf %add3A_43, %get3A_47 : vector<16xf32>
        %max3A = arith.constant 0.000000e+00 : f32
        %max3A_49 = vector.broadcast %max3A : f32 to vector<16xf32>
        %max3A_50 = arith.maximumf %add3A_48, %max3A_49 : vector<16xf32>
        %swap3A = arith.index_cast %add3A_35 : i32 to index
        %swap3A_51 = arith.constant 0 : index
        %swap3A_52 = tpu.vector_load %arg10[%swap3A, %swap3A_51] {strides = array<i32>} : memref<80x16xf32, #tpu.memory_space<vmem>>, vector<1x16xf32>,
        %swap3A_53 = vector.shape_cast %swap3A_52 : vector<1x16xf32> to vector<16xf32>
        %swap3A_54 = vector.shape_cast %max3A_50 : vector<16xf32> to vector<1x16xf32>
        tpu.vector_store %arg10[%swap3A, %swap3A_51], %swap3A_54 {strides = array<i32>} : memref<80x16xf32, #tpu.memory_space<vmem>>, vector<1x16xf32>,
      }
      %scan3A_29 = arith.constant 80 : i32
      %add3A_30 = arith.addi %mul3A_2, %add3A_11 : i32
      "tpu.region"() ({
        %run_scoped3A = tpu.sem_alloc : memref<!tpu.dma_semaphore, #tpu.memory_space<semaphore_mem>>
        %dma_start3A_31 = arith.constant 0 : i32
        %dma_start3A_32 = tpu.memref_slice %arg7[%add3A_30, %dma_start3A_31] : memref<320000x16xf32, #tpu.memory_space<hbm>> -> memref<80x16xf32, #tpu.memory_space<hbm>>
        %dma_start3A_33 = arith.constant 0 : i32
        %dma_start3A_34 = tpu.memref_slice %arg7[%add3A_30, %dma_start3A_33] : memref<320000x16xf32, #tpu.memory_space<hbm>> -> memref<80x16xf32, #tpu.memory_space<hbm>>
        tpu.enqueue_dma source(%arg10 : memref<80x16xf32, #tpu.memory_space<vmem>>) target(%dma_start3A_34 : memref<80x16xf32, #tpu.memory_space<hbm>>) target_semaphore(%run_scoped3A : memref<!tpu.dma_semaphore, #tpu.memory_space<semaphore_mem>>)
        %dma_wait3A_35 = arith.constant 0 : i32
        %dma_wait3A_36 = tpu.memref_slice %arg7[%add3A_30, %dma_wait3A_35] : memref<320000x16xf32, #tpu.memory_space<hbm>> -> memref<80x16xf32, #tpu.memory_space<hbm>>
        %dma_wait3A_37 = arith.constant 0 : i32
        %dma_wait3A_38 = tpu.memref_slice %arg7[%add3A_30, %dma_wait3A_37] : memref<320000x16xf32, #tpu.memory_space<hbm>> -> memref<80x16xf32, #tpu.memory_space<hbm>>
        tpu.wait_dma2 semaphore(%run_scoped3A : memref<!tpu.dma_semaphore, #tpu.memory_space<semaphore_mem>>) src(%arg10 : memref<80x16xf32, #tpu.memory_space<vmem>>) dst(%dma_wait3A_38 : memref<80x16xf32, #tpu.memory_space<hbm>>)
        tpu.yield
      }) : () -> ()
    }
    %scan3A_6 = arith.constant 125 : i32
    return
  }
}

module attributes {stable_mosaic.version = 14 : i64} {
  func.func @_mm_bias_body(%arg0: i32, %arg1: memref<2000x128xf32, #tpu.memory_space<vmem>>, %arg2: memref<128x128xf32, #tpu.memory_space<vmem>>, %arg3: memref<1x128xf32, #tpu.memory_space<vmem>>, %arg4: memref<2000x128xf32, #tpu.memory_space<vmem>>) attributes {dimension_semantics = [#tpu.dimension_semantics<arbitrary>], iteration_bounds = array<i64: 5>, scalar_prefetch = 0 : i64, scratch_operands = 0 : i64, tpu.core_type = #tpu.core_type<tc>, window_params = [{transform_indices = @transform_0, window_bounds = array<i64: 2000, 128>}, {pipeline_mode = #tpu.pipeline_mode<synchronous>, transform_indices = @transform_1, window_bounds = array<i64: 128, 128>}, {pipeline_mode = #tpu.pipeline_mode<synchronous>, transform_indices = @transform_2, window_bounds = array<i64: 1, 128>}, {transform_indices = @transform_3, window_bounds = array<i64: 2000, 128>}]} {
    %get3A = arith.constant 0 : index
    %get3A_0 = arith.constant 0 : index
    %get3A_1 = vector.load %arg1[%get3A, %get3A_0] : memref<2000x128xf32, #tpu.memory_space<vmem>>, vector<2000x128xf32>
    %get3A_2 = arith.constant 0 : index
    %get3A_3 = arith.constant 0 : index
    %get3A_4 = vector.load %arg2[%get3A_2, %get3A_3] : memref<128x128xf32, #tpu.memory_space<vmem>>, vector<128x128xf32>
    %dot_general3A = arith.constant dense<0.000000e+00> : vector<2000x128xf32>
    %dot_general3A_5 = tpu.matmul %get3A_1, %get3A_4, %dot_general3A {dimension_numbers = #tpu.dot_dimension_numbers<[1], [0], [0], [1], [0, 0, 1, 1], [], []>, transpose_lhs_hint = false} : vector<2000x128xf32>, vector<128x128xf32>, vector<2000x128xf32> -> vector<2000x128xf32>
    %get3A_6 = arith.constant 0 : index
    %get3A_7 = arith.constant 0 : index
    %get3A_8 = vector.load %arg3[%get3A_6, %get3A_7] : memref<1x128xf32, #tpu.memory_space<vmem>>, vector<1x128xf32>
    %add3A = vector.broadcast %get3A_8 : vector<1x128xf32> to vector<2000x128xf32>
    %add3A_9 = arith.addf %dot_general3A_5, %add3A : vector<2000x128xf32>
    %swap3A = arith.constant 0 : index
    %swap3A_10 = arith.constant 0 : index
    %swap3A_11 = vector.load %arg4[%swap3A, %swap3A_10] : memref<2000x128xf32, #tpu.memory_space<vmem>>, vector<2000x128xf32>
    tpu.vector_store %arg4[%swap3A, %swap3A_10], %add3A_9 {strides = array<i32>} : memref<2000x128xf32, #tpu.memory_space<vmem>>, vector<2000x128xf32>,
    return
  }
  func.func @transform_0(%arg0: i32) -> (i32, i32) {
    %c0_i32 = arith.constant 0 : i32
    %c0_i32_0 = arith.constant 0 : i32
    return %arg0, %c0_i32 : i32, i32
  }
  func.func @transform_1(%arg0: i32) -> (i32, i32) {
    %c0_i32 = arith.constant 0 : i32
    %c0_i32_0 = arith.constant 0 : i32
    %c0_i32_1 = arith.constant 0 : i32
    return %c0_i32, %c0_i32_0 : i32, i32
  }
  func.func @transform_2(%arg0: i32) -> (i32, i32) {
    %c0_i32 = arith.constant 0 : i32
    %c0_i32_0 = arith.constant 0 : i32
    %c0_i32_1 = arith.constant 0 : i32
    return %c0_i32, %c0_i32_0 : i32, i32
  }
  func.func @transform_3(%arg0: i32) -> (i32, i32) {
    %c0_i32 = arith.constant 0 : i32
    %c0_i32_0 = arith.constant 0 : i32
    return %arg0, %c0_i32 : i32, i32
  }
}

module attributes {stable_mosaic.version = 14 : i64} {
  func.func @_edge_prep_body(%arg0: i32, %arg1: memref<4000x16xf32, #tpu.memory_space<vmem>>, %arg2: memref<16x128xf32, #tpu.memory_space<vmem>>, %arg3: memref<16x16xf32, #tpu.memory_space<vmem>>, %arg4: memref<1x16xf32, #tpu.memory_space<vmem>>, %arg5: memref<4000x128xf32, #tpu.memory_space<vmem>>, %arg6: memref<4000x16xf32, #tpu.memory_space<vmem>>) attributes {dimension_semantics = [#tpu.dimension_semantics<arbitrary>], iteration_bounds = array<i64: 80>, scalar_prefetch = 0 : i64, scratch_operands = 0 : i64, tpu.core_type = #tpu.core_type<tc>, window_params = [{transform_indices = @transform_0, window_bounds = array<i64: 4000, 16>}, {pipeline_mode = #tpu.pipeline_mode<synchronous>, transform_indices = @transform_1, window_bounds = array<i64: 16, 128>}, {pipeline_mode = #tpu.pipeline_mode<synchronous>, transform_indices = @transform_2, window_bounds = array<i64: 16, 16>}, {pipeline_mode = #tpu.pipeline_mode<synchronous>, transform_indices = @transform_3, window_bounds = array<i64: 1, 16>}, {transform_indices = @transform_4, window_bounds = array<i64: 4000, 128>}, {transform_indices = @transform_5, window_bounds = array<i64: 4000, 16>}]} {
    %get3A = arith.constant 0 : index
    %get3A_0 = arith.constant 0 : index
    %get3A_1 = vector.load %arg1[%get3A, %get3A_0] : memref<4000x16xf32, #tpu.memory_space<vmem>>, vector<4000x16xf32>
    %get3A_2 = arith.constant 0 : index
    %get3A_3 = arith.constant 0 : index
    %get3A_4 = vector.load %arg2[%get3A_2, %get3A_3] : memref<16x128xf32, #tpu.memory_space<vmem>>, vector<16x128xf32>
    %dot_general3A = arith.constant dense<0.000000e+00> : vector<4000x128xf32>
    %dot_general3A_5 = tpu.matmul %get3A_1, %get3A_4, %dot_general3A {dimension_numbers = #tpu.dot_dimension_numbers<[1], [0], [0], [1], [0, 0, 1, 1], [], []>, transpose_lhs_hint = false} : vector<4000x16xf32>, vector<16x128xf32>, vector<4000x128xf32> -> vector<4000x128xf32>
    %swap3A = arith.constant 0 : index
    %swap3A_6 = arith.constant 0 : index
    %swap3A_7 = vector.load %arg5[%swap3A, %swap3A_6] : memref<4000x128xf32, #tpu.memory_space<vmem>>, vector<4000x128xf32>
    tpu.vector_store %arg5[%swap3A, %swap3A_6], %dot_general3A_5 {strides = array<i32>} : memref<4000x128xf32, #tpu.memory_space<vmem>>, vector<4000x128xf32>,
    %get3A_8 = arith.constant 0 : index
    %get3A_9 = arith.constant 0 : index
    %get3A_10 = vector.load %arg3[%get3A_8, %get3A_9] : memref<16x16xf32, #tpu.memory_space<vmem>>, vector<16x16xf32>
    %dot_general3A_11 = arith.constant dense<0.000000e+00> : vector<4000x16xf32>
    %dot_general3A_12 = tpu.matmul %get3A_1, %get3A_10, %dot_general3A_11 {dimension_numbers = #tpu.dot_dimension_numbers<[1], [0], [0], [1], [0, 0, 1, 1], [], []>, transpose_lhs_hint = false} : vector<4000x16xf32>, vector<16x16xf32>, vector<4000x16xf32> -> vector<4000x16xf32>
    %get3A_13 = arith.constant 0 : index
    %get3A_14 = arith.constant 0 : index
    %get3A_15 = vector.load %arg4[%get3A_13, %get3A_14] : memref<1x16xf32, #tpu.memory_space<vmem>>, vector<1x16xf32>
    %add3A = vector.broadcast %get3A_15 : vector<1x16xf32> to vector<4000x16xf32>
    %add3A_16 = arith.addf %dot_general3A_12, %add3A : vector<4000x16xf32>
    %swap3A_17 = arith.constant 0 : index
    %swap3A_18 = arith.constant 0 : index
    %swap3A_19 = vector.load %arg6[%swap3A_17, %swap3A_18] : memref<4000x16xf32, #tpu.memory_space<vmem>>, vector<4000x16xf32>
    tpu.vector_store %arg6[%swap3A_17, %swap3A_18], %add3A_16 {strides = array<i32>} : memref<4000x16xf32, #tpu.memory_space<vmem>>, vector<4000x16xf32>,
    return
  }
  func.func @transform_0(%arg0: i32) -> (i32, i32) {
    %c0_i32 = arith.constant 0 : i32
    %c0_i32_0 = arith.constant 0 : i32
    return %arg0, %c0_i32 : i32, i32
  }
  func.func @transform_1(%arg0: i32) -> (i32, i32) {
    %c0_i32 = arith.constant 0 : i32
    %c0_i32_0 = arith.constant 0 : i32
    %c0_i32_1 = arith.constant 0 : i32
    return %c0_i32, %c0_i32_0 : i32, i32
  }
  func.func @transform_2(%arg0: i32) -> (i32, i32) {
    %c0_i32 = arith.constant 0 : i32
    %c0_i32_0 = arith.constant 0 : i32
    %c0_i32_1 = arith.constant 0 : i32
    return %c0_i32, %c0_i32_0 : i32, i32
  }
  func.func @transform_3(%arg0: i32) -> (i32, i32) {
    %c0_i32 = arith.constant 0 : i32
    %c0_i32_0 = arith.constant 0 : i32
    %c0_i32_1 = arith.constant 0 : i32
    return %c0_i32, %c0_i32_0 : i32, i32
  }
  func.func @transform_4(%arg0: i32) -> (i32, i32) {
    %c0_i32 = arith.constant 0 : i32
    %c0_i32_0 = arith.constant 0 : i32
    return %arg0, %c0_i32 : i32, i32
  }
  func.func @transform_5(%arg0: i32) -> (i32, i32) {
    %c0_i32 = arith.constant 0 : i32
    %c0_i32_0 = arith.constant 0 : i32
    return %arg0, %c0_i32 : i32, i32
  }
}

module attributes {stable_mosaic.version = 14 : i64} {
  func.func @_update_full_body(%arg0: i32, %arg1: memref<2000x128xf32, #tpu.memory_space<vmem>>, %arg2: memref<2000x128xf32, #tpu.memory_space<vmem>>, %arg3: memref<2000x16xf32, #tpu.memory_space<vmem>>, %arg4: memref<2000x16xf32, #tpu.memory_space<vmem>>, %arg5: memref<2000x128xf32, #tpu.memory_space<vmem>>, %arg6: memref<128x128xf32, #tpu.memory_space<vmem>>, %arg7: memref<128x128xf32, #tpu.memory_space<vmem>>, %arg8: memref<1x128xf32, #tpu.memory_space<vmem>>, %arg9: memref<128x16xf32, #tpu.memory_space<vmem>>, %arg10: memref<128x16xf32, #tpu.memory_space<vmem>>, %arg11: memref<128x128xf32, #tpu.memory_space<vmem>>, %arg12: memref<1x128xf32, #tpu.memory_space<vmem>>, %arg13: memref<2000x128xf32, #tpu.memory_space<vmem>>, %arg14: memref<2000x16xf32, #tpu.memory_space<vmem>>, %arg15: memref<2000x16xf32, #tpu.memory_space<vmem>>, %arg16: memref<2000x128xf32, #tpu.memory_space<vmem>>) attributes {dimension_semantics = [#tpu.dimension_semantics<arbitrary>], iteration_bounds = array<i64: 5>, scalar_prefetch = 0 : i64, scratch_operands = 0 : i64, tpu.core_type = #tpu.core_type<tc>, window_params = [{transform_indices = @transform_0, window_bounds = array<i64: 2000, 128>}, {transform_indices = @transform_1, window_bounds = array<i64: 2000, 128>}, {transform_indices = @transform_2, window_bounds = array<i64: 2000, 16>}, {transform_indices = @transform_3, window_bounds = array<i64: 2000, 16>}, {transform_indices = @transform_4, window_bounds = array<i64: 2000, 128>}, {pipeline_mode = #tpu.pipeline_mode<synchronous>, transform_indices = @transform_5, window_bounds = array<i64: 128, 128>}, {pipeline_mode = #tpu.pipeline_mode<synchronous>, transform_indices = @transform_6, window_bounds = array<i64: 128, 128>}, {pipeline_mode = #tpu.pipeline_mode<synchronous>, transform_indices = @transform_7, window_bounds = array<i64: 1, 128>}, {pipeline_mode = #tpu.pipeline_mode<synchronous>, transform_indices = @transform_8, window_bounds = array<i64: 128, 16>}, {pipeline_mode = #tpu.pipeline_mode<synchronous>, transform_indices = @transform_9, window_bounds = array<i64: 128, 16>}, {pipeline_mode = #tpu.pipeline_mode<synchronous>, transform_indices = @transform_10, window_bounds = array<i64: 128, 128>}, {pipeline_mode = #tpu.pipeline_mode<synchronous>, transform_indices = @transform_11, window_bounds = array<i64: 1, 128>}, {transform_indices = @transform_12, window_bounds = array<i64: 2000, 128>}, {transform_indices = @transform_13, window_bounds = array<i64: 2000, 16>}, {transform_indices = @transform_14, window_bounds = array<i64: 2000, 16>}, {transform_indices = @transform_15, window_bounds = array<i64: 2000, 128>}]} {
    %get3A = arith.constant 0 : index
    %get3A_0 = arith.constant 0 : index
    %get3A_1 = vector.load %arg3[%get3A, %get3A_0] : memref<2000x16xf32, #tpu.memory_space<vmem>>, vector<2000x1xf32>
    %get3A_2 = arith.constant 0 : index
    %get3A_3 = arith.constant 0 : index
    %get3A_4 = vector.load %arg4[%get3A_2, %get3A_3] : memref<2000x16xf32, #tpu.memory_space<vmem>>, vector<2000x1xf32>
    %add3A = arith.addf %get3A_1, %get3A_4 : vector<2000x1xf32>
    %get3A_5 = arith.constant 0 : index
    %get3A_6 = arith.constant 0 : index
    %get3A_7 = vector.load %arg1[%get3A_5, %get3A_6] : memref<2000x128xf32, #tpu.memory_space<vmem>>, vector<2000x128xf32>
    %get3A_8 = arith.constant 0 : index
    %get3A_9 = arith.constant 0 : index
    %get3A_10 = vector.load %arg2[%get3A_8, %get3A_9] : memref<2000x128xf32, #tpu.memory_space<vmem>>, vector<2000x128xf32>
    %add3A_11 = arith.addf %get3A_7, %get3A_10 : vector<2000x128xf32>
    %max3A = arith.constant 1.000000e+00 : f32
    %max3A_12 = vector.broadcast %max3A : f32 to vector<2000x1xf32>
    %max3A_13 = arith.maximumf %add3A, %max3A_12 : vector<2000x1xf32>
    %div3A = vector.broadcast %max3A_13 : vector<2000x1xf32> to vector<2000x128xf32>
    %div3A_14 = arith.divf %add3A_11, %div3A : vector<2000x128xf32>
    %get3A_15 = arith.constant 0 : index
    %get3A_16 = arith.constant 0 : index
    %get3A_17 = vector.load %arg6[%get3A_15, %get3A_16] : memref<128x128xf32, #tpu.memory_space<vmem>>, vector<128x128xf32>
    %dot_general3A = arith.constant dense<0.000000e+00> : vector<2000x128xf32>
    %dot_general3A_18 = tpu.matmul %div3A_14, %get3A_17, %dot_general3A {dimension_numbers = #tpu.dot_dimension_numbers<[1], [0], [0], [1], [0, 0, 1, 1], [], []>, transpose_lhs_hint = false} : vector<2000x128xf32>, vector<128x128xf32>, vector<2000x128xf32> -> vector<2000x128xf32>
    %get3A_19 = arith.constant 0 : index
    %get3A_20 = arith.constant 0 : index
    %get3A_21 = vector.load %arg5[%get3A_19, %get3A_20] : memref<2000x128xf32, #tpu.memory_space<vmem>>, vector<2000x128xf32>
    %get3A_22 = arith.constant 0 : index
    %get3A_23 = arith.constant 0 : index
    %get3A_24 = vector.load %arg7[%get3A_22, %get3A_23] : memref<128x128xf32, #tpu.memory_space<vmem>>, vector<128x128xf32>
    %dot_general3A_25 = arith.constant dense<0.000000e+00> : vector<2000x128xf32>
    %dot_general3A_26 = tpu.matmul %get3A_21, %get3A_24, %dot_general3A_25 {dimension_numbers = #tpu.dot_dimension_numbers<[1], [0], [0], [1], [0, 0, 1, 1], [], []>, transpose_lhs_hint = false} : vector<2000x128xf32>, vector<128x128xf32>, vector<2000x128xf32> -> vector<2000x128xf32>
    %add3A_27 = arith.addf %dot_general3A_18, %dot_general3A_26 : vector<2000x128xf32>
    %get3A_28 = arith.constant 0 : index
    %get3A_29 = arith.constant 0 : index
    %get3A_30 = vector.load %arg8[%get3A_28, %get3A_29] : memref<1x128xf32, #tpu.memory_space<vmem>>, vector<1x128xf32>
    %add3A_31 = vector.broadcast %get3A_30 : vector<1x128xf32> to vector<2000x128xf32>
    %add3A_32 = arith.addf %add3A_27, %add3A_31 : vector<2000x128xf32>
    %max3A_33 = arith.constant 0.000000e+00 : f32
    %max3A_34 = vector.broadcast %max3A_33 : f32 to vector<2000x128xf32>
    %max3A_35 = arith.maximumf %add3A_32, %max3A_34 : vector<2000x128xf32>
    %mul3A = arith.mulf %max3A_35, %max3A_35 : vector<2000x128xf32>
    %reduce_sum3A = arith.constant dense<0.000000e+00> : vector<2000xf32>
    %reduce_sum3A_36 = vector.multi_reduction <add>, %mul3A, %reduce_sum3A [1] : vector<2000x128xf32> to vector<2000xf32>
    %broadcast_in_dim3A = vector.shape_cast %reduce_sum3A_36 : vector<2000xf32> to vector<2000x1xf32>
    %sqrt3A = math.sqrt %broadcast_in_dim3A : vector<2000x1xf32>
    %max3A_37 = arith.constant 9.99999996E-13 : f32
    %max3A_38 = vector.broadcast %max3A_37 : f32 to vector<2000x1xf32>
    %max3A_39 = arith.maximumf %sqrt3A, %max3A_38 : vector<2000x1xf32>
    %div3A_40 = vector.broadcast %max3A_39 : vector<2000x1xf32> to vector<2000x128xf32>
    %div3A_41 = arith.divf %max3A_35, %div3A_40 : vector<2000x128xf32>
    %swap3A = arith.constant 0 : index
    %swap3A_42 = arith.constant 0 : index
    %swap3A_43 = vector.load %arg13[%swap3A, %swap3A_42] : memref<2000x128xf32, #tpu.memory_space<vmem>>, vector<2000x128xf32>
    tpu.vector_store %arg13[%swap3A, %swap3A_42], %div3A_41 {strides = array<i32>} : memref<2000x128xf32, #tpu.memory_space<vmem>>, vector<2000x128xf32>,
    %get3A_44 = arith.constant 0 : index
    %get3A_45 = arith.constant 0 : index
    %get3A_46 = vector.load %arg9[%get3A_44, %get3A_45] : memref<128x16xf32, #tpu.memory_space<vmem>>, vector<128x16xf32>
    %dot_general3A_47 = arith.constant dense<0.000000e+00> : vector<2000x16xf32>
    %dot_general3A_48 = tpu.matmul %div3A_41, %get3A_46, %dot_general3A_47 {dimension_numbers = #tpu.dot_dimension_numbers<[1], [0], [0], [1], [0, 0, 1, 1], [], []>, transpose_lhs_hint = false} : vector<2000x128xf32>, vector<128x16xf32>, vector<2000x16xf32> -> vector<2000x16xf32>
    %swap3A_49 = arith.constant 0 : index
    %swap3A_50 = arith.constant 0 : index
    %swap3A_51 = vector.load %arg14[%swap3A_49, %swap3A_50] : memref<2000x16xf32, #tpu.memory_space<vmem>>, vector<2000x16xf32>
    tpu.vector_store %arg14[%swap3A_49, %swap3A_50], %dot_general3A_48 {strides = array<i32>} : memref<2000x16xf32, #tpu.memory_space<vmem>>, vector<2000x16xf32>,
    %get3A_52 = arith.constant 0 : index
    %get3A_53 = arith.constant 0 : index
    %get3A_54 = vector.load %arg10[%get3A_52, %get3A_53] : memref<128x16xf32, #tpu.memory_space<vmem>>, vector<128x16xf32>
    %dot_general3A_55 = arith.constant dense<0.000000e+00> : vector<2000x16xf32>
    %dot_general3A_56 = tpu.matmul %div3A_41, %get3A_54, %dot_general3A_55 {dimension_numbers = #tpu.dot_dimension_numbers<[1], [0], [0], [1], [0, 0, 1, 1], [], []>, transpose_lhs_hint = false} : vector<2000x128xf32>, vector<128x16xf32>, vector<2000x16xf32> -> vector<2000x16xf32>
    %swap3A_57 = arith.constant 0 : index
    %swap3A_58 = arith.constant 0 : index
    %swap3A_59 = vector.load %arg15[%swap3A_57, %swap3A_58] : memref<2000x16xf32, #tpu.memory_space<vmem>>, vector<2000x16xf32>
    tpu.vector_store %arg15[%swap3A_57, %swap3A_58], %dot_general3A_56 {strides = array<i32>} : memref<2000x16xf32, #tpu.memory_space<vmem>>, vector<2000x16xf32>,
    %get3A_60 = arith.constant 0 : index
    %get3A_61 = arith.constant 0 : index
    %get3A_62 = vector.load %arg11[%get3A_60, %get3A_61] : memref<128x128xf32, #tpu.memory_space<vmem>>, vector<128x128xf32>
    %dot_general3A_63 = arith.constant dense<0.000000e+00> : vector<2000x128xf32>
    %dot_general3A_64 = tpu.matmul %div3A_41, %get3A_62, %dot_general3A_63 {dimension_numbers = #tpu.dot_dimension_numbers<[1], [0], [0], [1], [0, 0, 1, 1], [], []>, transpose_lhs_hint = false} : vector<2000x128xf32>, vector<128x128xf32>, vector<2000x128xf32> -> vector<2000x128xf32>
    %get3A_65 = arith.constant 0 : index
    %get3A_66 = arith.constant 0 : index
    %get3A_67 = vector.load %arg12[%get3A_65, %get3A_66] : memref<1x128xf32, #tpu.memory_space<vmem>>, vector<1x128xf32>
    %add3A_68 = vector.broadcast %get3A_67 : vector<1x128xf32> to vector<2000x128xf32>
    %add3A_69 = arith.addf %dot_general3A_64, %add3A_68 : vector<2000x128xf32>
    %swap3A_70 = arith.constant 0 : index
    %swap3A_71 = arith.constant 0 : index
    %swap3A_72 = vector.load %arg16[%swap3A_70, %swap3A_71] : memref<2000x128xf32, #tpu.memory_space<vmem>>, vector<2000x128xf32>
    tpu.vector_store %arg16[%swap3A_70, %swap3A_71], %add3A_69 {strides = array<i32>} : memref<2000x128xf32, #tpu.memory_space<vmem>>, vector<2000x128xf32>,
    return
  }
  func.func @transform_0(%arg0: i32) -> (i32, i32) {
    %c0_i32 = arith.constant 0 : i32
    %c0_i32_0 = arith.constant 0 : i32
    return %arg0, %c0_i32 : i32, i32
  }
  func.func @transform_1(%arg0: i32) -> (i32, i32) {
    %c0_i32 = arith.constant 0 : i32
    %c0_i32_0 = arith.constant 0 : i32
    return %arg0, %c0_i32 : i32, i32
  }
  func.func @transform_2(%arg0: i32) -> (i32, i32) {
    %c0_i32 = arith.constant 0 : i32
    %c0_i32_0 = arith.constant 0 : i32
    return %arg0, %c0_i32 : i32, i32
  }
  func.func @transform_3(%arg0: i32) -> (i32, i32) {
    %c0_i32 = arith.constant 0 : i32
    %c0_i32_0 = arith.constant 0 : i32
    return %arg0, %c0_i32 : i32, i32
  }
  func.func @transform_4(%arg0: i32) -> (i32, i32) {
    %c0_i32 = arith.constant 0 : i32
    %c0_i32_0 = arith.constant 0 : i32
    return %arg0, %c0_i32 : i32, i32
  }
  func.func @transform_5(%arg0: i32) -> (i32, i32) {
    %c0_i32 = arith.constant 0 : i32
    %c0_i32_0 = arith.constant 0 : i32
    %c0_i32_1 = arith.constant 0 : i32
    return %c0_i32, %c0_i32_0 : i32, i32
  }
  func.func @transform_6(%arg0: i32) -> (i32, i32) {
    %c0_i32 = arith.constant 0 : i32
    %c0_i32_0 = arith.constant 0 : i32
    %c0_i32_1 = arith.constant 0 : i32
    return %c0_i32, %c0_i32_0 : i32, i32
  }
  func.func @transform_7(%arg0: i32) -> (i32, i32) {
    %c0_i32 = arith.constant 0 : i32
    %c0_i32_0 = arith.constant 0 : i32
    %c0_i32_1 = arith.constant 0 : i32
    return %c0_i32, %c0_i32_0 : i32, i32
  }
  func.func @transform_8(%arg0: i32) -> (i32, i32) {
    %c0_i32 = arith.constant 0 : i32
    %c0_i32_0 = arith.constant 0 : i32
    %c0_i32_1 = arith.constant 0 : i32
    return %c0_i32, %c0_i32_0 : i32, i32
  }
  func.func @transform_9(%arg0: i32) -> (i32, i32) {
    %c0_i32 = arith.constant 0 : i32
    %c0_i32_0 = arith.constant 0 : i32
    %c0_i32_1 = arith.constant 0 : i32
    return %c0_i32, %c0_i32_0 : i32, i32
  }
  func.func @transform_10(%arg0: i32) -> (i32, i32) {
    %c0_i32 = arith.constant 0 : i32
    %c0_i32_0 = arith.constant 0 : i32
    %c0_i32_1 = arith.constant 0 : i32
    return %c0_i32, %c0_i32_0 : i32, i32
  }
  func.func @transform_11(%arg0: i32) -> (i32, i32) {
    %c0_i32 = arith.constant 0 : i32
    %c0_i32_0 = arith.constant 0 : i32
    %c0_i32_1 = arith.constant 0 : i32
    return %c0_i32, %c0_i32_0 : i32, i32
  }
  func.func @transform_12(%arg0: i32) -> (i32, i32) {
    %c0_i32 = arith.constant 0 : i32
    %c0_i32_0 = arith.constant 0 : i32
    return %arg0, %c0_i32 : i32, i32
  }
  func.func @transform_13(%arg0: i32) -> (i32, i32) {
    %c0_i32 = arith.constant 0 : i32
    %c0_i32_0 = arith.constant 0 : i32
    return %arg0, %c0_i32 : i32, i32
  }
  func.func @transform_14(%arg0: i32) -> (i32, i32) {
    %c0_i32 = arith.constant 0 : i32
    %c0_i32_0 = arith.constant 0 : i32
    return %arg0, %c0_i32 : i32, i32
  }
  func.func @transform_15(%arg0: i32) -> (i32, i32) {
    %c0_i32 = arith.constant 0 : i32
    %c0_i32_0 = arith.constant 0 : i32
    return %arg0, %c0_i32 : i32, i32
  }
}

module attributes {stable_mosaic.version = 14 : i64} {
  func.func @_mm_bias_body(%arg0: i32, %arg1: memref<4000x16xf32, #tpu.memory_space<vmem>>, %arg2: memref<16x128xf32, #tpu.memory_space<vmem>>, %arg3: memref<1x128xf32, #tpu.memory_space<vmem>>, %arg4: memref<4000x128xf32, #tpu.memory_space<vmem>>) attributes {dimension_semantics = [#tpu.dimension_semantics<arbitrary>], iteration_bounds = array<i64: 80>, scalar_prefetch = 0 : i64, scratch_operands = 0 : i64, tpu.core_type = #tpu.core_type<tc>, window_params = [{transform_indices = @transform_0, window_bounds = array<i64: 4000, 16>}, {pipeline_mode = #tpu.pipeline_mode<synchronous>, transform_indices = @transform_1, window_bounds = array<i64: 16, 128>}, {pipeline_mode = #tpu.pipeline_mode<synchronous>, transform_indices = @transform_2, window_bounds = array<i64: 1, 128>}, {transform_indices = @transform_3, window_bounds = array<i64: 4000, 128>}]} {
    %get3A = arith.constant 0 : index
    %get3A_0 = arith.constant 0 : index
    %get3A_1 = vector.load %arg1[%get3A, %get3A_0] : memref<4000x16xf32, #tpu.memory_space<vmem>>, vector<4000x16xf32>
    %get3A_2 = arith.constant 0 : index
    %get3A_3 = arith.constant 0 : index
    %get3A_4 = vector.load %arg2[%get3A_2, %get3A_3] : memref<16x128xf32, #tpu.memory_space<vmem>>, vector<16x128xf32>
    %dot_general3A = arith.constant dense<0.000000e+00> : vector<4000x128xf32>
    %dot_general3A_5 = tpu.matmul %get3A_1, %get3A_4, %dot_general3A {dimension_numbers = #tpu.dot_dimension_numbers<[1], [0], [0], [1], [0, 0, 1, 1], [], []>, transpose_lhs_hint = false} : vector<4000x16xf32>, vector<16x128xf32>, vector<4000x128xf32> -> vector<4000x128xf32>
    %get3A_6 = arith.constant 0 : index
    %get3A_7 = arith.constant 0 : index
    %get3A_8 = vector.load %arg3[%get3A_6, %get3A_7] : memref<1x128xf32, #tpu.memory_space<vmem>>, vector<1x128xf32>
    %add3A = vector.broadcast %get3A_8 : vector<1x128xf32> to vector<4000x128xf32>
    %add3A_9 = arith.addf %dot_general3A_5, %add3A : vector<4000x128xf32>
    %swap3A = arith.constant 0 : index
    %swap3A_10 = arith.constant 0 : index
    %swap3A_11 = vector.load %arg4[%swap3A, %swap3A_10] : memref<4000x128xf32, #tpu.memory_space<vmem>>, vector<4000x128xf32>
    tpu.vector_store %arg4[%swap3A, %swap3A_10], %add3A_9 {strides = array<i32>} : memref<4000x128xf32, #tpu.memory_space<vmem>>, vector<4000x128xf32>,
    return
  }
  func.func @transform_0(%arg0: i32) -> (i32, i32) {
    %c0_i32 = arith.constant 0 : i32
    %c0_i32_0 = arith.constant 0 : i32
    return %arg0, %c0_i32 : i32, i32
  }
  func.func @transform_1(%arg0: i32) -> (i32, i32) {
    %c0_i32 = arith.constant 0 : i32
    %c0_i32_0 = arith.constant 0 : i32
    %c0_i32_1 = arith.constant 0 : i32
    return %c0_i32, %c0_i32_0 : i32, i32
  }
  func.func @transform_2(%arg0: i32) -> (i32, i32) {
    %c0_i32 = arith.constant 0 : i32
    %c0_i32_0 = arith.constant 0 : i32
    %c0_i32_1 = arith.constant 0 : i32
    return %c0_i32, %c0_i32_0 : i32, i32
  }
  func.func @transform_3(%arg0: i32) -> (i32, i32) {
    %c0_i32 = arith.constant 0 : i32
    %c0_i32_0 = arith.constant 0 : i32
    return %arg0, %c0_i32 : i32, i32
  }
}

module attributes {stable_mosaic.version = 14 : i64} {
  func.func @_update_final_body(%arg0: i32, %arg1: memref<2000x128xf32, #tpu.memory_space<vmem>>, %arg2: memref<2000x128xf32, #tpu.memory_space<vmem>>, %arg3: memref<2000x16xf32, #tpu.memory_space<vmem>>, %arg4: memref<2000x16xf32, #tpu.memory_space<vmem>>, %arg5: memref<2000x128xf32, #tpu.memory_space<vmem>>, %arg6: memref<128x128xf32, #tpu.memory_space<vmem>>, %arg7: memref<128x128xf32, #tpu.memory_space<vmem>>, %arg8: memref<1x128xf32, #tpu.memory_space<vmem>>, %arg9: memref<2000x128xf32, #tpu.memory_space<vmem>>) attributes {dimension_semantics = [#tpu.dimension_semantics<arbitrary>], iteration_bounds = array<i64: 5>, scalar_prefetch = 0 : i64, scratch_operands = 0 : i64, tpu.core_type = #tpu.core_type<tc>, window_params = [{transform_indices = @transform_0, window_bounds = array<i64: 2000, 128>}, {transform_indices = @transform_1, window_bounds = array<i64: 2000, 128>}, {transform_indices = @transform_2, window_bounds = array<i64: 2000, 16>}, {transform_indices = @transform_3, window_bounds = array<i64: 2000, 16>}, {transform_indices = @transform_4, window_bounds = array<i64: 2000, 128>}, {pipeline_mode = #tpu.pipeline_mode<synchronous>, transform_indices = @transform_5, window_bounds = array<i64: 128, 128>}, {pipeline_mode = #tpu.pipeline_mode<synchronous>, transform_indices = @transform_6, window_bounds = array<i64: 128, 128>}, {pipeline_mode = #tpu.pipeline_mode<synchronous>, transform_indices = @transform_7, window_bounds = array<i64: 1, 128>}, {transform_indices = @transform_8, window_bounds = array<i64: 2000, 128>}]} {
    %get3A = arith.constant 0 : index
    %get3A_0 = arith.constant 0 : index
    %get3A_1 = vector.load %arg3[%get3A, %get3A_0] : memref<2000x16xf32, #tpu.memory_space<vmem>>, vector<2000x1xf32>
    %get3A_2 = arith.constant 0 : index
    %get3A_3 = arith.constant 0 : index
    %get3A_4 = vector.load %arg4[%get3A_2, %get3A_3] : memref<2000x16xf32, #tpu.memory_space<vmem>>, vector<2000x1xf32>
    %add3A = arith.addf %get3A_1, %get3A_4 : vector<2000x1xf32>
    %get3A_5 = arith.constant 0 : index
    %get3A_6 = arith.constant 0 : index
    %get3A_7 = vector.load %arg1[%get3A_5, %get3A_6] : memref<2000x128xf32, #tpu.memory_space<vmem>>, vector<2000x128xf32>
    %get3A_8 = arith.constant 0 : index
    %get3A_9 = arith.constant 0 : index
    %get3A_10 = vector.load %arg2[%get3A_8, %get3A_9] : memref<2000x128xf32, #tpu.memory_space<vmem>>, vector<2000x128xf32>
    %add3A_11 = arith.addf %get3A_7, %get3A_10 : vector<2000x128xf32>
    %max3A = arith.constant 1.000000e+00 : f32
    %max3A_12 = vector.broadcast %max3A : f32 to vector<2000x1xf32>
    %max3A_13 = arith.maximumf %add3A, %max3A_12 : vector<2000x1xf32>
    %div3A = vector.broadcast %max3A_13 : vector<2000x1xf32> to vector<2000x128xf32>
    %div3A_14 = arith.divf %add3A_11, %div3A : vector<2000x128xf32>
    %get3A_15 = arith.constant 0 : index
    %get3A_16 = arith.constant 0 : index
    %get3A_17 = vector.load %arg6[%get3A_15, %get3A_16] : memref<128x128xf32, #tpu.memory_space<vmem>>, vector<128x128xf32>
    %dot_general3A = arith.constant dense<0.000000e+00> : vector<2000x128xf32>
    %dot_general3A_18 = tpu.matmul %div3A_14, %get3A_17, %dot_general3A {dimension_numbers = #tpu.dot_dimension_numbers<[1], [0], [0], [1], [0, 0, 1, 1], [], []>, transpose_lhs_hint = false} : vector<2000x128xf32>, vector<128x128xf32>, vector<2000x128xf32> -> vector<2000x128xf32>
    %get3A_19 = arith.constant 0 : index
    %get3A_20 = arith.constant 0 : index
    %get3A_21 = vector.load %arg5[%get3A_19, %get3A_20] : memref<2000x128xf32, #tpu.memory_space<vmem>>, vector<2000x128xf32>
    %get3A_22 = arith.constant 0 : index
    %get3A_23 = arith.constant 0 : index
    %get3A_24 = vector.load %arg7[%get3A_22, %get3A_23] : memref<128x128xf32, #tpu.memory_space<vmem>>, vector<128x128xf32>
    %dot_general3A_25 = arith.constant dense<0.000000e+00> : vector<2000x128xf32>
    %dot_general3A_26 = tpu.matmul %get3A_21, %get3A_24, %dot_general3A_25 {dimension_numbers = #tpu.dot_dimension_numbers<[1], [0], [0], [1], [0, 0, 1, 1], [], []>, transpose_lhs_hint = false} : vector<2000x128xf32>, vector<128x128xf32>, vector<2000x128xf32> -> vector<2000x128xf32>
    %add3A_27 = arith.addf %dot_general3A_18, %dot_general3A_26 : vector<2000x128xf32>
    %get3A_28 = arith.constant 0 : index
    %get3A_29 = arith.constant 0 : index
    %get3A_30 = vector.load %arg8[%get3A_28, %get3A_29] : memref<1x128xf32, #tpu.memory_space<vmem>>, vector<1x128xf32>
    %add3A_31 = vector.broadcast %get3A_30 : vector<1x128xf32> to vector<2000x128xf32>
    %add3A_32 = arith.addf %add3A_27, %add3A_31 : vector<2000x128xf32>
    %max3A_33 = arith.constant 0.000000e+00 : f32
    %max3A_34 = vector.broadcast %max3A_33 : f32 to vector<2000x128xf32>
    %max3A_35 = arith.maximumf %add3A_32, %max3A_34 : vector<2000x128xf32>
    %mul3A = arith.mulf %max3A_35, %max3A_35 : vector<2000x128xf32>
    %reduce_sum3A = arith.constant dense<0.000000e+00> : vector<2000xf32>
    %reduce_sum3A_36 = vector.multi_reduction <add>, %mul3A, %reduce_sum3A [1] : vector<2000x128xf32> to vector<2000xf32>
    %broadcast_in_dim3A = vector.shape_cast %reduce_sum3A_36 : vector<2000xf32> to vector<2000x1xf32>
    %sqrt3A = math.sqrt %broadcast_in_dim3A : vector<2000x1xf32>
    %max3A_37 = arith.constant 9.99999996E-13 : f32
    %max3A_38 = vector.broadcast %max3A_37 : f32 to vector<2000x1xf32>
    %max3A_39 = arith.maximumf %sqrt3A, %max3A_38 : vector<2000x1xf32>
    %div3A_40 = vector.broadcast %max3A_39 : vector<2000x1xf32> to vector<2000x128xf32>
    %div3A_41 = arith.divf %max3A_35, %div3A_40 : vector<2000x128xf32>
    %swap3A = arith.constant 0 : index
    %swap3A_42 = arith.constant 0 : index
    %swap3A_43 = vector.load %arg9[%swap3A, %swap3A_42] : memref<2000x128xf32, #tpu.memory_space<vmem>>, vector<2000x128xf32>
    tpu.vector_store %arg9[%swap3A, %swap3A_42], %div3A_41 {strides = array<i32>} : memref<2000x128xf32, #tpu.memory_space<vmem>>, vector<2000x128xf32>,
    return
  }
  func.func @transform_0(%arg0: i32) -> (i32, i32) {
    %c0_i32 = arith.constant 0 : i32
    %c0_i32_0 = arith.constant 0 : i32
    return %arg0, %c0_i32 : i32, i32
  }
  func.func @transform_1(%arg0: i32) -> (i32, i32) {
    %c0_i32 = arith.constant 0 : i32
    %c0_i32_0 = arith.constant 0 : i32
    return %arg0, %c0_i32 : i32, i32
  }
  func.func @transform_2(%arg0: i32) -> (i32, i32) {
    %c0_i32 = arith.constant 0 : i32
    %c0_i32_0 = arith.constant 0 : i32
    return %arg0, %c0_i32 : i32, i32
  }
  func.func @transform_3(%arg0: i32) -> (i32, i32) {
    %c0_i32 = arith.constant 0 : i32
    %c0_i32_0 = arith.constant 0 : i32
    return %arg0, %c0_i32 : i32, i32
  }
  func.func @transform_4(%arg0: i32) -> (i32, i32) {
    %c0_i32 = arith.constant 0 : i32
    %c0_i32_0 = arith.constant 0 : i32
    return %arg0, %c0_i32 : i32, i32
  }
  func.func @transform_5(%arg0: i32) -> (i32, i32) {
    %c0_i32 = arith.constant 0 : i32
    %c0_i32_0 = arith.constant 0 : i32
    %c0_i32_1 = arith.constant 0 : i32
    return %c0_i32, %c0_i32_0 : i32, i32
  }
  func.func @transform_6(%arg0: i32) -> (i32, i32) {
    %c0_i32 = arith.constant 0 : i32
    %c0_i32_0 = arith.constant 0 : i32
    %c0_i32_1 = arith.constant 0 : i32
    return %c0_i32, %c0_i32_0 : i32, i32
  }
  func.func @transform_7(%arg0: i32) -> (i32, i32) {
    %c0_i32 = arith.constant 0 : i32
    %c0_i32_0 = arith.constant 0 : i32
    %c0_i32_1 = arith.constant 0 : i32
    return %c0_i32, %c0_i32_0 : i32, i32
  }
  func.func @transform_8(%arg0: i32) -> (i32, i32) {
    %c0_i32 = arith.constant 0 : i32
    %c0_i32_0 = arith.constant 0 : i32
    return %arg0, %c0_i32 : i32, i32
  }
}

</mosaic_0001>

<sc_bundles>
// kernel: kernel.11.cloned.1.call-start
scs
__scs_entry_jumppad:
0x0: {  	(pc) =	sbr.rel $0x88, $3  }
0x1: {  	(tag) =	ssettag $0x0;
	lr =	simm.s32 $0x1  }
0x2: {  	[smem:$0x3F94] =	sst lr;
	_ =	strace $0xD0000000  }
0x3: {  	_ = 	snop  }
0x4: {  	_ = 	snop  }
0x5: {  	_ = 	snop  }
0x6: {  	_ = 	snop  }
0x7: {  	_ = 	snop  }
__scs_overlays_trampoline_lowered:
0x8: {  	[smem:$0x3FA3] =	sst s0  }
0x9: {  	[smem:$0x3FA4] =	sst s1  }
0xa: {  	[smem:$0x3FA5] =	sst s2  }
0xb: {  	[smem:$0x3FA6] =	sst s3  }
0xc: {  	[smem:$0x3FA7] =	sst s4  }
0xd: {  	[smem:$0x3FA8] =	sst s5  }
0xe: {  	[smem:$0x3FA9] =	sst s6  }
0xf: {  	[smem:$0x3FAA] =	sst s7  }
0x10: {  	[smem:$0x3FAB] =	sst s8  }
0x11: {  	[smem:$0x3FAC] =	sst s9;
	s0 =	simm.s32 @!p0 $0x0  }
0x12: {  	s1 =	sld [smem:$0x3F92];
	s0 =	simm.s32 @p0 $0x1  }
0x13: {  	[smem:$0x3FAD] =	sst s0;
	s0 =	simm.s32 @!p1 $0x0  }
0x14: {  	s2 =	sld [smem:$0x3F91];
	s0 =	simm.s32 @p1 $0x1  }
0x15: {  	[smem:$0x3FAE] =	sst s0;
	s0 =	simm.s32 @!p2 $0x0  }
0x16: {  	s3 =	sld [smem:$0x3FDB];
	s0 =	simm.s32 @p2 $0x1  }
0x17: {  	s4 =	simm.s32 $0x1BF5;
	[smem:$0x3FB0] =	sst s0  }
0x18: {  	s0 =	sld [smem:$0x3F93];
	_ =	swait.ge [sflag:s4], $0x0  }
0x19: {  	s7 =	sld [smem:$0x3F94]  }
0x1a: {  	s8 =	sadd.s32 $0xFFFFE003, lr  }
0x1b: {  	s9 =	sadd.s32 $0xFFFFFEF7, lr;
	s5 =	simm.s32 $0xFFFFFFFF;
	p2 =	slt.u32 s8, $0xFFFFF086  }
0x1c: {  	p1 =	slt.u32 s9, $0xF7A;
	s5 =	simm.s32 @!p2 $0x0  }
0x1d: {  	s5 =	simm.s32 @p1 $0x1;
	p0 =	seq.s32 s7, s2  }
0x1e: {  	s7 =	smul.u32 @!p0 $0xF7A, s2;
	p2 =	seq.s32 @!p0 s5, $0x0  }
0x1f: {  	s9 =	smul.u32 $0xF7A, s1;
	s8 =	simm.s32 @!p0 $0x1BF5;
	p2 =	por !p2, p0  }
0x20: {  	[sflag:s8] =	ssyncset.s32 @!p0 $0xFFFFF086;
	s6 =	sadd.s32 @!p0 s3, s7;
	s7 =	simm.s32 @!p0 $0x108  }
0x21: {  	s3 =	sadd.s32 s3, s9;
	s6 =	sadd.s32 @!p0 $0x88, s6;
	s7 =	simm.s32 @p2 $0x1082  }
0x22: {  	[simem:s7], [sflag:s8] =	dma.local @!p0 [hbm:s6], $0xF7A  }
0x23: {  	s9 =	sor.u32 $0xD0000000, s2;
	s6 =	simm.s32 $0x108;
	_ =	swait.ge @!p0 [sflag:s8], $0x0  }
0x24: {  	s3 =	sadd.s32 $0x88, s3;
	s6 =	simm.s32 @!p1 $0x1082;
	[sflag:s4] =	ssyncset.s32 $0xFFFFF086  }
0x25: {  	[simem:s6], [sflag:s4] =	dma.local [hbm:s3], $0xF7A  }
0x26: {  	[smem:$0x3F94] =	sst s1;
	(tag) =	ssettag s2;
	_ =	strace s9  }
0x27: {  	s1 =	sld [smem:$0x3FA4]  }
0x28: {  	s2 =	sld [smem:$0x3FA5]  }
0x29: {  	s4 =	sld [smem:$0x3FA7]  }
0x2a: {  	p0 =	seq.s32 s5, $0x0;
	s5 =	sld [smem:$0x3FA8]  }
0x2b: {  	s6 =	sld [smem:$0x3FA9]  }
0x2c: {  	s7 =	sld [smem:$0x3FAA]  }
0x2d: {  	s3 =	simm.s32 $0x108;
	s8 =	sld [smem:$0x3FAB]  }
0x2e: {  	s3 =	simm.s32 @!p0 $0x1082;
	s9 =	sld [smem:$0x3FAC]  }
0x2f: {  	lr =	sadd.s32 s0, s3;
	s0 =	sld [smem:$0x3FA3]  }
0x30: {  	s3 =	sld [smem:$0x3FA6]  }
0x31: {  	[smem:$0x3FAF] =	sst s10  }
0x32: {  	s10 =	sld [smem:$0x3FAD];
	_ =	sdelay $0x3  }
0x33: {  	p0 =	seq.s32 s10, $0x1;
	s10 =	sld [smem:$0x3FAF];
	_ =	sdelay $0x3  }
0x34: {  	[smem:$0x3FAF] =	sst s10  }
0x35: {  	s10 =	sld [smem:$0x3FAE];
	_ =	sdelay $0x3  }
0x36: {  	p1 =	seq.s32 s10, $0x1;
	s10 =	sld [smem:$0x3FAF];
	_ =	sdelay $0x3  }
0x37: {  	[smem:$0x3FAF] =	sst s10  }
0x38: {  	s10 =	sld [smem:$0x3FB0]  }
0x39: {  	_ = 	snop;
	(pc) =	sbr.ind lr, $3  }
0x3a: {  	_ = 	snop  }
0x3b: {  	_ = 	snop  }
0x3c: {  	p2 =	seq.s32 s10, $0x1;
	s10 =	sld [smem:$0x3FAF]  }
0x3d: {  	_ =	shalt  }
0x3e: {  	_ =	shalt  }
0x3f: {  	_ =	shalt  }
0x40: {  	_ =	shalt  }
0x41: {  	_ =	shalt  }
0x42: {  	_ =	shalt  }
0x43: {  	_ =	shalt  }
0x44: {  	_ =	shalt  }
0x45: {  	_ =	shalt  }
0x46: {  	_ =	shalt  }
0x47: {  	_ =	shalt  }
0x48: {  	_ =	shalt  }
0x49: {  	_ =	shalt  }
0x4a: {  	_ =	shalt  }
0x4b: {  	_ =	shalt  }
0x4c: {  	_ =	shalt  }
0x4d: {  	_ =	shalt  }
0x4e: {  	_ =	shalt  }
0x4f: {  	_ =	shalt  }
0x50: {  	_ =	shalt  }
0x51: {  	_ =	shalt  }
0x52: {  	_ =	shalt  }
0x53: {  	_ =	shalt  }
0x54: {  	_ =	shalt  }
0x55: {  	_ =	shalt  }
0x56: {  	_ =	shalt  }
0x57: {  	_ =	shalt  }
0x58: {  	_ =	shalt  }
0x59: {  	_ =	shalt  }
0x5a: {  	_ =	shalt  }
0x5b: {  	_ =	shalt  }
0x5c: {  	_ =	shalt  }
0x5d: {  	_ =	shalt  }
0x5e: {  	_ =	shalt  }
0x5f: {  	_ =	shalt  }
0x60: {  	_ =	shalt  }
0x61: {  	_ =	shalt  }
0x62: {  	_ =	shalt  }
0x63: {  	_ =	shalt  }
0x64: {  	_ =	shalt  }
0x65: {  	_ =	shalt  }
0x66: {  	_ =	shalt  }
0x67: {  	_ =	shalt  }
0x68: {  	_ =	shalt  }
0x69: {  	_ =	shalt  }
0x6a: {  	_ =	shalt  }
0x6b: {  	_ =	shalt  }
0x6c: {  	_ =	shalt  }
0x6d: {  	_ =	shalt  }
0x6e: {  	_ =	shalt  }
0x6f: {  	_ =	shalt  }
0x70: {  	_ =	shalt  }
0x71: {  	_ =	shalt  }
0x72: {  	_ =	shalt  }
0x73: {  	_ =	shalt  }
0x74: {  	_ =	shalt  }
0x75: {  	_ =	shalt  }
0x76: {  	_ =	shalt  }
0x77: {  	_ =	shalt  }
0x78: {  	_ =	shalt  }
0x79: {  	_ =	shalt  }
0x7a: {  	_ =	shalt  }
0x7b: {  	_ =	shalt  }
0x7c: {  	_ =	shalt  }
0x7d: {  	_ =	shalt  }
0x7e: {  	_ =	shalt  }
0x7f: {  	_ =	shalt  }
0x80: {  	_ =	shalt  }
0x81: {  	_ =	shalt  }
0x82: {  	_ =	shalt  }
0x83: {  	_ =	shalt  }
0x84: {  	_ =	shalt  }
0x85: {  	_ =	shalt  }
0x86: {  	_ =	shalt  }
0x87: {  	_ =	shalt  }
.Lfunc_end0:
.L_simem_size_0:
called_computation_lowered:
.L_overlay_start_0:
0x88: {  	s2 =	sld [smem:$0x3FD9]  }
0x89: {  	s3 =	sld [smem:$0x3FFE];
	_ =	sdelay $0x1  }
0x8a: {  	s1 =	srdreg.scid  }
0x8b: {  	s0 =	sand.u32 $0x1, s1  }
0x8c: {  	s16 =	sshll.u32 s0, $0xA;
	s2 =	sadd.s32 s3, s2  }
0x8d: {  	s2 =	sadd.s32 s2, s16  }
0x8e: {  	[smem:$0x3FBB] =	sst s2  }
0x8f: {  	_ = 	snop  }
0x90: {  	(tm) =	ssettm $0x1  }
0x91: {  	s17 =	sld [smem:$0x3FFB];
	_ =	sdelay $0x3  }
0x92: {  	_ =	strace s17  }
0x93: {  	s2 =	sld [smem:$0x3FFC];
	_ =	sdelay $0x3  }
0x94: {  	_ =	strace s2  }
0x95: {  	s2 =	sld [smem:$0x3FFD];
	_ =	sdelay $0x3  }
0x96: {  	_ =	strace s2  }
0x97: {  	_ =	strace $0x8FFFFFFF  }
0x98: {  	s18 =	sld [smem:$0x3FDB];
	_ =	sdelay $0x1  }
0x99: {  	s19 =	simm.s32 $_scs_section_size  }
0x9a: {  	s4 =	simm.s32 $_size__tile_overlayer_lowered;
	s5 =	simm.s32 $_tile_overlayer_lowered  }
0x9b: {  	s22 =	simm.s32 $0x1BFF;
	s21 =	sshll.u32 s5, $0x1;
	s2 =	sadd.s32 s19, s18  }
0x9c: {  	s6 =	simm.s32 $0x0;
	s20 =	sshll.u32 s4, $0x1;
	s4 =	sadd.s32 s21, s2  }
0x9d: {  	[timem:s6], [sflag:s22] =	dma.local [hbm:s4], s20  }
0x9e: {  	_ =	swait.ge [sflag:s22], s20  }
0x9f: {  	s3 =	ssub.s32 $0x0, s20;
	[sflag:s22] =	ssyncset.done $0x0  }
0xa0: {  	[sflag:s22] =	ssyncadd.s32 s3;
	_ =	sdelay $0x1  }
0xa1: {  	s23 =	simm.s32 $0x1B8B  }
0xa2: {  	_ =	swait.ge [sflag:s23], $0x1  }
0xa3: {  	[sflag:s23] =	ssyncset.done $0x0  }
0xa4: {  	s25 =	simm.s32 $0x1B8E;
	s24 =	sld [smem:$0x3FFE];
	[sflag:s23] =	ssyncadd.s32 $0xFFFFFFFF  }
0xa5: {  	s26 =	simm.s32 $execute0_lowered;
	[smem:$0x3FD2] =	sst s25  }
0xa6: {  	s4 =	sshll.u32 s26, $0x1;
	_ =	strace $0x80000046;
	[dreg:$0x1] =	wrdreg $0xFFFFFFFF  }
0xa7: {  	s28 =	simm.s32 $_size_execute0_lowered;
	s2 =	sadd.s32 s2, s4;
	[dreg:$0x0] =	wrdreg $0x0  }
0xa8: {  	s4 =	sshll.u32 s28, $0x1;
	[dreg:$0x2] =	wrdreg s2  }
0xa9: {  	[dreg:$0x3] =	wrdreg s4  }
0xaa: {  	[dreg:$0x4] =	wrdreg $0xC0  }
0xab: {  	_ =	task [dreg:s6], $0x5FFFF  }
0xac: {  	[dreg:$0x1] =	wrdreg $0xFFFFFFFF  }
0xad: {  	[dreg:$0x0] =	wrdreg $0x60  }
0xae: {  	[dreg:$0x2] =	wrdreg s24  }
0xaf: {  	[dreg:$0x3] =	wrdreg $0xA500  }
0xb0: {  	[dreg:$0x4] =	wrdreg $0x9  }
0xb1: {  	_ =	task.clear_ibuf [dreg:s6], $0x5FFFF;
	_ =	strace $0x90000046  }
0xb2: {  	s29 =	simm.s32 $0x9;
	_ =	strace $0x80000048  }
0xb3: {  	_ =	swait.ge [sflag:s29], $0x1  }
0xb4: {  	[sflag:s29] =	ssyncadd.s32 $0xFFFFFFFF  }
0xb5: {  	_ =	strace $0x90000048  }
0xb6: {  	_ =	sfence  }
0xb7: {  	s30 =	sld [smem:$0x0];
	_ =	sdelay $0x2  }
0xb8: {  	s31 =	sshll.u32 s1, $0xD;
	s1 =	sshrl.u32 s1, $0x2  }
0xb9: {  	s3 =	sand.u32 $0x4000, s31;
	s1 =	sadd.s32 s1, s30  }
0xba: {  	s0 =	sor.u32 s3, s0;
	s1 =	sshll.u32 s1, $0x11  }
0xbb: {  	s0 =	sor.u32 s1, s0  }
0xbc: {  	s0 =	sadd.s32 $0x8F2B, s0  }
0xbd: {  	[sflag:s0] =	ssyncadd.remote.s32 $0x1  }
0xbe: {  	_ =	sfence.sel $0xFFFF  }
0xbf: {  	[dreg:$0x0] =	wrdreg $0xFFFFFFFF;
	(pc) =	sbr.abs _section_cstart, $3  }
0xc0: {  	[dreg:$0x1] =	wrdreg $0xFFFFFFFF  }
0xc1: {  	_ =	task.clear_ibuf [dreg:s6], $0x2FFFF;
	_ =	strace $0x9FFFFFFF  }
0xc2: {  	(tm) =	ssettm $0x7FFFFFFF  }
0xc3: {  	_ =	shalt  }
tec
execute0_lowered:
.L_overlay_start_1:
0x0: {  	(tag) =	ssettag $0x1  }
0x1: {  	s0 =	srdreg.scid;
	s6 =	rddreg [dreg:$0x0]  }
0x2: {  	s2 =	rddreg [dreg:$0x1];
	s10 =	sand.u32 $0x1, s0  }
0x3: {  	s0 =	stileid.u32;
	s4 =	smul.u32 $0x27100, s10  }
0x4: {  	s3 =	simm.s32 $0x0;
	s28 =	simm.s32 $0x0;
	s5 =	smul.u32 $0x2710, s0  }
0x5: {  	[smem:$0x7FF] =	sst s3;
	s21 =	sadd.s32 $0x18E00, s6;
	s13 =	smul.u32 $0x2800, s0  }
0x6: {  	_ =	strace $0x80000047;
	s7 =	ssub.s32 $0x2, s10;
	s20 =	smul.u32 $0x28000, s10  }
0x7: {  	s8 =	sshrl.u32 s7, $0x1;
	s4 =	sadd.s32 s5, s4;
	s5 =	sadd.s32 $0x18A00, s6  }
0x8: {  	s22 =	ssub.s32 s7, s8;
	s14 =	sor.u32 $0x500, s13;
	s16 =	sadd.s32 $0xA00, s13  }
0x9: {  	s17 =	sadd.s32 $0xF00, s13;
	s18 =	sadd.s32 $0x1400, s13;
	s19 =	sadd.s32 $0x1900, s13  }
0xa: {  	s24 =	sadd.s32 $0x1E00, s13;
	s15 =	sadd.s32 s13, s20;
	s25 =	sadd.s32 $0x2300, s13  }
0xb: {  	s4 =	sshrl.u32 s4, $0x3;
	s7 =	sadd.s32 s14, s2;
	s8 =	sadd.s32 s16, s2  }
0xc: {  	s9 =	sadd.s32 s17, s2;
	s10 =	sadd.s32 s18, s2;
	s11 =	sadd.s32 s19, s2  }
0xd: {  	s12 =	sadd.s32 s24, s2;
	s14 =	sadd.s32 s20, s14;
	s15 =	sshrl.u32 s15, $0x3  }
0xe: {  	s16 =	sadd.s32 s20, s16;
	s17 =	sadd.s32 s20, s17;
	s18 =	sadd.s32 s20, s18  }
0xf: {  	s19 =	sadd.s32 s20, s19;
	s24 =	sadd.s32 s20, s24;
	s20 =	sadd.s32 s20, s25  }
0x10: {  	s22 =	smax.u32 s22, $0x1;
	s23 =	sadd.s32 s4, s6;
	s4 =	sadd.s32 $0x18C00, s6  }
0x11: {  	s6 =	sadd.s32 s13, s2;
	s26 =	sshrl.u32 s14, $0x3;
	s13 =	sadd.s32 s25, s2  }
0x12: {  	s14 =	sadd.s32 s21, s15;
	s16 =	sshrl.u32 s16, $0x3;
	s17 =	sshrl.u32 s17, $0x3  }
0x13: {  	s18 =	sshrl.u32 s18, $0x3;
	s19 =	sshrl.u32 s19, $0x3;
	s24 =	sshrl.u32 s24, $0x3  }
0x14: {  	s25 =	sshrl.u32 s20, $0x3;
	s15 =	sadd.s32 s21, s26;
	s16 =	sadd.s32 s21, s16  }
0x15: {  	s17 =	sadd.s32 s21, s17;
	s18 =	sadd.s32 s21, s18;
	s19 =	sadd.s32 s21, s19  }
0x16: {  	s20 =	sadd.s32 s21, s24;
	s21 =	sadd.s32 s21, s25;
	s23 =	sadd.s32 $0x4E00, s23  }
0x17: {  	s24 =	simm.s32 $0x550;
	s25 =	simm.s32 $0x1;
	s26 =	simm.s32 $0x50  }
.LBB2_1:
0x18: {  	[tilespmem:s24], [sflag:$0x1] =	stream.linear.gather [hbm4b:s4+s3], $0x500, $0x38;
	[tilespmem:$0x3250] =	vst v63  }
0x19: {  	_ =	swait.ge [sflag:s25], $0x500  }
0x1a: {  	[sflag:s25] =	ssyncset.done $0x0  }
0x1b: {  	[sflag:s25] =	ssyncadd.s32 $0xFFFFFB00  }
0x1c: {  	[tilespmem:s26], [sflag:$0x1] =	stream.linear.gather [hbm4b:s5+s3], $0x500, $0x38;
	[tilespmem:$0x3250] =	vst v63  }
0x1d: {  	_ =	swait.ge [sflag:s25], $0x500  }
0x1e: {  	[sflag:s25] =	ssyncset.done $0x0  }
0x1f: {  	[sflag:s25] =	ssyncadd.s32 $0xFFFFFB00  }
0x20: {  	[spmem:s6] =	stream.linear.scatter [tilespmem:s24], [sflag:$0x1], $0x500, $0x38;
	[tilespmem:$0x3250] =	vst v63  }
0x21: {  	_ =	swait.ge [sflag:s25], $0x500  }
0x22: {  	[sflag:s25] =	ssyncset.done $0x0  }
0x23: {  	[sflag:s25] =	ssyncadd.s32 $0xFFFFFB00  }
0x24: {  	[spmem:s7] =	stream.linear.scatter [tilespmem:s24], [sflag:$0x1], $0x500, $0x38;
	[tilespmem:$0x3250] =	vst v63  }
0x25: {  	_ =	swait.ge [sflag:s25], $0x500  }
0x26: {  	[sflag:s25] =	ssyncset.done $0x0  }
0x27: {  	[sflag:s25] =	ssyncadd.s32 $0xFFFFFB00  }
0x28: {  	[spmem:s8] =	stream.linear.scatter [tilespmem:s24], [sflag:$0x1], $0x500, $0x38;
	[tilespmem:$0x3250] =	vst v63  }
0x29: {  	_ =	swait.ge [sflag:s25], $0x500  }
0x2a: {  	[sflag:s25] =	ssyncset.done $0x0  }
0x2b: {  	[sflag:s25] =	ssyncadd.s32 $0xFFFFFB00  }
0x2c: {  	[spmem:s9] =	stream.linear.scatter [tilespmem:s24], [sflag:$0x1], $0x500, $0x38;
	[tilespmem:$0x3250] =	vst v63  }
0x2d: {  	_ =	swait.ge [sflag:s25], $0x500  }
0x2e: {  	[sflag:s25] =	ssyncset.done $0x0  }
0x2f: {  	[sflag:s25] =	ssyncadd.s32 $0xFFFFFB00  }
0x30: {  	[spmem:s10] =	stream.linear.scatter [tilespmem:s24], [sflag:$0x1], $0x500, $0x38;
	[tilespmem:$0x3250] =	vst v63  }
0x31: {  	_ =	swait.ge [sflag:s25], $0x500  }
0x32: {  	[sflag:s25] =	ssyncset.done $0x0  }
0x33: {  	[sflag:s25] =	ssyncadd.s32 $0xFFFFFB00  }
0x34: {  	[spmem:s11] =	stream.linear.scatter [tilespmem:s24], [sflag:$0x1], $0x500, $0x38;
	[tilespmem:$0x3250] =	vst v63  }
0x35: {  	_ =	swait.ge [sflag:s25], $0x500  }
0x36: {  	[sflag:s25] =	ssyncset.done $0x0  }
0x37: {  	[sflag:s25] =	ssyncadd.s32 $0xFFFFFB00  }
0x38: {  	[spmem:s12] =	stream.linear.scatter [tilespmem:s24], [sflag:$0x1], $0x500, $0x38;
	[tilespmem:$0x3250] =	vst v63  }
0x39: {  	_ =	swait.ge [sflag:s25], $0x500  }
0x3a: {  	[sflag:s25] =	ssyncset.done $0x0  }
0x3b: {  	[sflag:s25] =	ssyncadd.s32 $0xFFFFFB00  }
0x3c: {  	[spmem:s13] =	stream.linear.scatter [tilespmem:s24], [sflag:$0x1], $0x500, $0x38;
	[tilespmem:$0x3250] =	vst v63  }
0x3d: {  	_ =	swait.ge [sflag:s25], $0x500  }
0x3e: {  	[sflag:s25] =	ssyncset.done $0x0  }
0x3f: {  	[sflag:s25] =	ssyncadd.s32 $0xFFFFFB00  }
0x40: {  	s29 =	sadd.s32 $0x0, s23;
	[bflag:$0x0] =	sbarrier.arrive $0xFFFF  }
0x41: {  	[tilespmem:s3], [sflag:$0x1] =	stream.linear.gather [hbm4b:s29+s3], $0x50, $0x38;
	[tilespmem:$0x3250] =	vst v63  }
0x42: {  	_ =	swait.ge [sflag:s25], $0x50  }
0x43: {  	[sflag:s25] =	ssyncset.done $0x0  }
0x44: {  	[sflag:s25] =	ssyncadd.s32 $0xFFFFFFB0  }
0x45: {  	[spmem:s2] =	stream.indirect.scatter.add.f32 [tilespmem:s26], [sflag:$0x1], $0x10, s3, s26, $0xb8;
	[tilespmem:$0x3250] =	vst v63  }
0x46: {  	_ =	swait.ge [sflag:s25], $0x500  }
0x47: {  	s30 =	simm.s32 $0x14;
	s29 =	simm.s32 $0xA;
	[sflag:s25] =	ssyncset.done $0x0  }
.LBB2_2:
0x48: {  	s31 =	sadd.s32 s29, s23  }
0x49: {  	[sflag:s25] =	ssyncadd.s32 $0xFFFFFB00;
	s29 =	smov.u32 s30;
	s1 =	sadd.s32 $0xA, s30  }
0x4a: {  	[tilespmem:s3], [sflag:$0x1] =	stream.linear.gather [hbm4b:s31+s3], $0x50, $0x38;
	[tilespmem:$0x3250] =	vst v63  }
0x4b: {  	p0 =	sne.s32 s30, $0x4D8;
	_ =	swait.ge [sflag:s25], $0x50  }
.Ltmp0:
0x4c: {  	[sflag:s25] =	ssyncset.done $0x0;
	(pc) =	sbr.rel @p0 .LBB2_2-.Ltmp0, $4  }
0x4d: {  	[sflag:s25] =	ssyncadd.s32 $0xFFFFFFB0  }
0x4e: {  	[spmem:s2] =	stream.indirect.scatter.add.f32 [tilespmem:s26], [sflag:$0x1], $0x10, s3, s26, $0xb8;
	[tilespmem:$0x3250] =	vst v63  }
0x4f: {  	_ =	swait.ge [sflag:s25], $0x500  }
0x50: {  	s30 =	smov.u32 s1;
	[sflag:s25] =	ssyncset.done $0x0  }
0x51: {  	s1 =	sadd.s32 s29, s23;
	[sflag:s25] =	ssyncadd.s32 $0xFFFFFB00  }
0x52: {  	[tilespmem:s3], [sflag:$0x1] =	stream.linear.gather [hbm4b:s1+s3], $0x50, $0x38;
	[tilespmem:$0x3250] =	vst v63  }
0x53: {  	_ =	swait.ge [sflag:s25], $0x50  }
0x54: {  	[sflag:s25] =	ssyncset.done $0x0  }
0x55: {  	[sflag:s25] =	ssyncadd.s32 $0xFFFFFFB0  }
0x56: {  	[spmem:s2] =	stream.indirect.scatter.add.f32 [tilespmem:s26], [sflag:$0x1], $0x10, s3, s26, $0xb8;
	[tilespmem:$0x3250] =	vst v63  }
0x57: {  	_ =	swait.ge [sflag:s25], $0x500  }
0x58: {  	[sflag:s25] =	ssyncset.done $0x0  }
0x59: {  	[sflag:s25] =	ssyncadd.s32 $0xFFFFFB00  }
0x5a: {  	[bflag:$0x0] =	sbarrier.arrive $0xFFFF  }
0x5b: {  	[tilespmem:s24], [sflag:$0x1] =	stream.linear.gather [spmem:s6], $0x500, $0x38;
	[tilespmem:$0x3250] =	vst v63  }
0x5c: {  	_ =	swait.ge [sflag:s25], $0x500  }
0x5d: {  	[sflag:s25] =	ssyncset.done $0x0  }
0x5e: {  	[sflag:s25] =	ssyncadd.s32 $0xFFFFFB00  }
0x5f: {  	[hbm4b:s14+s3] =	stream.linear.scatter [tilespmem:s24], [sflag:$0x1], $0x500, $0x38;
	[tilespmem:$0x3250] =	vst v63  }
0x60: {  	_ =	swait.ge [sflag:s25], $0x500  }
0x61: {  	[sflag:s25] =	ssyncset.done $0x0  }
0x62: {  	[sflag:s25] =	ssyncadd.s32 $0xFFFFFB00  }
0x63: {  	[tilespmem:s24], [sflag:$0x1] =	stream.linear.gather [spmem:s7], $0x500, $0x38;
	[tilespmem:$0x3250] =	vst v63  }
0x64: {  	_ =	swait.ge [sflag:s25], $0x500  }
0x65: {  	[sflag:s25] =	ssyncset.done $0x0  }
0x66: {  	[sflag:s25] =	ssyncadd.s32 $0xFFFFFB00  }
0x67: {  	[hbm4b:s15+s3] =	stream.linear.scatter [tilespmem:s24], [sflag:$0x1], $0x500, $0x38;
	[tilespmem:$0x3250] =	vst v63  }
0x68: {  	_ =	swait.ge [sflag:s25], $0x500  }
0x69: {  	[sflag:s25] =	ssyncset.done $0x0  }
0x6a: {  	[sflag:s25] =	ssyncadd.s32 $0xFFFFFB00  }
0x6b: {  	[tilespmem:s24], [sflag:$0x1] =	stream.linear.gather [spmem:s8], $0x500, $0x38;
	[tilespmem:$0x3250] =	vst v63  }
0x6c: {  	_ =	swait.ge [sflag:s25], $0x500  }
0x6d: {  	[sflag:s25] =	ssyncset.done $0x0  }
0x6e: {  	[sflag:s25] =	ssyncadd.s32 $0xFFFFFB00  }
0x6f: {  	[hbm4b:s16+s3] =	stream.linear.scatter [tilespmem:s24], [sflag:$0x1], $0x500, $0x38;
	[tilespmem:$0x3250] =	vst v63  }
0x70: {  	_ =	swait.ge [sflag:s25], $0x500  }
0x71: {  	[sflag:s25] =	ssyncset.done $0x0  }
0x72: {  	[sflag:s25] =	ssyncadd.s32 $0xFFFFFB00  }
0x73: {  	[tilespmem:s24], [sflag:$0x1] =	stream.linear.gather [spmem:s9], $0x500, $0x38;
	[tilespmem:$0x3250] =	vst v63  }
0x74: {  	_ =	swait.ge [sflag:s25], $0x500  }
0x75: {  	[sflag:s25] =	ssyncset.done $0x0  }
0x76: {  	[sflag:s25] =	ssyncadd.s32 $0xFFFFFB00  }
0x77: {  	[hbm4b:s17+s3] =	stream.linear.scatter [tilespmem:s24], [sflag:$0x1], $0x500, $0x38;
	[tilespmem:$0x3250] =	vst v63  }
0x78: {  	_ =	swait.ge [sflag:s25], $0x500  }
0x79: {  	[sflag:s25] =	ssyncset.done $0x0  }
0x7a: {  	[sflag:s25] =	ssyncadd.s32 $0xFFFFFB00  }
0x7b: {  	[tilespmem:s24], [sflag:$0x1] =	stream.linear.gather [spmem:s10], $0x500, $0x38;
	[tilespmem:$0x3250] =	vst v63  }
0x7c: {  	_ =	swait.ge [sflag:s25], $0x500  }
0x7d: {  	[sflag:s25] =	ssyncset.done $0x0  }
0x7e: {  	[sflag:s25] =	ssyncadd.s32 $0xFFFFFB00  }
0x7f: {  	[hbm4b:s18+s3] =	stream.linear.scatter [tilespmem:s24], [sflag:$0x1], $0x500, $0x38;
	[tilespmem:$0x3250] =	vst v63  }
0x80: {  	_ =	swait.ge [sflag:s25], $0x500  }
0x81: {  	[sflag:s25] =	ssyncset.done $0x0  }
0x82: {  	[sflag:s25] =	ssyncadd.s32 $0xFFFFFB00  }
0x83: {  	[tilespmem:s24], [sflag:$0x1] =	stream.linear.gather [spmem:s11], $0x500, $0x38;
	[tilespmem:$0x3250] =	vst v63  }
0x84: {  	_ =	swait.ge [sflag:s25], $0x500  }
0x85: {  	[sflag:s25] =	ssyncset.done $0x0  }
0x86: {  	[sflag:s25] =	ssyncadd.s32 $0xFFFFFB00  }
0x87: {  	[hbm4b:s19+s3] =	stream.linear.scatter [tilespmem:s24], [sflag:$0x1], $0x500, $0x38;
	[tilespmem:$0x3250] =	vst v63  }
0x88: {  	_ =	swait.ge [sflag:s25], $0x500  }
0x89: {  	[sflag:s25] =	ssyncset.done $0x0  }
0x8a: {  	[sflag:s25] =	ssyncadd.s32 $0xFFFFFB00  }
0x8b: {  	[tilespmem:s24], [sflag:$0x1] =	stream.linear.gather [spmem:s12], $0x500, $0x38;
	[tilespmem:$0x3250] =	vst v63  }
0x8c: {  	_ =	swait.ge [sflag:s25], $0x500  }
0x8d: {  	[sflag:s25] =	ssyncset.done $0x0  }
0x8e: {  	[sflag:s25] =	ssyncadd.s32 $0xFFFFFB00  }
0x8f: {  	[hbm4b:s20+s3] =	stream.linear.scatter [tilespmem:s24], [sflag:$0x1], $0x500, $0x38;
	[tilespmem:$0x3250] =	vst v63  }
0x90: {  	_ =	swait.ge [sflag:s25], $0x500  }
0x91: {  	[sflag:s25] =	ssyncset.done $0x0  }
0x92: {  	[sflag:s25] =	ssyncadd.s32 $0xFFFFFB00  }
0x93: {  	[tilespmem:s24], [sflag:$0x1] =	stream.linear.gather [spmem:s13], $0x500, $0x38;
	[tilespmem:$0x3250] =	vst v63  }
0x94: {  	s28 =	sadd.s32 $0x1, s28;
	_ =	swait.ge [sflag:s25], $0x500  }
0x95: {  	p0 =	sne.s32 s28, s22;
	[sflag:s25] =	ssyncset.done $0x0  }
.Ltmp1:
0x96: {  	[sflag:s25] =	ssyncadd.s32 $0xFFFFFB00;
	(pc) =	sbr.rel @p0 .LBB2_1-.Ltmp1, $4  }
0x97: {  	[hbm4b:s21+s3] =	stream.linear.scatter [tilespmem:s24], [sflag:$0x1], $0x500, $0x38;
	[tilespmem:$0x3250] =	vst v63  }
0x98: {  	_ =	swait.ge [sflag:s25], $0x500  }
0x99: {  	[sflag:s25] =	ssyncset.done $0x0  }
0x9a: {  	[sflag:s25] =	ssyncadd.s32 $0xFFFFFB00  }
0x9b: {  	_ =	sfence.sel $0x180000  }
0x9c: {  	[bflag:$0x0] =	sbarrier.arrive $0xFFFF  }
0x9d: {  	_ =	strace $0x90000047  }
0x9e: {  	[bflag:$0x2] =	sbarrier.arrive $0xFFFF  }
0x9f: {  	p0 =	sne.s32 s0, $0x0;
	s0 =	rddreg [dreg:$0x2]  }
0xa0: {  	s0 =	sadd.s32 @!p0 $0x100000, s0  }
0xa1: {  	[sflag:s0] =	ssyncadd.tile.s32 @!p0 $0x1;
	_ =	shalt  }
.Lfunc_end2:
_tile_overlayer_lowered:
.L_overlay_start_2:
0xa2: {  	(tag) =	ssettag $0x2  }
0xa3: {  	s0 =	rddreg [dreg:$0x0];
	s2 =	stileid.u32  }
0xa4: {  	s1 =	rddreg [dreg:$0x1];
	p0 =	sne.s32 s2, $0x0  }
0xa5: {  	s3 =	rddreg [dreg:$0x2];
	[bflag:$0x3] =	sbarrier.arrive $0xFFFF;
	s2 =	simm.s32 @!p0 $0x1C01  }
0xa6: {  	[timem:s3], [sflag:s2] =	dma.local @!p0 [hbm:s0], s1  }
0xa7: {  	s0 =	simm.s32 @!p0 $0x1  }
0xa8: {  	_ =	swait.ge @!p0 [sflag:s0], s1  }
0xa9: {  	s1 =	ssub.s32 @!p0 $0x0, s1;
	[sflag:s0] =	ssyncset.done @!p0 $0x0  }
0xaa: {  	[sflag:s0] =	ssyncadd.s32 @!p0 s1  }
0xab: {  	[bflag:$0x3] =	sbarrier.arrive $0xFFFF  }
0xac: {  	_ =	shalt  }

// kernel: kernel.14.cloned.1.call-start
scs
__scs_entry_jumppad:
0x0: {  	(pc) =	sbr.rel $0x88, $3  }
0x1: {  	(tag) =	ssettag $0x0;
	lr =	simm.s32 $0x1  }
0x2: {  	[smem:$0x3F94] =	sst lr;
	_ =	strace $0xD0000000  }
0x3: {  	_ = 	snop  }
0x4: {  	_ = 	snop  }
0x5: {  	_ = 	snop  }
0x6: {  	_ = 	snop  }
0x7: {  	_ = 	snop  }
__scs_overlays_trampoline_lowered:
0x8: {  	[smem:$0x3FA3] =	sst s0  }
0x9: {  	[smem:$0x3FA4] =	sst s1  }
0xa: {  	[smem:$0x3FA5] =	sst s2  }
0xb: {  	[smem:$0x3FA6] =	sst s3  }
0xc: {  	[smem:$0x3FA7] =	sst s4  }
0xd: {  	[smem:$0x3FA8] =	sst s5  }
0xe: {  	[smem:$0x3FA9] =	sst s6  }
0xf: {  	[smem:$0x3FAA] =	sst s7  }
0x10: {  	[smem:$0x3FAB] =	sst s8  }
0x11: {  	[smem:$0x3FAC] =	sst s9;
	s0 =	simm.s32 @!p0 $0x0  }
0x12: {  	s1 =	sld [smem:$0x3F92];
	s0 =	simm.s32 @p0 $0x1  }
0x13: {  	[smem:$0x3FAD] =	sst s0;
	s0 =	simm.s32 @!p1 $0x0  }
0x14: {  	s2 =	sld [smem:$0x3F91];
	s0 =	simm.s32 @p1 $0x1  }
0x15: {  	[smem:$0x3FAE] =	sst s0;
	s0 =	simm.s32 @!p2 $0x0  }
0x16: {  	s3 =	sld [smem:$0x3FDB];
	s0 =	simm.s32 @p2 $0x1  }
0x17: {  	s4 =	simm.s32 $0x1BF5;
	[smem:$0x3FB0] =	sst s0  }
0x18: {  	s0 =	sld [smem:$0x3F93];
	_ =	swait.ge [sflag:s4], $0x0  }
0x19: {  	s7 =	sld [smem:$0x3F94]  }
0x1a: {  	s8 =	sadd.s32 $0xFFFFE003, lr  }
0x1b: {  	s9 =	sadd.s32 $0xFFFFFEF7, lr;
	s5 =	simm.s32 $0xFFFFFFFF;
	p2 =	slt.u32 s8, $0xFFFFF086  }
0x1c: {  	p1 =	slt.u32 s9, $0xF7A;
	s5 =	simm.s32 @!p2 $0x0  }
0x1d: {  	s5 =	simm.s32 @p1 $0x1;
	p0 =	seq.s32 s7, s2  }
0x1e: {  	s7 =	smul.u32 @!p0 $0xF7A, s2;
	p2 =	seq.s32 @!p0 s5, $0x0  }
0x1f: {  	s9 =	smul.u32 $0xF7A, s1;
	s8 =	simm.s32 @!p0 $0x1BF5;
	p2 =	por !p2, p0  }
0x20: {  	[sflag:s8] =	ssyncset.s32 @!p0 $0xFFFFF086;
	s6 =	sadd.s32 @!p0 s3, s7;
	s7 =	simm.s32 @!p0 $0x108  }
0x21: {  	s3 =	sadd.s32 s3, s9;
	s6 =	sadd.s32 @!p0 $0x88, s6;
	s7 =	simm.s32 @p2 $0x1082  }
0x22: {  	[simem:s7], [sflag:s8] =	dma.local @!p0 [hbm:s6], $0xF7A  }
0x23: {  	s9 =	sor.u32 $0xD0000000, s2;
	s6 =	simm.s32 $0x108;
	_ =	swait.ge @!p0 [sflag:s8], $0x0  }
0x24: {  	s3 =	sadd.s32 $0x88, s3;
	s6 =	simm.s32 @!p1 $0x1082;
	[sflag:s4] =	ssyncset.s32 $0xFFFFF086  }
0x25: {  	[simem:s6], [sflag:s4] =	dma.local [hbm:s3], $0xF7A  }
0x26: {  	[smem:$0x3F94] =	sst s1;
	(tag) =	ssettag s2;
	_ =	strace s9  }
0x27: {  	s1 =	sld [smem:$0x3FA4]  }
0x28: {  	s2 =	sld [smem:$0x3FA5]  }
0x29: {  	s4 =	sld [smem:$0x3FA7]  }
0x2a: {  	p0 =	seq.s32 s5, $0x0;
	s5 =	sld [smem:$0x3FA8]  }
0x2b: {  	s6 =	sld [smem:$0x3FA9]  }
0x2c: {  	s7 =	sld [smem:$0x3FAA]  }
0x2d: {  	s3 =	simm.s32 $0x108;
	s8 =	sld [smem:$0x3FAB]  }
0x2e: {  	s3 =	simm.s32 @!p0 $0x1082;
	s9 =	sld [smem:$0x3FAC]  }
0x2f: {  	lr =	sadd.s32 s0, s3;
	s0 =	sld [smem:$0x3FA3]  }
0x30: {  	s3 =	sld [smem:$0x3FA6]  }
0x31: {  	[smem:$0x3FAF] =	sst s10  }
0x32: {  	s10 =	sld [smem:$0x3FAD];
	_ =	sdelay $0x3  }
0x33: {  	p0 =	seq.s32 s10, $0x1;
	s10 =	sld [smem:$0x3FAF];
	_ =	sdelay $0x3  }
0x34: {  	[smem:$0x3FAF] =	sst s10  }
0x35: {  	s10 =	sld [smem:$0x3FAE];
	_ =	sdelay $0x3  }
0x36: {  	p1 =	seq.s32 s10, $0x1;
	s10 =	sld [smem:$0x3FAF];
	_ =	sdelay $0x3  }
0x37: {  	[smem:$0x3FAF] =	sst s10  }
0x38: {  	s10 =	sld [smem:$0x3FB0]  }
0x39: {  	_ = 	snop;
	(pc) =	sbr.ind lr, $3  }
0x3a: {  	_ = 	snop  }
0x3b: {  	_ = 	snop  }
0x3c: {  	p2 =	seq.s32 s10, $0x1;
	s10 =	sld [smem:$0x3FAF]  }
0x3d: {  	_ =	shalt  }
0x3e: {  	_ =	shalt  }
0x3f: {  	_ =	shalt  }
0x40: {  	_ =	shalt  }
0x41: {  	_ =	shalt  }
0x42: {  	_ =	shalt  }
0x43: {  	_ =	shalt  }
0x44: {  	_ =	shalt  }
0x45: {  	_ =	shalt  }
0x46: {  	_ =	shalt  }
0x47: {  	_ =	shalt  }
0x48: {  	_ =	shalt  }
0x49: {  	_ =	shalt  }
0x4a: {  	_ =	shalt  }
0x4b: {  	_ =	shalt  }
0x4c: {  	_ =	shalt  }
0x4d: {  	_ =	shalt  }
0x4e: {  	_ =	shalt  }
0x4f: {  	_ =	shalt  }
0x50: {  	_ =	shalt  }
0x51: {  	_ =	shalt  }
0x52: {  	_ =	shalt  }
0x53: {  	_ =	shalt  }
0x54: {  	_ =	shalt  }
0x55: {  	_ =	shalt  }
0x56: {  	_ =	shalt  }
0x57: {  	_ =	shalt  }
0x58: {  	_ =	shalt  }
0x59: {  	_ =	shalt  }
0x5a: {  	_ =	shalt  }
0x5b: {  	_ =	shalt  }
0x5c: {  	_ =	shalt  }
0x5d: {  	_ =	shalt  }
0x5e: {  	_ =	shalt  }
0x5f: {  	_ =	shalt  }
0x60: {  	_ =	shalt  }
0x61: {  	_ =	shalt  }
0x62: {  	_ =	shalt  }
0x63: {  	_ =	shalt  }
0x64: {  	_ =	shalt  }
0x65: {  	_ =	shalt  }
0x66: {  	_ =	shalt  }
0x67: {  	_ =	shalt  }
0x68: {  	_ =	shalt  }
0x69: {  	_ =	shalt  }
0x6a: {  	_ =	shalt  }
0x6b: {  	_ =	shalt  }
0x6c: {  	_ =	shalt  }
0x6d: {  	_ =	shalt  }
0x6e: {  	_ =	shalt  }
0x6f: {  	_ =	shalt  }
0x70: {  	_ =	shalt  }
0x71: {  	_ =	shalt  }
0x72: {  	_ =	shalt  }
0x73: {  	_ =	shalt  }
0x74: {  	_ =	shalt  }
0x75: {  	_ =	shalt  }
0x76: {  	_ =	shalt  }
0x77: {  	_ =	shalt  }
0x78: {  	_ =	shalt  }
0x79: {  	_ =	shalt  }
0x7a: {  	_ =	shalt  }
0x7b: {  	_ =	shalt  }
0x7c: {  	_ =	shalt  }
0x7d: {  	_ =	shalt  }
0x7e: {  	_ =	shalt  }
0x7f: {  	_ =	shalt  }
0x80: {  	_ =	shalt  }
0x81: {  	_ =	shalt  }
0x82: {  	_ =	shalt  }
0x83: {  	_ =	shalt  }
0x84: {  	_ =	shalt  }
0x85: {  	_ =	shalt  }
0x86: {  	_ =	shalt  }
0x87: {  	_ =	shalt  }
.Lfunc_end0:
.L_simem_size_0:
called_computation.1_lowered:
.L_overlay_start_0:
0x88: {  	s2 =	sld [smem:$0x3FD9]  }
0x89: {  	s3 =	sld [smem:$0x3FFE];
	_ =	sdelay $0x1  }
0x8a: {  	s1 =	srdreg.scid  }
0x8b: {  	s0 =	sand.u32 $0x1, s1  }
0x8c: {  	s17 =	sshll.u32 s0, $0xA;
	s2 =	sadd.s32 s3, s2  }
0x8d: {  	s2 =	sadd.s32 s2, s17  }
0x8e: {  	[smem:$0x3FBB] =	sst s2  }
0x8f: {  	_ = 	snop  }
0x90: {  	s18 =	sld [smem:$0x3FD0];
	(tm) =	ssettm $0x1  }
0x91: {  	s19 =	sld [smem:$0x3FFB];
	_ =	sdelay $0x3  }
0x92: {  	_ =	strace s19  }
0x93: {  	s2 =	sld [smem:$0x3FFC];
	_ =	sdelay $0x3  }
0x94: {  	_ =	strace s2  }
0x95: {  	s2 =	sld [smem:$0x3FFD];
	_ =	sdelay $0x3  }
0x96: {  	_ =	strace s2  }
0x97: {  	_ =	strace $0x8FFFFFFF  }
0x98: {  	s20 =	sld [smem:$0x3FDB];
	_ =	sdelay $0x1  }
0x99: {  	s4 =	simm.s32 $_scs_section_size  }
0x9a: {  	s5 =	simm.s32 $_size__tile_overlayer_lowered;
	s6 =	simm.s32 $_tile_overlayer_lowered  }
0x9b: {  	s7 =	simm.s32 $0x1BFF;
	s21 =	sshll.u32 s6, $0x1;
	s4 =	sadd.s32 s4, s20  }
0x9c: {  	s22 =	simm.s32 $0x0;
	s5 =	sshll.u32 s5, $0x1;
	s6 =	sadd.s32 s21, s4  }
0x9d: {  	[timem:s22], [sflag:s7] =	dma.local [hbm:s6], s5  }
0x9e: {  	_ =	swait.ge [sflag:s7], s5  }
0x9f: {  	s5 =	ssub.s32 $0x0, s5;
	[sflag:s7] =	ssyncset.done $0x0  }
0xa0: {  	[sflag:s7] =	ssyncadd.s32 s5;
	_ =	sdelay $0x1  }
0xa1: {  	s23 =	simm.s32 $0x1B8B  }
0xa2: {  	_ =	swait.ge [sflag:s23], $0x1  }
0xa3: {  	[sflag:s23] =	ssyncset.done $0x0  }
0xa4: {  	[sflag:s23] =	ssyncadd.s32 $0xFFFFFFFF  }
0xa5: {  	s5 =	sld [smem:$0x0]  }
0xa6: {  	s6 =	sand.u32 $0xFFFFFFFE, s1  }
0xa7: {  	p0 =	sne.s32 s1, s6  }
0xa8: {  	s6 =	sshll.u32 @p0 s6, $0xE  }
0xa9: {  	s6 =	sadd.s32 @p0 $0x11B8D, s6;
	s7 =	sshll.u32 @p0 s5, $0x11  }
0xaa: {  	s6 =	sor.u32 @p0 s7, s6  }
0xab: {  	[sflag:s6] =	ssyncadd.remote.s32 @p0 $0x1;
	_ =	sdelay $0x1  }
0xac: {  	s6 =	simm.s32 @p0 $0x1B8D  }
0xad: {  	_ =	swait.eq @p0 [sflag:s6], $0x1  }
0xae: {  	[sflag:s6] =	ssyncadd.s32 @p0 $0xFFFFFFFF  }
0xaf: {  	s7 =	sshll.u32 @!p0 s1, $0xE  }
0xb0: {  	s7 =	sor.u32 @!p0 $0x4000, s7;
	s6 =	simm.s32 @!p0 $0x1B8D  }
0xb1: {  	s5 =	sshll.u32 @!p0 s5, $0x11;
	s7 =	sadd.s32 @!p0 $0x11B8D, s7;
	_ =	swait.eq @!p0 [sflag:s6], $0x1  }
0xb2: {  	s5 =	sor.u32 @!p0 s5, s7;
	[sflag:s6] =	ssyncadd.s32 @!p0 $0xFFFFFFFF  }
0xb3: {  	s25 =	simm.s32 $0x1B8E;
	s24 =	sld [smem:$0x3FFE];
	[sflag:s5] =	ssyncadd.remote.s32 @!p0 $0x1  }
0xb4: {  	s26 =	simm.s32 $execute0_lowered;
	[smem:$0x3FD2] =	sst s25  }
0xb5: {  	s6 =	sshll.u32 s26, $0x1;
	_ =	strace $0x80000049;
	[dreg:$0x1] =	wrdreg $0xFFFFFFFF  }
0xb6: {  	s28 =	simm.s32 $_size_execute0_lowered;
	s4 =	sadd.s32 s4, s6;
	[dreg:$0x0] =	wrdreg $0x0  }
0xb7: {  	s6 =	sshll.u32 s28, $0x1;
	[dreg:$0x2] =	wrdreg s4  }
0xb8: {  	[dreg:$0x3] =	wrdreg s6  }
0xb9: {  	[dreg:$0x4] =	wrdreg $0xC0  }
0xba: {  	_ =	task [dreg:s22], $0x5FFFF  }
0xbb: {  	[dreg:$0x1] =	wrdreg $0xFFFFFFFF  }
0xbc: {  	[dreg:$0x0] =	wrdreg $0x60  }
0xbd: {  	[dreg:$0x2] =	wrdreg s18  }
0xbe: {  	[dreg:$0x3] =	wrdreg s24  }
0xbf: {  	[dreg:$0x4] =	wrdreg $0x51000  }
0xc0: {  	[dreg:$0x5] =	wrdreg $0xA  }
0xc1: {  	_ =	task.clear_ibuf [dreg:s22], $0x6FFFF;
	_ =	strace $0x90000049  }
0xc2: {  	s29 =	simm.s32 $0xA;
	_ =	strace $0x8000004B  }
0xc3: {  	_ =	swait.ge [sflag:s29], $0x1  }
0xc4: {  	[sflag:s29] =	ssyncadd.s32 $0xFFFFFFFF  }
0xc5: {  	_ =	strace $0x9000004B  }
0xc6: {  	_ =	sfence  }
0xc7: {  	s30 =	sld [smem:$0x0];
	_ =	sdelay $0x2  }
0xc8: {  	s31 =	sshll.u32 s1, $0xD;
	s1 =	sshrl.u32 s1, $0x2  }
0xc9: {  	s4 =	sand.u32 $0x4000, s31;
	s1 =	sadd.s32 s1, s30  }
0xca: {  	s0 =	sor.u32 s4, s0;
	s1 =	sshll.u32 s1, $0x11  }
0xcb: {  	s0 =	sor.u32 s1, s0  }
0xcc: {  	s0 =	sadd.s32 $0x8F2B, s0  }
0xcd: {  	[sflag:s0] =	ssyncadd.remote.s32 $0x1  }
0xce: {  	_ =	sfence.sel $0xFFFF  }
0xcf: {  	[dreg:$0x0] =	wrdreg $0xFFFFFFFF;
	(pc) =	sbr.abs _section_cstart, $3  }
0xd0: {  	[dreg:$0x1] =	wrdreg $0xFFFFFFFF  }
0xd1: {  	_ =	task.clear_ibuf [dreg:s22], $0x2FFFF;
	_ =	strace $0x9FFFFFFF  }
0xd2: {  	(tm) =	ssettm $0x7FFFFFFF  }
0xd3: {  	_ =	shalt  }
tec
execute0_lowered:
.L_overlay_start_1:
0x0: {  	(tag) =	ssettag $0x1  }
0x1: {  	s1 =	rddreg [dreg:$0x0]  }
0x2: {  	s0 =	rddreg [dreg:$0x1]  }
0x3: {  	s2 =	rddreg [dreg:$0x2]  }
0x4: {  	s4 =	simm.s32 $0x0;
	s3 =	srdreg.scid;
	s17 =	stileid.u32  }
0x5: {  	s28 =	simm.s32 $0x100;
	s29 =	simm.s32 $0x2;
	s30 =	simm.s32 $0x80  }
0x6: {  	s31 =	simm.s32 $0x50;
	[smem:$0x7FF] =	sst s4;
	s7 =	smul.u32 $0x50000, s17  }
0x7: {  	s3 =	sand.u32 $0x1, s3;
	s5 =	sadd.s32 $0x9E6E00, s0;
	s9 =	smul.u32 $0x14000, s17  }
0x8: {  	s13 =	sadd.s32 $0x23400, s0;
	_ =	strace $0x8000004A;
	s6 =	ssub.s32 $0x2, s3  }
0x9: {  	s8 =	sshrl.u32 s6, $0x1;
	s18 =	sor.u32 $0x2800, s9;
	s19 =	sadd.s32 $0x5000, s9  }
0xa: {  	s20 =	sadd.s32 $0x7800, s9;
	s6 =	ssub.s32 s6, s8;
	s8 =	smul.u32 $0x140000, s3  }
0xb: {  	s21 =	sadd.s32 $0xA000, s9;
	s22 =	sadd.s32 $0xC800, s9;
	s23 =	sadd.s32 $0xF000, s9  }
0xc: {  	s10 =	sadd.s32 s9, s8;
	s11 =	sadd.s32 s8, s18;
	s9 =	sadd.s32 $0x11800, s9  }
0xd: {  	s25 =	sadd.s32 s8, s19;
	s26 =	sadd.s32 s8, s20;
	s12 =	sadd.s32 s8, s21  }
0xe: {  	s15 =	sadd.s32 s8, s22;
	s16 =	sadd.s32 s8, s23;
	s18 =	sadd.s32 s18, s2  }
0xf: {  	s19 =	sadd.s32 s19, s2;
	s20 =	sadd.s32 s20, s2;
	s21 =	sadd.s32 s21, s2  }
0x10: {  	s22 =	sadd.s32 s22, s2;
	s23 =	sadd.s32 s23, s2;
	s10 =	sshrl.u32 s10, $0x3  }
0x11: {  	s24 =	sshrl.u32 s11, $0x3;
	s11 =	sshrl.u32 s26, $0x3;
	s14 =	sshrl.u32 s12, $0x3  }
0x12: {  	s12 =	sshrl.u32 s16, $0x3;
	s8 =	sadd.s32 s8, s9;
	s16 =	sadd.s32 $0x22E00, s0  }
0x13: {  	s26 =	sshrl.u32 s7, $0x2;
	s10 =	sadd.s32 s13, s10;
	s11 =	sadd.s32 s13, s11  }
0x14: {  	s12 =	sadd.s32 s13, s12;
	s8 =	sshrl.u32 s8, $0x3;
	[dreg:$0x4] =	wrdreg s10  }
0x15: {  	s10 =	sadd.s32 s13, s24;
	[dreg:$0x7] =	wrdreg s11;
	s11 =	sshrl.u32 s15, $0x3  }
0x16: {  	s15 =	sadd.s32 $0x4E00, s0;
	[dreg:$0x5] =	wrdreg s10;
	s10 =	sshrl.u32 s25, $0x3  }
0x17: {  	s24 =	sadd.s32 s13, s11;
	s25 =	sshll.u32 s3, $0x4;
	s3 =	simm.s32 $0x2900  }
0x18: {  	s11 =	simm.s32 $0x0;
	s10 =	sadd.s32 s13, s10;
	[dreg:$0x9] =	wrdreg s24  }
0x19: {  	s24 =	sadd.s32 s9, s2;
	[dreg:$0x6] =	wrdreg s10;
	s10 =	sadd.s32 s13, s14  }
0x1a: {  	s13 =	sadd.s32 s13, s8;
	s14 =	sadd.s32 $0xEC00, s0;
	s0 =	sor.u32 s17, s25  }
0x1b: {  	s17 =	sadd.s32 s26, s2;
	s26 =	smax.u32 s6, $0x1;
	s6 =	simm.s32 $0x0  }
0x1c: {  	[dreg:$0x8] =	wrdreg s10;
	s25 =	smul.u32 $0x2710, s0;
	s0 =	simm.s32 $0x1  }
.LBB2_1:
0x1d: {  	[tilespmem:s28], [sflag:$0x2] =	stream.linear.gather [hbm4b:s16+s4], $0x2800, $0x38;
	[tilespmem:$0x19100] =	vst v63  }
0x1e: {  	_ =	swait.ge [sflag:s29], $0x2800  }
0x1f: {  	[sflag:s29] =	ssyncset.done $0x0  }
0x20: {  	[sflag:s29] =	ssyncadd.s32 $0xFFFFD800  }
0x21: {  	[spmem:s17] =	stream.linear.scatter [tilespmem:s28], [sflag:$0x2], $0x2800, $0x38;
	[tilespmem:$0x19100] =	vst v63  }
0x22: {  	_ =	swait.ge [sflag:s29], $0x2800  }
0x23: {  	[sflag:s29] =	ssyncset.done $0x0  }
0x24: {  	[sflag:s29] =	ssyncadd.s32 $0xFFFFD800  }
0x25: {  	[spmem:s18] =	stream.linear.scatter [tilespmem:s28], [sflag:$0x2], $0x2800, $0x38;
	[tilespmem:$0x19100] =	vst v63  }
0x26: {  	_ =	swait.ge [sflag:s29], $0x2800  }
0x27: {  	[sflag:s29] =	ssyncset.done $0x0  }
0x28: {  	[sflag:s29] =	ssyncadd.s32 $0xFFFFD800  }
0x29: {  	[spmem:s19] =	stream.linear.scatter [tilespmem:s28], [sflag:$0x2], $0x2800, $0x38;
	[tilespmem:$0x19100] =	vst v63  }
0x2a: {  	_ =	swait.ge [sflag:s29], $0x2800  }
0x2b: {  	[sflag:s29] =	ssyncset.done $0x0  }
0x2c: {  	[sflag:s29] =	ssyncadd.s32 $0xFFFFD800  }
0x2d: {  	[spmem:s20] =	stream.linear.scatter [tilespmem:s28], [sflag:$0x2], $0x2800, $0x38;
	[tilespmem:$0x19100] =	vst v63  }
0x2e: {  	_ =	swait.ge [sflag:s29], $0x2800  }
0x2f: {  	[sflag:s29] =	ssyncset.done $0x0  }
0x30: {  	[sflag:s29] =	ssyncadd.s32 $0xFFFFD800  }
0x31: {  	[spmem:s21] =	stream.linear.scatter [tilespmem:s28], [sflag:$0x2], $0x2800, $0x38;
	[tilespmem:$0x19100] =	vst v63  }
0x32: {  	_ =	swait.ge [sflag:s29], $0x2800  }
0x33: {  	[sflag:s29] =	ssyncset.done $0x0  }
0x34: {  	[sflag:s29] =	ssyncadd.s32 $0xFFFFD800  }
0x35: {  	[spmem:s22] =	stream.linear.scatter [tilespmem:s28], [sflag:$0x2], $0x2800, $0x38;
	[tilespmem:$0x19100] =	vst v63  }
0x36: {  	_ =	swait.ge [sflag:s29], $0x2800  }
0x37: {  	[sflag:s29] =	ssyncset.done $0x0  }
0x38: {  	[sflag:s29] =	ssyncadd.s32 $0xFFFFD800  }
0x39: {  	[spmem:s23] =	stream.linear.scatter [tilespmem:s28], [sflag:$0x2], $0x2800, $0x38;
	[tilespmem:$0x19100] =	vst v63  }
0x3a: {  	_ =	swait.ge [sflag:s29], $0x2800  }
0x3b: {  	[sflag:s29] =	ssyncset.done $0x0  }
0x3c: {  	[sflag:s29] =	ssyncadd.s32 $0xFFFFD800  }
0x3d: {  	[spmem:s24] =	stream.linear.scatter [tilespmem:s28], [sflag:$0x2], $0x2800, $0x38;
	[tilespmem:$0x19100] =	vst v63  }
0x3e: {  	_ =	swait.ge [sflag:s29], $0x2800  }
0x3f: {  	[sflag:s29] =	ssyncset.done $0x0  }
0x40: {  	[sflag:s29] =	ssyncadd.s32 $0xFFFFD800  }
0x41: {  	s7 =	simm.s32 $0x0;
	[bflag:$0x0] =	sbarrier.arrive $0xFFFF  }
.LBB2_2:
0x42: {  	s8 =	smul.u32 $0x50, s7;
	_ =	sdelay $0x1  }
0x43: {  	s8 =	sadd.s32 s25, s8  }
0x44: {  	s9 =	sshrl.u32 s8, $0x3  }
0x45: {  	s10 =	sadd.s32 s14, s9  }
0x46: {  	[tilespmem:s11], [sflag:$0x2] =	stream.linear.gather [hbm4b:s10+s11], $0x50, $0x38;
	[tilespmem:$0x19100] =	vst v63  }
0x47: {  	_ =	swait.ge [sflag:s29], $0x50  }
0x48: {  	[sflag:s29] =	ssyncset.done $0x0  }
0x49: {  	s9 =	sadd.s32 s15, s9;
	[sflag:s29] =	ssyncadd.s32 $0xFFFFFFB0  }
0x4a: {  	[tilespmem:s30], [sflag:$0x2] =	stream.linear.gather [hbm4b:s9+s11], $0x50, $0x38;
	[tilespmem:$0x19100] =	vst v63  }
0x4b: {  	_ =	swait.ge [sflag:s29], $0x50  }
0x4c: {  	[sflag:s29] =	ssyncset.done $0x0  }
0x4d: {  	[sflag:s29] =	ssyncadd.s32 $0xFFFFFFB0  }
0x4e: {  	[tilespmem:s28], [sflag:$0x1] =	stream.indirect.gather [hbm4b:s1+s31], $0x80, s11, s31, $0xb8;
	[tilespmem:$0x19100] =	vst v63  }
0x4f: {  	_ =	swait.ge [sflag:s0], $0x2800  }
0x50: {  	s8 =	sshll.u32 s8, $0x4;
	[sflag:s0] =	ssyncset.done $0x0  }
0x51: {  	s8 =	sadd.s32 s5, s8;
	[sflag:s0] =	ssyncadd.s32 $0xFFFFD800  }
0x52: {  	[tilespmem:s3], [sflag:$0x2] =	stream.linear.gather [hbm4b:s8+s11], $0x2800, $0x38;
	[tilespmem:$0x19100] =	vst v63  }
0x53: {  	_ =	swait.ge [sflag:s29], $0x2800  }
0x54: {  	[sflag:s29] =	ssyncset.done $0x0  }
0x55: {  	s8 =	simm.s32 $0x0;
	[sflag:s29] =	ssyncadd.s32 $0xFFFFD800  }
0x56: {  	v6 =	vld [tilespmem:s8+$0x2900]  }
0x57: {  	v11 =	vld [tilespmem:s8+$0x2910]  }
0x58: {  	v5 =	vld [tilespmem:s8+$0x2920]  }
0x59: {  	v4 =	vld [tilespmem:s8+$0x2930]  }
0x5a: {  	v3 =	vld [tilespmem:s8+$0x2940]  }
0x5b: {  	v2 =	vld [tilespmem:s8+$0x2950]  }
0x5c: {  	v1 =	vld [tilespmem:s8+$0x2960]  }
0x5d: {  	v0 =	vld [tilespmem:s8+$0x2970]  }
0x5e: {  	v12 =	vld [tilespmem:s8+$0x100]  }
0x5f: {  	v13 =	vld [tilespmem:s8+$0x110]  }
0x60: {  	v10 =	vld [tilespmem:s8+$0x120]  }
0x61: {  	v9 =	vld [tilespmem:s8+$0x130]  }
0x62: {  	v8 =	vld [tilespmem:s8+$0x140]  }
0x63: {  	v7 =	vld [tilespmem:s8+$0x150];
	v12 =	vadd.f32 v6, v12  }
0x64: {  	s9 =	simm.s32 $0x200;
	v11 =	vadd.f32 v11, v13;
	v6 =	vld [tilespmem:s8+$0x160]  }
.LBB2_3:
0x65: {  	s10 =	sshra.s32 s9, $0x2;
	p0 =	sne.s32 s9, $0x9E00;
	v12 =	vmax.f32 v12, $0.0e+00;
	v5 =	vadd.f32 v5, v10;
	v10 =	vld [tilespmem:s8+$0x170]  }
0x66: {  	v13 =	vld [tilespmem:s10+$0x2900];
	[tilespmem:s8+$0x100] =	vst v12;
	v11 =	vmax.f32 v11, $0.0e+00;
	v4 =	vadd.f32 v4, v9  }
0x67: {  	v14 =	vld [tilespmem:s10+$0x2910];
	[tilespmem:s8+$0x110] =	vst v11;
	v9 =	vmax.f32 v5, $0.0e+00;
	v3 =	vadd.f32 v3, v8  }
0x68: {  	v5 =	vld [tilespmem:s10+$0x2920];
	[tilespmem:s8+$0x120] =	vst v9;
	v8 =	vmax.f32 v4, $0.0e+00;
	v2 =	vadd.f32 v2, v7  }
0x69: {  	v4 =	vld [tilespmem:s10+$0x2930];
	[tilespmem:s8+$0x130] =	vst v8;
	v7 =	vmax.f32 v3, $0.0e+00;
	v1 =	vadd.f32 v1, v6  }
0x6a: {  	v3 =	vld [tilespmem:s10+$0x2940];
	[tilespmem:s8+$0x140] =	vst v7;
	v6 =	vmax.f32 v2, $0.0e+00;
	v0 =	vadd.f32 v0, v10  }
0x6b: {  	v2 =	vld [tilespmem:s10+$0x2950];
	[tilespmem:s8+$0x150] =	vst v6;
	v6 =	vmax.f32 v1, $0.0e+00  }
0x6c: {  	v1 =	vld [tilespmem:s10+$0x2960];
	[tilespmem:s8+$0x160] =	vst v6;
	v6 =	vmax.f32 v0, $0.0e+00  }
0x6d: {  	v0 =	vld [tilespmem:s10+$0x2970];
	[tilespmem:s8+$0x170] =	vst v6;
	s8 =	smov.u32 s10  }
0x6e: {  	v6 =	vld [tilespmem:s8+$0x100]  }
0x6f: {  	v11 =	vld [tilespmem:s8+$0x110]  }
.Ltmp0:
0x70: {  	v10 =	vld [tilespmem:s8+$0x120];
	(pc) =	sbr.rel @p0 .LBB2_3-.Ltmp0, $4  }
0x71: {  	v9 =	vld [tilespmem:s8+$0x130]  }
0x72: {  	v8 =	vld [tilespmem:s8+$0x140]  }
0x73: {  	v12 =	vadd.f32 v13, v6;
	v7 =	vld [tilespmem:s8+$0x150]  }
0x74: {  	s9 =	sadd.s32 $0x200, s9;
	v11 =	vadd.f32 v14, v11;
	v6 =	vld [tilespmem:s8+$0x160]  }
0x75: {  	v12 =	vmax.f32 v12, $0.0e+00;
	v5 =	vadd.f32 v5, v10;
	v63 =	vld [tilespmem:s8+$0x170]  }
0x76: {  	[tilespmem:s8+$0x100] =	vst v12;
	v11 =	vmax.f32 v11, $0.0e+00;
	v4 =	vadd.f32 v4, v9  }
0x77: {  	[tilespmem:s8+$0x110] =	vst v11;
	v5 =	vmax.f32 v5, $0.0e+00;
	v3 =	vadd.f32 v3, v8  }
0x78: {  	[tilespmem:s8+$0x120] =	vst v5;
	v4 =	vmax.f32 v4, $0.0e+00;
	v2 =	vadd.f32 v2, v7  }
0x79: {  	[tilespmem:s8+$0x130] =	vst v4;
	v3 =	vmax.f32 v3, $0.0e+00;
	v1 =	vadd.f32 v1, v6  }
0x7a: {  	[tilespmem:s8+$0x140] =	vst v3;
	v2 =	vmax.f32 v2, $0.0e+00;
	v0 =	vadd.f32 v0, v63  }
0x7b: {  	s7 =	sadd.s32 $0x1, s7;
	[tilespmem:s8+$0x150] =	vst v2;
	v1 =	vmax.f32 v1, $0.0e+00  }
0x7c: {  	p0 =	sne.s32 s7, $0x7D;
	[tilespmem:s8+$0x160] =	vst v1;
	v0 =	vmax.f32 v0, $0.0e+00  }
.Ltmp1:
0x7d: {  	[tilespmem:s8+$0x170] =	vst v0;
	(pc) =	sbr.rel @p0 .LBB2_2-.Ltmp1, $4  }
0x7e: {  	[spmem:s2] =	stream.indirect.scatter.add.f32 [tilespmem:s28], [sflag:$0x2], $0x80, s30, s31, $0xb8;
	[tilespmem:$0x19100] =	vst v63  }
0x7f: {  	_ =	swait.ge [sflag:s29], $0x2800  }
0x80: {  	[sflag:s29] =	ssyncset.done $0x0  }
0x81: {  	[sflag:s29] =	ssyncadd.s32 $0xFFFFD800  }
0x82: {  	[bflag:$0x0] =	sbarrier.arrive $0xFFFF  }
0x83: {  	[tilespmem:s28], [sflag:$0x2] =	stream.linear.gather [spmem:s17], $0x2800, $0x38;
	[tilespmem:$0x19100] =	vst v63  }
0x84: {  	_ =	swait.ge [sflag:s29], $0x2800  }
0x85: {  	[sflag:s29] =	ssyncset.done $0x0  }
0x86: {  	s7 =	rddreg [dreg:$0x4];
	[sflag:s29] =	ssyncadd.s32 $0xFFFFD800  }
0x87: {  	[hbm4b:s7+s4] =	stream.linear.scatter [tilespmem:s28], [sflag:$0x2], $0x2800, $0x38;
	[tilespmem:$0x19100] =	vst v63  }
0x88: {  	_ =	swait.ge [sflag:s29], $0x2800  }
0x89: {  	[sflag:s29] =	ssyncset.done $0x0  }
0x8a: {  	[sflag:s29] =	ssyncadd.s32 $0xFFFFD800  }
0x8b: {  	[tilespmem:s28], [sflag:$0x2] =	stream.linear.gather [spmem:s18], $0x2800, $0x38;
	[tilespmem:$0x19100] =	vst v63  }
0x8c: {  	_ =	swait.ge [sflag:s29], $0x2800  }
0x8d: {  	[sflag:s29] =	ssyncset.done $0x0  }
0x8e: {  	s9 =	rddreg [dreg:$0x5];
	[sflag:s29] =	ssyncadd.s32 $0xFFFFD800  }
0x8f: {  	[hbm4b:s9+s4] =	stream.linear.scatter [tilespmem:s28], [sflag:$0x2], $0x2800, $0x38;
	[tilespmem:$0x19100] =	vst v63  }
0x90: {  	_ =	swait.ge [sflag:s29], $0x2800  }
0x91: {  	[sflag:s29] =	ssyncset.done $0x0  }
0x92: {  	[sflag:s29] =	ssyncadd.s32 $0xFFFFD800  }
0x93: {  	[tilespmem:s28], [sflag:$0x2] =	stream.linear.gather [spmem:s19], $0x2800, $0x38;
	[tilespmem:$0x19100] =	vst v63  }
0x94: {  	_ =	swait.ge [sflag:s29], $0x2800  }
0x95: {  	[sflag:s29] =	ssyncset.done $0x0  }
0x96: {  	s10 =	rddreg [dreg:$0x6];
	[sflag:s29] =	ssyncadd.s32 $0xFFFFD800  }
0x97: {  	[hbm4b:s10+s4] =	stream.linear.scatter [tilespmem:s28], [sflag:$0x2], $0x2800, $0x38;
	[tilespmem:$0x19100] =	vst v63  }
0x98: {  	_ =	swait.ge [sflag:s29], $0x2800  }
0x99: {  	[sflag:s29] =	ssyncset.done $0x0  }
0x9a: {  	[sflag:s29] =	ssyncadd.s32 $0xFFFFD800  }
0x9b: {  	[tilespmem:s28], [sflag:$0x2] =	stream.linear.gather [spmem:s20], $0x2800, $0x38;
	[tilespmem:$0x19100] =	vst v63  }
0x9c: {  	_ =	swait.ge [sflag:s29], $0x2800  }
0x9d: {  	[sflag:s29] =	ssyncset.done $0x0  }
0x9e: {  	s8 =	rddreg [dreg:$0x7];
	[sflag:s29] =	ssyncadd.s32 $0xFFFFD800  }
0x9f: {  	[hbm4b:s8+s4] =	stream.linear.scatter [tilespmem:s28], [sflag:$0x2], $0x2800, $0x38;
	[tilespmem:$0x19100] =	vst v63  }
0xa0: {  	_ =	swait.ge [sflag:s29], $0x2800  }
0xa1: {  	[sflag:s29] =	ssyncset.done $0x0  }
0xa2: {  	[sflag:s29] =	ssyncadd.s32 $0xFFFFD800  }
0xa3: {  	[tilespmem:s28], [sflag:$0x2] =	stream.linear.gather [spmem:s21], $0x2800, $0x38;
	[tilespmem:$0x19100] =	vst v63  }
0xa4: {  	_ =	swait.ge [sflag:s29], $0x2800  }
0xa5: {  	[sflag:s29] =	ssyncset.done $0x0  }
0xa6: {  	s9 =	rddreg [dreg:$0x8];
	[sflag:s29] =	ssyncadd.s32 $0xFFFFD800  }
0xa7: {  	[hbm4b:s9+s4] =	stream.linear.scatter [tilespmem:s28], [sflag:$0x2], $0x2800, $0x38;
	[tilespmem:$0x19100] =	vst v63  }
0xa8: {  	_ =	swait.ge [sflag:s29], $0x2800  }
0xa9: {  	[sflag:s29] =	ssyncset.done $0x0  }
0xaa: {  	[sflag:s29] =	ssyncadd.s32 $0xFFFFD800  }
0xab: {  	[tilespmem:s28], [sflag:$0x2] =	stream.linear.gather [spmem:s22], $0x2800, $0x38;
	[tilespmem:$0x19100] =	vst v63  }
0xac: {  	_ =	swait.ge [sflag:s29], $0x2800  }
0xad: {  	[sflag:s29] =	ssyncset.done $0x0  }
0xae: {  	s10 =	rddreg [dreg:$0x9];
	[sflag:s29] =	ssyncadd.s32 $0xFFFFD800  }
0xaf: {  	[hbm4b:s10+s4] =	stream.linear.scatter [tilespmem:s28], [sflag:$0x2], $0x2800, $0x38;
	[tilespmem:$0x19100] =	vst v63  }
0xb0: {  	_ =	swait.ge [sflag:s29], $0x2800  }
0xb1: {  	[sflag:s29] =	ssyncset.done $0x0  }
0xb2: {  	[sflag:s29] =	ssyncadd.s32 $0xFFFFD800  }
0xb3: {  	[tilespmem:s28], [sflag:$0x2] =	stream.linear.gather [spmem:s23], $0x2800, $0x38;
	[tilespmem:$0x19100] =	vst v63  }
0xb4: {  	_ =	swait.ge [sflag:s29], $0x2800  }
0xb5: {  	[sflag:s29] =	ssyncset.done $0x0  }
0xb6: {  	[sflag:s29] =	ssyncadd.s32 $0xFFFFD800  }
0xb7: {  	[hbm4b:s12+s4] =	stream.linear.scatter [tilespmem:s28], [sflag:$0x2], $0x2800, $0x38;
	[tilespmem:$0x19100] =	vst v63  }
0xb8: {  	_ =	swait.ge [sflag:s29], $0x2800  }
0xb9: {  	[sflag:s29] =	ssyncset.done $0x0  }
0xba: {  	[sflag:s29] =	ssyncadd.s32 $0xFFFFD800  }
0xbb: {  	[tilespmem:s28], [sflag:$0x2] =	stream.linear.gather [spmem:s24], $0x2800, $0x38;
	[tilespmem:$0x19100] =	vst v63  }
0xbc: {  	s6 =	sadd.s32 $0x1, s6;
	_ =	swait.ge [sflag:s29], $0x2800  }
0xbd: {  	p0 =	sne.s32 s6, s26;
	[sflag:s29] =	ssyncset.done $0x0  }
.Ltmp2:
0xbe: {  	[sflag:s29] =	ssyncadd.s32 $0xFFFFD800;
	(pc) =	sbr.rel @p0 .LBB2_1-.Ltmp2, $4  }
0xbf: {  	[hbm4b:s13+s4] =	stream.linear.scatter [tilespmem:s28], [sflag:$0x2], $0x2800, $0x38;
	[tilespmem:$0x19100] =	vst v63  }
0xc0: {  	_ =	swait.ge [sflag:s29], $0x2800  }
0xc1: {  	[sflag:s29] =	ssyncset.done $0x0  }
0xc2: {  	[sflag:s29] =	ssyncadd.s32 $0xFFFFD800  }
0xc3: {  	_ =	sfence.sel $0x180000  }
0xc4: {  	[bflag:$0x0] =	sbarrier.arrive $0xFFFF  }
0xc5: {  	_ =	strace $0x9000004A  }
0xc6: {  	s0 =	stileid.u32;
	[bflag:$0x2] =	sbarrier.arrive $0xFFFF  }
0xc7: {  	p0 =	sne.s32 s0, $0x0;
	s0 =	rddreg [dreg:$0x3]  }
0xc8: {  	s0 =	sadd.s32 @!p0 $0x100000, s0  }
0xc9: {  	[sflag:s0] =	ssyncadd.tile.s32 @!p0 $0x1;
	_ =	shalt  }
.Lfunc_end2:
_tile_overlayer_lowered:
.L_overlay_start_2:
0xca: {  	(tag) =	ssettag $0x2  }
0xcb: {  	s0 =	rddreg [dreg:$0x0];
	s2 =	stileid.u32  }
0xcc: {  	s1 =	rddreg [dreg:$0x1];
	p0 =	sne.s32 s2, $0x0  }
0xcd: {  	s3 =	rddreg [dreg:$0x2];
	[bflag:$0x3] =	sbarrier.arrive $0xFFFF;
	s2 =	simm.s32 @!p0 $0x1C02  }
0xce: {  	[timem:s3], [sflag:s2] =	dma.local @!p0 [hbm:s0], s1  }
0xcf: {  	s0 =	simm.s32 @!p0 $0x2  }
0xd0: {  	_ =	swait.ge @!p0 [sflag:s0], s1  }
0xd1: {  	s1 =	ssub.s32 @!p0 $0x0, s1;
	[sflag:s0] =	ssyncset.done @!p0 $0x0  }
0xd2: {  	[sflag:s0] =	ssyncadd.s32 @!p0 s1  }
0xd3: {  	[bflag:$0x3] =	sbarrier.arrive $0xFFFF  }
0xd4: {  	_ =	shalt  }

// kernel: kernel.17.cloned.1.call-start
scs
__scs_entry_jumppad:
0x0: {  	(pc) =	sbr.rel $0x88, $3  }
0x1: {  	(tag) =	ssettag $0x0;
	lr =	simm.s32 $0x1  }
0x2: {  	[smem:$0x3F94] =	sst lr;
	_ =	strace $0xD0000000  }
0x3: {  	_ = 	snop  }
0x4: {  	_ = 	snop  }
0x5: {  	_ = 	snop  }
0x6: {  	_ = 	snop  }
0x7: {  	_ = 	snop  }
__scs_overlays_trampoline_lowered:
0x8: {  	[smem:$0x3FA3] =	sst s0  }
0x9: {  	[smem:$0x3FA4] =	sst s1  }
0xa: {  	[smem:$0x3FA5] =	sst s2  }
0xb: {  	[smem:$0x3FA6] =	sst s3  }
0xc: {  	[smem:$0x3FA7] =	sst s4  }
0xd: {  	[smem:$0x3FA8] =	sst s5  }
0xe: {  	[smem:$0x3FA9] =	sst s6  }
0xf: {  	[smem:$0x3FAA] =	sst s7  }
0x10: {  	[smem:$0x3FAB] =	sst s8  }
0x11: {  	[smem:$0x3FAC] =	sst s9;
	s0 =	simm.s32 @!p0 $0x0  }
0x12: {  	s1 =	sld [smem:$0x3F92];
	s0 =	simm.s32 @p0 $0x1  }
0x13: {  	[smem:$0x3FAD] =	sst s0;
	s0 =	simm.s32 @!p1 $0x0  }
0x14: {  	s2 =	sld [smem:$0x3F91];
	s0 =	simm.s32 @p1 $0x1  }
0x15: {  	[smem:$0x3FAE] =	sst s0;
	s0 =	simm.s32 @!p2 $0x0  }
0x16: {  	s3 =	sld [smem:$0x3FDB];
	s0 =	simm.s32 @p2 $0x1  }
0x17: {  	s4 =	simm.s32 $0x1BF5;
	[smem:$0x3FB0] =	sst s0  }
0x18: {  	s0 =	sld [smem:$0x3F93];
	_ =	swait.ge [sflag:s4], $0x0  }
0x19: {  	s7 =	sld [smem:$0x3F94]  }
0x1a: {  	s8 =	sadd.s32 $0xFFFFE003, lr  }
0x1b: {  	s9 =	sadd.s32 $0xFFFFFEF7, lr;
	s5 =	simm.s32 $0xFFFFFFFF;
	p2 =	slt.u32 s8, $0xFFFFF086  }
0x1c: {  	p1 =	slt.u32 s9, $0xF7A;
	s5 =	simm.s32 @!p2 $0x0  }
0x1d: {  	s5 =	simm.s32 @p1 $0x1;
	p0 =	seq.s32 s7, s2  }
0x1e: {  	s7 =	smul.u32 @!p0 $0xF7A, s2;
	p2 =	seq.s32 @!p0 s5, $0x0  }
0x1f: {  	s9 =	smul.u32 $0xF7A, s1;
	s8 =	simm.s32 @!p0 $0x1BF5;
	p2 =	por !p2, p0  }
0x20: {  	[sflag:s8] =	ssyncset.s32 @!p0 $0xFFFFF086;
	s6 =	sadd.s32 @!p0 s3, s7;
	s7 =	simm.s32 @!p0 $0x108  }
0x21: {  	s3 =	sadd.s32 s3, s9;
	s6 =	sadd.s32 @!p0 $0x88, s6;
	s7 =	simm.s32 @p2 $0x1082  }
0x22: {  	[simem:s7], [sflag:s8] =	dma.local @!p0 [hbm:s6], $0xF7A  }
0x23: {  	s9 =	sor.u32 $0xD0000000, s2;
	s6 =	simm.s32 $0x108;
	_ =	swait.ge @!p0 [sflag:s8], $0x0  }
0x24: {  	s3 =	sadd.s32 $0x88, s3;
	s6 =	simm.s32 @!p1 $0x1082;
	[sflag:s4] =	ssyncset.s32 $0xFFFFF086  }
0x25: {  	[simem:s6], [sflag:s4] =	dma.local [hbm:s3], $0xF7A  }
0x26: {  	[smem:$0x3F94] =	sst s1;
	(tag) =	ssettag s2;
	_ =	strace s9  }
0x27: {  	s1 =	sld [smem:$0x3FA4]  }
0x28: {  	s2 =	sld [smem:$0x3FA5]  }
0x29: {  	s4 =	sld [smem:$0x3FA7]  }
0x2a: {  	p0 =	seq.s32 s5, $0x0;
	s5 =	sld [smem:$0x3FA8]  }
0x2b: {  	s6 =	sld [smem:$0x3FA9]  }
0x2c: {  	s7 =	sld [smem:$0x3FAA]  }
0x2d: {  	s3 =	simm.s32 $0x108;
	s8 =	sld [smem:$0x3FAB]  }
0x2e: {  	s3 =	simm.s32 @!p0 $0x1082;
	s9 =	sld [smem:$0x3FAC]  }
0x2f: {  	lr =	sadd.s32 s0, s3;
	s0 =	sld [smem:$0x3FA3]  }
0x30: {  	s3 =	sld [smem:$0x3FA6]  }
0x31: {  	[smem:$0x3FAF] =	sst s10  }
0x32: {  	s10 =	sld [smem:$0x3FAD];
	_ =	sdelay $0x3  }
0x33: {  	p0 =	seq.s32 s10, $0x1;
	s10 =	sld [smem:$0x3FAF];
	_ =	sdelay $0x3  }
0x34: {  	[smem:$0x3FAF] =	sst s10  }
0x35: {  	s10 =	sld [smem:$0x3FAE];
	_ =	sdelay $0x3  }
0x36: {  	p1 =	seq.s32 s10, $0x1;
	s10 =	sld [smem:$0x3FAF];
	_ =	sdelay $0x3  }
0x37: {  	[smem:$0x3FAF] =	sst s10  }
0x38: {  	s10 =	sld [smem:$0x3FB0]  }
0x39: {  	_ = 	snop;
	(pc) =	sbr.ind lr, $3  }
0x3a: {  	_ = 	snop  }
0x3b: {  	_ = 	snop  }
0x3c: {  	p2 =	seq.s32 s10, $0x1;
	s10 =	sld [smem:$0x3FAF]  }
0x3d: {  	_ =	shalt  }
0x3e: {  	_ =	shalt  }
0x3f: {  	_ =	shalt  }
0x40: {  	_ =	shalt  }
0x41: {  	_ =	shalt  }
0x42: {  	_ =	shalt  }
0x43: {  	_ =	shalt  }
0x44: {  	_ =	shalt  }
0x45: {  	_ =	shalt  }
0x46: {  	_ =	shalt  }
0x47: {  	_ =	shalt  }
0x48: {  	_ =	shalt  }
0x49: {  	_ =	shalt  }
0x4a: {  	_ =	shalt  }
0x4b: {  	_ =	shalt  }
0x4c: {  	_ =	shalt  }
0x4d: {  	_ =	shalt  }
0x4e: {  	_ =	shalt  }
0x4f: {  	_ =	shalt  }
0x50: {  	_ =	shalt  }
0x51: {  	_ =	shalt  }
0x52: {  	_ =	shalt  }
0x53: {  	_ =	shalt  }
0x54: {  	_ =	shalt  }
0x55: {  	_ =	shalt  }
0x56: {  	_ =	shalt  }
0x57: {  	_ =	shalt  }
0x58: {  	_ =	shalt  }
0x59: {  	_ =	shalt  }
0x5a: {  	_ =	shalt  }
0x5b: {  	_ =	shalt  }
0x5c: {  	_ =	shalt  }
0x5d: {  	_ =	shalt  }
0x5e: {  	_ =	shalt  }
0x5f: {  	_ =	shalt  }
0x60: {  	_ =	shalt  }
0x61: {  	_ =	shalt  }
0x62: {  	_ =	shalt  }
0x63: {  	_ =	shalt  }
0x64: {  	_ =	shalt  }
0x65: {  	_ =	shalt  }
0x66: {  	_ =	shalt  }
0x67: {  	_ =	shalt  }
0x68: {  	_ =	shalt  }
0x69: {  	_ =	shalt  }
0x6a: {  	_ =	shalt  }
0x6b: {  	_ =	shalt  }
0x6c: {  	_ =	shalt  }
0x6d: {  	_ =	shalt  }
0x6e: {  	_ =	shalt  }
0x6f: {  	_ =	shalt  }
0x70: {  	_ =	shalt  }
0x71: {  	_ =	shalt  }
0x72: {  	_ =	shalt  }
0x73: {  	_ =	shalt  }
0x74: {  	_ =	shalt  }
0x75: {  	_ =	shalt  }
0x76: {  	_ =	shalt  }
0x77: {  	_ =	shalt  }
0x78: {  	_ =	shalt  }
0x79: {  	_ =	shalt  }
0x7a: {  	_ =	shalt  }
0x7b: {  	_ =	shalt  }
0x7c: {  	_ =	shalt  }
0x7d: {  	_ =	shalt  }
0x7e: {  	_ =	shalt  }
0x7f: {  	_ =	shalt  }
0x80: {  	_ =	shalt  }
0x81: {  	_ =	shalt  }
0x82: {  	_ =	shalt  }
0x83: {  	_ =	shalt  }
0x84: {  	_ =	shalt  }
0x85: {  	_ =	shalt  }
0x86: {  	_ =	shalt  }
0x87: {  	_ =	shalt  }
.Lfunc_end0:
.L_simem_size_0:
called_computation.2_lowered:
.L_overlay_start_0:
0x88: {  	s2 =	sld [smem:$0x3FD9]  }
0x89: {  	s3 =	sld [smem:$0x3FFE];
	_ =	sdelay $0x1  }
0x8a: {  	s1 =	srdreg.scid  }
0x8b: {  	s0 =	sand.u32 $0x1, s1  }
0x8c: {  	s16 =	sshll.u32 s0, $0xA;
	s2 =	sadd.s32 s3, s2  }
0x8d: {  	s2 =	sadd.s32 s2, s16  }
0x8e: {  	[smem:$0x3FBB] =	sst s2  }
0x8f: {  	_ = 	snop  }
0x90: {  	(tm) =	ssettm $0x1  }
0x91: {  	s17 =	sld [smem:$0x3FFB];
	_ =	sdelay $0x3  }
0x92: {  	_ =	strace s17  }
0x93: {  	s2 =	sld [smem:$0x3FFC];
	_ =	sdelay $0x3  }
0x94: {  	_ =	strace s2  }
0x95: {  	s2 =	sld [smem:$0x3FFD];
	_ =	sdelay $0x3  }
0x96: {  	_ =	strace s2  }
0x97: {  	_ =	strace $0x8FFFFFFF  }
0x98: {  	s18 =	sld [smem:$0x3FDB];
	_ =	sdelay $0x1  }
0x99: {  	s19 =	simm.s32 $_scs_section_size  }
0x9a: {  	s4 =	simm.s32 $_size__tile_overlayer_lowered;
	s5 =	simm.s32 $_tile_overlayer_lowered  }
0x9b: {  	s22 =	simm.s32 $0x1BFF;
	s21 =	sshll.u32 s5, $0x1;
	s2 =	sadd.s32 s19, s18  }
0x9c: {  	s6 =	simm.s32 $0x0;
	s20 =	sshll.u32 s4, $0x1;
	s4 =	sadd.s32 s21, s2  }
0x9d: {  	[timem:s6], [sflag:s22] =	dma.local [hbm:s4], s20  }
0x9e: {  	_ =	swait.ge [sflag:s22], s20  }
0x9f: {  	s3 =	ssub.s32 $0x0, s20;
	[sflag:s22] =	ssyncset.done $0x0  }
0xa0: {  	[sflag:s22] =	ssyncadd.s32 s3;
	_ =	sdelay $0x1  }
0xa1: {  	s23 =	simm.s32 $0x1B8B  }
0xa2: {  	_ =	swait.ge [sflag:s23], $0x1  }
0xa3: {  	[sflag:s23] =	ssyncset.done $0x0  }
0xa4: {  	s25 =	simm.s32 $0x1B8E;
	s24 =	sld [smem:$0x3FFE];
	[sflag:s23] =	ssyncadd.s32 $0xFFFFFFFF  }
0xa5: {  	s26 =	simm.s32 $execute0_lowered;
	[smem:$0x3FD2] =	sst s25  }
0xa6: {  	s4 =	sshll.u32 s26, $0x1;
	_ =	strace $0x8000004C;
	[dreg:$0x1] =	wrdreg $0xFFFFFFFF  }
0xa7: {  	s28 =	simm.s32 $_size_execute0_lowered;
	s2 =	sadd.s32 s2, s4;
	[dreg:$0x0] =	wrdreg $0x0  }
0xa8: {  	s4 =	sshll.u32 s28, $0x1;
	[dreg:$0x2] =	wrdreg s2  }
0xa9: {  	[dreg:$0x3] =	wrdreg s4  }
0xaa: {  	[dreg:$0x4] =	wrdreg $0xC0  }
0xab: {  	_ =	task [dreg:s6], $0x5FFFF  }
0xac: {  	[dreg:$0x1] =	wrdreg $0xFFFFFFFF  }
0xad: {  	[dreg:$0x0] =	wrdreg $0x60  }
0xae: {  	[dreg:$0x2] =	wrdreg s24  }
0xaf: {  	[dreg:$0x3] =	wrdreg $0x9  }
0xb0: {  	_ =	task.clear_ibuf [dreg:s6], $0x4FFFF;
	_ =	strace $0x9000004C  }
0xb1: {  	s29 =	simm.s32 $0x9;
	_ =	strace $0x8000004E  }
0xb2: {  	_ =	swait.ge [sflag:s29], $0x1  }
0xb3: {  	[sflag:s29] =	ssyncadd.s32 $0xFFFFFFFF  }
0xb4: {  	_ =	strace $0x9000004E  }
0xb5: {  	_ =	sfence  }
0xb6: {  	s30 =	sld [smem:$0x0];
	_ =	sdelay $0x2  }
0xb7: {  	s31 =	sshll.u32 s1, $0xD;
	s1 =	sshrl.u32 s1, $0x2  }
0xb8: {  	s3 =	sand.u32 $0x4000, s31;
	s1 =	sadd.s32 s1, s30  }
0xb9: {  	s0 =	sor.u32 s3, s0;
	s1 =	sshll.u32 s1, $0x11  }
0xba: {  	s0 =	sor.u32 s1, s0  }
0xbb: {  	s0 =	sadd.s32 $0x8F2B, s0  }
0xbc: {  	[sflag:s0] =	ssyncadd.remote.s32 $0x1  }
0xbd: {  	_ =	sfence.sel $0xFFFF  }
0xbe: {  	[dreg:$0x0] =	wrdreg $0xFFFFFFFF;
	(pc) =	sbr.abs _section_cstart, $3  }
0xbf: {  	[dreg:$0x1] =	wrdreg $0xFFFFFFFF  }
0xc0: {  	_ =	task.clear_ibuf [dreg:s6], $0x2FFFF;
	_ =	strace $0x9FFFFFFF  }
0xc1: {  	(tm) =	ssettm $0x7FFFFFFF  }
tec
execute0_lowered:
.L_overlay_start_1:
0x0: {  	(tag) =	ssettag $0x1  }
0x1: {  	s8 =	rddreg [dreg:$0x0]  }
0x2: {  	s0 =	rddreg [dreg:$0x1];
	s1 =	simm.s32 $0x0;
	s5 =	srdreg.scid  }
0x3: {  	s12 =	simm.s32 $0x50;
	s13 =	simm.s32 $0xA0;
	s14 =	simm.s32 $0x1  }
0x4: {  	s15 =	simm.s32 $0x5A0;
	s16 =	simm.s32 $0xAA0;
	s17 =	simm.s32 $0x0  }
0x5: {  	[smem:$0x7FF] =	sst s1;
	s2 =	sadd.s32 $0x1DA00, s8;
	s3 =	sadd.s32 $0x18A00, s8  }
0x6: {  	s4 =	sadd.s32 $0x73400, s8;
	s9 =	sand.u32 $0x1, s5;
	s6 =	sadd.s32 $0xEC00, s8  }
0x7: {  	s7 =	sadd.s32 $0x4E00, s8;
	s5 =	stileid.u32;
	s10 =	ssub.s32 $0x2, s9  }
0x8: {  	s8 =	sadd.s32 $0x15DC00, s8;
	s9 =	sshll.u32 s9, $0x4;
	s11 =	sshrl.u32 s10, $0x1  }
0x9: {  	_ =	strace $0x8000004D;
	s9 =	sor.u32 s5, s9;
	s10 =	ssub.s32 s10, s11  }
0xa: {  	s9 =	smul.u32 $0x2710, s9;
	s11 =	simm.s32 $0x2;
	s10 =	smax.u32 s10, $0x1  }
.LBB2_1:
0xb: {  	s18 =	simm.s32 $0x0  }
.LBB2_2:
0xc: {  	s19 =	smul.u32 $0x50, s18;
	_ =	sdelay $0x1  }
0xd: {  	s19 =	sadd.s32 s9, s19  }
0xe: {  	s20 =	sshrl.u32 s19, $0x3  }
0xf: {  	s22 =	simm.s32 $0x0;
	s21 =	sadd.s32 s6, s20  }
0x10: {  	[tilespmem:s22], [sflag:$0x2] =	stream.linear.gather [hbm4b:s21+s22], $0x50, $0x38;
	[tilespmem:$0xFA0] =	vst v63  }
0x11: {  	_ =	swait.ge [sflag:s11], $0x50  }
0x12: {  	[sflag:s11] =	ssyncset.done $0x0  }
0x13: {  	s20 =	sadd.s32 s7, s20;
	[sflag:s11] =	ssyncadd.s32 $0xFFFFFFB0  }
0x14: {  	[tilespmem:s12], [sflag:$0x2] =	stream.linear.gather [hbm4b:s20+s22], $0x50, $0x38;
	[tilespmem:$0xFA0] =	vst v63  }
0x15: {  	_ =	swait.ge [sflag:s11], $0x50  }
0x16: {  	[sflag:s11] =	ssyncset.done $0x0  }
0x17: {  	[sflag:s11] =	ssyncadd.s32 $0xFFFFFFB0  }
0x18: {  	[tilespmem:s13], [sflag:$0x1] =	stream.indirect.gather [hbm4b:s2+s12], $0x10, s22, s12, $0xb8;
	[tilespmem:$0xFA0] =	vst v63  }
0x19: {  	_ =	swait.ge [sflag:s14], $0x500  }
0x1a: {  	[sflag:s14] =	ssyncset.done $0x0  }
0x1b: {  	[sflag:s14] =	ssyncadd.s32 $0xFFFFFB00  }
0x1c: {  	[tilespmem:s15], [sflag:$0x1] =	stream.indirect.gather [hbm4b:s3+s12], $0x10, s12, s12, $0xb8;
	[tilespmem:$0xFA0] =	vst v63  }
0x1d: {  	_ =	swait.ge [sflag:s14], $0x500  }
0x1e: {  	s19 =	sshll.u32 s19, $0x1;
	[sflag:s14] =	ssyncset.done $0x0  }
0x1f: {  	s31 =	sadd.s32 s4, s19;
	[sflag:s14] =	ssyncadd.s32 $0xFFFFFB00  }
0x20: {  	[tilespmem:s16], [sflag:$0x2] =	stream.linear.gather [hbm4b:s31+s22], $0x500, $0x38;
	[tilespmem:$0xFA0] =	vst v63  }
0x21: {  	_ =	swait.ge [sflag:s11], $0x500  }
0x22: {  	[sflag:s11] =	ssyncset.done $0x0  }
0x23: {  	s20 =	simm.s32 $0x0;
	[sflag:s11] =	ssyncadd.s32 $0xFFFFFB00  }
0x24: {  	s21 =	simm.s32 $0x40;
	v0 =	vld [tilespmem:s20+$0x5A0]  }
.LBB2_3:
0x25: {  	p0 =	sne.s32 s21, $0x13C0;
	v1 =	vld [tilespmem:s20+$0xA0];
	_ =	sdelay $0x1  }
0x26: {  	v2 =	vld [tilespmem:s20+$0xAA0];
	_ =	sdelay $0x2  }
0x27: {  	v0 =	vadd.f32 v0, v1  }
.Ltmp0:
0x28: {  	(pc) =	sbr.rel @p0 .LBB2_3-.Ltmp0, $3  }
0x29: {  	v0 =	vadd.f32 v2, v0;
	_ =	sdelay $0x1  }
0x2a: {  	s22 =	sshra.s32 s21, $0x2;
	v1 =	vmax.f32 v0, $0.0e+00  }
0x2b: {  	s21 =	sadd.s32 $0x40, s21;
	v0 =	vld [tilespmem:s22+$0x5A0];
	[tilespmem:s20+$0xA0] =	vst v1;
	s20 =	smov.u32 s22  }
0x2c: {  	v1 =	vld [tilespmem:s20+$0xA0];
	_ =	sdelay $0x1  }
0x2d: {  	v2 =	vld [tilespmem:s20+$0xAA0];
	_ =	sdelay $0x2  }
0x2e: {  	v0 =	vadd.f32 v0, v1;
	_ =	sdelay $0x1  }
0x2f: {  	v0 =	vadd.f32 v2, v0  }
0x30: {  	s18 =	sadd.s32 $0x1, s18  }
0x31: {  	p0 =	sne.s32 s18, $0x7D;
	v0 =	vmax.f32 v0, $0.0e+00  }
.Ltmp1:
0x32: {  	s19 =	sadd.s32 s8, s19;
	[tilespmem:s20+$0xA0] =	vst v0;
	(pc) =	sbr.rel @p0 .LBB2_2-.Ltmp1, $4  }
0x33: {  	[hbm4b:s19+s1] =	stream.linear.scatter [tilespmem:s13], [sflag:$0x2], $0x500, $0x38;
	[tilespmem:$0xFA0] =	vst v63  }
0x34: {  	_ =	swait.ge [sflag:s11], $0x500  }
0x35: {  	[sflag:s11] =	ssyncset.done $0x0  }
0x36: {  	[sflag:s11] =	ssyncadd.s32 $0xFFFFFB00  }
0x37: {  	s17 =	sadd.s32 $0x1, s17  }
0x38: {  	p0 =	sne.s32 s17, s10  }
.Ltmp2:
0x39: {  	_ = 	snop;
	(pc) =	sbr.rel @p0 .LBB2_1-.Ltmp2, $1  }
0x3a: {  	_ =	sdelay $0x3  }
0x3b: {  	_ =	sfence.sel $0x180000  }
0x3c: {  	[bflag:$0x0] =	sbarrier.arrive $0xFFFF  }
0x3d: {  	p0 =	sne.s32 s5, $0x0;
	_ =	strace $0x9000004D  }
0x3e: {  	s0 =	sadd.s32 @!p0 $0x100000, s0;
	[bflag:$0x2] =	sbarrier.arrive $0xFFFF  }
0x3f: {  	[sflag:s0] =	ssyncadd.tile.s32 @!p0 $0x1;
	_ =	shalt  }
.Lfunc_end2:
_tile_overlayer_lowered:
.L_overlay_start_2:
0x40: {  	(tag) =	ssettag $0x2  }
0x41: {  	s0 =	rddreg [dreg:$0x0];
	s2 =	stileid.u32  }
0x42: {  	s1 =	rddreg [dreg:$0x1];
	p0 =	sne.s32 s2, $0x0  }
0x43: {  	s3 =	rddreg [dreg:$0x2];
	[bflag:$0x3] =	sbarrier.arrive $0xFFFF;
	s2 =	simm.s32 @!p0 $0x1C02  }
0x44: {  	[timem:s3], [sflag:s2] =	dma.local @!p0 [hbm:s0], s1  }
0x45: {  	s0 =	simm.s32 @!p0 $0x2  }
0x46: {  	_ =	swait.ge @!p0 [sflag:s0], s1  }
0x47: {  	s1 =	ssub.s32 @!p0 $0x0, s1;
	[sflag:s0] =	ssyncset.done @!p0 $0x0  }
0x48: {  	[sflag:s0] =	ssyncadd.s32 @!p0 s1  }
0x49: {  	[bflag:$0x3] =	sbarrier.arrive $0xFFFF  }
0x4a: {  	_ =	shalt  }

// kernel: kernel.20.cloned.1.call-start
scs
__scs_entry_jumppad:
0x0: {  	(pc) =	sbr.rel $0x88, $3  }
0x1: {  	(tag) =	ssettag $0x0;
	lr =	simm.s32 $0x1  }
0x2: {  	[smem:$0x3F94] =	sst lr;
	_ =	strace $0xD0000000  }
0x3: {  	_ = 	snop  }
0x4: {  	_ = 	snop  }
0x5: {  	_ = 	snop  }
0x6: {  	_ = 	snop  }
0x7: {  	_ = 	snop  }
__scs_overlays_trampoline_lowered:
0x8: {  	[smem:$0x3FA3] =	sst s0  }
0x9: {  	[smem:$0x3FA4] =	sst s1  }
0xa: {  	[smem:$0x3FA5] =	sst s2  }
0xb: {  	[smem:$0x3FA6] =	sst s3  }
0xc: {  	[smem:$0x3FA7] =	sst s4  }
0xd: {  	[smem:$0x3FA8] =	sst s5  }
0xe: {  	[smem:$0x3FA9] =	sst s6  }
0xf: {  	[smem:$0x3FAA] =	sst s7  }
0x10: {  	[smem:$0x3FAB] =	sst s8  }
0x11: {  	[smem:$0x3FAC] =	sst s9;
	s0 =	simm.s32 @!p0 $0x0  }
0x12: {  	s1 =	sld [smem:$0x3F92];
	s0 =	simm.s32 @p0 $0x1  }
0x13: {  	[smem:$0x3FAD] =	sst s0;
	s0 =	simm.s32 @!p1 $0x0  }
0x14: {  	s2 =	sld [smem:$0x3F91];
	s0 =	simm.s32 @p1 $0x1  }
0x15: {  	[smem:$0x3FAE] =	sst s0;
	s0 =	simm.s32 @!p2 $0x0  }
0x16: {  	s3 =	sld [smem:$0x3FDB];
	s0 =	simm.s32 @p2 $0x1  }
0x17: {  	s4 =	simm.s32 $0x1BF5;
	[smem:$0x3FB0] =	sst s0  }
0x18: {  	s0 =	sld [smem:$0x3F93];
	_ =	swait.ge [sflag:s4], $0x0  }
0x19: {  	s7 =	sld [smem:$0x3F94]  }
0x1a: {  	s8 =	sadd.s32 $0xFFFFE003, lr  }
0x1b: {  	s9 =	sadd.s32 $0xFFFFFEF7, lr;
	s5 =	simm.s32 $0xFFFFFFFF;
	p2 =	slt.u32 s8, $0xFFFFF086  }
0x1c: {  	p1 =	slt.u32 s9, $0xF7A;
	s5 =	simm.s32 @!p2 $0x0  }
0x1d: {  	s5 =	simm.s32 @p1 $0x1;
	p0 =	seq.s32 s7, s2  }
0x1e: {  	s7 =	smul.u32 @!p0 $0xF7A, s2;
	p2 =	seq.s32 @!p0 s5, $0x0  }
0x1f: {  	s9 =	smul.u32 $0xF7A, s1;
	s8 =	simm.s32 @!p0 $0x1BF5;
	p2 =	por !p2, p0  }
0x20: {  	[sflag:s8] =	ssyncset.s32 @!p0 $0xFFFFF086;
	s6 =	sadd.s32 @!p0 s3, s7;
	s7 =	simm.s32 @!p0 $0x108  }
0x21: {  	s3 =	sadd.s32 s3, s9;
	s6 =	sadd.s32 @!p0 $0x88, s6;
	s7 =	simm.s32 @p2 $0x1082  }
0x22: {  	[simem:s7], [sflag:s8] =	dma.local @!p0 [hbm:s6], $0xF7A  }
0x23: {  	s9 =	sor.u32 $0xD0000000, s2;
	s6 =	simm.s32 $0x108;
	_ =	swait.ge @!p0 [sflag:s8], $0x0  }
0x24: {  	s3 =	sadd.s32 $0x88, s3;
	s6 =	simm.s32 @!p1 $0x1082;
	[sflag:s4] =	ssyncset.s32 $0xFFFFF086  }
0x25: {  	[simem:s6], [sflag:s4] =	dma.local [hbm:s3], $0xF7A  }
0x26: {  	[smem:$0x3F94] =	sst s1;
	(tag) =	ssettag s2;
	_ =	strace s9  }
0x27: {  	s1 =	sld [smem:$0x3FA4]  }
0x28: {  	s2 =	sld [smem:$0x3FA5]  }
0x29: {  	s4 =	sld [smem:$0x3FA7]  }
0x2a: {  	p0 =	seq.s32 s5, $0x0;
	s5 =	sld [smem:$0x3FA8]  }
0x2b: {  	s6 =	sld [smem:$0x3FA9]  }
0x2c: {  	s7 =	sld [smem:$0x3FAA]  }
0x2d: {  	s3 =	simm.s32 $0x108;
	s8 =	sld [smem:$0x3FAB]  }
0x2e: {  	s3 =	simm.s32 @!p0 $0x1082;
	s9 =	sld [smem:$0x3FAC]  }
0x2f: {  	lr =	sadd.s32 s0, s3;
	s0 =	sld [smem:$0x3FA3]  }
0x30: {  	s3 =	sld [smem:$0x3FA6]  }
0x31: {  	[smem:$0x3FAF] =	sst s10  }
0x32: {  	s10 =	sld [smem:$0x3FAD];
	_ =	sdelay $0x3  }
0x33: {  	p0 =	seq.s32 s10, $0x1;
	s10 =	sld [smem:$0x3FAF];
	_ =	sdelay $0x3  }
0x34: {  	[smem:$0x3FAF] =	sst s10  }
0x35: {  	s10 =	sld [smem:$0x3FAE];
	_ =	sdelay $0x3  }
0x36: {  	p1 =	seq.s32 s10, $0x1;
	s10 =	sld [smem:$0x3FAF];
	_ =	sdelay $0x3  }
0x37: {  	[smem:$0x3FAF] =	sst s10  }
0x38: {  	s10 =	sld [smem:$0x3FB0]  }
0x39: {  	_ = 	snop;
	(pc) =	sbr.ind lr, $3  }
0x3a: {  	_ = 	snop  }
0x3b: {  	_ = 	snop  }
0x3c: {  	p2 =	seq.s32 s10, $0x1;
	s10 =	sld [smem:$0x3FAF]  }
0x3d: {  	_ =	shalt  }
0x3e: {  	_ =	shalt  }
0x3f: {  	_ =	shalt  }
0x40: {  	_ =	shalt  }
0x41: {  	_ =	shalt  }
0x42: {  	_ =	shalt  }
0x43: {  	_ =	shalt  }
0x44: {  	_ =	shalt  }
0x45: {  	_ =	shalt  }
0x46: {  	_ =	shalt  }
0x47: {  	_ =	shalt  }
0x48: {  	_ =	shalt  }
0x49: {  	_ =	shalt  }
0x4a: {  	_ =	shalt  }
0x4b: {  	_ =	shalt  }
0x4c: {  	_ =	shalt  }
0x4d: {  	_ =	shalt  }
0x4e: {  	_ =	shalt  }
0x4f: {  	_ =	shalt  }
0x50: {  	_ =	shalt  }
0x51: {  	_ =	shalt  }
0x52: {  	_ =	shalt  }
0x53: {  	_ =	shalt  }
0x54: {  	_ =	shalt  }
0x55: {  	_ =	shalt  }
0x56: {  	_ =	shalt  }
0x57: {  	_ =	shalt  }
0x58: {  	_ =	shalt  }
0x59: {  	_ =	shalt  }
0x5a: {  	_ =	shalt  }
0x5b: {  	_ =	shalt  }
0x5c: {  	_ =	shalt  }
0x5d: {  	_ =	shalt  }
0x5e: {  	_ =	shalt  }
0x5f: {  	_ =	shalt  }
0x60: {  	_ =	shalt  }
0x61: {  	_ =	shalt  }
0x62: {  	_ =	shalt  }
0x63: {  	_ =	shalt  }
0x64: {  	_ =	shalt  }
0x65: {  	_ =	shalt  }
0x66: {  	_ =	shalt  }
0x67: {  	_ =	shalt  }
0x68: {  	_ =	shalt  }
0x69: {  	_ =	shalt  }
0x6a: {  	_ =	shalt  }
0x6b: {  	_ =	shalt  }
0x6c: {  	_ =	shalt  }
0x6d: {  	_ =	shalt  }
0x6e: {  	_ =	shalt  }
0x6f: {  	_ =	shalt  }
0x70: {  	_ =	shalt  }
0x71: {  	_ =	shalt  }
0x72: {  	_ =	shalt  }
0x73: {  	_ =	shalt  }
0x74: {  	_ =	shalt  }
0x75: {  	_ =	shalt  }
0x76: {  	_ =	shalt  }
0x77: {  	_ =	shalt  }
0x78: {  	_ =	shalt  }
0x79: {  	_ =	shalt  }
0x7a: {  	_ =	shalt  }
0x7b: {  	_ =	shalt  }
0x7c: {  	_ =	shalt  }
0x7d: {  	_ =	shalt  }
0x7e: {  	_ =	shalt  }
0x7f: {  	_ =	shalt  }
0x80: {  	_ =	shalt  }
0x81: {  	_ =	shalt  }
0x82: {  	_ =	shalt  }
0x83: {  	_ =	shalt  }
0x84: {  	_ =	shalt  }
0x85: {  	_ =	shalt  }
0x86: {  	_ =	shalt  }
0x87: {  	_ =	shalt  }
.Lfunc_end0:
.L_simem_size_0:
called_computation.3_lowered:
.L_overlay_start_0:
0x88: {  	s2 =	sld [smem:$0x3FD9]  }
0x89: {  	s3 =	sld [smem:$0x3FFE];
	_ =	sdelay $0x1  }
0x8a: {  	s1 =	srdreg.scid  }
0x8b: {  	s0 =	sand.u32 $0x1, s1  }
0x8c: {  	s17 =	sshll.u32 s0, $0xA;
	s2 =	sadd.s32 s3, s2  }
0x8d: {  	s2 =	sadd.s32 s2, s17  }
0x8e: {  	[smem:$0x3FBB] =	sst s2  }
0x8f: {  	_ = 	snop  }
0x90: {  	s2 =	sld [smem:$0x3FD0];
	(tm) =	ssettm $0x1  }
0x91: {  	s18 =	sld [smem:$0x3FFB];
	_ =	sdelay $0x3  }
0x92: {  	_ =	strace s18  }
0x93: {  	s3 =	sld [smem:$0x3FFC];
	_ =	sdelay $0x3  }
0x94: {  	_ =	strace s3  }
0x95: {  	s3 =	sld [smem:$0x3FFD];
	_ =	sdelay $0x3  }
0x96: {  	_ =	strace s3  }
0x97: {  	_ =	strace $0x8FFFFFFF  }
0x98: {  	s19 =	sld [smem:$0x3FDB];
	_ =	sdelay $0x1  }
0x99: {  	s4 =	simm.s32 $_scs_section_size  }
0x9a: {  	s5 =	simm.s32 $_size__tile_overlayer_lowered;
	s6 =	simm.s32 $_tile_overlayer_lowered  }
0x9b: {  	s22 =	simm.s32 $0x1BFF;
	s21 =	sshll.u32 s6, $0x1;
	s3 =	sadd.s32 s4, s19  }
0x9c: {  	s7 =	simm.s32 $0x0;
	s20 =	sshll.u32 s5, $0x1;
	s5 =	sadd.s32 s21, s3  }
0x9d: {  	[timem:s7], [sflag:s22] =	dma.local [hbm:s5], s20  }
0x9e: {  	_ =	swait.ge [sflag:s22], s20  }
0x9f: {  	s4 =	ssub.s32 $0x0, s20;
	[sflag:s22] =	ssyncset.done $0x0  }
0xa0: {  	[sflag:s22] =	ssyncadd.s32 s4;
	_ =	sdelay $0x1  }
0xa1: {  	s23 =	simm.s32 $0x1B8B  }
0xa2: {  	_ =	swait.ge [sflag:s23], $0x1  }
0xa3: {  	[sflag:s23] =	ssyncset.done $0x0  }
0xa4: {  	s25 =	simm.s32 $0x1B8E;
	s24 =	sld [smem:$0x3FFE];
	[sflag:s23] =	ssyncadd.s32 $0xFFFFFFFF  }
0xa5: {  	s26 =	simm.s32 $execute0_lowered;
	[smem:$0x3FD2] =	sst s25  }
0xa6: {  	s5 =	sshll.u32 s26, $0x1;
	_ =	strace $0x8000004F;
	[dreg:$0x1] =	wrdreg $0xFFFFFFFF  }
0xa7: {  	s28 =	simm.s32 $_size_execute0_lowered;
	s3 =	sadd.s32 s3, s5;
	[dreg:$0x0] =	wrdreg $0x0  }
0xa8: {  	s5 =	sshll.u32 s28, $0x1;
	[dreg:$0x2] =	wrdreg s3  }
0xa9: {  	[dreg:$0x3] =	wrdreg s5  }
0xaa: {  	[dreg:$0x4] =	wrdreg $0xC0  }
0xab: {  	_ =	task [dreg:s7], $0x5FFFF  }
0xac: {  	[dreg:$0x1] =	wrdreg $0xFFFFFFFF  }
0xad: {  	[dreg:$0x0] =	wrdreg $0x60  }
0xae: {  	[dreg:$0x2] =	wrdreg s2  }
0xaf: {  	[dreg:$0x3] =	wrdreg s24  }
0xb0: {  	[dreg:$0x4] =	wrdreg $0x51000  }
0xb1: {  	[dreg:$0x5] =	wrdreg $0x9  }
0xb2: {  	_ =	task.clear_ibuf [dreg:s7], $0x6FFFF;
	_ =	strace $0x9000004F  }
0xb3: {  	s29 =	simm.s32 $0x9;
	_ =	strace $0x80000051  }
0xb4: {  	_ =	swait.ge [sflag:s29], $0x1  }
0xb5: {  	[sflag:s29] =	ssyncadd.s32 $0xFFFFFFFF  }
0xb6: {  	_ =	strace $0x90000051  }
0xb7: {  	_ =	sfence  }
0xb8: {  	s30 =	sld [smem:$0x0];
	_ =	sdelay $0x2  }
0xb9: {  	s31 =	sshll.u32 s1, $0xD;
	s1 =	sshrl.u32 s1, $0x2  }
0xba: {  	s3 =	sand.u32 $0x4000, s31;
	s1 =	sadd.s32 s1, s30  }
0xbb: {  	s0 =	sor.u32 s3, s0;
	s1 =	sshll.u32 s1, $0x11  }
0xbc: {  	s0 =	sor.u32 s1, s0  }
0xbd: {  	s0 =	sadd.s32 $0x8F2B, s0  }
0xbe: {  	[sflag:s0] =	ssyncadd.remote.s32 $0x1  }
0xbf: {  	_ =	sfence.sel $0xFFFF  }
0xc0: {  	[dreg:$0x0] =	wrdreg $0xFFFFFFFF;
	(pc) =	sbr.abs _section_cstart, $3  }
0xc1: {  	[dreg:$0x1] =	wrdreg $0xFFFFFFFF  }
0xc2: {  	_ =	task.clear_ibuf [dreg:s7], $0x2FFFF;
	_ =	strace $0x9FFFFFFF  }
0xc3: {  	(tm) =	ssettm $0x7FFFFFFF  }
tec
execute0_lowered:
.L_overlay_start_1:
0x0: {  	(tag) =	ssettag $0x1  }
0x1: {  	s1 =	rddreg [dreg:$0x0]  }
0x2: {  	s0 =	rddreg [dreg:$0x1]  }
0x3: {  	s2 =	rddreg [dreg:$0x2]  }
0x4: {  	s4 =	simm.s32 $0x0;
	s3 =	srdreg.scid;
	s17 =	stileid.u32  }
0x5: {  	s28 =	simm.s32 $0x100;
	s29 =	simm.s32 $0x2;
	s30 =	simm.s32 $0x80  }
0x6: {  	s31 =	simm.s32 $0x50;
	[smem:$0x7FF] =	sst s4;
	s7 =	smul.u32 $0x50000, s17  }
0x7: {  	s3 =	sand.u32 $0x1, s3;
	s5 =	sadd.s32 $0x6DC000, s0;
	s9 =	smul.u32 $0x14000, s17  }
0x8: {  	s13 =	sadd.s32 $0x4A600, s0;
	_ =	strace $0x80000050;
	s6 =	ssub.s32 $0x2, s3  }
0x9: {  	s8 =	sshrl.u32 s6, $0x1;
	s18 =	sor.u32 $0x2800, s9;
	s19 =	sadd.s32 $0x5000, s9  }
0xa: {  	s20 =	sadd.s32 $0x7800, s9;
	s6 =	ssub.s32 s6, s8;
	s8 =	smul.u32 $0x140000, s3  }
0xb: {  	s21 =	sadd.s32 $0xA000, s9;
	s22 =	sadd.s32 $0xC800, s9;
	s23 =	sadd.s32 $0xF000, s9  }
0xc: {  	s10 =	sadd.s32 s9, s8;
	s11 =	sadd.s32 s8, s18;
	s9 =	sadd.s32 $0x11800, s9  }
0xd: {  	s25 =	sadd.s32 s8, s19;
	s26 =	sadd.s32 s8, s20;
	s12 =	sadd.s32 s8, s21  }
0xe: {  	s15 =	sadd.s32 s8, s22;
	s16 =	sadd.s32 s8, s23;
	s18 =	sadd.s32 s18, s2  }
0xf: {  	s19 =	sadd.s32 s19, s2;
	s20 =	sadd.s32 s20, s2;
	s21 =	sadd.s32 s21, s2  }
0x10: {  	s22 =	sadd.s32 s22, s2;
	s23 =	sadd.s32 s23, s2;
	s10 =	sshrl.u32 s10, $0x3  }
0x11: {  	s24 =	sshrl.u32 s11, $0x3;
	s11 =	sshrl.u32 s26, $0x3;
	s14 =	sshrl.u32 s12, $0x3  }
0x12: {  	s12 =	sshrl.u32 s16, $0x3;
	s8 =	sadd.s32 s8, s9;
	s16 =	sadd.s32 $0x22E00, s0  }
0x13: {  	s26 =	sshrl.u32 s7, $0x2;
	s10 =	sadd.s32 s13, s10;
	s11 =	sadd.s32 s13, s11  }
0x14: {  	s12 =	sadd.s32 s13, s12;
	s8 =	sshrl.u32 s8, $0x3;
	[dreg:$0x4] =	wrdreg s10  }
0x15: {  	s10 =	sadd.s32 s13, s24;
	[dreg:$0x7] =	wrdreg s11;
	s11 =	sshrl.u32 s15, $0x3  }
0x16: {  	s15 =	sadd.s32 $0x4E00, s0;
	[dreg:$0x5] =	wrdreg s10;
	s10 =	sshrl.u32 s25, $0x3  }
0x17: {  	s24 =	sadd.s32 s13, s11;
	s25 =	sshll.u32 s3, $0x4;
	s3 =	simm.s32 $0x2900  }
0x18: {  	s11 =	simm.s32 $0x0;
	s10 =	sadd.s32 s13, s10;
	[dreg:$0x9] =	wrdreg s24  }
0x19: {  	s24 =	sadd.s32 s9, s2;
	[dreg:$0x6] =	wrdreg s10;
	s10 =	sadd.s32 s13, s14  }
0x1a: {  	s13 =	sadd.s32 s13, s8;
	s14 =	sadd.s32 $0xEC00, s0;
	s0 =	sor.u32 s17, s25  }
0x1b: {  	s17 =	sadd.s32 s26, s2;
	s26 =	smax.u32 s6, $0x1;
	s6 =	simm.s32 $0x0  }
0x1c: {  	[dreg:$0x8] =	wrdreg s10;
	s25 =	smul.u32 $0x2710, s0;
	s0 =	simm.s32 $0x1  }
.LBB2_1:
0x1d: {  	[tilespmem:s28], [sflag:$0x2] =	stream.linear.gather [hbm4b:s16+s4], $0x2800, $0x38;
	[tilespmem:$0x19100] =	vst v63  }
0x1e: {  	_ =	swait.ge [sflag:s29], $0x2800  }
0x1f: {  	[sflag:s29] =	ssyncset.done $0x0  }
0x20: {  	[sflag:s29] =	ssyncadd.s32 $0xFFFFD800  }
0x21: {  	[spmem:s17] =	stream.linear.scatter [tilespmem:s28], [sflag:$0x2], $0x2800, $0x38;
	[tilespmem:$0x19100] =	vst v63  }
0x22: {  	_ =	swait.ge [sflag:s29], $0x2800  }
0x23: {  	[sflag:s29] =	ssyncset.done $0x0  }
0x24: {  	[sflag:s29] =	ssyncadd.s32 $0xFFFFD800  }
0x25: {  	[spmem:s18] =	stream.linear.scatter [tilespmem:s28], [sflag:$0x2], $0x2800, $0x38;
	[tilespmem:$0x19100] =	vst v63  }
0x26: {  	_ =	swait.ge [sflag:s29], $0x2800  }
0x27: {  	[sflag:s29] =	ssyncset.done $0x0  }
0x28: {  	[sflag:s29] =	ssyncadd.s32 $0xFFFFD800  }
0x29: {  	[spmem:s19] =	stream.linear.scatter [tilespmem:s28], [sflag:$0x2], $0x2800, $0x38;
	[tilespmem:$0x19100] =	vst v63  }
0x2a: {  	_ =	swait.ge [sflag:s29], $0x2800  }
0x2b: {  	[sflag:s29] =	ssyncset.done $0x0  }
0x2c: {  	[sflag:s29] =	ssyncadd.s32 $0xFFFFD800  }
0x2d: {  	[spmem:s20] =	stream.linear.scatter [tilespmem:s28], [sflag:$0x2], $0x2800, $0x38;
	[tilespmem:$0x19100] =	vst v63  }
0x2e: {  	_ =	swait.ge [sflag:s29], $0x2800  }
0x2f: {  	[sflag:s29] =	ssyncset.done $0x0  }
0x30: {  	[sflag:s29] =	ssyncadd.s32 $0xFFFFD800  }
0x31: {  	[spmem:s21] =	stream.linear.scatter [tilespmem:s28], [sflag:$0x2], $0x2800, $0x38;
	[tilespmem:$0x19100] =	vst v63  }
0x32: {  	_ =	swait.ge [sflag:s29], $0x2800  }
0x33: {  	[sflag:s29] =	ssyncset.done $0x0  }
0x34: {  	[sflag:s29] =	ssyncadd.s32 $0xFFFFD800  }
0x35: {  	[spmem:s22] =	stream.linear.scatter [tilespmem:s28], [sflag:$0x2], $0x2800, $0x38;
	[tilespmem:$0x19100] =	vst v63  }
0x36: {  	_ =	swait.ge [sflag:s29], $0x2800  }
0x37: {  	[sflag:s29] =	ssyncset.done $0x0  }
0x38: {  	[sflag:s29] =	ssyncadd.s32 $0xFFFFD800  }
0x39: {  	[spmem:s23] =	stream.linear.scatter [tilespmem:s28], [sflag:$0x2], $0x2800, $0x38;
	[tilespmem:$0x19100] =	vst v63  }
0x3a: {  	_ =	swait.ge [sflag:s29], $0x2800  }
0x3b: {  	[sflag:s29] =	ssyncset.done $0x0  }
0x3c: {  	[sflag:s29] =	ssyncadd.s32 $0xFFFFD800  }
0x3d: {  	[spmem:s24] =	stream.linear.scatter [tilespmem:s28], [sflag:$0x2], $0x2800, $0x38;
	[tilespmem:$0x19100] =	vst v63  }
0x3e: {  	_ =	swait.ge [sflag:s29], $0x2800  }
0x3f: {  	[sflag:s29] =	ssyncset.done $0x0  }
0x40: {  	[sflag:s29] =	ssyncadd.s32 $0xFFFFD800  }
0x41: {  	s7 =	simm.s32 $0x0;
	[bflag:$0x0] =	sbarrier.arrive $0xFFFF  }
.LBB2_2:
0x42: {  	s8 =	smul.u32 $0x50, s7;
	_ =	sdelay $0x1  }
0x43: {  	s8 =	sadd.s32 s25, s8  }
0x44: {  	s9 =	sshrl.u32 s8, $0x3  }
0x45: {  	s10 =	sadd.s32 s14, s9  }
0x46: {  	[tilespmem:s11], [sflag:$0x2] =	stream.linear.gather [hbm4b:s10+s11], $0x50, $0x38;
	[tilespmem:$0x19100] =	vst v63  }
0x47: {  	_ =	swait.ge [sflag:s29], $0x50  }
0x48: {  	[sflag:s29] =	ssyncset.done $0x0  }
0x49: {  	s9 =	sadd.s32 s15, s9;
	[sflag:s29] =	ssyncadd.s32 $0xFFFFFFB0  }
0x4a: {  	[tilespmem:s30], [sflag:$0x2] =	stream.linear.gather [hbm4b:s9+s11], $0x50, $0x38;
	[tilespmem:$0x19100] =	vst v63  }
0x4b: {  	_ =	swait.ge [sflag:s29], $0x50  }
0x4c: {  	[sflag:s29] =	ssyncset.done $0x0  }
0x4d: {  	[sflag:s29] =	ssyncadd.s32 $0xFFFFFFB0  }
0x4e: {  	[tilespmem:s28], [sflag:$0x1] =	stream.indirect.gather [hbm4b:s1+s31], $0x80, s11, s31, $0xb8;
	[tilespmem:$0x19100] =	vst v63  }
0x4f: {  	_ =	swait.ge [sflag:s0], $0x2800  }
0x50: {  	s8 =	sshll.u32 s8, $0x4;
	[sflag:s0] =	ssyncset.done $0x0  }
0x51: {  	s8 =	sadd.s32 s5, s8;
	[sflag:s0] =	ssyncadd.s32 $0xFFFFD800  }
0x52: {  	[tilespmem:s3], [sflag:$0x2] =	stream.linear.gather [hbm4b:s8+s11], $0x2800, $0x38;
	[tilespmem:$0x19100] =	vst v63  }
0x53: {  	_ =	swait.ge [sflag:s29], $0x2800  }
0x54: {  	[sflag:s29] =	ssyncset.done $0x0  }
0x55: {  	s8 =	simm.s32 $0x0;
	[sflag:s29] =	ssyncadd.s32 $0xFFFFD800  }
0x56: {  	v6 =	vld [tilespmem:s8+$0x2900]  }
0x57: {  	v11 =	vld [tilespmem:s8+$0x2910]  }
0x58: {  	v5 =	vld [tilespmem:s8+$0x2920]  }
0x59: {  	v4 =	vld [tilespmem:s8+$0x2930]  }
0x5a: {  	v3 =	vld [tilespmem:s8+$0x2940]  }
0x5b: {  	v2 =	vld [tilespmem:s8+$0x2950]  }
0x5c: {  	v1 =	vld [tilespmem:s8+$0x2960]  }
0x5d: {  	v0 =	vld [tilespmem:s8+$0x2970]  }
0x5e: {  	v12 =	vld [tilespmem:s8+$0x100]  }
0x5f: {  	v13 =	vld [tilespmem:s8+$0x110]  }
0x60: {  	v10 =	vld [tilespmem:s8+$0x120]  }
0x61: {  	v9 =	vld [tilespmem:s8+$0x130]  }
0x62: {  	v8 =	vld [tilespmem:s8+$0x140]  }
0x63: {  	v7 =	vld [tilespmem:s8+$0x150];
	v12 =	vadd.f32 v6, v12  }
0x64: {  	s9 =	simm.s32 $0x200;
	v11 =	vadd.f32 v11, v13;
	v6 =	vld [tilespmem:s8+$0x160]  }
.LBB2_3:
0x65: {  	s10 =	sshra.s32 s9, $0x2;
	p0 =	sne.s32 s9, $0x9E00;
	v12 =	vmax.f32 v12, $0.0e+00;
	v5 =	vadd.f32 v5, v10;
	v10 =	vld [tilespmem:s8+$0x170]  }
0x66: {  	v13 =	vld [tilespmem:s10+$0x2900];
	[tilespmem:s8+$0x100] =	vst v12;
	v11 =	vmax.f32 v11, $0.0e+00;
	v4 =	vadd.f32 v4, v9  }
0x67: {  	v14 =	vld [tilespmem:s10+$0x2910];
	[tilespmem:s8+$0x110] =	vst v11;
	v9 =	vmax.f32 v5, $0.0e+00;
	v3 =	vadd.f32 v3, v8  }
0x68: {  	v5 =	vld [tilespmem:s10+$0x2920];
	[tilespmem:s8+$0x120] =	vst v9;
	v8 =	vmax.f32 v4, $0.0e+00;
	v2 =	vadd.f32 v2, v7  }
0x69: {  	v4 =	vld [tilespmem:s10+$0x2930];
	[tilespmem:s8+$0x130] =	vst v8;
	v7 =	vmax.f32 v3, $0.0e+00;
	v1 =	vadd.f32 v1, v6  }
0x6a: {  	v3 =	vld [tilespmem:s10+$0x2940];
	[tilespmem:s8+$0x140] =	vst v7;
	v6 =	vmax.f32 v2, $0.0e+00;
	v0 =	vadd.f32 v0, v10  }
0x6b: {  	v2 =	vld [tilespmem:s10+$0x2950];
	[tilespmem:s8+$0x150] =	vst v6;
	v6 =	vmax.f32 v1, $0.0e+00  }
0x6c: {  	v1 =	vld [tilespmem:s10+$0x2960];
	[tilespmem:s8+$0x160] =	vst v6;
	v6 =	vmax.f32 v0, $0.0e+00  }
0x6d: {  	v0 =	vld [tilespmem:s10+$0x2970];
	[tilespmem:s8+$0x170] =	vst v6;
	s8 =	smov.u32 s10  }
0x6e: {  	v6 =	vld [tilespmem:s8+$0x100]  }
0x6f: {  	v11 =	vld [tilespmem:s8+$0x110]  }
.Ltmp0:
0x70: {  	v10 =	vld [tilespmem:s8+$0x120];
	(pc) =	sbr.rel @p0 .LBB2_3-.Ltmp0, $4  }
0x71: {  	v9 =	vld [tilespmem:s8+$0x130]  }
0x72: {  	v8 =	vld [tilespmem:s8+$0x140]  }
0x73: {  	v12 =	vadd.f32 v13, v6;
	v7 =	vld [tilespmem:s8+$0x150]  }
0x74: {  	s9 =	sadd.s32 $0x200, s9;
	v11 =	vadd.f32 v14, v11;
	v6 =	vld [tilespmem:s8+$0x160]  }
0x75: {  	v12 =	vmax.f32 v12, $0.0e+00;
	v5 =	vadd.f32 v5, v10;
	v63 =	vld [tilespmem:s8+$0x170]  }
0x76: {  	[tilespmem:s8+$0x100] =	vst v12;
	v11 =	vmax.f32 v11, $0.0e+00;
	v4 =	vadd.f32 v4, v9  }
0x77: {  	[tilespmem:s8+$0x110] =	vst v11;
	v5 =	vmax.f32 v5, $0.0e+00;
	v3 =	vadd.f32 v3, v8  }
0x78: {  	[tilespmem:s8+$0x120] =	vst v5;
	v4 =	vmax.f32 v4, $0.0e+00;
	v2 =	vadd.f32 v2, v7  }
0x79: {  	[tilespmem:s8+$0x130] =	vst v4;
	v3 =	vmax.f32 v3, $0.0e+00;
	v1 =	vadd.f32 v1, v6  }
0x7a: {  	[tilespmem:s8+$0x140] =	vst v3;
	v2 =	vmax.f32 v2, $0.0e+00;
	v0 =	vadd.f32 v0, v63  }
0x7b: {  	s7 =	sadd.s32 $0x1, s7;
	[tilespmem:s8+$0x150] =	vst v2;
	v1 =	vmax.f32 v1, $0.0e+00  }
0x7c: {  	p0 =	sne.s32 s7, $0x7D;
	[tilespmem:s8+$0x160] =	vst v1;
	v0 =	vmax.f32 v0, $0.0e+00  }
.Ltmp1:
0x7d: {  	[tilespmem:s8+$0x170] =	vst v0;
	(pc) =	sbr.rel @p0 .LBB2_2-.Ltmp1, $4  }
0x7e: {  	[spmem:s2] =	stream.indirect.scatter.add.f32 [tilespmem:s28], [sflag:$0x2], $0x80, s30, s31, $0xb8;
	[tilespmem:$0x19100] =	vst v63  }
0x7f: {  	_ =	swait.ge [sflag:s29], $0x2800  }
0x80: {  	[sflag:s29] =	ssyncset.done $0x0  }
0x81: {  	[sflag:s29] =	ssyncadd.s32 $0xFFFFD800  }
0x82: {  	[bflag:$0x0] =	sbarrier.arrive $0xFFFF  }
0x83: {  	[tilespmem:s28], [sflag:$0x2] =	stream.linear.gather [spmem:s17], $0x2800, $0x38;
	[tilespmem:$0x19100] =	vst v63  }
0x84: {  	_ =	swait.ge [sflag:s29], $0x2800  }
0x85: {  	[sflag:s29] =	ssyncset.done $0x0  }
0x86: {  	s7 =	rddreg [dreg:$0x4];
	[sflag:s29] =	ssyncadd.s32 $0xFFFFD800  }
0x87: {  	[hbm4b:s7+s4] =	stream.linear.scatter [tilespmem:s28], [sflag:$0x2], $0x2800, $0x38;
	[tilespmem:$0x19100] =	vst v63  }
0x88: {  	_ =	swait.ge [sflag:s29], $0x2800  }
0x89: {  	[sflag:s29] =	ssyncset.done $0x0  }
0x8a: {  	[sflag:s29] =	ssyncadd.s32 $0xFFFFD800  }
0x8b: {  	[tilespmem:s28], [sflag:$0x2] =	stream.linear.gather [spmem:s18], $0x2800, $0x38;
	[tilespmem:$0x19100] =	vst v63  }
0x8c: {  	_ =	swait.ge [sflag:s29], $0x2800  }
0x8d: {  	[sflag:s29] =	ssyncset.done $0x0  }
0x8e: {  	s9 =	rddreg [dreg:$0x5];
	[sflag:s29] =	ssyncadd.s32 $0xFFFFD800  }
0x8f: {  	[hbm4b:s9+s4] =	stream.linear.scatter [tilespmem:s28], [sflag:$0x2], $0x2800, $0x38;
	[tilespmem:$0x19100] =	vst v63  }
0x90: {  	_ =	swait.ge [sflag:s29], $0x2800  }
0x91: {  	[sflag:s29] =	ssyncset.done $0x0  }
0x92: {  	[sflag:s29] =	ssyncadd.s32 $0xFFFFD800  }
0x93: {  	[tilespmem:s28], [sflag:$0x2] =	stream.linear.gather [spmem:s19], $0x2800, $0x38;
	[tilespmem:$0x19100] =	vst v63  }
0x94: {  	_ =	swait.ge [sflag:s29], $0x2800  }
0x95: {  	[sflag:s29] =	ssyncset.done $0x0  }
0x96: {  	s10 =	rddreg [dreg:$0x6];
	[sflag:s29] =	ssyncadd.s32 $0xFFFFD800  }
0x97: {  	[hbm4b:s10+s4] =	stream.linear.scatter [tilespmem:s28], [sflag:$0x2], $0x2800, $0x38;
	[tilespmem:$0x19100] =	vst v63  }
0x98: {  	_ =	swait.ge [sflag:s29], $0x2800  }
0x99: {  	[sflag:s29] =	ssyncset.done $0x0  }
0x9a: {  	[sflag:s29] =	ssyncadd.s32 $0xFFFFD800  }
0x9b: {  	[tilespmem:s28], [sflag:$0x2] =	stream.linear.gather [spmem:s20], $0x2800, $0x38;
	[tilespmem:$0x19100] =	vst v63  }
0x9c: {  	_ =	swait.ge [sflag:s29], $0x2800  }
0x9d: {  	[sflag:s29] =	ssyncset.done $0x0  }
0x9e: {  	s8 =	rddreg [dreg:$0x7];
	[sflag:s29] =	ssyncadd.s32 $0xFFFFD800  }
0x9f: {  	[hbm4b:s8+s4] =	stream.linear.scatter [tilespmem:s28], [sflag:$0x2], $0x2800, $0x38;
	[tilespmem:$0x19100] =	vst v63  }
0xa0: {  	_ =	swait.ge [sflag:s29], $0x2800  }
0xa1: {  	[sflag:s29] =	ssyncset.done $0x0  }
0xa2: {  	[sflag:s29] =	ssyncadd.s32 $0xFFFFD800  }
0xa3: {  	[tilespmem:s28], [sflag:$0x2] =	stream.linear.gather [spmem:s21], $0x2800, $0x38;
	[tilespmem:$0x19100] =	vst v63  }
0xa4: {  	_ =	swait.ge [sflag:s29], $0x2800  }
0xa5: {  	[sflag:s29] =	ssyncset.done $0x0  }
0xa6: {  	s9 =	rddreg [dreg:$0x8];
	[sflag:s29] =	ssyncadd.s32 $0xFFFFD800  }
0xa7: {  	[hbm4b:s9+s4] =	stream.linear.scatter [tilespmem:s28], [sflag:$0x2], $0x2800, $0x38;
	[tilespmem:$0x19100] =	vst v63  }
0xa8: {  	_ =	swait.ge [sflag:s29], $0x2800  }
0xa9: {  	[sflag:s29] =	ssyncset.done $0x0  }
0xaa: {  	[sflag:s29] =	ssyncadd.s32 $0xFFFFD800  }
0xab: {  	[tilespmem:s28], [sflag:$0x2] =	stream.linear.gather [spmem:s22], $0x2800, $0x38;
	[tilespmem:$0x19100] =	vst v63  }
0xac: {  	_ =	swait.ge [sflag:s29], $0x2800  }
0xad: {  	[sflag:s29] =	ssyncset.done $0x0  }
0xae: {  	s10 =	rddreg [dreg:$0x9];
	[sflag:s29] =	ssyncadd.s32 $0xFFFFD800  }
0xaf: {  	[hbm4b:s10+s4] =	stream.linear.scatter [tilespmem:s28], [sflag:$0x2], $0x2800, $0x38;
	[tilespmem:$0x19100] =	vst v63  }
0xb0: {  	_ =	swait.ge [sflag:s29], $0x2800  }
0xb1: {  	[sflag:s29] =	ssyncset.done $0x0  }
0xb2: {  	[sflag:s29] =	ssyncadd.s32 $0xFFFFD800  }
0xb3: {  	[tilespmem:s28], [sflag:$0x2] =	stream.linear.gather [spmem:s23], $0x2800, $0x38;
	[tilespmem:$0x19100] =	vst v63  }
0xb4: {  	_ =	swait.ge [sflag:s29], $0x2800  }
0xb5: {  	[sflag:s29] =	ssyncset.done $0x0  }
0xb6: {  	[sflag:s29] =	ssyncadd.s32 $0xFFFFD800  }
0xb7: {  	[hbm4b:s12+s4] =	stream.linear.scatter [tilespmem:s28], [sflag:$0x2], $0x2800, $0x38;
	[tilespmem:$0x19100] =	vst v63  }
0xb8: {  	_ =	swait.ge [sflag:s29], $0x2800  }
0xb9: {  	[sflag:s29] =	ssyncset.done $0x0  }
0xba: {  	[sflag:s29] =	ssyncadd.s32 $0xFFFFD800  }
0xbb: {  	[tilespmem:s28], [sflag:$0x2] =	stream.linear.gather [spmem:s24], $0x2800, $0x38;
	[tilespmem:$0x19100] =	vst v63  }
0xbc: {  	s6 =	sadd.s32 $0x1, s6;
	_ =	swait.ge [sflag:s29], $0x2800  }
0xbd: {  	p0 =	sne.s32 s6, s26;
	[sflag:s29] =	ssyncset.done $0x0  }
.Ltmp2:
0xbe: {  	[sflag:s29] =	ssyncadd.s32 $0xFFFFD800;
	(pc) =	sbr.rel @p0 .LBB2_1-.Ltmp2, $4  }
0xbf: {  	[hbm4b:s13+s4] =	stream.linear.scatter [tilespmem:s28], [sflag:$0x2], $0x2800, $0x38;
	[tilespmem:$0x19100] =	vst v63  }
0xc0: {  	_ =	swait.ge [sflag:s29], $0x2800  }
0xc1: {  	[sflag:s29] =	ssyncset.done $0x0  }
0xc2: {  	[sflag:s29] =	ssyncadd.s32 $0xFFFFD800  }
0xc3: {  	_ =	sfence.sel $0x180000  }
0xc4: {  	[bflag:$0x0] =	sbarrier.arrive $0xFFFF  }
0xc5: {  	_ =	strace $0x90000050  }
0xc6: {  	s0 =	stileid.u32;
	[bflag:$0x2] =	sbarrier.arrive $0xFFFF  }
0xc7: {  	p0 =	sne.s32 s0, $0x0;
	s0 =	rddreg [dreg:$0x3]  }
0xc8: {  	s0 =	sadd.s32 @!p0 $0x100000, s0  }
0xc9: {  	[sflag:s0] =	ssyncadd.tile.s32 @!p0 $0x1;
	_ =	shalt  }
.Lfunc_end2:
_tile_overlayer_lowered:
.L_overlay_start_2:
0xca: {  	(tag) =	ssettag $0x2  }
0xcb: {  	s0 =	rddreg [dreg:$0x0];
	s2 =	stileid.u32  }
0xcc: {  	s1 =	rddreg [dreg:$0x1];
	p0 =	sne.s32 s2, $0x0  }
0xcd: {  	s3 =	rddreg [dreg:$0x2];
	[bflag:$0x3] =	sbarrier.arrive $0xFFFF;
	s2 =	simm.s32 @!p0 $0x1C02  }
0xce: {  	[timem:s3], [sflag:s2] =	dma.local @!p0 [hbm:s0], s1  }
0xcf: {  	s0 =	simm.s32 @!p0 $0x2  }
0xd0: {  	_ =	swait.ge @!p0 [sflag:s0], s1  }
0xd1: {  	s1 =	ssub.s32 @!p0 $0x0, s1;
	[sflag:s0] =	ssyncset.done @!p0 $0x0  }
0xd2: {  	[sflag:s0] =	ssyncadd.s32 @!p0 s1  }
0xd3: {  	[bflag:$0x3] =	sbarrier.arrive $0xFFFF  }
0xd4: {  	_ =	shalt  }

</sc_bundles>
